<compile_context>
chip_gen: v7x
topology: tpu7x:2x2x1
jax: 0.10.2.dev20260603
libtpu: 0.0.44.dev20260713+nightly
codegen_flags: <defaults>
</compile_context>

<pallas_src>
import functools

import jax
import jax.numpy as jnp
from jax import lax
from jax.experimental import pallas as pl
from jax.experimental.pallas import tpu as pltpu
from jax.experimental.pallas import tpu_sc as plsc

N = 10000
F = 128
E = 320000
NP = 10240
LANES = 16
NCORES = 2
NSUB = 16
NWORK = NCORES * NSUB
CHUNK = 128
CPW = 80
EPW = CPW * CHUNK
EPAD = NWORK * EPW
ROWS_PT = NP // NSUB

_mesh = plsc.VectorSubcoreMesh(core_axis_name="c", subcore_axis_name="s")


def _worker(c, s):
    return c * NSUB + s


@functools.partial(
    pl.kernel,
    out_type=jax.ShapeDtypeStruct((NCORES * NP,), jnp.float32),
    mesh=_mesh,
    scratch_types=[
        pltpu.VMEM((EPW,), jnp.int32),
        pltpu.VMEM((EPW,), jnp.float32),
        pltpu.VMEM((ROWS_PT,), jnp.float32),
        pltpu.VMEM_SHARED((NP,), jnp.float32),
    ],
)
def _deg_kernel(dstf_hbm, maskf_hbm, out_hbm, dst_v, mask_v, zero_v, deg_sh):
    c = lax.axis_index("c")
    s = lax.axis_index("s")
    w = _worker(c, s)

    @pl.loop(0, ROWS_PT // LANES)
    def _(i):
        zero_v[pl.ds(i * LANES, LANES)] = jnp.zeros((LANES,), jnp.float32)

    pltpu.sync_copy(zero_v, deg_sh.at[pl.ds(s * ROWS_PT, ROWS_PT)])

    base = w * EPW
    pltpu.sync_copy(dstf_hbm.at[pl.ds(base, EPW)], dst_v)
    pltpu.sync_copy(maskf_hbm.at[pl.ds(base, EPW)], mask_v)
    plsc.subcore_barrier()

    @pl.loop(0, EPW // 512)
    def _(t):
        off = t * 512
        pltpu.sync_copy(mask_v.at[pl.ds(off, 512)],
                        deg_sh.at[dst_v.at[pl.ds(off, 512)]], add=True)

    plsc.subcore_barrier()
    pltpu.sync_copy(deg_sh.at[pl.ds(s * ROWS_PT, ROWS_PT)],
                    out_hbm.at[pl.ds(c * NP + s * ROWS_PT, ROWS_PT)])


GRP = 128
NGRP = EPW // GRP


@functools.partial(
    pl.kernel,
    out_type=jax.ShapeDtypeStruct((NCORES, NP, F), jnp.float32),
    mesh=_mesh,
    scratch_types=[
        pltpu.VMEM((EPW,), jnp.int32),
        pltpu.VMEM((EPW,), jnp.int32),
        pltpu.VMEM((EPW,), jnp.float32),
        pltpu.VMEM((GRP, F), jnp.float32),
        pltpu.VMEM_SHARED((NP, F), jnp.float32),
    ],
)
def _agg_kernel(hh_hbm, srcf_hbm, dstf_hbm, maskf_hbm, out_hbm,
                src_v, dst_v, mask_v, rows, agg_sh):
    c = lax.axis_index("c")
    s = lax.axis_index("s")
    w = _worker(c, s)

    @pl.loop(0, GRP)
    def _(i):
        for v in range(F // LANES):
            rows[i, pl.ds(v * LANES, LANES)] = jnp.zeros((LANES,), jnp.float32)

    for k in range(ROWS_PT // GRP):
        pltpu.sync_copy(rows, agg_sh.at[pl.ds(s * ROWS_PT + k * GRP, GRP), :])
    if ROWS_PT % GRP:
        pltpu.sync_copy(rows.at[pl.ds(0, ROWS_PT % GRP), :],
                        agg_sh.at[pl.ds(s * ROWS_PT + (ROWS_PT // GRP) * GRP,
                                        ROWS_PT % GRP), :])

    base = w * EPW
    pltpu.sync_copy(srcf_hbm.at[pl.ds(base, EPW)], src_v)
    pltpu.sync_copy(dstf_hbm.at[pl.ds(base, EPW)], dst_v)
    pltpu.sync_copy(maskf_hbm.at[pl.ds(base, EPW)], mask_v)
    plsc.subcore_barrier()

    @pl.loop(0, NGRP)
    def _(t):
        off = t * GRP
        pltpu.sync_copy(hh_hbm.at[src_v.at[pl.ds(off, GRP)]], rows)

        @pl.loop(0, GRP // LANES)
        def _(g):
            mv = mask_v[pl.ds(off + g * LANES, LANES)]
            for l in range(LANES):
                m = mv[l]
                e = g * LANES + l
                for v in range(F // LANES):
                    sl = pl.ds(v * LANES, LANES)
                    rows[e, sl] = rows[e, sl] * m

        pltpu.sync_copy(rows, agg_sh.at[dst_v.at[pl.ds(off, GRP)]], add=True)

    plsc.subcore_barrier()
    pltpu.sync_copy(agg_sh.at[pl.ds(s * ROWS_PT, ROWS_PT), :],
                    out_hbm.at[c, pl.ds(s * ROWS_PT, ROWS_PT), :])


_BLK = 1024
_GRID = NP // _BLK


def _dinv_block(degp):
    deg = degp[0, :] + degp[1, :]
    return jax.lax.rsqrt(jnp.maximum(deg, 1.0))[:, None]


def _dense_a_body(degp_ref, feat_ref, hh_ref):
    hh_ref[...] = feat_ref[...] * _dinv_block(degp_ref[...])


def _dense_a(degp, feat_p):
    return pl.pallas_call(
        _dense_a_body,
        grid=(_GRID,),
        in_specs=[
            pl.BlockSpec((NCORES, _BLK), lambda i: (0, i)),
            pl.BlockSpec((_BLK, F), lambda i: (i, 0)),
        ],
        out_specs=pl.BlockSpec((_BLK, F), lambda i: (i, 0)),
        out_shape=jax.ShapeDtypeStruct((NP, F), jnp.float32),
    )(degp, feat_p)


def _dense_b_body(degp_ref, feat_ref, aggp_ref, feat2_ref, h2_ref, hh2_ref):
    dinv = _dinv_block(degp_ref[...])
    feat = feat_ref[...]
    agg = aggp_ref[0] + aggp_ref[1]
    feat2 = feat - agg * dinv
    feat2_ref[...] = feat2
    h2_ref[...] = 0.5 * feat + 0.4 * feat2
    hh2_ref[...] = feat2 * dinv


def _dense_b(degp, feat_p, aggp):
    return pl.pallas_call(
        _dense_b_body,
        grid=(_GRID,),
        in_specs=[
            pl.BlockSpec((NCORES, _BLK), lambda i: (0, i)),
            pl.BlockSpec((_BLK, F), lambda i: (i, 0)),
            pl.BlockSpec((NCORES, _BLK, F), lambda i: (0, i, 0)),
        ],
        out_specs=[pl.BlockSpec((_BLK, F), lambda i: (i, 0))] * 3,
        out_shape=[jax.ShapeDtypeStruct((NP, F), jnp.float32)] * 3,
    )(degp, feat_p, aggp)


def _dense_c_body(degp_ref, feat2_ref, h2_ref, aggp_ref, h_ref):
    dinv = _dinv_block(degp_ref[...])
    agg = aggp_ref[0] + aggp_ref[1]
    feat3 = feat2_ref[...] - agg * dinv
    h_ref[...] = h2_ref[...] + 0.1 * feat3


def _dense_c(degp, feat2, h2, aggp):
    return pl.pallas_call(
        _dense_c_body,
        grid=(_GRID,),
        in_specs=[
            pl.BlockSpec((NCORES, _BLK), lambda i: (0, i)),
            pl.BlockSpec((_BLK, F), lambda i: (i, 0)),
            pl.BlockSpec((_BLK, F), lambda i: (i, 0)),
            pl.BlockSpec((NCORES, _BLK, F), lambda i: (0, i, 0)),
        ],
        out_specs=pl.BlockSpec((_BLK, F), lambda i: (i, 0)),
        out_shape=jax.ShapeDtypeStruct((NP, F), jnp.float32),
    )(degp, feat2, h2, aggp)


def kernel(feat, edge_index, edge_mask):
    src = edge_index[0].astype(jnp.int32)
    dst = edge_index[1].astype(jnp.int32)
    pad = EPAD - E
    srcf = jnp.pad(src, (0, pad))
    dstf = jnp.pad(dst, (0, pad))
    maskf = jnp.pad(edge_mask, (0, pad))
    feat_p = jnp.pad(feat, ((0, NP - N), (0, 0)))

    degp = _deg_kernel(dstf, maskf).reshape(NCORES, NP)
    hh = _dense_a(degp, feat_p)
    aggp1 = _agg_kernel(hh, srcf, dstf, maskf)
    feat2, h2, hh2 = _dense_b(degp, feat_p, aggp1)
    aggp2 = _agg_kernel(hh2, srcf, dstf, maskf)
    h = _dense_c(degp, feat2, h2, aggp2)
    return h[:N]

# --- scband reference (transcript-rebuilt; emitter-appended) ---
"""Pipeline reference for scband-poly-conv-new-83657372991949 (READ-ONLY COPY).

The authoritative reference and input builder live on the scoring server;
editing this copy changes nothing except your own understanding.
"""

import jax, jax.numpy as jnp
import numpy as np

THETA = [0.5, 0.4, 0.1]
N_NODES = 10000


def setup_inputs(seed: int = 0) -> dict:
    key = jax.random.key(seed)
    k1, k2, k3 = jax.random.split(key, 3)
    feat = jax.random.normal(k1, (10000, 128), dtype=jnp.float32)
    edge_index = jax.random.randint(k2, (2, 320000), 0, 10000).astype(jnp.int64)
    edge_mask = jax.random.uniform(k3, (320000,), dtype=jnp.float32)
    return {"feat": feat, "edge_index": edge_index, "edge_mask": edge_mask}


def reference(feat, edge_index, edge_mask):
    # PolyConv_new.forward with lin=False, theta=THETA
    src = edge_index[0]
    dst = edge_index[1]
    n = feat.shape[0]
    # getDegree: copy_e('mask') -> sum at dst nodes
    degrees = jax.ops.segment_sum(edge_mask, dst, num_segments=n)
    D_invsqrt = jnp.power(jnp.clip(degrees.astype(jnp.float32), 1.0, None), -0.5)[:, None]
    h = THETA[0] * feat
    for k in range(1, len(THETA)):
        # unnLaplacian: feat - (A_w @ (feat * D^-1/2)) * D^-1/2
        hh = feat * D_invsqrt
        msg = jnp.take(hh, src, axis=0) * edge_mask[:, None]
        agg = jax.ops.segment_sum(msg, dst, num_segments=n)
        feat = feat - agg * D_invsqrt
        h = h + THETA[k] * feat
    return h

if __name__ == "__main__":
    import jax
    _d = setup_inputs()
    print(jax.jit(kernel)(*tuple(_d.values())))

</pallas_src>

<mosaic_0001>
#map = affine_map<(d0, d1) -> (0)>
module attributes {stable_mosaic.version = 14 : i64} {
  func.func @_deg_kernel(%arg0: i32, %arg1: i32, %arg2: memref<327680xi32, #tpu.memory_space<hbm>>, %arg3: memref<327680xf32, #tpu.memory_space<hbm>>, %arg4: memref<20480xf32, #tpu.memory_space<hbm>>, %arg5: memref<10240xi32, #tpu.memory_space<vmem>>, %arg6: memref<10240xf32, #tpu.memory_space<vmem>>, %arg7: memref<640xf32, #tpu.memory_space<vmem>>, %arg8: memref<10240xf32, #tpu.memory_space<vmem_shared>>) attributes {dimension_semantics = [#tpu.dimension_semantics<core_parallel>, #tpu.dimension_semantics<subcore_parallel>], iteration_bounds = array<i64: 2, 16>, scalar_prefetch = 0 : i64, scratch_operands = 4 : i64, tpu.core_type = #tpu.core_type<sc_vector_subcore>, window_params = [{transform_indices = #map}, {transform_indices = #map}, {transform_indices = #map}]} {
    %mul3A = arith.constant 16 : i32
    %mul3A_0 = arith.muli %arg0, %mul3A : i32
    %add3A = arith.addi %mul3A_0, %arg1 : i32
    %scan3A = arith.constant 0 : i32
    %scan3A_1 = arith.constant 40 : i32
    %scan3A_2 = arith.addi %scan3A, %scan3A_1 : i32
    %scan3A_3 = arith.constant 1 : i32
    scf.for %scan3A_22 = %scan3A to %scan3A_2 step %scan3A_3  : i32 {
      %mul3A_23 = arith.constant 1 : i32
      %mul3A_24 = arith.muli %scan3A_22, %mul3A_23 : i32
      %add3A_25 = arith.constant 0 : i32
      %add3A_26 = arith.addi %add3A_25, %mul3A_24 : i32
      %broadcast_in_dim3A = arith.constant 0.000000e+00 : f32
      %broadcast_in_dim3A_27 = vector.broadcast %broadcast_in_dim3A : f32 to vector<16xf32>
      %mul3A_28 = arith.constant 16 : i32
      %mul3A_29 = arith.muli %add3A_26, %mul3A_28 : i32
      %swap3A = arith.index_cast %mul3A_29 : i32 to index
      %swap3A_30 = tpu.vector_load %arg7[%swap3A] {strides = array<i32>} : memref<640xf32, #tpu.memory_space<vmem>>, vector<16xf32>,
      %swap3A_31 = vector.shape_cast %swap3A_30 : vector<16xf32> to vector<16xf32>
      %swap3A_32 = vector.shape_cast %broadcast_in_dim3A_27 : vector<16xf32> to vector<16xf32>
      tpu.vector_store %arg7[%swap3A], %swap3A_32 {strides = array<i32>} : memref<640xf32, #tpu.memory_space<vmem>>, vector<16xf32>,
    }
    %scan3A_4 = arith.constant 40 : i32
    %mul3A_5 = arith.constant 640 : i32
    %mul3A_6 = arith.muli %arg1, %mul3A_5 : i32
    "tpu.region"() ({
      %run_scoped3A = tpu.sem_alloc : memref<!tpu.dma_semaphore, #tpu.memory_space<semaphore_mem>>
      %dma_start3A = tpu.memref_slice %arg8[%mul3A_6] : memref<10240xf32, #tpu.memory_space<vmem_shared>> -> memref<640xf32, #tpu.memory_space<vmem_shared>>
      %dma_start3A_22 = tpu.memref_slice %arg8[%mul3A_6] : memref<10240xf32, #tpu.memory_space<vmem_shared>> -> memref<640xf32, #tpu.memory_space<vmem_shared>>
      tpu.enqueue_dma source(%arg7 : memref<640xf32, #tpu.memory_space<vmem>>) target(%dma_start3A_22 : memref<640xf32, #tpu.memory_space<vmem_shared>>) target_semaphore(%run_scoped3A : memref<!tpu.dma_semaphore, #tpu.memory_space<semaphore_mem>>)
      %dma_wait3A = tpu.memref_slice %arg8[%mul3A_6] : memref<10240xf32, #tpu.memory_space<vmem_shared>> -> memref<640xf32, #tpu.memory_space<vmem_shared>>
      %dma_wait3A_23 = tpu.memref_slice %arg8[%mul3A_6] : memref<10240xf32, #tpu.memory_space<vmem_shared>> -> memref<640xf32, #tpu.memory_space<vmem_shared>>
      tpu.wait_dma2 semaphore(%run_scoped3A : memref<!tpu.dma_semaphore, #tpu.memory_space<semaphore_mem>>) src(%arg7 : memref<640xf32, #tpu.memory_space<vmem>>) dst(%dma_wait3A_23 : memref<640xf32, #tpu.memory_space<vmem_shared>>)
      tpu.yield
    }) : () -> ()
    %mul3A_7 = arith.constant 10240 : i32
    %mul3A_8 = arith.muli %add3A, %mul3A_7 : i32
    "tpu.region"() ({
      %run_scoped3A = tpu.sem_alloc : memref<!tpu.dma_semaphore, #tpu.memory_space<semaphore_mem>>
      %dma_start3A = tpu.memref_slice %arg2[%mul3A_8] : memref<327680xi32, #tpu.memory_space<hbm>> -> memref<10240xi32, #tpu.memory_space<hbm>>
      %dma_start3A_22 = tpu.memref_slice %arg2[%mul3A_8] : memref<327680xi32, #tpu.memory_space<hbm>> -> memref<10240xi32, #tpu.memory_space<hbm>>
      tpu.enqueue_dma source(%dma_start3A_22 : memref<10240xi32, #tpu.memory_space<hbm>>) target(%arg5 : memref<10240xi32, #tpu.memory_space<vmem>>) target_semaphore(%run_scoped3A : memref<!tpu.dma_semaphore, #tpu.memory_space<semaphore_mem>>)
      %dma_wait3A = tpu.memref_slice %arg2[%mul3A_8] : memref<327680xi32, #tpu.memory_space<hbm>> -> memref<10240xi32, #tpu.memory_space<hbm>>
      %dma_wait3A_23 = tpu.memref_slice %arg2[%mul3A_8] : memref<327680xi32, #tpu.memory_space<hbm>> -> memref<10240xi32, #tpu.memory_space<hbm>>
      tpu.wait_dma2 semaphore(%run_scoped3A : memref<!tpu.dma_semaphore, #tpu.memory_space<semaphore_mem>>) src(%dma_wait3A_23 : memref<10240xi32, #tpu.memory_space<hbm>>) dst(%arg5 : memref<10240xi32, #tpu.memory_space<vmem>>)
      tpu.yield
    }) : () -> ()
    "tpu.region"() ({
      %run_scoped3A = tpu.sem_alloc : memref<!tpu.dma_semaphore, #tpu.memory_space<semaphore_mem>>
      %dma_start3A = tpu.memref_slice %arg3[%mul3A_8] : memref<327680xf32, #tpu.memory_space<hbm>> -> memref<10240xf32, #tpu.memory_space<hbm>>
      %dma_start3A_22 = tpu.memref_slice %arg3[%mul3A_8] : memref<327680xf32, #tpu.memory_space<hbm>> -> memref<10240xf32, #tpu.memory_space<hbm>>
      tpu.enqueue_dma source(%dma_start3A_22 : memref<10240xf32, #tpu.memory_space<hbm>>) target(%arg6 : memref<10240xf32, #tpu.memory_space<vmem>>) target_semaphore(%run_scoped3A : memref<!tpu.dma_semaphore, #tpu.memory_space<semaphore_mem>>)
      %dma_wait3A = tpu.memref_slice %arg3[%mul3A_8] : memref<327680xf32, #tpu.memory_space<hbm>> -> memref<10240xf32, #tpu.memory_space<hbm>>
      %dma_wait3A_23 = tpu.memref_slice %arg3[%mul3A_8] : memref<327680xf32, #tpu.memory_space<hbm>> -> memref<10240xf32, #tpu.memory_space<hbm>>
      tpu.wait_dma2 semaphore(%run_scoped3A : memref<!tpu.dma_semaphore, #tpu.memory_space<semaphore_mem>>) src(%dma_wait3A_23 : memref<10240xf32, #tpu.memory_space<hbm>>) dst(%arg6 : memref<10240xf32, #tpu.memory_space<vmem>>)
      tpu.yield
    }) : () -> ()
    %barrier3A = arith.constant 0 : index
    tpu.barrier barrier_id(%barrier3A)
    %scan3A_9 = arith.constant 0 : i32
    %scan3A_10 = arith.constant 20 : i32
    %scan3A_11 = arith.addi %scan3A_9, %scan3A_10 : i32
    %scan3A_12 = arith.constant 1 : i32
    scf.for %scan3A_22 = %scan3A_9 to %scan3A_11 step %scan3A_12  : i32 {
      %mul3A_23 = arith.constant 1 : i32
      %mul3A_24 = arith.muli %scan3A_22, %mul3A_23 : i32
      %add3A_25 = arith.constant 0 : i32
      %add3A_26 = arith.addi %add3A_25, %mul3A_24 : i32
      %mul3A_27 = arith.constant 512 : i32
      %mul3A_28 = arith.muli %add3A_26, %mul3A_27 : i32
      "tpu.region"() ({
        %run_scoped3A = tpu.sem_alloc : memref<!tpu.dma_semaphore, #tpu.memory_space<semaphore_mem>>
        %dma_start3A = tpu.memref_slice %arg6[%mul3A_28] : memref<10240xf32, #tpu.memory_space<vmem>> -> memref<512xf32, #tpu.memory_space<vmem>>
        %dma_start3A_29 = tpu.memref_slice %arg5[%mul3A_28] : memref<10240xi32, #tpu.memory_space<vmem>> -> memref<512xi32, #tpu.memory_space<vmem>>
        %dma_start3A_30 = arith.constant 0 : i32
        %dma_start3A_31 = tpu.memref_slice %arg8[%dma_start3A_30] : memref<10240xf32, #tpu.memory_space<vmem_shared>> -> memref<10240xf32, #tpu.memory_space<vmem_shared>>
        tpu.enqueue_indirect_dma source(%dma_start3A : memref<512xf32, #tpu.memory_space<vmem>>) target(%dma_start3A_31 : memref<10240xf32, #tpu.memory_space<vmem_shared>>) offsets(%dma_start3A_29 : memref<512xi32, #tpu.memory_space<vmem>>) semaphore(%run_scoped3A : memref<!tpu.dma_semaphore, #tpu.memory_space<semaphore_mem>>) {add = true}
        %dma_wait3A = tpu.memref_slice %arg6[%mul3A_28] : memref<10240xf32, #tpu.memory_space<vmem>> -> memref<512xf32, #tpu.memory_space<vmem>>
        %dma_wait3A_32 = tpu.memref_slice %arg5[%mul3A_28] : memref<10240xi32, #tpu.memory_space<vmem>> -> memref<512xi32, #tpu.memory_space<vmem>>
        %dma_wait3A_33 = arith.constant 0 : i32
        %dma_wait3A_34 = tpu.memref_slice %arg8[%dma_wait3A_33] : memref<10240xf32, #tpu.memory_space<vmem_shared>> -> memref<10240xf32, #tpu.memory_space<vmem_shared>>
        tpu.wait_indirect_dma semaphore(%run_scoped3A : memref<!tpu.dma_semaphore, #tpu.memory_space<semaphore_mem>>) src(%dma_wait3A : memref<512xf32, #tpu.memory_space<vmem>>) dst(%dma_wait3A_34 : memref<10240xf32, #tpu.memory_space<vmem_shared>>)
        tpu.yield
      }) : () -> ()
    }
    %scan3A_13 = arith.constant 20 : i32
    %barrier3A_14 = arith.constant 0 : index
    tpu.barrier barrier_id(%barrier3A_14)
    %mul3A_15 = arith.constant 640 : i32
    %mul3A_16 = arith.muli %arg1, %mul3A_15 : i32
    %mul3A_17 = arith.constant 10240 : i32
    %mul3A_18 = arith.muli %arg0, %mul3A_17 : i32
    %mul3A_19 = arith.constant 640 : i32
    %mul3A_20 = arith.muli %arg1, %mul3A_19 : i32
    %add3A_21 = arith.addi %mul3A_18, %mul3A_20 : i32
    "tpu.region"() ({
      %run_scoped3A = tpu.sem_alloc : memref<!tpu.dma_semaphore, #tpu.memory_space<semaphore_mem>>
      %dma_start3A = tpu.memref_slice %arg4[%add3A_21] : memref<20480xf32, #tpu.memory_space<hbm>> -> memref<640xf32, #tpu.memory_space<hbm>>
      %dma_start3A_22 = tpu.memref_slice %arg8[%mul3A_16] : memref<10240xf32, #tpu.memory_space<vmem_shared>> -> memref<640xf32, #tpu.memory_space<vmem_shared>>
      tpu.enqueue_dma source(%dma_start3A_22 : memref<640xf32, #tpu.memory_space<vmem_shared>>) target(%dma_start3A : memref<640xf32, #tpu.memory_space<hbm>>) target_semaphore(%run_scoped3A : memref<!tpu.dma_semaphore, #tpu.memory_space<semaphore_mem>>)
      %dma_wait3A = tpu.memref_slice %arg4[%add3A_21] : memref<20480xf32, #tpu.memory_space<hbm>> -> memref<640xf32, #tpu.memory_space<hbm>>
      %dma_wait3A_23 = tpu.memref_slice %arg8[%mul3A_16] : memref<10240xf32, #tpu.memory_space<vmem_shared>> -> memref<640xf32, #tpu.memory_space<vmem_shared>>
      tpu.wait_dma2 semaphore(%run_scoped3A : memref<!tpu.dma_semaphore, #tpu.memory_space<semaphore_mem>>) src(%dma_wait3A_23 : memref<640xf32, #tpu.memory_space<vmem_shared>>) dst(%dma_wait3A : memref<640xf32, #tpu.memory_space<hbm>>)
      tpu.yield
    }) : () -> ()
    return
  }
}

#map = affine_map<(d0, d1) -> (0, 0)>
#map1 = affine_map<(d0, d1) -> (0)>
#map2 = affine_map<(d0, d1) -> (0, 0, 0)>
module attributes {stable_mosaic.version = 14 : i64} {
  func.func @_agg_kernel(%arg0: i32, %arg1: i32, %arg2: memref<10240x128xf32, #tpu.memory_space<hbm>>, %arg3: memref<327680xi32, #tpu.memory_space<hbm>>, %arg4: memref<327680xi32, #tpu.memory_space<hbm>>, %arg5: memref<327680xf32, #tpu.memory_space<hbm>>, %arg6: memref<2x10240x128xf32, #tpu.memory_space<hbm>>, %arg7: memref<10240xi32, #tpu.memory_space<vmem>>, %arg8: memref<10240xi32, #tpu.memory_space<vmem>>, %arg9: memref<10240xf32, #tpu.memory_space<vmem>>, %arg10: memref<128x128xf32, #tpu.memory_space<vmem>>, %arg11: memref<10240x128xf32, #tpu.memory_space<vmem_shared>>) attributes {dimension_semantics = [#tpu.dimension_semantics<core_parallel>, #tpu.dimension_semantics<subcore_parallel>], iteration_bounds = array<i64: 2, 16>, scalar_prefetch = 0 : i64, scratch_operands = 5 : i64, tpu.core_type = #tpu.core_type<sc_vector_subcore>, window_params = [{transform_indices = #map}, {transform_indices = #map1}, {transform_indices = #map1}, {transform_indices = #map1}, {transform_indices = #map2}]} {
    %mul3A = arith.constant 16 : i32
    %mul3A_0 = arith.muli %arg0, %mul3A : i32
    %add3A = arith.addi %mul3A_0, %arg1 : i32
    %scan3A = arith.constant 0 : i32
    %scan3A_1 = arith.constant 128 : i32
    %scan3A_2 = arith.addi %scan3A, %scan3A_1 : i32
    %scan3A_3 = arith.constant 1 : i32
    scf.for %scan3A_37 = %scan3A to %scan3A_2 step %scan3A_3  : i32 {
      %mul3A_38 = arith.constant 1 : i32
      %mul3A_39 = arith.muli %scan3A_37, %mul3A_38 : i32
      %add3A_40 = arith.constant 0 : i32
      %add3A_41 = arith.addi %add3A_40, %mul3A_39 : i32
      %broadcast_in_dim3A = arith.constant 0.000000e+00 : f32
      %broadcast_in_dim3A_42 = vector.broadcast %broadcast_in_dim3A : f32 to vector<16xf32>
      %swap3A = arith.index_cast %add3A_41 : i32 to index
      %swap3A_43 = arith.constant 0 : index
      %swap3A_44 = tpu.vector_load %arg10[%swap3A, %swap3A_43] {strides = array<i32>} : memref<128x128xf32, #tpu.memory_space<vmem>>, vector<1x16xf32>,
      %swap3A_45 = vector.shape_cast %swap3A_44 : vector<1x16xf32> to vector<16xf32>
      %swap3A_46 = vector.shape_cast %broadcast_in_dim3A_42 : vector<16xf32> to vector<1x16xf32>
      tpu.vector_store %arg10[%swap3A, %swap3A_43], %swap3A_46 {strides = array<i32>} : memref<128x128xf32, #tpu.memory_space<vmem>>, vector<1x16xf32>,
      %broadcast_in_dim3A_47 = arith.constant 0.000000e+00 : f32
      %broadcast_in_dim3A_48 = vector.broadcast %broadcast_in_dim3A_47 : f32 to vector<16xf32>
      %swap3A_49 = arith.index_cast %add3A_41 : i32 to index
      %swap3A_50 = arith.constant 16 : index
      %swap3A_51 = tpu.vector_load %arg10[%swap3A_49, %swap3A_50] {strides = array<i32>} : memref<128x128xf32, #tpu.memory_space<vmem>>, vector<1x16xf32>,
      %swap3A_52 = vector.shape_cast %swap3A_51 : vector<1x16xf32> to vector<16xf32>
      %swap3A_53 = vector.shape_cast %broadcast_in_dim3A_48 : vector<16xf32> to vector<1x16xf32>
      tpu.vector_store %arg10[%swap3A_49, %swap3A_50], %swap3A_53 {strides = array<i32>} : memref<128x128xf32, #tpu.memory_space<vmem>>, vector<1x16xf32>,
      %broadcast_in_dim3A_54 = arith.constant 0.000000e+00 : f32
      %broadcast_in_dim3A_55 = vector.broadcast %broadcast_in_dim3A_54 : f32 to vector<16xf32>
      %swap3A_56 = arith.index_cast %add3A_41 : i32 to index
      %swap3A_57 = arith.constant 32 : index
      %swap3A_58 = tpu.vector_load %arg10[%swap3A_56, %swap3A_57] {strides = array<i32>} : memref<128x128xf32, #tpu.memory_space<vmem>>, vector<1x16xf32>,
      %swap3A_59 = vector.shape_cast %swap3A_58 : vector<1x16xf32> to vector<16xf32>
      %swap3A_60 = vector.shape_cast %broadcast_in_dim3A_55 : vector<16xf32> to vector<1x16xf32>
      tpu.vector_store %arg10[%swap3A_56, %swap3A_57], %swap3A_60 {strides = array<i32>} : memref<128x128xf32, #tpu.memory_space<vmem>>, vector<1x16xf32>,
      %broadcast_in_dim3A_61 = arith.constant 0.000000e+00 : f32
      %broadcast_in_dim3A_62 = vector.broadcast %broadcast_in_dim3A_61 : f32 to vector<16xf32>
      %swap3A_63 = arith.index_cast %add3A_41 : i32 to index
      %swap3A_64 = arith.constant 48 : index
      %swap3A_65 = tpu.vector_load %arg10[%swap3A_63, %swap3A_64] {strides = array<i32>} : memref<128x128xf32, #tpu.memory_space<vmem>>, vector<1x16xf32>,
      %swap3A_66 = vector.shape_cast %swap3A_65 : vector<1x16xf32> to vector<16xf32>
      %swap3A_67 = vector.shape_cast %broadcast_in_dim3A_62 : vector<16xf32> to vector<1x16xf32>
      tpu.vector_store %arg10[%swap3A_63, %swap3A_64], %swap3A_67 {strides = array<i32>} : memref<128x128xf32, #tpu.memory_space<vmem>>, vector<1x16xf32>,
      %broadcast_in_dim3A_68 = arith.constant 0.000000e+00 : f32
      %broadcast_in_dim3A_69 = vector.broadcast %broadcast_in_dim3A_68 : f32 to vector<16xf32>
      %swap3A_70 = arith.index_cast %add3A_41 : i32 to index
      %swap3A_71 = arith.constant 64 : index
      %swap3A_72 = tpu.vector_load %arg10[%swap3A_70, %swap3A_71] {strides = array<i32>} : memref<128x128xf32, #tpu.memory_space<vmem>>, vector<1x16xf32>,
      %swap3A_73 = vector.shape_cast %swap3A_72 : vector<1x16xf32> to vector<16xf32>
      %swap3A_74 = vector.shape_cast %broadcast_in_dim3A_69 : vector<16xf32> to vector<1x16xf32>
      tpu.vector_store %arg10[%swap3A_70, %swap3A_71], %swap3A_74 {strides = array<i32>} : memref<128x128xf32, #tpu.memory_space<vmem>>, vector<1x16xf32>,
      %broadcast_in_dim3A_75 = arith.constant 0.000000e+00 : f32
      %broadcast_in_dim3A_76 = vector.broadcast %broadcast_in_dim3A_75 : f32 to vector<16xf32>
      %swap3A_77 = arith.index_cast %add3A_41 : i32 to index
      %swap3A_78 = arith.constant 80 : index
      %swap3A_79 = tpu.vector_load %arg10[%swap3A_77, %swap3A_78] {strides = array<i32>} : memref<128x128xf32, #tpu.memory_space<vmem>>, vector<1x16xf32>,
      %swap3A_80 = vector.shape_cast %swap3A_79 : vector<1x16xf32> to vector<16xf32>
      %swap3A_81 = vector.shape_cast %broadcast_in_dim3A_76 : vector<16xf32> to vector<1x16xf32>
      tpu.vector_store %arg10[%swap3A_77, %swap3A_78], %swap3A_81 {strides = array<i32>} : memref<128x128xf32, #tpu.memory_space<vmem>>, vector<1x16xf32>,
      %broadcast_in_dim3A_82 = arith.constant 0.000000e+00 : f32
      %broadcast_in_dim3A_83 = vector.broadcast %broadcast_in_dim3A_82 : f32 to vector<16xf32>
      %swap3A_84 = arith.index_cast %add3A_41 : i32 to index
      %swap3A_85 = arith.constant 96 : index
      %swap3A_86 = tpu.vector_load %arg10[%swap3A_84, %swap3A_85] {strides = array<i32>} : memref<128x128xf32, #tpu.memory_space<vmem>>, vector<1x16xf32>,
      %swap3A_87 = vector.shape_cast %swap3A_86 : vector<1x16xf32> to vector<16xf32>
      %swap3A_88 = vector.shape_cast %broadcast_in_dim3A_83 : vector<16xf32> to vector<1x16xf32>
      tpu.vector_store %arg10[%swap3A_84, %swap3A_85], %swap3A_88 {strides = array<i32>} : memref<128x128xf32, #tpu.memory_space<vmem>>, vector<1x16xf32>,
      %broadcast_in_dim3A_89 = arith.constant 0.000000e+00 : f32
      %broadcast_in_dim3A_90 = vector.broadcast %broadcast_in_dim3A_89 : f32 to vector<16xf32>
      %swap3A_91 = arith.index_cast %add3A_41 : i32 to index
      %swap3A_92 = arith.constant 112 : index
      %swap3A_93 = tpu.vector_load %arg10[%swap3A_91, %swap3A_92] {strides = array<i32>} : memref<128x128xf32, #tpu.memory_space<vmem>>, vector<1x16xf32>,
      %swap3A_94 = vector.shape_cast %swap3A_93 : vector<1x16xf32> to vector<16xf32>
      %swap3A_95 = vector.shape_cast %broadcast_in_dim3A_90 : vector<16xf32> to vector<1x16xf32>
      tpu.vector_store %arg10[%swap3A_91, %swap3A_92], %swap3A_95 {strides = array<i32>} : memref<128x128xf32, #tpu.memory_space<vmem>>, vector<1x16xf32>,
    }
    %scan3A_4 = arith.constant 128 : i32
    %mul3A_5 = arith.constant 640 : i32
    %mul3A_6 = arith.muli %arg1, %mul3A_5 : i32
    %add3A_7 = arith.constant 0 : i32
    %add3A_8 = arith.addi %mul3A_6, %add3A_7 : i32
    "tpu.region"() ({
      %run_scoped3A = tpu.sem_alloc : memref<!tpu.dma_semaphore, #tpu.memory_space<semaphore_mem>>
      %dma_start3A = arith.constant 0 : i32
      %dma_start3A_37 = tpu.memref_slice %arg11[%add3A_8, %dma_start3A] : memref<10240x128xf32, #tpu.memory_space<vmem_shared>> -> memref<128x128xf32, #tpu.memory_space<vmem_shared>>
      %dma_start3A_38 = arith.constant 0 : i32
      %dma_start3A_39 = tpu.memref_slice %arg11[%add3A_8, %dma_start3A_38] : memref<10240x128xf32, #tpu.memory_space<vmem_shared>> -> memref<128x128xf32, #tpu.memory_space<vmem_shared>>
      tpu.enqueue_dma source(%arg10 : memref<128x128xf32, #tpu.memory_space<vmem>>) target(%dma_start3A_39 : memref<128x128xf32, #tpu.memory_space<vmem_shared>>) target_semaphore(%run_scoped3A : memref<!tpu.dma_semaphore, #tpu.memory_space<semaphore_mem>>)
      %dma_wait3A = arith.constant 0 : i32
      %dma_wait3A_40 = tpu.memref_slice %arg11[%add3A_8, %dma_wait3A] : memref<10240x128xf32, #tpu.memory_space<vmem_shared>> -> memref<128x128xf32, #tpu.memory_space<vmem_shared>>
      %dma_wait3A_41 = arith.constant 0 : i32
      %dma_wait3A_42 = tpu.memref_slice %arg11[%add3A_8, %dma_wait3A_41] : memref<10240x128xf32, #tpu.memory_space<vmem_shared>> -> memref<128x128xf32, #tpu.memory_space<vmem_shared>>
      tpu.wait_dma2 semaphore(%run_scoped3A : memref<!tpu.dma_semaphore, #tpu.memory_space<semaphore_mem>>) src(%arg10 : memref<128x128xf32, #tpu.memory_space<vmem>>) dst(%dma_wait3A_42 : memref<128x128xf32, #tpu.memory_space<vmem_shared>>)
      tpu.yield
    }) : () -> ()
    %mul3A_9 = arith.constant 640 : i32
    %mul3A_10 = arith.muli %arg1, %mul3A_9 : i32
    %add3A_11 = arith.constant 128 : i32
    %add3A_12 = arith.addi %mul3A_10, %add3A_11 : i32
    "tpu.region"() ({
      %run_scoped3A = tpu.sem_alloc : memref<!tpu.dma_semaphore, #tpu.memory_space<semaphore_mem>>
      %dma_start3A = arith.constant 0 : i32
      %dma_start3A_37 = tpu.memref_slice %arg11[%add3A_12, %dma_start3A] : memref<10240x128xf32, #tpu.memory_space<vmem_shared>> -> memref<128x128xf32, #tpu.memory_space<vmem_shared>>
      %dma_start3A_38 = arith.constant 0 : i32
      %dma_start3A_39 = tpu.memref_slice %arg11[%add3A_12, %dma_start3A_38] : memref<10240x128xf32, #tpu.memory_space<vmem_shared>> -> memref<128x128xf32, #tpu.memory_space<vmem_shared>>
      tpu.enqueue_dma source(%arg10 : memref<128x128xf32, #tpu.memory_space<vmem>>) target(%dma_start3A_39 : memref<128x128xf32, #tpu.memory_space<vmem_shared>>) target_semaphore(%run_scoped3A : memref<!tpu.dma_semaphore, #tpu.memory_space<semaphore_mem>>)
      %dma_wait3A = arith.constant 0 : i32
      %dma_wait3A_40 = tpu.memref_slice %arg11[%add3A_12, %dma_wait3A] : memref<10240x128xf32, #tpu.memory_space<vmem_shared>> -> memref<128x128xf32, #tpu.memory_space<vmem_shared>>
      %dma_wait3A_41 = arith.constant 0 : i32
      %dma_wait3A_42 = tpu.memref_slice %arg11[%add3A_12, %dma_wait3A_41] : memref<10240x128xf32, #tpu.memory_space<vmem_shared>> -> memref<128x128xf32, #tpu.memory_space<vmem_shared>>
      tpu.wait_dma2 semaphore(%run_scoped3A : memref<!tpu.dma_semaphore, #tpu.memory_space<semaphore_mem>>) src(%arg10 : memref<128x128xf32, #tpu.memory_space<vmem>>) dst(%dma_wait3A_42 : memref<128x128xf32, #tpu.memory_space<vmem_shared>>)
      tpu.yield
    }) : () -> ()
    %mul3A_13 = arith.constant 640 : i32
    %mul3A_14 = arith.muli %arg1, %mul3A_13 : i32
    %add3A_15 = arith.constant 256 : i32
    %add3A_16 = arith.addi %mul3A_14, %add3A_15 : i32
    "tpu.region"() ({
      %run_scoped3A = tpu.sem_alloc : memref<!tpu.dma_semaphore, #tpu.memory_space<semaphore_mem>>
      %dma_start3A = arith.constant 0 : i32
      %dma_start3A_37 = tpu.memref_slice %arg11[%add3A_16, %dma_start3A] : memref<10240x128xf32, #tpu.memory_space<vmem_shared>> -> memref<128x128xf32, #tpu.memory_space<vmem_shared>>
      %dma_start3A_38 = arith.constant 0 : i32
      %dma_start3A_39 = tpu.memref_slice %arg11[%add3A_16, %dma_start3A_38] : memref<10240x128xf32, #tpu.memory_space<vmem_shared>> -> memref<128x128xf32, #tpu.memory_space<vmem_shared>>
      tpu.enqueue_dma source(%arg10 : memref<128x128xf32, #tpu.memory_space<vmem>>) target(%dma_start3A_39 : memref<128x128xf32, #tpu.memory_space<vmem_shared>>) target_semaphore(%run_scoped3A : memref<!tpu.dma_semaphore, #tpu.memory_space<semaphore_mem>>)
      %dma_wait3A = arith.constant 0 : i32
      %dma_wait3A_40 = tpu.memref_slice %arg11[%add3A_16, %dma_wait3A] : memref<10240x128xf32, #tpu.memory_space<vmem_shared>> -> memref<128x128xf32, #tpu.memory_space<vmem_shared>>
      %dma_wait3A_41 = arith.constant 0 : i32
      %dma_wait3A_42 = tpu.memref_slice %arg11[%add3A_16, %dma_wait3A_41] : memref<10240x128xf32, #tpu.memory_space<vmem_shared>> -> memref<128x128xf32, #tpu.memory_space<vmem_shared>>
      tpu.wait_dma2 semaphore(%run_scoped3A : memref<!tpu.dma_semaphore, #tpu.memory_space<semaphore_mem>>) src(%arg10 : memref<128x128xf32, #tpu.memory_space<vmem>>) dst(%dma_wait3A_42 : memref<128x128xf32, #tpu.memory_space<vmem_shared>>)
      tpu.yield
    }) : () -> ()
    %mul3A_17 = arith.constant 640 : i32
    %mul3A_18 = arith.muli %arg1, %mul3A_17 : i32
    %add3A_19 = arith.constant 384 : i32
    %add3A_20 = arith.addi %mul3A_18, %add3A_19 : i32
    "tpu.region"() ({
      %run_scoped3A = tpu.sem_alloc : memref<!tpu.dma_semaphore, #tpu.memory_space<semaphore_mem>>
      %dma_start3A = arith.constant 0 : i32
      %dma_start3A_37 = tpu.memref_slice %arg11[%add3A_20, %dma_start3A] : memref<10240x128xf32, #tpu.memory_space<vmem_shared>> -> memref<128x128xf32, #tpu.memory_space<vmem_shared>>
      %dma_start3A_38 = arith.constant 0 : i32
      %dma_start3A_39 = tpu.memref_slice %arg11[%add3A_20, %dma_start3A_38] : memref<10240x128xf32, #tpu.memory_space<vmem_shared>> -> memref<128x128xf32, #tpu.memory_space<vmem_shared>>
      tpu.enqueue_dma source(%arg10 : memref<128x128xf32, #tpu.memory_space<vmem>>) target(%dma_start3A_39 : memref<128x128xf32, #tpu.memory_space<vmem_shared>>) target_semaphore(%run_scoped3A : memref<!tpu.dma_semaphore, #tpu.memory_space<semaphore_mem>>)
      %dma_wait3A = arith.constant 0 : i32
      %dma_wait3A_40 = tpu.memref_slice %arg11[%add3A_20, %dma_wait3A] : memref<10240x128xf32, #tpu.memory_space<vmem_shared>> -> memref<128x128xf32, #tpu.memory_space<vmem_shared>>
      %dma_wait3A_41 = arith.constant 0 : i32
      %dma_wait3A_42 = tpu.memref_slice %arg11[%add3A_20, %dma_wait3A_41] : memref<10240x128xf32, #tpu.memory_space<vmem_shared>> -> memref<128x128xf32, #tpu.memory_space<vmem_shared>>
      tpu.wait_dma2 semaphore(%run_scoped3A : memref<!tpu.dma_semaphore, #tpu.memory_space<semaphore_mem>>) src(%arg10 : memref<128x128xf32, #tpu.memory_space<vmem>>) dst(%dma_wait3A_42 : memref<128x128xf32, #tpu.memory_space<vmem_shared>>)
      tpu.yield
    }) : () -> ()
    %mul3A_21 = arith.constant 640 : i32
    %mul3A_22 = arith.muli %arg1, %mul3A_21 : i32
    %add3A_23 = arith.constant 512 : i32
    %add3A_24 = arith.addi %mul3A_22, %add3A_23 : i32
    "tpu.region"() ({
      %run_scoped3A = tpu.sem_alloc : memref<!tpu.dma_semaphore, #tpu.memory_space<semaphore_mem>>
      %dma_start3A = arith.constant 0 : i32
      %dma_start3A_37 = tpu.memref_slice %arg11[%add3A_24, %dma_start3A] : memref<10240x128xf32, #tpu.memory_space<vmem_shared>> -> memref<128x128xf32, #tpu.memory_space<vmem_shared>>
      %dma_start3A_38 = arith.constant 0 : i32
      %dma_start3A_39 = tpu.memref_slice %arg11[%add3A_24, %dma_start3A_38] : memref<10240x128xf32, #tpu.memory_space<vmem_shared>> -> memref<128x128xf32, #tpu.memory_space<vmem_shared>>
      tpu.enqueue_dma source(%arg10 : memref<128x128xf32, #tpu.memory_space<vmem>>) target(%dma_start3A_39 : memref<128x128xf32, #tpu.memory_space<vmem_shared>>) target_semaphore(%run_scoped3A : memref<!tpu.dma_semaphore, #tpu.memory_space<semaphore_mem>>)
      %dma_wait3A = arith.constant 0 : i32
      %dma_wait3A_40 = tpu.memref_slice %arg11[%add3A_24, %dma_wait3A] : memref<10240x128xf32, #tpu.memory_space<vmem_shared>> -> memref<128x128xf32, #tpu.memory_space<vmem_shared>>
      %dma_wait3A_41 = arith.constant 0 : i32
      %dma_wait3A_42 = tpu.memref_slice %arg11[%add3A_24, %dma_wait3A_41] : memref<10240x128xf32, #tpu.memory_space<vmem_shared>> -> memref<128x128xf32, #tpu.memory_space<vmem_shared>>
      tpu.wait_dma2 semaphore(%run_scoped3A : memref<!tpu.dma_semaphore, #tpu.memory_space<semaphore_mem>>) src(%arg10 : memref<128x128xf32, #tpu.memory_space<vmem>>) dst(%dma_wait3A_42 : memref<128x128xf32, #tpu.memory_space<vmem_shared>>)
      tpu.yield
    }) : () -> ()
    %mul3A_25 = arith.constant 10240 : i32
    %mul3A_26 = arith.muli %add3A, %mul3A_25 : i32
    "tpu.region"() ({
      %run_scoped3A = tpu.sem_alloc : memref<!tpu.dma_semaphore, #tpu.memory_space<semaphore_mem>>
      %dma_start3A = tpu.memref_slice %arg3[%mul3A_26] : memref<327680xi32, #tpu.memory_space<hbm>> -> memref<10240xi32, #tpu.memory_space<hbm>>
      %dma_start3A_37 = tpu.memref_slice %arg3[%mul3A_26] : memref<327680xi32, #tpu.memory_space<hbm>> -> memref<10240xi32, #tpu.memory_space<hbm>>
      tpu.enqueue_dma source(%dma_start3A_37 : memref<10240xi32, #tpu.memory_space<hbm>>) target(%arg7 : memref<10240xi32, #tpu.memory_space<vmem>>) target_semaphore(%run_scoped3A : memref<!tpu.dma_semaphore, #tpu.memory_space<semaphore_mem>>)
      %dma_wait3A = tpu.memref_slice %arg3[%mul3A_26] : memref<327680xi32, #tpu.memory_space<hbm>> -> memref<10240xi32, #tpu.memory_space<hbm>>
      %dma_wait3A_38 = tpu.memref_slice %arg3[%mul3A_26] : memref<327680xi32, #tpu.memory_space<hbm>> -> memref<10240xi32, #tpu.memory_space<hbm>>
      tpu.wait_dma2 semaphore(%run_scoped3A : memref<!tpu.dma_semaphore, #tpu.memory_space<semaphore_mem>>) src(%dma_wait3A_38 : memref<10240xi32, #tpu.memory_space<hbm>>) dst(%arg7 : memref<10240xi32, #tpu.memory_space<vmem>>)
      tpu.yield
    }) : () -> ()
    "tpu.region"() ({
      %run_scoped3A = tpu.sem_alloc : memref<!tpu.dma_semaphore, #tpu.memory_space<semaphore_mem>>
      %dma_start3A = tpu.memref_slice %arg4[%mul3A_26] : memref<327680xi32, #tpu.memory_space<hbm>> -> memref<10240xi32, #tpu.memory_space<hbm>>
      %dma_start3A_37 = tpu.memref_slice %arg4[%mul3A_26] : memref<327680xi32, #tpu.memory_space<hbm>> -> memref<10240xi32, #tpu.memory_space<hbm>>
      tpu.enqueue_dma source(%dma_start3A_37 : memref<10240xi32, #tpu.memory_space<hbm>>) target(%arg8 : memref<10240xi32, #tpu.memory_space<vmem>>) target_semaphore(%run_scoped3A : memref<!tpu.dma_semaphore, #tpu.memory_space<semaphore_mem>>)
      %dma_wait3A = tpu.memref_slice %arg4[%mul3A_26] : memref<327680xi32, #tpu.memory_space<hbm>> -> memref<10240xi32, #tpu.memory_space<hbm>>
      %dma_wait3A_38 = tpu.memref_slice %arg4[%mul3A_26] : memref<327680xi32, #tpu.memory_space<hbm>> -> memref<10240xi32, #tpu.memory_space<hbm>>
      tpu.wait_dma2 semaphore(%run_scoped3A : memref<!tpu.dma_semaphore, #tpu.memory_space<semaphore_mem>>) src(%dma_wait3A_38 : memref<10240xi32, #tpu.memory_space<hbm>>) dst(%arg8 : memref<10240xi32, #tpu.memory_space<vmem>>)
      tpu.yield
    }) : () -> ()
    "tpu.region"() ({
      %run_scoped3A = tpu.sem_alloc : memref<!tpu.dma_semaphore, #tpu.memory_space<semaphore_mem>>
      %dma_start3A = tpu.memref_slice %arg5[%mul3A_26] : memref<327680xf32, #tpu.memory_space<hbm>> -> memref<10240xf32, #tpu.memory_space<hbm>>
      %dma_start3A_37 = tpu.memref_slice %arg5[%mul3A_26] : memref<327680xf32, #tpu.memory_space<hbm>> -> memref<10240xf32, #tpu.memory_space<hbm>>
      tpu.enqueue_dma source(%dma_start3A_37 : memref<10240xf32, #tpu.memory_space<hbm>>) target(%arg9 : memref<10240xf32, #tpu.memory_space<vmem>>) target_semaphore(%run_scoped3A : memref<!tpu.dma_semaphore, #tpu.memory_space<semaphore_mem>>)
      %dma_wait3A = tpu.memref_slice %arg5[%mul3A_26] : memref<327680xf32, #tpu.memory_space<hbm>> -> memref<10240xf32, #tpu.memory_space<hbm>>
      %dma_wait3A_38 = tpu.memref_slice %arg5[%mul3A_26] : memref<327680xf32, #tpu.memory_space<hbm>> -> memref<10240xf32, #tpu.memory_space<hbm>>
      tpu.wait_dma2 semaphore(%run_scoped3A : memref<!tpu.dma_semaphore, #tpu.memory_space<semaphore_mem>>) src(%dma_wait3A_38 : memref<10240xf32, #tpu.memory_space<hbm>>) dst(%arg9 : memref<10240xf32, #tpu.memory_space<vmem>>)
      tpu.yield
    }) : () -> ()
    %barrier3A = arith.constant 0 : index
    tpu.barrier barrier_id(%barrier3A)
    %scan3A_27 = arith.constant 0 : i32
    %scan3A_28 = arith.constant 80 : i32
    %scan3A_29 = arith.addi %scan3A_27, %scan3A_28 : i32
    %scan3A_30 = arith.constant 1 : i32
    scf.for %scan3A_37 = %scan3A_27 to %scan3A_29 step %scan3A_30  : i32 {
      %mul3A_38 = arith.constant 1 : i32
      %mul3A_39 = arith.muli %scan3A_37, %mul3A_38 : i32
      %add3A_40 = arith.constant 0 : i32
      %add3A_41 = arith.addi %add3A_40, %mul3A_39 : i32
      %mul3A_42 = arith.constant 128 : i32
      %mul3A_43 = arith.muli %add3A_41, %mul3A_42 : i32
      "tpu.region"() ({
        %run_scoped3A = tpu.sem_alloc : memref<!tpu.dma_semaphore, #tpu.memory_space<semaphore_mem>>
        %dma_start3A = tpu.memref_slice %arg7[%mul3A_43] : memref<10240xi32, #tpu.memory_space<vmem>> -> memref<128xi32, #tpu.memory_space<vmem>>
        %dma_start3A_49 = arith.constant 0 : i32
        %dma_start3A_50 = arith.constant 0 : i32
        %dma_start3A_51 = tpu.memref_slice %arg2[%dma_start3A_49, %dma_start3A_50] : memref<10240x128xf32, #tpu.memory_space<hbm>> -> memref<10240x128xf32, #tpu.memory_space<hbm>>
        tpu.enqueue_indirect_dma source(%dma_start3A_51 : memref<10240x128xf32, #tpu.memory_space<hbm>>) target(%arg10 : memref<128x128xf32, #tpu.memory_space<vmem>>) offsets(%dma_start3A : memref<128xi32, #tpu.memory_space<vmem>>) semaphore(%run_scoped3A : memref<!tpu.dma_semaphore, #tpu.memory_space<semaphore_mem>>)
        %dma_wait3A = tpu.memref_slice %arg7[%mul3A_43] : memref<10240xi32, #tpu.memory_space<vmem>> -> memref<128xi32, #tpu.memory_space<vmem>>
        %dma_wait3A_52 = arith.constant 0 : i32
        %dma_wait3A_53 = arith.constant 0 : i32
        %dma_wait3A_54 = tpu.memref_slice %arg2[%dma_wait3A_52, %dma_wait3A_53] : memref<10240x128xf32, #tpu.memory_space<hbm>> -> memref<10240x128xf32, #tpu.memory_space<hbm>>
        tpu.wait_indirect_dma semaphore(%run_scoped3A : memref<!tpu.dma_semaphore, #tpu.memory_space<semaphore_mem>>) src(%dma_wait3A_54 : memref<10240x128xf32, #tpu.memory_space<hbm>>) dst(%arg10 : memref<128x128xf32, #tpu.memory_space<vmem>>)
        tpu.yield
      }) : () -> ()
      %scan3A_44 = arith.constant 0 : i32
      %scan3A_45 = arith.constant 8 : i32
      %scan3A_46 = arith.addi %scan3A_44, %scan3A_45 : i32
      %scan3A_47 = arith.constant 1 : i32
      scf.for %scan3A_49 = %scan3A_44 to %scan3A_46 step %scan3A_47  : i32 {
        %mul3A_50 = arith.constant 1 : i32
        %mul3A_51 = arith.muli %scan3A_49, %mul3A_50 : i32
        %add3A_52 = arith.constant 0 : i32
        %add3A_53 = arith.addi %add3A_52, %mul3A_51 : i32
        %mul3A_54 = arith.constant 16 : i32
        %mul3A_55 = arith.muli %add3A_53, %mul3A_54 : i32
        %add3A_56 = arith.addi %mul3A_43, %mul3A_55 : i32
        %get3A = arith.index_cast %add3A_56 : i32 to index
        %get3A_57 = tpu.vector_load %arg9[%get3A] {strides = array<i32>} : memref<10240xf32, #tpu.memory_space<vmem>>, vector<16xf32>,
        %get3A_58 = vector.shape_cast %get3A_57 : vector<16xf32> to vector<16xf32>
        %slice3A = vector.extract_strided_slice %get3A_58 {offsets = [0], sizes = [1], strides = [1]} : vector<16xf32> to vector<1xf32>
        %squeeze3A = vector.extract %slice3A[0] : f32 from vector<1xf32>
        %mul3A_59 = arith.constant 16 : i32
        %mul3A_60 = arith.muli %add3A_53, %mul3A_59 : i32
        %add3A_61 = arith.constant 0 : i32
        %add3A_62 = arith.addi %mul3A_60, %add3A_61 : i32
        %get3A_63 = arith.index_cast %add3A_62 : i32 to index
        %get3A_64 = arith.constant 0 : index
        %get3A_65 = tpu.vector_load %arg10[%get3A_63, %get3A_64] {strides = array<i32>} : memref<128x128xf32, #tpu.memory_space<vmem>>, vector<1x16xf32>,
        %get3A_66 = vector.shape_cast %get3A_65 : vector<1x16xf32> to vector<16xf32>
        %mul3A_67 = vector.broadcast %squeeze3A : f32 to vector<16xf32>
        %mul3A_68 = arith.mulf %get3A_66, %mul3A_67 : vector<16xf32>
        %swap3A = arith.index_cast %add3A_62 : i32 to index
        %swap3A_69 = arith.constant 0 : index
        %swap3A_70 = tpu.vector_load %arg10[%swap3A, %swap3A_69] {strides = array<i32>} : memref<128x128xf32, #tpu.memory_space<vmem>>, vector<1x16xf32>,
        %swap3A_71 = vector.shape_cast %swap3A_70 : vector<1x16xf32> to vector<16xf32>
        %swap3A_72 = vector.shape_cast %mul3A_68 : vector<16xf32> to vector<1x16xf32>
        tpu.vector_store %arg10[%swap3A, %swap3A_69], %swap3A_72 {strides = array<i32>} : memref<128x128xf32, #tpu.memory_space<vmem>>, vector<1x16xf32>,
        %get3A_73 = arith.index_cast %add3A_62 : i32 to index
        %get3A_74 = arith.constant 16 : index
        %get3A_75 = tpu.vector_load %arg10[%get3A_73, %get3A_74] {strides = array<i32>} : memref<128x128xf32, #tpu.memory_space<vmem>>, vector<1x16xf32>,
        %get3A_76 = vector.shape_cast %get3A_75 : vector<1x16xf32> to vector<16xf32>
        %mul3A_77 = vector.broadcast %squeeze3A : f32 to vector<16xf32>
        %mul3A_78 = arith.mulf %get3A_76, %mul3A_77 : vector<16xf32>
        %swap3A_79 = arith.index_cast %add3A_62 : i32 to index
        %swap3A_80 = arith.constant 16 : index
        %swap3A_81 = tpu.vector_load %arg10[%swap3A_79, %swap3A_80] {strides = array<i32>} : memref<128x128xf32, #tpu.memory_space<vmem>>, vector<1x16xf32>,
        %swap3A_82 = vector.shape_cast %swap3A_81 : vector<1x16xf32> to vector<16xf32>
        %swap3A_83 = vector.shape_cast %mul3A_78 : vector<16xf32> to vector<1x16xf32>
        tpu.vector_store %arg10[%swap3A_79, %swap3A_80], %swap3A_83 {strides = array<i32>} : memref<128x128xf32, #tpu.memory_space<vmem>>, vector<1x16xf32>,
        %get3A_84 = arith.index_cast %add3A_62 : i32 to index
        %get3A_85 = arith.constant 32 : index
        %get3A_86 = tpu.vector_load %arg10[%get3A_84, %get3A_85] {strides = array<i32>} : memref<128x128xf32, #tpu.memory_space<vmem>>, vector<1x16xf32>,
        %get3A_87 = vector.shape_cast %get3A_86 : vector<1x16xf32> to vector<16xf32>
        %mul3A_88 = vector.broadcast %squeeze3A : f32 to vector<16xf32>
        %mul3A_89 = arith.mulf %get3A_87, %mul3A_88 : vector<16xf32>
        %swap3A_90 = arith.index_cast %add3A_62 : i32 to index
        %swap3A_91 = arith.constant 32 : index
        %swap3A_92 = tpu.vector_load %arg10[%swap3A_90, %swap3A_91] {strides = array<i32>} : memref<128x128xf32, #tpu.memory_space<vmem>>, vector<1x16xf32>,
        %swap3A_93 = vector.shape_cast %swap3A_92 : vector<1x16xf32> to vector<16xf32>
        %swap3A_94 = vector.shape_cast %mul3A_89 : vector<16xf32> to vector<1x16xf32>
        tpu.vector_store %arg10[%swap3A_90, %swap3A_91], %swap3A_94 {strides = array<i32>} : memref<128x128xf32, #tpu.memory_space<vmem>>, vector<1x16xf32>,
        %get3A_95 = arith.index_cast %add3A_62 : i32 to index
        %get3A_96 = arith.constant 48 : index
        %get3A_97 = tpu.vector_load %arg10[%get3A_95, %get3A_96] {strides = array<i32>} : memref<128x128xf32, #tpu.memory_space<vmem>>, vector<1x16xf32>,
        %get3A_98 = vector.shape_cast %get3A_97 : vector<1x16xf32> to vector<16xf32>
        %mul3A_99 = vector.broadcast %squeeze3A : f32 to vector<16xf32>
        %mul3A_100 = arith.mulf %get3A_98, %mul3A_99 : vector<16xf32>
        %swap3A_101 = arith.index_cast %add3A_62 : i32 to index
        %swap3A_102 = arith.constant 48 : index
        %swap3A_103 = tpu.vector_load %arg10[%swap3A_101, %swap3A_102] {strides = array<i32>} : memref<128x128xf32, #tpu.memory_space<vmem>>, vector<1x16xf32>,
        %swap3A_104 = vector.shape_cast %swap3A_103 : vector<1x16xf32> to vector<16xf32>
        %swap3A_105 = vector.shape_cast %mul3A_100 : vector<16xf32> to vector<1x16xf32>
        tpu.vector_store %arg10[%swap3A_101, %swap3A_102], %swap3A_105 {strides = array<i32>} : memref<128x128xf32, #tpu.memory_space<vmem>>, vector<1x16xf32>,
        %get3A_106 = arith.index_cast %add3A_62 : i32 to index
        %get3A_107 = arith.constant 64 : index
        %get3A_108 = tpu.vector_load %arg10[%get3A_106, %get3A_107] {strides = array<i32>} : memref<128x128xf32, #tpu.memory_space<vmem>>, vector<1x16xf32>,
        %get3A_109 = vector.shape_cast %get3A_108 : vector<1x16xf32> to vector<16xf32>
        %mul3A_110 = vector.broadcast %squeeze3A : f32 to vector<16xf32>
        %mul3A_111 = arith.mulf %get3A_109, %mul3A_110 : vector<16xf32>
        %swap3A_112 = arith.index_cast %add3A_62 : i32 to index
        %swap3A_113 = arith.constant 64 : index
        %swap3A_114 = tpu.vector_load %arg10[%swap3A_112, %swap3A_113] {strides = array<i32>} : memref<128x128xf32, #tpu.memory_space<vmem>>, vector<1x16xf32>,
        %swap3A_115 = vector.shape_cast %swap3A_114 : vector<1x16xf32> to vector<16xf32>
        %swap3A_116 = vector.shape_cast %mul3A_111 : vector<16xf32> to vector<1x16xf32>
        tpu.vector_store %arg10[%swap3A_112, %swap3A_113], %swap3A_116 {strides = array<i32>} : memref<128x128xf32, #tpu.memory_space<vmem>>, vector<1x16xf32>,
        %get3A_117 = arith.index_cast %add3A_62 : i32 to index
        %get3A_118 = arith.constant 80 : index
        %get3A_119 = tpu.vector_load %arg10[%get3A_117, %get3A_118] {strides = array<i32>} : memref<128x128xf32, #tpu.memory_space<vmem>>, vector<1x16xf32>,
        %get3A_120 = vector.shape_cast %get3A_119 : vector<1x16xf32> to vector<16xf32>
        %mul3A_121 = vector.broadcast %squeeze3A : f32 to vector<16xf32>
        %mul3A_122 = arith.mulf %get3A_120, %mul3A_121 : vector<16xf32>
        %swap3A_123 = arith.index_cast %add3A_62 : i32 to index
        %swap3A_124 = arith.constant 80 : index
        %swap3A_125 = tpu.vector_load %arg10[%swap3A_123, %swap3A_124] {strides = array<i32>} : memref<128x128xf32, #tpu.memory_space<vmem>>, vector<1x16xf32>,
        %swap3A_126 = vector.shape_cast %swap3A_125 : vector<1x16xf32> to vector<16xf32>
        %swap3A_127 = vector.shape_cast %mul3A_122 : vector<16xf32> to vector<1x16xf32>
        tpu.vector_store %arg10[%swap3A_123, %swap3A_124], %swap3A_127 {strides = array<i32>} : memref<128x128xf32, #tpu.memory_space<vmem>>, vector<1x16xf32>,
        %get3A_128 = arith.index_cast %add3A_62 : i32 to index
        %get3A_129 = arith.constant 96 : index
        %get3A_130 = tpu.vector_load %arg10[%get3A_128, %get3A_129] {strides = array<i32>} : memref<128x128xf32, #tpu.memory_space<vmem>>, vector<1x16xf32>,
        %get3A_131 = vector.shape_cast %get3A_130 : vector<1x16xf32> to vector<16xf32>
        %mul3A_132 = vector.broadcast %squeeze3A : f32 to vector<16xf32>
        %mul3A_133 = arith.mulf %get3A_131, %mul3A_132 : vector<16xf32>
        %swap3A_134 = arith.index_cast %add3A_62 : i32 to index
        %swap3A_135 = arith.constant 96 : index
        %swap3A_136 = tpu.vector_load %arg10[%swap3A_134, %swap3A_135] {strides = array<i32>} : memref<128x128xf32, #tpu.memory_space<vmem>>, vector<1x16xf32>,
        %swap3A_137 = vector.shape_cast %swap3A_136 : vector<1x16xf32> to vector<16xf32>
        %swap3A_138 = vector.shape_cast %mul3A_133 : vector<16xf32> to vector<1x16xf32>
        tpu.vector_store %arg10[%swap3A_134, %swap3A_135], %swap3A_138 {strides = array<i32>} : memref<128x128xf32, #tpu.memory_space<vmem>>, vector<1x16xf32>,
        %get3A_139 = arith.index_cast %add3A_62 : i32 to index
        %get3A_140 = arith.constant 112 : index
        %get3A_141 = tpu.vector_load %arg10[%get3A_139, %get3A_140] {strides = array<i32>} : memref<128x128xf32, #tpu.memory_space<vmem>>, vector<1x16xf32>,
        %get3A_142 = vector.shape_cast %get3A_141 : vector<1x16xf32> to vector<16xf32>
        %mul3A_143 = vector.broadcast %squeeze3A : f32 to vector<16xf32>
        %mul3A_144 = arith.mulf %get3A_142, %mul3A_143 : vector<16xf32>
        %swap3A_145 = arith.index_cast %add3A_62 : i32 to index
        %swap3A_146 = arith.constant 112 : index
        %swap3A_147 = tpu.vector_load %arg10[%swap3A_145, %swap3A_146] {strides = array<i32>} : memref<128x128xf32, #tpu.memory_space<vmem>>, vector<1x16xf32>,
        %swap3A_148 = vector.shape_cast %swap3A_147 : vector<1x16xf32> to vector<16xf32>
        %swap3A_149 = vector.shape_cast %mul3A_144 : vector<16xf32> to vector<1x16xf32>
        tpu.vector_store %arg10[%swap3A_145, %swap3A_146], %swap3A_149 {strides = array<i32>} : memref<128x128xf32, #tpu.memory_space<vmem>>, vector<1x16xf32>,
        %slice3A_150 = vector.extract_strided_slice %get3A_58 {offsets = [1], sizes = [1], strides = [1]} : vector<16xf32> to vector<1xf32>
        %squeeze3A_151 = vector.extract %slice3A_150[0] : f32 from vector<1xf32>
        %mul3A_152 = arith.constant 16 : i32
        %mul3A_153 = arith.muli %add3A_53, %mul3A_152 : i32
        %add3A_154 = arith.constant 1 : i32
        %add3A_155 = arith.addi %mul3A_153, %add3A_154 : i32
        %get3A_156 = arith.index_cast %add3A_155 : i32 to index
        %get3A_157 = arith.constant 0 : index
        %get3A_158 = tpu.vector_load %arg10[%get3A_156, %get3A_157] {strides = array<i32>} : memref<128x128xf32, #tpu.memory_space<vmem>>, vector<1x16xf32>,
        %get3A_159 = vector.shape_cast %get3A_158 : vector<1x16xf32> to vector<16xf32>
        %mul3A_160 = vector.broadcast %squeeze3A_151 : f32 to vector<16xf32>
        %mul3A_161 = arith.mulf %get3A_159, %mul3A_160 : vector<16xf32>
        %swap3A_162 = arith.index_cast %add3A_155 : i32 to index
        %swap3A_163 = arith.constant 0 : index
        %swap3A_164 = tpu.vector_load %arg10[%swap3A_162, %swap3A_163] {strides = array<i32>} : memref<128x128xf32, #tpu.memory_space<vmem>>, vector<1x16xf32>,
        %swap3A_165 = vector.shape_cast %swap3A_164 : vector<1x16xf32> to vector<16xf32>
        %swap3A_166 = vector.shape_cast %mul3A_161 : vector<16xf32> to vector<1x16xf32>
        tpu.vector_store %arg10[%swap3A_162, %swap3A_163], %swap3A_166 {strides = array<i32>} : memref<128x128xf32, #tpu.memory_space<vmem>>, vector<1x16xf32>,
        %get3A_167 = arith.index_cast %add3A_155 : i32 to index
        %get3A_168 = arith.constant 16 : index
        %get3A_169 = tpu.vector_load %arg10[%get3A_167, %get3A_168] {strides = array<i32>} : memref<128x128xf32, #tpu.memory_space<vmem>>, vector<1x16xf32>,
        %get3A_170 = vector.shape_cast %get3A_169 : vector<1x16xf32> to vector<16xf32>
        %mul3A_171 = vector.broadcast %squeeze3A_151 : f32 to vector<16xf32>
        %mul3A_172 = arith.mulf %get3A_170, %mul3A_171 : vector<16xf32>
        %swap3A_173 = arith.index_cast %add3A_155 : i32 to index
        %swap3A_174 = arith.constant 16 : index
        %swap3A_175 = tpu.vector_load %arg10[%swap3A_173, %swap3A_174] {strides = array<i32>} : memref<128x128xf32, #tpu.memory_space<vmem>>, vector<1x16xf32>,
        %swap3A_176 = vector.shape_cast %swap3A_175 : vector<1x16xf32> to vector<16xf32>
        %swap3A_177 = vector.shape_cast %mul3A_172 : vector<16xf32> to vector<1x16xf32>
        tpu.vector_store %arg10[%swap3A_173, %swap3A_174], %swap3A_177 {strides = array<i32>} : memref<128x128xf32, #tpu.memory_space<vmem>>, vector<1x16xf32>,
        %get3A_178 = arith.index_cast %add3A_155 : i32 to index
        %get3A_179 = arith.constant 32 : index
        %get3A_180 = tpu.vector_load %arg10[%get3A_178, %get3A_179] {strides = array<i32>} : memref<128x128xf32, #tpu.memory_space<vmem>>, vector<1x16xf32>,
        %get3A_181 = vector.shape_cast %get3A_180 : vector<1x16xf32> to vector<16xf32>
        %mul3A_182 = vector.broadcast %squeeze3A_151 : f32 to vector<16xf32>
        %mul3A_183 = arith.mulf %get3A_181, %mul3A_182 : vector<16xf32>
        %swap3A_184 = arith.index_cast %add3A_155 : i32 to index
        %swap3A_185 = arith.constant 32 : index
        %swap3A_186 = tpu.vector_load %arg10[%swap3A_184, %swap3A_185] {strides = array<i32>} : memref<128x128xf32, #tpu.memory_space<vmem>>, vector<1x16xf32>,
        %swap3A_187 = vector.shape_cast %swap3A_186 : vector<1x16xf32> to vector<16xf32>
        %swap3A_188 = vector.shape_cast %mul3A_183 : vector<16xf32> to vector<1x16xf32>
        tpu.vector_store %arg10[%swap3A_184, %swap3A_185], %swap3A_188 {strides = array<i32>} : memref<128x128xf32, #tpu.memory_space<vmem>>, vector<1x16xf32>,
        %get3A_189 = arith.index_cast %add3A_155 : i32 to index
        %get3A_190 = arith.constant 48 : index
        %get3A_191 = tpu.vector_load %arg10[%get3A_189, %get3A_190] {strides = array<i32>} : memref<128x128xf32, #tpu.memory_space<vmem>>, vector<1x16xf32>,
        %get3A_192 = vector.shape_cast %get3A_191 : vector<1x16xf32> to vector<16xf32>
        %mul3A_193 = vector.broadcast %squeeze3A_151 : f32 to vector<16xf32>
        %mul3A_194 = arith.mulf %get3A_192, %mul3A_193 : vector<16xf32>
        %swap3A_195 = arith.index_cast %add3A_155 : i32 to index
        %swap3A_196 = arith.constant 48 : index
        %swap3A_197 = tpu.vector_load %arg10[%swap3A_195, %swap3A_196] {strides = array<i32>} : memref<128x128xf32, #tpu.memory_space<vmem>>, vector<1x16xf32>,
        %swap3A_198 = vector.shape_cast %swap3A_197 : vector<1x16xf32> to vector<16xf32>
        %swap3A_199 = vector.shape_cast %mul3A_194 : vector<16xf32> to vector<1x16xf32>
        tpu.vector_store %arg10[%swap3A_195, %swap3A_196], %swap3A_199 {strides = array<i32>} : memref<128x128xf32, #tpu.memory_space<vmem>>, vector<1x16xf32>,
        %get3A_200 = arith.index_cast %add3A_155 : i32 to index
        %get3A_201 = arith.constant 64 : index
        %get3A_202 = tpu.vector_load %arg10[%get3A_200, %get3A_201] {strides = array<i32>} : memref<128x128xf32, #tpu.memory_space<vmem>>, vector<1x16xf32>,
        %get3A_203 = vector.shape_cast %get3A_202 : vector<1x16xf32> to vector<16xf32>
        %mul3A_204 = vector.broadcast %squeeze3A_151 : f32 to vector<16xf32>
        %mul3A_205 = arith.mulf %get3A_203, %mul3A_204 : vector<16xf32>
        %swap3A_206 = arith.index_cast %add3A_155 : i32 to index
        %swap3A_207 = arith.constant 64 : index
        %swap3A_208 = tpu.vector_load %arg10[%swap3A_206, %swap3A_207] {strides = array<i32>} : memref<128x128xf32, #tpu.memory_space<vmem>>, vector<1x16xf32>,
        %swap3A_209 = vector.shape_cast %swap3A_208 : vector<1x16xf32> to vector<16xf32>
        %swap3A_210 = vector.shape_cast %mul3A_205 : vector<16xf32> to vector<1x16xf32>
        tpu.vector_store %arg10[%swap3A_206, %swap3A_207], %swap3A_210 {strides = array<i32>} : memref<128x128xf32, #tpu.memory_space<vmem>>, vector<1x16xf32>,
        %get3A_211 = arith.index_cast %add3A_155 : i32 to index
        %get3A_212 = arith.constant 80 : index
        %get3A_213 = tpu.vector_load %arg10[%get3A_211, %get3A_212] {strides = array<i32>} : memref<128x128xf32, #tpu.memory_space<vmem>>, vector<1x16xf32>,
        %get3A_214 = vector.shape_cast %get3A_213 : vector<1x16xf32> to vector<16xf32>
        %mul3A_215 = vector.broadcast %squeeze3A_151 : f32 to vector<16xf32>
        %mul3A_216 = arith.mulf %get3A_214, %mul3A_215 : vector<16xf32>
        %swap3A_217 = arith.index_cast %add3A_155 : i32 to index
        %swap3A_218 = arith.constant 80 : index
        %swap3A_219 = tpu.vector_load %arg10[%swap3A_217, %swap3A_218] {strides = array<i32>} : memref<128x128xf32, #tpu.memory_space<vmem>>, vector<1x16xf32>,
        %swap3A_220 = vector.shape_cast %swap3A_219 : vector<1x16xf32> to vector<16xf32>
        %swap3A_221 = vector.shape_cast %mul3A_216 : vector<16xf32> to vector<1x16xf32>
        tpu.vector_store %arg10[%swap3A_217, %swap3A_218], %swap3A_221 {strides = array<i32>} : memref<128x128xf32, #tpu.memory_space<vmem>>, vector<1x16xf32>,
        %get3A_222 = arith.index_cast %add3A_155 : i32 to index
        %get3A_223 = arith.constant 96 : index
        %get3A_224 = tpu.vector_load %arg10[%get3A_222, %get3A_223] {strides = array<i32>} : memref<128x128xf32, #tpu.memory_space<vmem>>, vector<1x16xf32>,
        %get3A_225 = vector.shape_cast %get3A_224 : vector<1x16xf32> to vector<16xf32>
        %mul3A_226 = vector.broadcast %squeeze3A_151 : f32 to vector<16xf32>
        %mul3A_227 = arith.mulf %get3A_225, %mul3A_226 : vector<16xf32>
        %swap3A_228 = arith.index_cast %add3A_155 : i32 to index
        %swap3A_229 = arith.constant 96 : index
        %swap3A_230 = tpu.vector_load %arg10[%swap3A_228, %swap3A_229] {strides = array<i32>} : memref<128x128xf32, #tpu.memory_space<vmem>>, vector<1x16xf32>,
        %swap3A_231 = vector.shape_cast %swap3A_230 : vector<1x16xf32> to vector<16xf32>
        %swap3A_232 = vector.shape_cast %mul3A_227 : vector<16xf32> to vector<1x16xf32>
        tpu.vector_store %arg10[%swap3A_228, %swap3A_229], %swap3A_232 {strides = array<i32>} : memref<128x128xf32, #tpu.memory_space<vmem>>, vector<1x16xf32>,
        %get3A_233 = arith.index_cast %add3A_155 : i32 to index
        %get3A_234 = arith.constant 112 : index
        %get3A_235 = tpu.vector_load %arg10[%get3A_233, %get3A_234] {strides = array<i32>} : memref<128x128xf32, #tpu.memory_space<vmem>>, vector<1x16xf32>,
        %get3A_236 = vector.shape_cast %get3A_235 : vector<1x16xf32> to vector<16xf32>
        %mul3A_237 = vector.broadcast %squeeze3A_151 : f32 to vector<16xf32>
        %mul3A_238 = arith.mulf %get3A_236, %mul3A_237 : vector<16xf32>
        %swap3A_239 = arith.index_cast %add3A_155 : i32 to index
        %swap3A_240 = arith.constant 112 : index
        %swap3A_241 = tpu.vector_load %arg10[%swap3A_239, %swap3A_240] {strides = array<i32>} : memref<128x128xf32, #tpu.memory_space<vmem>>, vector<1x16xf32>,
        %swap3A_242 = vector.shape_cast %swap3A_241 : vector<1x16xf32> to vector<16xf32>
        %swap3A_243 = vector.shape_cast %mul3A_238 : vector<16xf32> to vector<1x16xf32>
        tpu.vector_store %arg10[%swap3A_239, %swap3A_240], %swap3A_243 {strides = array<i32>} : memref<128x128xf32, #tpu.memory_space<vmem>>, vector<1x16xf32>,
        %slice3A_244 = vector.extract_strided_slice %get3A_58 {offsets = [2], sizes = [1], strides = [1]} : vector<16xf32> to vector<1xf32>
        %squeeze3A_245 = vector.extract %slice3A_244[0] : f32 from vector<1xf32>
        %mul3A_246 = arith.constant 16 : i32
        %mul3A_247 = arith.muli %add3A_53, %mul3A_246 : i32
        %add3A_248 = arith.constant 2 : i32
        %add3A_249 = arith.addi %mul3A_247, %add3A_248 : i32
        %get3A_250 = arith.index_cast %add3A_249 : i32 to index
        %get3A_251 = arith.constant 0 : index
        %get3A_252 = tpu.vector_load %arg10[%get3A_250, %get3A_251] {strides = array<i32>} : memref<128x128xf32, #tpu.memory_space<vmem>>, vector<1x16xf32>,
        %get3A_253 = vector.shape_cast %get3A_252 : vector<1x16xf32> to vector<16xf32>
        %mul3A_254 = vector.broadcast %squeeze3A_245 : f32 to vector<16xf32>
        %mul3A_255 = arith.mulf %get3A_253, %mul3A_254 : vector<16xf32>
        %swap3A_256 = arith.index_cast %add3A_249 : i32 to index
        %swap3A_257 = arith.constant 0 : index
        %swap3A_258 = tpu.vector_load %arg10[%swap3A_256, %swap3A_257] {strides = array<i32>} : memref<128x128xf32, #tpu.memory_space<vmem>>, vector<1x16xf32>,
        %swap3A_259 = vector.shape_cast %swap3A_258 : vector<1x16xf32> to vector<16xf32>
        %swap3A_260 = vector.shape_cast %mul3A_255 : vector<16xf32> to vector<1x16xf32>
        tpu.vector_store %arg10[%swap3A_256, %swap3A_257], %swap3A_260 {strides = array<i32>} : memref<128x128xf32, #tpu.memory_space<vmem>>, vector<1x16xf32>,
        %get3A_261 = arith.index_cast %add3A_249 : i32 to index
        %get3A_262 = arith.constant 16 : index
        %get3A_263 = tpu.vector_load %arg10[%get3A_261, %get3A_262] {strides = array<i32>} : memref<128x128xf32, #tpu.memory_space<vmem>>, vector<1x16xf32>,
        %get3A_264 = vector.shape_cast %get3A_263 : vector<1x16xf32> to vector<16xf32>
        %mul3A_265 = vector.broadcast %squeeze3A_245 : f32 to vector<16xf32>
        %mul3A_266 = arith.mulf %get3A_264, %mul3A_265 : vector<16xf32>
        %swap3A_267 = arith.index_cast %add3A_249 : i32 to index
        %swap3A_268 = arith.constant 16 : index
        %swap3A_269 = tpu.vector_load %arg10[%swap3A_267, %swap3A_268] {strides = array<i32>} : memref<128x128xf32, #tpu.memory_space<vmem>>, vector<1x16xf32>,
        %swap3A_270 = vector.shape_cast %swap3A_269 : vector<1x16xf32> to vector<16xf32>
        %swap3A_271 = vector.shape_cast %mul3A_266 : vector<16xf32> to vector<1x16xf32>
        tpu.vector_store %arg10[%swap3A_267, %swap3A_268], %swap3A_271 {strides = array<i32>} : memref<128x128xf32, #tpu.memory_space<vmem>>, vector<1x16xf32>,
        %get3A_272 = arith.index_cast %add3A_249 : i32 to index
        %get3A_273 = arith.constant 32 : index
        %get3A_274 = tpu.vector_load %arg10[%get3A_272, %get3A_273] {strides = array<i32>} : memref<128x128xf32, #tpu.memory_space<vmem>>, vector<1x16xf32>,
        %get3A_275 = vector.shape_cast %get3A_274 : vector<1x16xf32> to vector<16xf32>
        %mul3A_276 = vector.broadcast %squeeze3A_245 : f32 to vector<16xf32>
        %mul3A_277 = arith.mulf %get3A_275, %mul3A_276 : vector<16xf32>
        %swap3A_278 = arith.index_cast %add3A_249 : i32 to index
        %swap3A_279 = arith.constant 32 : index
        %swap3A_280 = tpu.vector_load %arg10[%swap3A_278, %swap3A_279] {strides = array<i32>} : memref<128x128xf32, #tpu.memory_space<vmem>>, vector<1x16xf32>,
        %swap3A_281 = vector.shape_cast %swap3A_280 : vector<1x16xf32> to vector<16xf32>
        %swap3A_282 = vector.shape_cast %mul3A_277 : vector<16xf32> to vector<1x16xf32>
        tpu.vector_store %arg10[%swap3A_278, %swap3A_279], %swap3A_282 {strides = array<i32>} : memref<128x128xf32, #tpu.memory_space<vmem>>, vector<1x16xf32>,
        %get3A_283 = arith.index_cast %add3A_249 : i32 to index
        %get3A_284 = arith.constant 48 : index
        %get3A_285 = tpu.vector_load %arg10[%get3A_283, %get3A_284] {strides = array<i32>} : memref<128x128xf32, #tpu.memory_space<vmem>>, vector<1x16xf32>,
        %get3A_286 = vector.shape_cast %get3A_285 : vector<1x16xf32> to vector<16xf32>
        %mul3A_287 = vector.broadcast %squeeze3A_245 : f32 to vector<16xf32>
        %mul3A_288 = arith.mulf %get3A_286, %mul3A_287 : vector<16xf32>
        %swap3A_289 = arith.index_cast %add3A_249 : i32 to index
        %swap3A_290 = arith.constant 48 : index
        %swap3A_291 = tpu.vector_load %arg10[%swap3A_289, %swap3A_290] {strides = array<i32>} : memref<128x128xf32, #tpu.memory_space<vmem>>, vector<1x16xf32>,
        %swap3A_292 = vector.shape_cast %swap3A_291 : vector<1x16xf32> to vector<16xf32>
        %swap3A_293 = vector.shape_cast %mul3A_288 : vector<16xf32> to vector<1x16xf32>
        tpu.vector_store %arg10[%swap3A_289, %swap3A_290], %swap3A_293 {strides = array<i32>} : memref<128x128xf32, #tpu.memory_space<vmem>>, vector<1x16xf32>,
        %get3A_294 = arith.index_cast %add3A_249 : i32 to index
        %get3A_295 = arith.constant 64 : index
        %get3A_296 = tpu.vector_load %arg10[%get3A_294, %get3A_295] {strides = array<i32>} : memref<128x128xf32, #tpu.memory_space<vmem>>, vector<1x16xf32>,
        %get3A_297 = vector.shape_cast %get3A_296 : vector<1x16xf32> to vector<16xf32>
        %mul3A_298 = vector.broadcast %squeeze3A_245 : f32 to vector<16xf32>
        %mul3A_299 = arith.mulf %get3A_297, %mul3A_298 : vector<16xf32>
        %swap3A_300 = arith.index_cast %add3A_249 : i32 to index
        %swap3A_301 = arith.constant 64 : index
        %swap3A_302 = tpu.vector_load %arg10[%swap3A_300, %swap3A_301] {strides = array<i32>} : memref<128x128xf32, #tpu.memory_space<vmem>>, vector<1x16xf32>,
        %swap3A_303 = vector.shape_cast %swap3A_302 : vector<1x16xf32> to vector<16xf32>
        %swap3A_304 = vector.shape_cast %mul3A_299 : vector<16xf32> to vector<1x16xf32>
        tpu.vector_store %arg10[%swap3A_300, %swap3A_301], %swap3A_304 {strides = array<i32>} : memref<128x128xf32, #tpu.memory_space<vmem>>, vector<1x16xf32>,
        %get3A_305 = arith.index_cast %add3A_249 : i32 to index
        %get3A_306 = arith.constant 80 : index
        %get3A_307 = tpu.vector_load %arg10[%get3A_305, %get3A_306] {strides = array<i32>} : memref<128x128xf32, #tpu.memory_space<vmem>>, vector<1x16xf32>,
        %get3A_308 = vector.shape_cast %get3A_307 : vector<1x16xf32> to vector<16xf32>
        %mul3A_309 = vector.broadcast %squeeze3A_245 : f32 to vector<16xf32>
        %mul3A_310 = arith.mulf %get3A_308, %mul3A_309 : vector<16xf32>
        %swap3A_311 = arith.index_cast %add3A_249 : i32 to index
        %swap3A_312 = arith.constant 80 : index
        %swap3A_313 = tpu.vector_load %arg10[%swap3A_311, %swap3A_312] {strides = array<i32>} : memref<128x128xf32, #tpu.memory_space<vmem>>, vector<1x16xf32>,
        %swap3A_314 = vector.shape_cast %swap3A_313 : vector<1x16xf32> to vector<16xf32>
        %swap3A_315 = vector.shape_cast %mul3A_310 : vector<16xf32> to vector<1x16xf32>
        tpu.vector_store %arg10[%swap3A_311, %swap3A_312], %swap3A_315 {strides = array<i32>} : memref<128x128xf32, #tpu.memory_space<vmem>>, vector<1x16xf32>,
        %get3A_316 = arith.index_cast %add3A_249 : i32 to index
        %get3A_317 = arith.constant 96 : index
        %get3A_318 = tpu.vector_load %arg10[%get3A_316, %get3A_317] {strides = array<i32>} : memref<128x128xf32, #tpu.memory_space<vmem>>, vector<1x16xf32>,
        %get3A_319 = vector.shape_cast %get3A_318 : vector<1x16xf32> to vector<16xf32>
        %mul3A_320 = vector.broadcast %squeeze3A_245 : f32 to vector<16xf32>
        %mul3A_321 = arith.mulf %get3A_319, %mul3A_320 : vector<16xf32>
        %swap3A_322 = arith.index_cast %add3A_249 : i32 to index
        %swap3A_323 = arith.constant 96 : index
        %swap3A_324 = tpu.vector_load %arg10[%swap3A_322, %swap3A_323] {strides = array<i32>} : memref<128x128xf32, #tpu.memory_space<vmem>>, vector<1x16xf32>,
        %swap3A_325 = vector.shape_cast %swap3A_324 : vector<1x16xf32> to vector<16xf32>
        %swap3A_326 = vector.shape_cast %mul3A_321 : vector<16xf32> to vector<1x16xf32>
        tpu.vector_store %arg10[%swap3A_322, %swap3A_323], %swap3A_326 {strides = array<i32>} : memref<128x128xf32, #tpu.memory_space<vmem>>, vector<1x16xf32>,
        %get3A_327 = arith.index_cast %add3A_249 : i32 to index
        %get3A_328 = arith.constant 112 : index
        %get3A_329 = tpu.vector_load %arg10[%get3A_327, %get3A_328] {strides = array<i32>} : memref<128x128xf32, #tpu.memory_space<vmem>>, vector<1x16xf32>,
        %get3A_330 = vector.shape_cast %get3A_329 : vector<1x16xf32> to vector<16xf32>
        %mul3A_331 = vector.broadcast %squeeze3A_245 : f32 to vector<16xf32>
        %mul3A_332 = arith.mulf %get3A_330, %mul3A_331 : vector<16xf32>
        %swap3A_333 = arith.index_cast %add3A_249 : i32 to index
        %swap3A_334 = arith.constant 112 : index
        %swap3A_335 = tpu.vector_load %arg10[%swap3A_333, %swap3A_334] {strides = array<i32>} : memref<128x128xf32, #tpu.memory_space<vmem>>, vector<1x16xf32>,
        %swap3A_336 = vector.shape_cast %swap3A_335 : vector<1x16xf32> to vector<16xf32>
        %swap3A_337 = vector.shape_cast %mul3A_332 : vector<16xf32> to vector<1x16xf32>
        tpu.vector_store %arg10[%swap3A_333, %swap3A_334], %swap3A_337 {strides = array<i32>} : memref<128x128xf32, #tpu.memory_space<vmem>>, vector<1x16xf32>,
        %slice3A_338 = vector.extract_strided_slice %get3A_58 {offsets = [3], sizes = [1], strides = [1]} : vector<16xf32> to vector<1xf32>
        %squeeze3A_339 = vector.extract %slice3A_338[0] : f32 from vector<1xf32>
        %mul3A_340 = arith.constant 16 : i32
        %mul3A_341 = arith.muli %add3A_53, %mul3A_340 : i32
        %add3A_342 = arith.constant 3 : i32
        %add3A_343 = arith.addi %mul3A_341, %add3A_342 : i32
        %get3A_344 = arith.index_cast %add3A_343 : i32 to index
        %get3A_345 = arith.constant 0 : index
        %get3A_346 = tpu.vector_load %arg10[%get3A_344, %get3A_345] {strides = array<i32>} : memref<128x128xf32, #tpu.memory_space<vmem>>, vector<1x16xf32>,
        %get3A_347 = vector.shape_cast %get3A_346 : vector<1x16xf32> to vector<16xf32>
        %mul3A_348 = vector.broadcast %squeeze3A_339 : f32 to vector<16xf32>
        %mul3A_349 = arith.mulf %get3A_347, %mul3A_348 : vector<16xf32>
        %swap3A_350 = arith.index_cast %add3A_343 : i32 to index
        %swap3A_351 = arith.constant 0 : index
        %swap3A_352 = tpu.vector_load %arg10[%swap3A_350, %swap3A_351] {strides = array<i32>} : memref<128x128xf32, #tpu.memory_space<vmem>>, vector<1x16xf32>,
        %swap3A_353 = vector.shape_cast %swap3A_352 : vector<1x16xf32> to vector<16xf32>
        %swap3A_354 = vector.shape_cast %mul3A_349 : vector<16xf32> to vector<1x16xf32>
        tpu.vector_store %arg10[%swap3A_350, %swap3A_351], %swap3A_354 {strides = array<i32>} : memref<128x128xf32, #tpu.memory_space<vmem>>, vector<1x16xf32>,
        %get3A_355 = arith.index_cast %add3A_343 : i32 to index
        %get3A_356 = arith.constant 16 : index
        %get3A_357 = tpu.vector_load %arg10[%get3A_355, %get3A_356] {strides = array<i32>} : memref<128x128xf32, #tpu.memory_space<vmem>>, vector<1x16xf32>,
        %get3A_358 = vector.shape_cast %get3A_357 : vector<1x16xf32> to vector<16xf32>
        %mul3A_359 = vector.broadcast %squeeze3A_339 : f32 to vector<16xf32>
        %mul3A_360 = arith.mulf %get3A_358, %mul3A_359 : vector<16xf32>
        %swap3A_361 = arith.index_cast %add3A_343 : i32 to index
        %swap3A_362 = arith.constant 16 : index
        %swap3A_363 = tpu.vector_load %arg10[%swap3A_361, %swap3A_362] {strides = array<i32>} : memref<128x128xf32, #tpu.memory_space<vmem>>, vector<1x16xf32>,
        %swap3A_364 = vector.shape_cast %swap3A_363 : vector<1x16xf32> to vector<16xf32>
        %swap3A_365 = vector.shape_cast %mul3A_360 : vector<16xf32> to vector<1x16xf32>
        tpu.vector_store %arg10[%swap3A_361, %swap3A_362], %swap3A_365 {strides = array<i32>} : memref<128x128xf32, #tpu.memory_space<vmem>>, vector<1x16xf32>,
        %get3A_366 = arith.index_cast %add3A_343 : i32 to index
        %get3A_367 = arith.constant 32 : index
        %get3A_368 = tpu.vector_load %arg10[%get3A_366, %get3A_367] {strides = array<i32>} : memref<128x128xf32, #tpu.memory_space<vmem>>, vector<1x16xf32>,
        %get3A_369 = vector.shape_cast %get3A_368 : vector<1x16xf32> to vector<16xf32>
        %mul3A_370 = vector.broadcast %squeeze3A_339 : f32 to vector<16xf32>
        %mul3A_371 = arith.mulf %get3A_369, %mul3A_370 : vector<16xf32>
        %swap3A_372 = arith.index_cast %add3A_343 : i32 to index
        %swap3A_373 = arith.constant 32 : index
        %swap3A_374 = tpu.vector_load %arg10[%swap3A_372, %swap3A_373] {strides = array<i32>} : memref<128x128xf32, #tpu.memory_space<vmem>>, vector<1x16xf32>,
        %swap3A_375 = vector.shape_cast %swap3A_374 : vector<1x16xf32> to vector<16xf32>
        %swap3A_376 = vector.shape_cast %mul3A_371 : vector<16xf32> to vector<1x16xf32>
        tpu.vector_store %arg10[%swap3A_372, %swap3A_373], %swap3A_376 {strides = array<i32>} : memref<128x128xf32, #tpu.memory_space<vmem>>, vector<1x16xf32>,
        %get3A_377 = arith.index_cast %add3A_343 : i32 to index
        %get3A_378 = arith.constant 48 : index
        %get3A_379 = tpu.vector_load %arg10[%get3A_377, %get3A_378] {strides = array<i32>} : memref<128x128xf32, #tpu.memory_space<vmem>>, vector<1x16xf32>,
        %get3A_380 = vector.shape_cast %get3A_379 : vector<1x16xf32> to vector<16xf32>
        %mul3A_381 = vector.broadcast %squeeze3A_339 : f32 to vector<16xf32>
        %mul3A_382 = arith.mulf %get3A_380, %mul3A_381 : vector<16xf32>
        %swap3A_383 = arith.index_cast %add3A_343 : i32 to index
        %swap3A_384 = arith.constant 48 : index
        %swap3A_385 = tpu.vector_load %arg10[%swap3A_383, %swap3A_384] {strides = array<i32>} : memref<128x128xf32, #tpu.memory_space<vmem>>, vector<1x16xf32>,
        %swap3A_386 = vector.shape_cast %swap3A_385 : vector<1x16xf32> to vector<16xf32>
        %swap3A_387 = vector.shape_cast %mul3A_382 : vector<16xf32> to vector<1x16xf32>
        tpu.vector_store %arg10[%swap3A_383, %swap3A_384], %swap3A_387 {strides = array<i32>} : memref<128x128xf32, #tpu.memory_space<vmem>>, vector<1x16xf32>,
        %get3A_388 = arith.index_cast %add3A_343 : i32 to index
        %get3A_389 = arith.constant 64 : index
        %get3A_390 = tpu.vector_load %arg10[%get3A_388, %get3A_389] {strides = array<i32>} : memref<128x128xf32, #tpu.memory_space<vmem>>, vector<1x16xf32>,
        %get3A_391 = vector.shape_cast %get3A_390 : vector<1x16xf32> to vector<16xf32>
        %mul3A_392 = vector.broadcast %squeeze3A_339 : f32 to vector<16xf32>
        %mul3A_393 = arith.mulf %get3A_391, %mul3A_392 : vector<16xf32>
        %swap3A_394 = arith.index_cast %add3A_343 : i32 to index
        %swap3A_395 = arith.constant 64 : index
        %swap3A_396 = tpu.vector_load %arg10[%swap3A_394, %swap3A_395] {strides = array<i32>} : memref<128x128xf32, #tpu.memory_space<vmem>>, vector<1x16xf32>,
        %swap3A_397 = vector.shape_cast %swap3A_396 : vector<1x16xf32> to vector<16xf32>
        %swap3A_398 = vector.shape_cast %mul3A_393 : vector<16xf32> to vector<1x16xf32>
        tpu.vector_store %arg10[%swap3A_394, %swap3A_395], %swap3A_398 {strides = array<i32>} : memref<128x128xf32, #tpu.memory_space<vmem>>, vector<1x16xf32>,
        %get3A_399 = arith.index_cast %add3A_343 : i32 to index
        %get3A_400 = arith.constant 80 : index
        %get3A_401 = tpu.vector_load %arg10[%get3A_399, %get3A_400] {strides = array<i32>} : memref<128x128xf32, #tpu.memory_space<vmem>>, vector<1x16xf32>,
        %get3A_402 = vector.shape_cast %get3A_401 : vector<1x16xf32> to vector<16xf32>
        %mul3A_403 = vector.broadcast %squeeze3A_339 : f32 to vector<16xf32>
        %mul3A_404 = arith.mulf %get3A_402, %mul3A_403 : vector<16xf32>
        %swap3A_405 = arith.index_cast %add3A_343 : i32 to index
        %swap3A_406 = arith.constant 80 : index
        %swap3A_407 = tpu.vector_load %arg10[%swap3A_405, %swap3A_406] {strides = array<i32>} : memref<128x128xf32, #tpu.memory_space<vmem>>, vector<1x16xf32>,
        %swap3A_408 = vector.shape_cast %swap3A_407 : vector<1x16xf32> to vector<16xf32>
        %swap3A_409 = vector.shape_cast %mul3A_404 : vector<16xf32> to vector<1x16xf32>
        tpu.vector_store %arg10[%swap3A_405, %swap3A_406], %swap3A_409 {strides = array<i32>} : memref<128x128xf32, #tpu.memory_space<vmem>>, vector<1x16xf32>,
        %get3A_410 = arith.index_cast %add3A_343 : i32 to index
        %get3A_411 = arith.constant 96 : index
        %get3A_412 = tpu.vector_load %arg10[%get3A_410, %get3A_411] {strides = array<i32>} : memref<128x128xf32, #tpu.memory_space<vmem>>, vector<1x16xf32>,
        %get3A_413 = vector.shape_cast %get3A_412 : vector<1x16xf32> to vector<16xf32>
        %mul3A_414 = vector.broadcast %squeeze3A_339 : f32 to vector<16xf32>
        %mul3A_415 = arith.mulf %get3A_413, %mul3A_414 : vector<16xf32>
        %swap3A_416 = arith.index_cast %add3A_343 : i32 to index
        %swap3A_417 = arith.constant 96 : index
        %swap3A_418 = tpu.vector_load %arg10[%swap3A_416, %swap3A_417] {strides = array<i32>} : memref<128x128xf32, #tpu.memory_space<vmem>>, vector<1x16xf32>,
        %swap3A_419 = vector.shape_cast %swap3A_418 : vector<1x16xf32> to vector<16xf32>
        %swap3A_420 = vector.shape_cast %mul3A_415 : vector<16xf32> to vector<1x16xf32>
        tpu.vector_store %arg10[%swap3A_416, %swap3A_417], %swap3A_420 {strides = array<i32>} : memref<128x128xf32, #tpu.memory_space<vmem>>, vector<1x16xf32>,
        %get3A_421 = arith.index_cast %add3A_343 : i32 to index
        %get3A_422 = arith.constant 112 : index
        %get3A_423 = tpu.vector_load %arg10[%get3A_421, %get3A_422] {strides = array<i32>} : memref<128x128xf32, #tpu.memory_space<vmem>>, vector<1x16xf32>,
        %get3A_424 = vector.shape_cast %get3A_423 : vector<1x16xf32> to vector<16xf32>
        %mul3A_425 = vector.broadcast %squeeze3A_339 : f32 to vector<16xf32>
        %mul3A_426 = arith.mulf %get3A_424, %mul3A_425 : vector<16xf32>
        %swap3A_427 = arith.index_cast %add3A_343 : i32 to index
        %swap3A_428 = arith.constant 112 : index
        %swap3A_429 = tpu.vector_load %arg10[%swap3A_427, %swap3A_428] {strides = array<i32>} : memref<128x128xf32, #tpu.memory_space<vmem>>, vector<1x16xf32>,
        %swap3A_430 = vector.shape_cast %swap3A_429 : vector<1x16xf32> to vector<16xf32>
        %swap3A_431 = vector.shape_cast %mul3A_426 : vector<16xf32> to vector<1x16xf32>
        tpu.vector_store %arg10[%swap3A_427, %swap3A_428], %swap3A_431 {strides = array<i32>} : memref<128x128xf32, #tpu.memory_space<vmem>>, vector<1x16xf32>,
        %slice3A_432 = vector.extract_strided_slice %get3A_58 {offsets = [4], sizes = [1], strides = [1]} : vector<16xf32> to vector<1xf32>
        %squeeze3A_433 = vector.extract %slice3A_432[0] : f32 from vector<1xf32>
        %mul3A_434 = arith.constant 16 : i32
        %mul3A_435 = arith.muli %add3A_53, %mul3A_434 : i32
        %add3A_436 = arith.constant 4 : i32
        %add3A_437 = arith.addi %mul3A_435, %add3A_436 : i32
        %get3A_438 = arith.index_cast %add3A_437 : i32 to index
        %get3A_439 = arith.constant 0 : index
        %get3A_440 = tpu.vector_load %arg10[%get3A_438, %get3A_439] {strides = array<i32>} : memref<128x128xf32, #tpu.memory_space<vmem>>, vector<1x16xf32>,
        %get3A_441 = vector.shape_cast %get3A_440 : vector<1x16xf32> to vector<16xf32>
        %mul3A_442 = vector.broadcast %squeeze3A_433 : f32 to vector<16xf32>
        %mul3A_443 = arith.mulf %get3A_441, %mul3A_442 : vector<16xf32>
        %swap3A_444 = arith.index_cast %add3A_437 : i32 to index
        %swap3A_445 = arith.constant 0 : index
        %swap3A_446 = tpu.vector_load %arg10[%swap3A_444, %swap3A_445] {strides = array<i32>} : memref<128x128xf32, #tpu.memory_space<vmem>>, vector<1x16xf32>,
        %swap3A_447 = vector.shape_cast %swap3A_446 : vector<1x16xf32> to vector<16xf32>
        %swap3A_448 = vector.shape_cast %mul3A_443 : vector<16xf32> to vector<1x16xf32>
        tpu.vector_store %arg10[%swap3A_444, %swap3A_445], %swap3A_448 {strides = array<i32>} : memref<128x128xf32, #tpu.memory_space<vmem>>, vector<1x16xf32>,
        %get3A_449 = arith.index_cast %add3A_437 : i32 to index
        %get3A_450 = arith.constant 16 : index
        %get3A_451 = tpu.vector_load %arg10[%get3A_449, %get3A_450] {strides = array<i32>} : memref<128x128xf32, #tpu.memory_space<vmem>>, vector<1x16xf32>,
        %get3A_452 = vector.shape_cast %get3A_451 : vector<1x16xf32> to vector<16xf32>
        %mul3A_453 = vector.broadcast %squeeze3A_433 : f32 to vector<16xf32>
        %mul3A_454 = arith.mulf %get3A_452, %mul3A_453 : vector<16xf32>
        %swap3A_455 = arith.index_cast %add3A_437 : i32 to index
        %swap3A_456 = arith.constant 16 : index
        %swap3A_457 = tpu.vector_load %arg10[%swap3A_455, %swap3A_456] {strides = array<i32>} : memref<128x128xf32, #tpu.memory_space<vmem>>, vector<1x16xf32>,
        %swap3A_458 = vector.shape_cast %swap3A_457 : vector<1x16xf32> to vector<16xf32>
        %swap3A_459 = vector.shape_cast %mul3A_454 : vector<16xf32> to vector<1x16xf32>
        tpu.vector_store %arg10[%swap3A_455, %swap3A_456], %swap3A_459 {strides = array<i32>} : memref<128x128xf32, #tpu.memory_space<vmem>>, vector<1x16xf32>,
        %get3A_460 = arith.index_cast %add3A_437 : i32 to index
        %get3A_461 = arith.constant 32 : index
        %get3A_462 = tpu.vector_load %arg10[%get3A_460, %get3A_461] {strides = array<i32>} : memref<128x128xf32, #tpu.memory_space<vmem>>, vector<1x16xf32>,
        %get3A_463 = vector.shape_cast %get3A_462 : vector<1x16xf32> to vector<16xf32>
        %mul3A_464 = vector.broadcast %squeeze3A_433 : f32 to vector<16xf32>
        %mul3A_465 = arith.mulf %get3A_463, %mul3A_464 : vector<16xf32>
        %swap3A_466 = arith.index_cast %add3A_437 : i32 to index
        %swap3A_467 = arith.constant 32 : index
        %swap3A_468 = tpu.vector_load %arg10[%swap3A_466, %swap3A_467] {strides = array<i32>} : memref<128x128xf32, #tpu.memory_space<vmem>>, vector<1x16xf32>,
        %swap3A_469 = vector.shape_cast %swap3A_468 : vector<1x16xf32> to vector<16xf32>
        %swap3A_470 = vector.shape_cast %mul3A_465 : vector<16xf32> to vector<1x16xf32>
        tpu.vector_store %arg10[%swap3A_466, %swap3A_467], %swap3A_470 {strides = array<i32>} : memref<128x128xf32, #tpu.memory_space<vmem>>, vector<1x16xf32>,
        %get3A_471 = arith.index_cast %add3A_437 : i32 to index
        %get3A_472 = arith.constant 48 : index
        %get3A_473 = tpu.vector_load %arg10[%get3A_471, %get3A_472] {strides = array<i32>} : memref<128x128xf32, #tpu.memory_space<vmem>>, vector<1x16xf32>,
        %get3A_474 = vector.shape_cast %get3A_473 : vector<1x16xf32> to vector<16xf32>
        %mul3A_475 = vector.broadcast %squeeze3A_433 : f32 to vector<16xf32>
        %mul3A_476 = arith.mulf %get3A_474, %mul3A_475 : vector<16xf32>
        %swap3A_477 = arith.index_cast %add3A_437 : i32 to index
        %swap3A_478 = arith.constant 48 : index
        %swap3A_479 = tpu.vector_load %arg10[%swap3A_477, %swap3A_478] {strides = array<i32>} : memref<128x128xf32, #tpu.memory_space<vmem>>, vector<1x16xf32>,
        %swap3A_480 = vector.shape_cast %swap3A_479 : vector<1x16xf32> to vector<16xf32>
        %swap3A_481 = vector.shape_cast %mul3A_476 : vector<16xf32> to vector<1x16xf32>
        tpu.vector_store %arg10[%swap3A_477, %swap3A_478], %swap3A_481 {strides = array<i32>} : memref<128x128xf32, #tpu.memory_space<vmem>>, vector<1x16xf32>,
        %get3A_482 = arith.index_cast %add3A_437 : i32 to index
        %get3A_483 = arith.constant 64 : index
        %get3A_484 = tpu.vector_load %arg10[%get3A_482, %get3A_483] {strides = array<i32>} : memref<128x128xf32, #tpu.memory_space<vmem>>, vector<1x16xf32>,
        %get3A_485 = vector.shape_cast %get3A_484 : vector<1x16xf32> to vector<16xf32>
        %mul3A_486 = vector.broadcast %squeeze3A_433 : f32 to vector<16xf32>
        %mul3A_487 = arith.mulf %get3A_485, %mul3A_486 : vector<16xf32>
        %swap3A_488 = arith.index_cast %add3A_437 : i32 to index
        %swap3A_489 = arith.constant 64 : index
        %swap3A_490 = tpu.vector_load %arg10[%swap3A_488, %swap3A_489] {strides = array<i32>} : memref<128x128xf32, #tpu.memory_space<vmem>>, vector<1x16xf32>,
        %swap3A_491 = vector.shape_cast %swap3A_490 : vector<1x16xf32> to vector<16xf32>
        %swap3A_492 = vector.shape_cast %mul3A_487 : vector<16xf32> to vector<1x16xf32>
        tpu.vector_store %arg10[%swap3A_488, %swap3A_489], %swap3A_492 {strides = array<i32>} : memref<128x128xf32, #tpu.memory_space<vmem>>, vector<1x16xf32>,
        %get3A_493 = arith.index_cast %add3A_437 : i32 to index
        %get3A_494 = arith.constant 80 : index
        %get3A_495 = tpu.vector_load %arg10[%get3A_493, %get3A_494] {strides = array<i32>} : memref<128x128xf32, #tpu.memory_space<vmem>>, vector<1x16xf32>,
        %get3A_496 = vector.shape_cast %get3A_495 : vector<1x16xf32> to vector<16xf32>
        %mul3A_497 = vector.broadcast %squeeze3A_433 : f32 to vector<16xf32>
        %mul3A_498 = arith.mulf %get3A_496, %mul3A_497 : vector<16xf32>
        %swap3A_499 = arith.index_cast %add3A_437 : i32 to index
        %swap3A_500 = arith.constant 80 : index
        %swap3A_501 = tpu.vector_load %arg10[%swap3A_499, %swap3A_500] {strides = array<i32>} : memref<128x128xf32, #tpu.memory_space<vmem>>, vector<1x16xf32>,
        %swap3A_502 = vector.shape_cast %swap3A_501 : vector<1x16xf32> to vector<16xf32>
        %swap3A_503 = vector.shape_cast %mul3A_498 : vector<16xf32> to vector<1x16xf32>
        tpu.vector_store %arg10[%swap3A_499, %swap3A_500], %swap3A_503 {strides = array<i32>} : memref<128x128xf32, #tpu.memory_space<vmem>>, vector<1x16xf32>,
        %get3A_504 = arith.index_cast %add3A_437 : i32 to index
        %get3A_505 = arith.constant 96 : index
        %get3A_506 = tpu.vector_load %arg10[%get3A_504, %get3A_505] {strides = array<i32>} : memref<128x128xf32, #tpu.memory_space<vmem>>, vector<1x16xf32>,
        %get3A_507 = vector.shape_cast %get3A_506 : vector<1x16xf32> to vector<16xf32>
        %mul3A_508 = vector.broadcast %squeeze3A_433 : f32 to vector<16xf32>
        %mul3A_509 = arith.mulf %get3A_507, %mul3A_508 : vector<16xf32>
        %swap3A_510 = arith.index_cast %add3A_437 : i32 to index
        %swap3A_511 = arith.constant 96 : index
        %swap3A_512 = tpu.vector_load %arg10[%swap3A_510, %swap3A_511] {strides = array<i32>} : memref<128x128xf32, #tpu.memory_space<vmem>>, vector<1x16xf32>,
        %swap3A_513 = vector.shape_cast %swap3A_512 : vector<1x16xf32> to vector<16xf32>
        %swap3A_514 = vector.shape_cast %mul3A_509 : vector<16xf32> to vector<1x16xf32>
        tpu.vector_store %arg10[%swap3A_510, %swap3A_511], %swap3A_514 {strides = array<i32>} : memref<128x128xf32, #tpu.memory_space<vmem>>, vector<1x16xf32>,
        %get3A_515 = arith.index_cast %add3A_437 : i32 to index
        %get3A_516 = arith.constant 112 : index
        %get3A_517 = tpu.vector_load %arg10[%get3A_515, %get3A_516] {strides = array<i32>} : memref<128x128xf32, #tpu.memory_space<vmem>>, vector<1x16xf32>,
        %get3A_518 = vector.shape_cast %get3A_517 : vector<1x16xf32> to vector<16xf32>
        %mul3A_519 = vector.broadcast %squeeze3A_433 : f32 to vector<16xf32>
        %mul3A_520 = arith.mulf %get3A_518, %mul3A_519 : vector<16xf32>
        %swap3A_521 = arith.index_cast %add3A_437 : i32 to index
        %swap3A_522 = arith.constant 112 : index
        %swap3A_523 = tpu.vector_load %arg10[%swap3A_521, %swap3A_522] {strides = array<i32>} : memref<128x128xf32, #tpu.memory_space<vmem>>, vector<1x16xf32>,
        %swap3A_524 = vector.shape_cast %swap3A_523 : vector<1x16xf32> to vector<16xf32>
        %swap3A_525 = vector.shape_cast %mul3A_520 : vector<16xf32> to vector<1x16xf32>
        tpu.vector_store %arg10[%swap3A_521, %swap3A_522], %swap3A_525 {strides = array<i32>} : memref<128x128xf32, #tpu.memory_space<vmem>>, vector<1x16xf32>,
        %slice3A_526 = vector.extract_strided_slice %get3A_58 {offsets = [5], sizes = [1], strides = [1]} : vector<16xf32> to vector<1xf32>
        %squeeze3A_527 = vector.extract %slice3A_526[0] : f32 from vector<1xf32>
        %mul3A_528 = arith.constant 16 : i32
        %mul3A_529 = arith.muli %add3A_53, %mul3A_528 : i32
        %add3A_530 = arith.constant 5 : i32
        %add3A_531 = arith.addi %mul3A_529, %add3A_530 : i32
        %get3A_532 = arith.index_cast %add3A_531 : i32 to index
        %get3A_533 = arith.constant 0 : index
        %get3A_534 = tpu.vector_load %arg10[%get3A_532, %get3A_533] {strides = array<i32>} : memref<128x128xf32, #tpu.memory_space<vmem>>, vector<1x16xf32>,
        %get3A_535 = vector.shape_cast %get3A_534 : vector<1x16xf32> to vector<16xf32>
        %mul3A_536 = vector.broadcast %squeeze3A_527 : f32 to vector<16xf32>
        %mul3A_537 = arith.mulf %get3A_535, %mul3A_536 : vector<16xf32>
        %swap3A_538 = arith.index_cast %add3A_531 : i32 to index
        %swap3A_539 = arith.constant 0 : index
        %swap3A_540 = tpu.vector_load %arg10[%swap3A_538, %swap3A_539] {strides = array<i32>} : memref<128x128xf32, #tpu.memory_space<vmem>>, vector<1x16xf32>,
        %swap3A_541 = vector.shape_cast %swap3A_540 : vector<1x16xf32> to vector<16xf32>
        %swap3A_542 = vector.shape_cast %mul3A_537 : vector<16xf32> to vector<1x16xf32>
        tpu.vector_store %arg10[%swap3A_538, %swap3A_539], %swap3A_542 {strides = array<i32>} : memref<128x128xf32, #tpu.memory_space<vmem>>, vector<1x16xf32>,
        %get3A_543 = arith.index_cast %add3A_531 : i32 to index
        %get3A_544 = arith.constant 16 : index
        %get3A_545 = tpu.vector_load %arg10[%get3A_543, %get3A_544] {strides = array<i32>} : memref<128x128xf32, #tpu.memory_space<vmem>>, vector<1x16xf32>,
        %get3A_546 = vector.shape_cast %get3A_545 : vector<1x16xf32> to vector<16xf32>
        %mul3A_547 = vector.broadcast %squeeze3A_527 : f32 to vector<16xf32>
        %mul3A_548 = arith.mulf %get3A_546, %mul3A_547 : vector<16xf32>
        %swap3A_549 = arith.index_cast %add3A_531 : i32 to index
        %swap3A_550 = arith.constant 16 : index
        %swap3A_551 = tpu.vector_load %arg10[%swap3A_549, %swap3A_550] {strides = array<i32>} : memref<128x128xf32, #tpu.memory_space<vmem>>, vector<1x16xf32>,
        %swap3A_552 = vector.shape_cast %swap3A_551 : vector<1x16xf32> to vector<16xf32>
        %swap3A_553 = vector.shape_cast %mul3A_548 : vector<16xf32> to vector<1x16xf32>
        tpu.vector_store %arg10[%swap3A_549, %swap3A_550], %swap3A_553 {strides = array<i32>} : memref<128x128xf32, #tpu.memory_space<vmem>>, vector<1x16xf32>,
        %get3A_554 = arith.index_cast %add3A_531 : i32 to index
        %get3A_555 = arith.constant 32 : index
        %get3A_556 = tpu.vector_load %arg10[%get3A_554, %get3A_555] {strides = array<i32>} : memref<128x128xf32, #tpu.memory_space<vmem>>, vector<1x16xf32>,
        %get3A_557 = vector.shape_cast %get3A_556 : vector<1x16xf32> to vector<16xf32>
        %mul3A_558 = vector.broadcast %squeeze3A_527 : f32 to vector<16xf32>
        %mul3A_559 = arith.mulf %get3A_557, %mul3A_558 : vector<16xf32>
        %swap3A_560 = arith.index_cast %add3A_531 : i32 to index
        %swap3A_561 = arith.constant 32 : index
        %swap3A_562 = tpu.vector_load %arg10[%swap3A_560, %swap3A_561] {strides = array<i32>} : memref<128x128xf32, #tpu.memory_space<vmem>>, vector<1x16xf32>,
        %swap3A_563 = vector.shape_cast %swap3A_562 : vector<1x16xf32> to vector<16xf32>
        %swap3A_564 = vector.shape_cast %mul3A_559 : vector<16xf32> to vector<1x16xf32>
        tpu.vector_store %arg10[%swap3A_560, %swap3A_561], %swap3A_564 {strides = array<i32>} : memref<128x128xf32, #tpu.memory_space<vmem>>, vector<1x16xf32>,
        %get3A_565 = arith.index_cast %add3A_531 : i32 to index
        %get3A_566 = arith.constant 48 : index
        %get3A_567 = tpu.vector_load %arg10[%get3A_565, %get3A_566] {strides = array<i32>} : memref<128x128xf32, #tpu.memory_space<vmem>>, vector<1x16xf32>,
        %get3A_568 = vector.shape_cast %get3A_567 : vector<1x16xf32> to vector<16xf32>
        %mul3A_569 = vector.broadcast %squeeze3A_527 : f32 to vector<16xf32>
        %mul3A_570 = arith.mulf %get3A_568, %mul3A_569 : vector<16xf32>
        %swap3A_571 = arith.index_cast %add3A_531 : i32 to index
        %swap3A_572 = arith.constant 48 : index
        %swap3A_573 = tpu.vector_load %arg10[%swap3A_571, %swap3A_572] {strides = array<i32>} : memref<128x128xf32, #tpu.memory_space<vmem>>, vector<1x16xf32>,
        %swap3A_574 = vector.shape_cast %swap3A_573 : vector<1x16xf32> to vector<16xf32>
        %swap3A_575 = vector.shape_cast %mul3A_570 : vector<16xf32> to vector<1x16xf32>
        tpu.vector_store %arg10[%swap3A_571, %swap3A_572], %swap3A_575 {strides = array<i32>} : memref<128x128xf32, #tpu.memory_space<vmem>>, vector<1x16xf32>,
        %get3A_576 = arith.index_cast %add3A_531 : i32 to index
        %get3A_577 = arith.constant 64 : index
        %get3A_578 = tpu.vector_load %arg10[%get3A_576, %get3A_577] {strides = array<i32>} : memref<128x128xf32, #tpu.memory_space<vmem>>, vector<1x16xf32>,
        %get3A_579 = vector.shape_cast %get3A_578 : vector<1x16xf32> to vector<16xf32>
        %mul3A_580 = vector.broadcast %squeeze3A_527 : f32 to vector<16xf32>
        %mul3A_581 = arith.mulf %get3A_579, %mul3A_580 : vector<16xf32>
        %swap3A_582 = arith.index_cast %add3A_531 : i32 to index
        %swap3A_583 = arith.constant 64 : index
        %swap3A_584 = tpu.vector_load %arg10[%swap3A_582, %swap3A_583] {strides = array<i32>} : memref<128x128xf32, #tpu.memory_space<vmem>>, vector<1x16xf32>,
        %swap3A_585 = vector.shape_cast %swap3A_584 : vector<1x16xf32> to vector<16xf32>
        %swap3A_586 = vector.shape_cast %mul3A_581 : vector<16xf32> to vector<1x16xf32>
        tpu.vector_store %arg10[%swap3A_582, %swap3A_583], %swap3A_586 {strides = array<i32>} : memref<128x128xf32, #tpu.memory_space<vmem>>, vector<1x16xf32>,
        %get3A_587 = arith.index_cast %add3A_531 : i32 to index
        %get3A_588 = arith.constant 80 : index
        %get3A_589 = tpu.vector_load %arg10[%get3A_587, %get3A_588] {strides = array<i32>} : memref<128x128xf32, #tpu.memory_space<vmem>>, vector<1x16xf32>,
        %get3A_590 = vector.shape_cast %get3A_589 : vector<1x16xf32> to vector<16xf32>
        %mul3A_591 = vector.broadcast %squeeze3A_527 : f32 to vector<16xf32>
        %mul3A_592 = arith.mulf %get3A_590, %mul3A_591 : vector<16xf32>
        %swap3A_593 = arith.index_cast %add3A_531 : i32 to index
        %swap3A_594 = arith.constant 80 : index
        %swap3A_595 = tpu.vector_load %arg10[%swap3A_593, %swap3A_594] {strides = array<i32>} : memref<128x128xf32, #tpu.memory_space<vmem>>, vector<1x16xf32>,
        %swap3A_596 = vector.shape_cast %swap3A_595 : vector<1x16xf32> to vector<16xf32>
        %swap3A_597 = vector.shape_cast %mul3A_592 : vector<16xf32> to vector<1x16xf32>
        tpu.vector_store %arg10[%swap3A_593, %swap3A_594], %swap3A_597 {strides = array<i32>} : memref<128x128xf32, #tpu.memory_space<vmem>>, vector<1x16xf32>,
        %get3A_598 = arith.index_cast %add3A_531 : i32 to index
        %get3A_599 = arith.constant 96 : index
        %get3A_600 = tpu.vector_load %arg10[%get3A_598, %get3A_599] {strides = array<i32>} : memref<128x128xf32, #tpu.memory_space<vmem>>, vector<1x16xf32>,
        %get3A_601 = vector.shape_cast %get3A_600 : vector<1x16xf32> to vector<16xf32>
        %mul3A_602 = vector.broadcast %squeeze3A_527 : f32 to vector<16xf32>
        %mul3A_603 = arith.mulf %get3A_601, %mul3A_602 : vector<16xf32>
        %swap3A_604 = arith.index_cast %add3A_531 : i32 to index
        %swap3A_605 = arith.constant 96 : index
        %swap3A_606 = tpu.vector_load %arg10[%swap3A_604, %swap3A_605] {strides = array<i32>} : memref<128x128xf32, #tpu.memory_space<vmem>>, vector<1x16xf32>,
        %swap3A_607 = vector.shape_cast %swap3A_606 : vector<1x16xf32> to vector<16xf32>
        %swap3A_608 = vector.shape_cast %mul3A_603 : vector<16xf32> to vector<1x16xf32>
        tpu.vector_store %arg10[%swap3A_604, %swap3A_605], %swap3A_608 {strides = array<i32>} : memref<128x128xf32, #tpu.memory_space<vmem>>, vector<1x16xf32>,
        %get3A_609 = arith.index_cast %add3A_531 : i32 to index
        %get3A_610 = arith.constant 112 : index
        %get3A_611 = tpu.vector_load %arg10[%get3A_609, %get3A_610] {strides = array<i32>} : memref<128x128xf32, #tpu.memory_space<vmem>>, vector<1x16xf32>,
        %get3A_612 = vector.shape_cast %get3A_611 : vector<1x16xf32> to vector<16xf32>
        %mul3A_613 = vector.broadcast %squeeze3A_527 : f32 to vector<16xf32>
        %mul3A_614 = arith.mulf %get3A_612, %mul3A_613 : vector<16xf32>
        %swap3A_615 = arith.index_cast %add3A_531 : i32 to index
        %swap3A_616 = arith.constant 112 : index
        %swap3A_617 = tpu.vector_load %arg10[%swap3A_615, %swap3A_616] {strides = array<i32>} : memref<128x128xf32, #tpu.memory_space<vmem>>, vector<1x16xf32>,
        %swap3A_618 = vector.shape_cast %swap3A_617 : vector<1x16xf32> to vector<16xf32>
        %swap3A_619 = vector.shape_cast %mul3A_614 : vector<16xf32> to vector<1x16xf32>
        tpu.vector_store %arg10[%swap3A_615, %swap3A_616], %swap3A_619 {strides = array<i32>} : memref<128x128xf32, #tpu.memory_space<vmem>>, vector<1x16xf32>,
        %slice3A_620 = vector.extract_strided_slice %get3A_58 {offsets = [6], sizes = [1], strides = [1]} : vector<16xf32> to vector<1xf32>
        %squeeze3A_621 = vector.extract %slice3A_620[0] : f32 from vector<1xf32>
        %mul3A_622 = arith.constant 16 : i32
        %mul3A_623 = arith.muli %add3A_53, %mul3A_622 : i32
        %add3A_624 = arith.constant 6 : i32
        %add3A_625 = arith.addi %mul3A_623, %add3A_624 : i32
        %get3A_626 = arith.index_cast %add3A_625 : i32 to index
        %get3A_627 = arith.constant 0 : index
        %get3A_628 = tpu.vector_load %arg10[%get3A_626, %get3A_627] {strides = array<i32>} : memref<128x128xf32, #tpu.memory_space<vmem>>, vector<1x16xf32>,
        %get3A_629 = vector.shape_cast %get3A_628 : vector<1x16xf32> to vector<16xf32>
        %mul3A_630 = vector.broadcast %squeeze3A_621 : f32 to vector<16xf32>
        %mul3A_631 = arith.mulf %get3A_629, %mul3A_630 : vector<16xf32>
        %swap3A_632 = arith.index_cast %add3A_625 : i32 to index
        %swap3A_633 = arith.constant 0 : index
        %swap3A_634 = tpu.vector_load %arg10[%swap3A_632, %swap3A_633] {strides = array<i32>} : memref<128x128xf32, #tpu.memory_space<vmem>>, vector<1x16xf32>,
        %swap3A_635 = vector.shape_cast %swap3A_634 : vector<1x16xf32> to vector<16xf32>
        %swap3A_636 = vector.shape_cast %mul3A_631 : vector<16xf32> to vector<1x16xf32>
        tpu.vector_store %arg10[%swap3A_632, %swap3A_633], %swap3A_636 {strides = array<i32>} : memref<128x128xf32, #tpu.memory_space<vmem>>, vector<1x16xf32>,
        %get3A_637 = arith.index_cast %add3A_625 : i32 to index
        %get3A_638 = arith.constant 16 : index
        %get3A_639 = tpu.vector_load %arg10[%get3A_637, %get3A_638] {strides = array<i32>} : memref<128x128xf32, #tpu.memory_space<vmem>>, vector<1x16xf32>,
        %get3A_640 = vector.shape_cast %get3A_639 : vector<1x16xf32> to vector<16xf32>
        %mul3A_641 = vector.broadcast %squeeze3A_621 : f32 to vector<16xf32>
        %mul3A_642 = arith.mulf %get3A_640, %mul3A_641 : vector<16xf32>
        %swap3A_643 = arith.index_cast %add3A_625 : i32 to index
        %swap3A_644 = arith.constant 16 : index
        %swap3A_645 = tpu.vector_load %arg10[%swap3A_643, %swap3A_644] {strides = array<i32>} : memref<128x128xf32, #tpu.memory_space<vmem>>, vector<1x16xf32>,
        %swap3A_646 = vector.shape_cast %swap3A_645 : vector<1x16xf32> to vector<16xf32>
        %swap3A_647 = vector.shape_cast %mul3A_642 : vector<16xf32> to vector<1x16xf32>
        tpu.vector_store %arg10[%swap3A_643, %swap3A_644], %swap3A_647 {strides = array<i32>} : memref<128x128xf32, #tpu.memory_space<vmem>>, vector<1x16xf32>,
        %get3A_648 = arith.index_cast %add3A_625 : i32 to index
        %get3A_649 = arith.constant 32 : index
        %get3A_650 = tpu.vector_load %arg10[%get3A_648, %get3A_649] {strides = array<i32>} : memref<128x128xf32, #tpu.memory_space<vmem>>, vector<1x16xf32>,
        %get3A_651 = vector.shape_cast %get3A_650 : vector<1x16xf32> to vector<16xf32>
        %mul3A_652 = vector.broadcast %squeeze3A_621 : f32 to vector<16xf32>
        %mul3A_653 = arith.mulf %get3A_651, %mul3A_652 : vector<16xf32>
        %swap3A_654 = arith.index_cast %add3A_625 : i32 to index
        %swap3A_655 = arith.constant 32 : index
        %swap3A_656 = tpu.vector_load %arg10[%swap3A_654, %swap3A_655] {strides = array<i32>} : memref<128x128xf32, #tpu.memory_space<vmem>>, vector<1x16xf32>,
        %swap3A_657 = vector.shape_cast %swap3A_656 : vector<1x16xf32> to vector<16xf32>
        %swap3A_658 = vector.shape_cast %mul3A_653 : vector<16xf32> to vector<1x16xf32>
        tpu.vector_store %arg10[%swap3A_654, %swap3A_655], %swap3A_658 {strides = array<i32>} : memref<128x128xf32, #tpu.memory_space<vmem>>, vector<1x16xf32>,
        %get3A_659 = arith.index_cast %add3A_625 : i32 to index
        %get3A_660 = arith.constant 48 : index
        %get3A_661 = tpu.vector_load %arg10[%get3A_659, %get3A_660] {strides = array<i32>} : memref<128x128xf32, #tpu.memory_space<vmem>>, vector<1x16xf32>,
        %get3A_662 = vector.shape_cast %get3A_661 : vector<1x16xf32> to vector<16xf32>
        %mul3A_663 = vector.broadcast %squeeze3A_621 : f32 to vector<16xf32>
        %mul3A_664 = arith.mulf %get3A_662, %mul3A_663 : vector<16xf32>
        %swap3A_665 = arith.index_cast %add3A_625 : i32 to index
        %swap3A_666 = arith.constant 48 : index
        %swap3A_667 = tpu.vector_load %arg10[%swap3A_665, %swap3A_666] {strides = array<i32>} : memref<128x128xf32, #tpu.memory_space<vmem>>, vector<1x16xf32>,
        %swap3A_668 = vector.shape_cast %swap3A_667 : vector<1x16xf32> to vector<16xf32>
        %swap3A_669 = vector.shape_cast %mul3A_664 : vector<16xf32> to vector<1x16xf32>
        tpu.vector_store %arg10[%swap3A_665, %swap3A_666], %swap3A_669 {strides = array<i32>} : memref<128x128xf32, #tpu.memory_space<vmem>>, vector<1x16xf32>,
        %get3A_670 = arith.index_cast %add3A_625 : i32 to index
        %get3A_671 = arith.constant 64 : index
        %get3A_672 = tpu.vector_load %arg10[%get3A_670, %get3A_671] {strides = array<i32>} : memref<128x128xf32, #tpu.memory_space<vmem>>, vector<1x16xf32>,
        %get3A_673 = vector.shape_cast %get3A_672 : vector<1x16xf32> to vector<16xf32>
        %mul3A_674 = vector.broadcast %squeeze3A_621 : f32 to vector<16xf32>
        %mul3A_675 = arith.mulf %get3A_673, %mul3A_674 : vector<16xf32>
        %swap3A_676 = arith.index_cast %add3A_625 : i32 to index
        %swap3A_677 = arith.constant 64 : index
        %swap3A_678 = tpu.vector_load %arg10[%swap3A_676, %swap3A_677] {strides = array<i32>} : memref<128x128xf32, #tpu.memory_space<vmem>>, vector<1x16xf32>,
        %swap3A_679 = vector.shape_cast %swap3A_678 : vector<1x16xf32> to vector<16xf32>
        %swap3A_680 = vector.shape_cast %mul3A_675 : vector<16xf32> to vector<1x16xf32>
        tpu.vector_store %arg10[%swap3A_676, %swap3A_677], %swap3A_680 {strides = array<i32>} : memref<128x128xf32, #tpu.memory_space<vmem>>, vector<1x16xf32>,
        %get3A_681 = arith.index_cast %add3A_625 : i32 to index
        %get3A_682 = arith.constant 80 : index
        %get3A_683 = tpu.vector_load %arg10[%get3A_681, %get3A_682] {strides = array<i32>} : memref<128x128xf32, #tpu.memory_space<vmem>>, vector<1x16xf32>,
        %get3A_684 = vector.shape_cast %get3A_683 : vector<1x16xf32> to vector<16xf32>
        %mul3A_685 = vector.broadcast %squeeze3A_621 : f32 to vector<16xf32>
        %mul3A_686 = arith.mulf %get3A_684, %mul3A_685 : vector<16xf32>
        %swap3A_687 = arith.index_cast %add3A_625 : i32 to index
        %swap3A_688 = arith.constant 80 : index
        %swap3A_689 = tpu.vector_load %arg10[%swap3A_687, %swap3A_688] {strides = array<i32>} : memref<128x128xf32, #tpu.memory_space<vmem>>, vector<1x16xf32>,
        %swap3A_690 = vector.shape_cast %swap3A_689 : vector<1x16xf32> to vector<16xf32>
        %swap3A_691 = vector.shape_cast %mul3A_686 : vector<16xf32> to vector<1x16xf32>
        tpu.vector_store %arg10[%swap3A_687, %swap3A_688], %swap3A_691 {strides = array<i32>} : memref<128x128xf32, #tpu.memory_space<vmem>>, vector<1x16xf32>,
        %get3A_692 = arith.index_cast %add3A_625 : i32 to index
        %get3A_693 = arith.constant 96 : index
        %get3A_694 = tpu.vector_load %arg10[%get3A_692, %get3A_693] {strides = array<i32>} : memref<128x128xf32, #tpu.memory_space<vmem>>, vector<1x16xf32>,
        %get3A_695 = vector.shape_cast %get3A_694 : vector<1x16xf32> to vector<16xf32>
        %mul3A_696 = vector.broadcast %squeeze3A_621 : f32 to vector<16xf32>
        %mul3A_697 = arith.mulf %get3A_695, %mul3A_696 : vector<16xf32>
        %swap3A_698 = arith.index_cast %add3A_625 : i32 to index
        %swap3A_699 = arith.constant 96 : index
        %swap3A_700 = tpu.vector_load %arg10[%swap3A_698, %swap3A_699] {strides = array<i32>} : memref<128x128xf32, #tpu.memory_space<vmem>>, vector<1x16xf32>,
        %swap3A_701 = vector.shape_cast %swap3A_700 : vector<1x16xf32> to vector<16xf32>
        %swap3A_702 = vector.shape_cast %mul3A_697 : vector<16xf32> to vector<1x16xf32>
        tpu.vector_store %arg10[%swap3A_698, %swap3A_699], %swap3A_702 {strides = array<i32>} : memref<128x128xf32, #tpu.memory_space<vmem>>, vector<1x16xf32>,
        %get3A_703 = arith.index_cast %add3A_625 : i32 to index
        %get3A_704 = arith.constant 112 : index
        %get3A_705 = tpu.vector_load %arg10[%get3A_703, %get3A_704] {strides = array<i32>} : memref<128x128xf32, #tpu.memory_space<vmem>>, vector<1x16xf32>,
        %get3A_706 = vector.shape_cast %get3A_705 : vector<1x16xf32> to vector<16xf32>
        %mul3A_707 = vector.broadcast %squeeze3A_621 : f32 to vector<16xf32>
        %mul3A_708 = arith.mulf %get3A_706, %mul3A_707 : vector<16xf32>
        %swap3A_709 = arith.index_cast %add3A_625 : i32 to index
        %swap3A_710 = arith.constant 112 : index
        %swap3A_711 = tpu.vector_load %arg10[%swap3A_709, %swap3A_710] {strides = array<i32>} : memref<128x128xf32, #tpu.memory_space<vmem>>, vector<1x16xf32>,
        %swap3A_712 = vector.shape_cast %swap3A_711 : vector<1x16xf32> to vector<16xf32>
        %swap3A_713 = vector.shape_cast %mul3A_708 : vector<16xf32> to vector<1x16xf32>
        tpu.vector_store %arg10[%swap3A_709, %swap3A_710], %swap3A_713 {strides = array<i32>} : memref<128x128xf32, #tpu.memory_space<vmem>>, vector<1x16xf32>,
        %slice3A_714 = vector.extract_strided_slice %get3A_58 {offsets = [7], sizes = [1], strides = [1]} : vector<16xf32> to vector<1xf32>
        %squeeze3A_715 = vector.extract %slice3A_714[0] : f32 from vector<1xf32>
        %mul3A_716 = arith.constant 16 : i32
        %mul3A_717 = arith.muli %add3A_53, %mul3A_716 : i32
        %add3A_718 = arith.constant 7 : i32
        %add3A_719 = arith.addi %mul3A_717, %add3A_718 : i32
        %get3A_720 = arith.index_cast %add3A_719 : i32 to index
        %get3A_721 = arith.constant 0 : index
        %get3A_722 = tpu.vector_load %arg10[%get3A_720, %get3A_721] {strides = array<i32>} : memref<128x128xf32, #tpu.memory_space<vmem>>, vector<1x16xf32>,
        %get3A_723 = vector.shape_cast %get3A_722 : vector<1x16xf32> to vector<16xf32>
        %mul3A_724 = vector.broadcast %squeeze3A_715 : f32 to vector<16xf32>
        %mul3A_725 = arith.mulf %get3A_723, %mul3A_724 : vector<16xf32>
        %swap3A_726 = arith.index_cast %add3A_719 : i32 to index
        %swap3A_727 = arith.constant 0 : index
        %swap3A_728 = tpu.vector_load %arg10[%swap3A_726, %swap3A_727] {strides = array<i32>} : memref<128x128xf32, #tpu.memory_space<vmem>>, vector<1x16xf32>,
        %swap3A_729 = vector.shape_cast %swap3A_728 : vector<1x16xf32> to vector<16xf32>
        %swap3A_730 = vector.shape_cast %mul3A_725 : vector<16xf32> to vector<1x16xf32>
        tpu.vector_store %arg10[%swap3A_726, %swap3A_727], %swap3A_730 {strides = array<i32>} : memref<128x128xf32, #tpu.memory_space<vmem>>, vector<1x16xf32>,
        %get3A_731 = arith.index_cast %add3A_719 : i32 to index
        %get3A_732 = arith.constant 16 : index
        %get3A_733 = tpu.vector_load %arg10[%get3A_731, %get3A_732] {strides = array<i32>} : memref<128x128xf32, #tpu.memory_space<vmem>>, vector<1x16xf32>,
        %get3A_734 = vector.shape_cast %get3A_733 : vector<1x16xf32> to vector<16xf32>
        %mul3A_735 = vector.broadcast %squeeze3A_715 : f32 to vector<16xf32>
        %mul3A_736 = arith.mulf %get3A_734, %mul3A_735 : vector<16xf32>
        %swap3A_737 = arith.index_cast %add3A_719 : i32 to index
        %swap3A_738 = arith.constant 16 : index
        %swap3A_739 = tpu.vector_load %arg10[%swap3A_737, %swap3A_738] {strides = array<i32>} : memref<128x128xf32, #tpu.memory_space<vmem>>, vector<1x16xf32>,
        %swap3A_740 = vector.shape_cast %swap3A_739 : vector<1x16xf32> to vector<16xf32>
        %swap3A_741 = vector.shape_cast %mul3A_736 : vector<16xf32> to vector<1x16xf32>
        tpu.vector_store %arg10[%swap3A_737, %swap3A_738], %swap3A_741 {strides = array<i32>} : memref<128x128xf32, #tpu.memory_space<vmem>>, vector<1x16xf32>,
        %get3A_742 = arith.index_cast %add3A_719 : i32 to index
        %get3A_743 = arith.constant 32 : index
        %get3A_744 = tpu.vector_load %arg10[%get3A_742, %get3A_743] {strides = array<i32>} : memref<128x128xf32, #tpu.memory_space<vmem>>, vector<1x16xf32>,
        %get3A_745 = vector.shape_cast %get3A_744 : vector<1x16xf32> to vector<16xf32>
        %mul3A_746 = vector.broadcast %squeeze3A_715 : f32 to vector<16xf32>
        %mul3A_747 = arith.mulf %get3A_745, %mul3A_746 : vector<16xf32>
        %swap3A_748 = arith.index_cast %add3A_719 : i32 to index
        %swap3A_749 = arith.constant 32 : index
        %swap3A_750 = tpu.vector_load %arg10[%swap3A_748, %swap3A_749] {strides = array<i32>} : memref<128x128xf32, #tpu.memory_space<vmem>>, vector<1x16xf32>,
        %swap3A_751 = vector.shape_cast %swap3A_750 : vector<1x16xf32> to vector<16xf32>
        %swap3A_752 = vector.shape_cast %mul3A_747 : vector<16xf32> to vector<1x16xf32>
        tpu.vector_store %arg10[%swap3A_748, %swap3A_749], %swap3A_752 {strides = array<i32>} : memref<128x128xf32, #tpu.memory_space<vmem>>, vector<1x16xf32>,
        %get3A_753 = arith.index_cast %add3A_719 : i32 to index
        %get3A_754 = arith.constant 48 : index
        %get3A_755 = tpu.vector_load %arg10[%get3A_753, %get3A_754] {strides = array<i32>} : memref<128x128xf32, #tpu.memory_space<vmem>>, vector<1x16xf32>,
        %get3A_756 = vector.shape_cast %get3A_755 : vector<1x16xf32> to vector<16xf32>
        %mul3A_757 = vector.broadcast %squeeze3A_715 : f32 to vector<16xf32>
        %mul3A_758 = arith.mulf %get3A_756, %mul3A_757 : vector<16xf32>
        %swap3A_759 = arith.index_cast %add3A_719 : i32 to index
        %swap3A_760 = arith.constant 48 : index
        %swap3A_761 = tpu.vector_load %arg10[%swap3A_759, %swap3A_760] {strides = array<i32>} : memref<128x128xf32, #tpu.memory_space<vmem>>, vector<1x16xf32>,
        %swap3A_762 = vector.shape_cast %swap3A_761 : vector<1x16xf32> to vector<16xf32>
        %swap3A_763 = vector.shape_cast %mul3A_758 : vector<16xf32> to vector<1x16xf32>
        tpu.vector_store %arg10[%swap3A_759, %swap3A_760], %swap3A_763 {strides = array<i32>} : memref<128x128xf32, #tpu.memory_space<vmem>>, vector<1x16xf32>,
        %get3A_764 = arith.index_cast %add3A_719 : i32 to index
        %get3A_765 = arith.constant 64 : index
        %get3A_766 = tpu.vector_load %arg10[%get3A_764, %get3A_765] {strides = array<i32>} : memref<128x128xf32, #tpu.memory_space<vmem>>, vector<1x16xf32>,
        %get3A_767 = vector.shape_cast %get3A_766 : vector<1x16xf32> to vector<16xf32>
        %mul3A_768 = vector.broadcast %squeeze3A_715 : f32 to vector<16xf32>
        %mul3A_769 = arith.mulf %get3A_767, %mul3A_768 : vector<16xf32>
        %swap3A_770 = arith.index_cast %add3A_719 : i32 to index
        %swap3A_771 = arith.constant 64 : index
        %swap3A_772 = tpu.vector_load %arg10[%swap3A_770, %swap3A_771] {strides = array<i32>} : memref<128x128xf32, #tpu.memory_space<vmem>>, vector<1x16xf32>,
        %swap3A_773 = vector.shape_cast %swap3A_772 : vector<1x16xf32> to vector<16xf32>
        %swap3A_774 = vector.shape_cast %mul3A_769 : vector<16xf32> to vector<1x16xf32>
        tpu.vector_store %arg10[%swap3A_770, %swap3A_771], %swap3A_774 {strides = array<i32>} : memref<128x128xf32, #tpu.memory_space<vmem>>, vector<1x16xf32>,
        %get3A_775 = arith.index_cast %add3A_719 : i32 to index
        %get3A_776 = arith.constant 80 : index
        %get3A_777 = tpu.vector_load %arg10[%get3A_775, %get3A_776] {strides = array<i32>} : memref<128x128xf32, #tpu.memory_space<vmem>>, vector<1x16xf32>,
        %get3A_778 = vector.shape_cast %get3A_777 : vector<1x16xf32> to vector<16xf32>
        %mul3A_779 = vector.broadcast %squeeze3A_715 : f32 to vector<16xf32>
        %mul3A_780 = arith.mulf %get3A_778, %mul3A_779 : vector<16xf32>
        %swap3A_781 = arith.index_cast %add3A_719 : i32 to index
        %swap3A_782 = arith.constant 80 : index
        %swap3A_783 = tpu.vector_load %arg10[%swap3A_781, %swap3A_782] {strides = array<i32>} : memref<128x128xf32, #tpu.memory_space<vmem>>, vector<1x16xf32>,
        %swap3A_784 = vector.shape_cast %swap3A_783 : vector<1x16xf32> to vector<16xf32>
        %swap3A_785 = vector.shape_cast %mul3A_780 : vector<16xf32> to vector<1x16xf32>
        tpu.vector_store %arg10[%swap3A_781, %swap3A_782], %swap3A_785 {strides = array<i32>} : memref<128x128xf32, #tpu.memory_space<vmem>>, vector<1x16xf32>,
        %get3A_786 = arith.index_cast %add3A_719 : i32 to index
        %get3A_787 = arith.constant 96 : index
        %get3A_788 = tpu.vector_load %arg10[%get3A_786, %get3A_787] {strides = array<i32>} : memref<128x128xf32, #tpu.memory_space<vmem>>, vector<1x16xf32>,
        %get3A_789 = vector.shape_cast %get3A_788 : vector<1x16xf32> to vector<16xf32>
        %mul3A_790 = vector.broadcast %squeeze3A_715 : f32 to vector<16xf32>
        %mul3A_791 = arith.mulf %get3A_789, %mul3A_790 : vector<16xf32>
        %swap3A_792 = arith.index_cast %add3A_719 : i32 to index
        %swap3A_793 = arith.constant 96 : index
        %swap3A_794 = tpu.vector_load %arg10[%swap3A_792, %swap3A_793] {strides = array<i32>} : memref<128x128xf32, #tpu.memory_space<vmem>>, vector<1x16xf32>,
        %swap3A_795 = vector.shape_cast %swap3A_794 : vector<1x16xf32> to vector<16xf32>
        %swap3A_796 = vector.shape_cast %mul3A_791 : vector<16xf32> to vector<1x16xf32>
        tpu.vector_store %arg10[%swap3A_792, %swap3A_793], %swap3A_796 {strides = array<i32>} : memref<128x128xf32, #tpu.memory_space<vmem>>, vector<1x16xf32>,
        %get3A_797 = arith.index_cast %add3A_719 : i32 to index
        %get3A_798 = arith.constant 112 : index
        %get3A_799 = tpu.vector_load %arg10[%get3A_797, %get3A_798] {strides = array<i32>} : memref<128x128xf32, #tpu.memory_space<vmem>>, vector<1x16xf32>,
        %get3A_800 = vector.shape_cast %get3A_799 : vector<1x16xf32> to vector<16xf32>
        %mul3A_801 = vector.broadcast %squeeze3A_715 : f32 to vector<16xf32>
        %mul3A_802 = arith.mulf %get3A_800, %mul3A_801 : vector<16xf32>
        %swap3A_803 = arith.index_cast %add3A_719 : i32 to index
        %swap3A_804 = arith.constant 112 : index
        %swap3A_805 = tpu.vector_load %arg10[%swap3A_803, %swap3A_804] {strides = array<i32>} : memref<128x128xf32, #tpu.memory_space<vmem>>, vector<1x16xf32>,
        %swap3A_806 = vector.shape_cast %swap3A_805 : vector<1x16xf32> to vector<16xf32>
        %swap3A_807 = vector.shape_cast %mul3A_802 : vector<16xf32> to vector<1x16xf32>
        tpu.vector_store %arg10[%swap3A_803, %swap3A_804], %swap3A_807 {strides = array<i32>} : memref<128x128xf32, #tpu.memory_space<vmem>>, vector<1x16xf32>,
        %slice3A_808 = vector.extract_strided_slice %get3A_58 {offsets = [8], sizes = [1], strides = [1]} : vector<16xf32> to vector<1xf32>
        %squeeze3A_809 = vector.extract %slice3A_808[0] : f32 from vector<1xf32>
        %mul3A_810 = arith.constant 16 : i32
        %mul3A_811 = arith.muli %add3A_53, %mul3A_810 : i32
        %add3A_812 = arith.constant 8 : i32
        %add3A_813 = arith.addi %mul3A_811, %add3A_812 : i32
        %get3A_814 = arith.index_cast %add3A_813 : i32 to index
        %get3A_815 = arith.constant 0 : index
        %get3A_816 = tpu.vector_load %arg10[%get3A_814, %get3A_815] {strides = array<i32>} : memref<128x128xf32, #tpu.memory_space<vmem>>, vector<1x16xf32>,
        %get3A_817 = vector.shape_cast %get3A_816 : vector<1x16xf32> to vector<16xf32>
        %mul3A_818 = vector.broadcast %squeeze3A_809 : f32 to vector<16xf32>
        %mul3A_819 = arith.mulf %get3A_817, %mul3A_818 : vector<16xf32>
        %swap3A_820 = arith.index_cast %add3A_813 : i32 to index
        %swap3A_821 = arith.constant 0 : index
        %swap3A_822 = tpu.vector_load %arg10[%swap3A_820, %swap3A_821] {strides = array<i32>} : memref<128x128xf32, #tpu.memory_space<vmem>>, vector<1x16xf32>,
        %swap3A_823 = vector.shape_cast %swap3A_822 : vector<1x16xf32> to vector<16xf32>
        %swap3A_824 = vector.shape_cast %mul3A_819 : vector<16xf32> to vector<1x16xf32>
        tpu.vector_store %arg10[%swap3A_820, %swap3A_821], %swap3A_824 {strides = array<i32>} : memref<128x128xf32, #tpu.memory_space<vmem>>, vector<1x16xf32>,
        %get3A_825 = arith.index_cast %add3A_813 : i32 to index
        %get3A_826 = arith.constant 16 : index
        %get3A_827 = tpu.vector_load %arg10[%get3A_825, %get3A_826] {strides = array<i32>} : memref<128x128xf32, #tpu.memory_space<vmem>>, vector<1x16xf32>,
        %get3A_828 = vector.shape_cast %get3A_827 : vector<1x16xf32> to vector<16xf32>
        %mul3A_829 = vector.broadcast %squeeze3A_809 : f32 to vector<16xf32>
        %mul3A_830 = arith.mulf %get3A_828, %mul3A_829 : vector<16xf32>
        %swap3A_831 = arith.index_cast %add3A_813 : i32 to index
        %swap3A_832 = arith.constant 16 : index
        %swap3A_833 = tpu.vector_load %arg10[%swap3A_831, %swap3A_832] {strides = array<i32>} : memref<128x128xf32, #tpu.memory_space<vmem>>, vector<1x16xf32>,
        %swap3A_834 = vector.shape_cast %swap3A_833 : vector<1x16xf32> to vector<16xf32>
        %swap3A_835 = vector.shape_cast %mul3A_830 : vector<16xf32> to vector<1x16xf32>
        tpu.vector_store %arg10[%swap3A_831, %swap3A_832], %swap3A_835 {strides = array<i32>} : memref<128x128xf32, #tpu.memory_space<vmem>>, vector<1x16xf32>,
        %get3A_836 = arith.index_cast %add3A_813 : i32 to index
        %get3A_837 = arith.constant 32 : index
        %get3A_838 = tpu.vector_load %arg10[%get3A_836, %get3A_837] {strides = array<i32>} : memref<128x128xf32, #tpu.memory_space<vmem>>, vector<1x16xf32>,
        %get3A_839 = vector.shape_cast %get3A_838 : vector<1x16xf32> to vector<16xf32>
        %mul3A_840 = vector.broadcast %squeeze3A_809 : f32 to vector<16xf32>
        %mul3A_841 = arith.mulf %get3A_839, %mul3A_840 : vector<16xf32>
        %swap3A_842 = arith.index_cast %add3A_813 : i32 to index
        %swap3A_843 = arith.constant 32 : index
        %swap3A_844 = tpu.vector_load %arg10[%swap3A_842, %swap3A_843] {strides = array<i32>} : memref<128x128xf32, #tpu.memory_space<vmem>>, vector<1x16xf32>,
        %swap3A_845 = vector.shape_cast %swap3A_844 : vector<1x16xf32> to vector<16xf32>
        %swap3A_846 = vector.shape_cast %mul3A_841 : vector<16xf32> to vector<1x16xf32>
        tpu.vector_store %arg10[%swap3A_842, %swap3A_843], %swap3A_846 {strides = array<i32>} : memref<128x128xf32, #tpu.memory_space<vmem>>, vector<1x16xf32>,
        %get3A_847 = arith.index_cast %add3A_813 : i32 to index
        %get3A_848 = arith.constant 48 : index
        %get3A_849 = tpu.vector_load %arg10[%get3A_847, %get3A_848] {strides = array<i32>} : memref<128x128xf32, #tpu.memory_space<vmem>>, vector<1x16xf32>,
        %get3A_850 = vector.shape_cast %get3A_849 : vector<1x16xf32> to vector<16xf32>
        %mul3A_851 = vector.broadcast %squeeze3A_809 : f32 to vector<16xf32>
        %mul3A_852 = arith.mulf %get3A_850, %mul3A_851 : vector<16xf32>
        %swap3A_853 = arith.index_cast %add3A_813 : i32 to index
        %swap3A_854 = arith.constant 48 : index
        %swap3A_855 = tpu.vector_load %arg10[%swap3A_853, %swap3A_854] {strides = array<i32>} : memref<128x128xf32, #tpu.memory_space<vmem>>, vector<1x16xf32>,
        %swap3A_856 = vector.shape_cast %swap3A_855 : vector<1x16xf32> to vector<16xf32>
        %swap3A_857 = vector.shape_cast %mul3A_852 : vector<16xf32> to vector<1x16xf32>
        tpu.vector_store %arg10[%swap3A_853, %swap3A_854], %swap3A_857 {strides = array<i32>} : memref<128x128xf32, #tpu.memory_space<vmem>>, vector<1x16xf32>,
        %get3A_858 = arith.index_cast %add3A_813 : i32 to index
        %get3A_859 = arith.constant 64 : index
        %get3A_860 = tpu.vector_load %arg10[%get3A_858, %get3A_859] {strides = array<i32>} : memref<128x128xf32, #tpu.memory_space<vmem>>, vector<1x16xf32>,
        %get3A_861 = vector.shape_cast %get3A_860 : vector<1x16xf32> to vector<16xf32>
        %mul3A_862 = vector.broadcast %squeeze3A_809 : f32 to vector<16xf32>
        %mul3A_863 = arith.mulf %get3A_861, %mul3A_862 : vector<16xf32>
        %swap3A_864 = arith.index_cast %add3A_813 : i32 to index
        %swap3A_865 = arith.constant 64 : index
        %swap3A_866 = tpu.vector_load %arg10[%swap3A_864, %swap3A_865] {strides = array<i32>} : memref<128x128xf32, #tpu.memory_space<vmem>>, vector<1x16xf32>,
        %swap3A_867 = vector.shape_cast %swap3A_866 : vector<1x16xf32> to vector<16xf32>
        %swap3A_868 = vector.shape_cast %mul3A_863 : vector<16xf32> to vector<1x16xf32>
        tpu.vector_store %arg10[%swap3A_864, %swap3A_865], %swap3A_868 {strides = array<i32>} : memref<128x128xf32, #tpu.memory_space<vmem>>, vector<1x16xf32>,
        %get3A_869 = arith.index_cast %add3A_813 : i32 to index
        %get3A_870 = arith.constant 80 : index
        %get3A_871 = tpu.vector_load %arg10[%get3A_869, %get3A_870] {strides = array<i32>} : memref<128x128xf32, #tpu.memory_space<vmem>>, vector<1x16xf32>,
        %get3A_872 = vector.shape_cast %get3A_871 : vector<1x16xf32> to vector<16xf32>
        %mul3A_873 = vector.broadcast %squeeze3A_809 : f32 to vector<16xf32>
        %mul3A_874 = arith.mulf %get3A_872, %mul3A_873 : vector<16xf32>
        %swap3A_875 = arith.index_cast %add3A_813 : i32 to index
        %swap3A_876 = arith.constant 80 : index
        %swap3A_877 = tpu.vector_load %arg10[%swap3A_875, %swap3A_876] {strides = array<i32>} : memref<128x128xf32, #tpu.memory_space<vmem>>, vector<1x16xf32>,
        %swap3A_878 = vector.shape_cast %swap3A_877 : vector<1x16xf32> to vector<16xf32>
        %swap3A_879 = vector.shape_cast %mul3A_874 : vector<16xf32> to vector<1x16xf32>
        tpu.vector_store %arg10[%swap3A_875, %swap3A_876], %swap3A_879 {strides = array<i32>} : memref<128x128xf32, #tpu.memory_space<vmem>>, vector<1x16xf32>,
        %get3A_880 = arith.index_cast %add3A_813 : i32 to index
        %get3A_881 = arith.constant 96 : index
        %get3A_882 = tpu.vector_load %arg10[%get3A_880, %get3A_881] {strides = array<i32>} : memref<128x128xf32, #tpu.memory_space<vmem>>, vector<1x16xf32>,
        %get3A_883 = vector.shape_cast %get3A_882 : vector<1x16xf32> to vector<16xf32>
        %mul3A_884 = vector.broadcast %squeeze3A_809 : f32 to vector<16xf32>
        %mul3A_885 = arith.mulf %get3A_883, %mul3A_884 : vector<16xf32>
        %swap3A_886 = arith.index_cast %add3A_813 : i32 to index
        %swap3A_887 = arith.constant 96 : index
        %swap3A_888 = tpu.vector_load %arg10[%swap3A_886, %swap3A_887] {strides = array<i32>} : memref<128x128xf32, #tpu.memory_space<vmem>>, vector<1x16xf32>,
        %swap3A_889 = vector.shape_cast %swap3A_888 : vector<1x16xf32> to vector<16xf32>
        %swap3A_890 = vector.shape_cast %mul3A_885 : vector<16xf32> to vector<1x16xf32>
        tpu.vector_store %arg10[%swap3A_886, %swap3A_887], %swap3A_890 {strides = array<i32>} : memref<128x128xf32, #tpu.memory_space<vmem>>, vector<1x16xf32>,
        %get3A_891 = arith.index_cast %add3A_813 : i32 to index
        %get3A_892 = arith.constant 112 : index
        %get3A_893 = tpu.vector_load %arg10[%get3A_891, %get3A_892] {strides = array<i32>} : memref<128x128xf32, #tpu.memory_space<vmem>>, vector<1x16xf32>,
        %get3A_894 = vector.shape_cast %get3A_893 : vector<1x16xf32> to vector<16xf32>
        %mul3A_895 = vector.broadcast %squeeze3A_809 : f32 to vector<16xf32>
        %mul3A_896 = arith.mulf %get3A_894, %mul3A_895 : vector<16xf32>
        %swap3A_897 = arith.index_cast %add3A_813 : i32 to index
        %swap3A_898 = arith.constant 112 : index
        %swap3A_899 = tpu.vector_load %arg10[%swap3A_897, %swap3A_898] {strides = array<i32>} : memref<128x128xf32, #tpu.memory_space<vmem>>, vector<1x16xf32>,
        %swap3A_900 = vector.shape_cast %swap3A_899 : vector<1x16xf32> to vector<16xf32>
        %swap3A_901 = vector.shape_cast %mul3A_896 : vector<16xf32> to vector<1x16xf32>
        tpu.vector_store %arg10[%swap3A_897, %swap3A_898], %swap3A_901 {strides = array<i32>} : memref<128x128xf32, #tpu.memory_space<vmem>>, vector<1x16xf32>,
        %slice3A_902 = vector.extract_strided_slice %get3A_58 {offsets = [9], sizes = [1], strides = [1]} : vector<16xf32> to vector<1xf32>
        %squeeze3A_903 = vector.extract %slice3A_902[0] : f32 from vector<1xf32>
        %mul3A_904 = arith.constant 16 : i32
        %mul3A_905 = arith.muli %add3A_53, %mul3A_904 : i32
        %add3A_906 = arith.constant 9 : i32
        %add3A_907 = arith.addi %mul3A_905, %add3A_906 : i32
        %get3A_908 = arith.index_cast %add3A_907 : i32 to index
        %get3A_909 = arith.constant 0 : index
        %get3A_910 = tpu.vector_load %arg10[%get3A_908, %get3A_909] {strides = array<i32>} : memref<128x128xf32, #tpu.memory_space<vmem>>, vector<1x16xf32>,
        %get3A_911 = vector.shape_cast %get3A_910 : vector<1x16xf32> to vector<16xf32>
        %mul3A_912 = vector.broadcast %squeeze3A_903 : f32 to vector<16xf32>
        %mul3A_913 = arith.mulf %get3A_911, %mul3A_912 : vector<16xf32>
        %swap3A_914 = arith.index_cast %add3A_907 : i32 to index
        %swap3A_915 = arith.constant 0 : index
        %swap3A_916 = tpu.vector_load %arg10[%swap3A_914, %swap3A_915] {strides = array<i32>} : memref<128x128xf32, #tpu.memory_space<vmem>>, vector<1x16xf32>,
        %swap3A_917 = vector.shape_cast %swap3A_916 : vector<1x16xf32> to vector<16xf32>
        %swap3A_918 = vector.shape_cast %mul3A_913 : vector<16xf32> to vector<1x16xf32>
        tpu.vector_store %arg10[%swap3A_914, %swap3A_915], %swap3A_918 {strides = array<i32>} : memref<128x128xf32, #tpu.memory_space<vmem>>, vector<1x16xf32>,
        %get3A_919 = arith.index_cast %add3A_907 : i32 to index
        %get3A_920 = arith.constant 16 : index
        %get3A_921 = tpu.vector_load %arg10[%get3A_919, %get3A_920] {strides = array<i32>} : memref<128x128xf32, #tpu.memory_space<vmem>>, vector<1x16xf32>,
        %get3A_922 = vector.shape_cast %get3A_921 : vector<1x16xf32> to vector<16xf32>
        %mul3A_923 = vector.broadcast %squeeze3A_903 : f32 to vector<16xf32>
        %mul3A_924 = arith.mulf %get3A_922, %mul3A_923 : vector<16xf32>
        %swap3A_925 = arith.index_cast %add3A_907 : i32 to index
        %swap3A_926 = arith.constant 16 : index
        %swap3A_927 = tpu.vector_load %arg10[%swap3A_925, %swap3A_926] {strides = array<i32>} : memref<128x128xf32, #tpu.memory_space<vmem>>, vector<1x16xf32>,
        %swap3A_928 = vector.shape_cast %swap3A_927 : vector<1x16xf32> to vector<16xf32>
        %swap3A_929 = vector.shape_cast %mul3A_924 : vector<16xf32> to vector<1x16xf32>
        tpu.vector_store %arg10[%swap3A_925, %swap3A_926], %swap3A_929 {strides = array<i32>} : memref<128x128xf32, #tpu.memory_space<vmem>>, vector<1x16xf32>,
        %get3A_930 = arith.index_cast %add3A_907 : i32 to index
        %get3A_931 = arith.constant 32 : index
        %get3A_932 = tpu.vector_load %arg10[%get3A_930, %get3A_931] {strides = array<i32>} : memref<128x128xf32, #tpu.memory_space<vmem>>, vector<1x16xf32>,
        %get3A_933 = vector.shape_cast %get3A_932 : vector<1x16xf32> to vector<16xf32>
        %mul3A_934 = vector.broadcast %squeeze3A_903 : f32 to vector<16xf32>
        %mul3A_935 = arith.mulf %get3A_933, %mul3A_934 : vector<16xf32>
        %swap3A_936 = arith.index_cast %add3A_907 : i32 to index
        %swap3A_937 = arith.constant 32 : index
        %swap3A_938 = tpu.vector_load %arg10[%swap3A_936, %swap3A_937] {strides = array<i32>} : memref<128x128xf32, #tpu.memory_space<vmem>>, vector<1x16xf32>,
        %swap3A_939 = vector.shape_cast %swap3A_938 : vector<1x16xf32> to vector<16xf32>
        %swap3A_940 = vector.shape_cast %mul3A_935 : vector<16xf32> to vector<1x16xf32>
        tpu.vector_store %arg10[%swap3A_936, %swap3A_937], %swap3A_940 {strides = array<i32>} : memref<128x128xf32, #tpu.memory_space<vmem>>, vector<1x16xf32>,
        %get3A_941 = arith.index_cast %add3A_907 : i32 to index
        %get3A_942 = arith.constant 48 : index
        %get3A_943 = tpu.vector_load %arg10[%get3A_941, %get3A_942] {strides = array<i32>} : memref<128x128xf32, #tpu.memory_space<vmem>>, vector<1x16xf32>,
        %get3A_944 = vector.shape_cast %get3A_943 : vector<1x16xf32> to vector<16xf32>
        %mul3A_945 = vector.broadcast %squeeze3A_903 : f32 to vector<16xf32>
        %mul3A_946 = arith.mulf %get3A_944, %mul3A_945 : vector<16xf32>
        %swap3A_947 = arith.index_cast %add3A_907 : i32 to index
        %swap3A_948 = arith.constant 48 : index
        %swap3A_949 = tpu.vector_load %arg10[%swap3A_947, %swap3A_948] {strides = array<i32>} : memref<128x128xf32, #tpu.memory_space<vmem>>, vector<1x16xf32>,
        %swap3A_950 = vector.shape_cast %swap3A_949 : vector<1x16xf32> to vector<16xf32>
        %swap3A_951 = vector.shape_cast %mul3A_946 : vector<16xf32> to vector<1x16xf32>
        tpu.vector_store %arg10[%swap3A_947, %swap3A_948], %swap3A_951 {strides = array<i32>} : memref<128x128xf32, #tpu.memory_space<vmem>>, vector<1x16xf32>,
        %get3A_952 = arith.index_cast %add3A_907 : i32 to index
        %get3A_953 = arith.constant 64 : index
        %get3A_954 = tpu.vector_load %arg10[%get3A_952, %get3A_953] {strides = array<i32>} : memref<128x128xf32, #tpu.memory_space<vmem>>, vector<1x16xf32>,
        %get3A_955 = vector.shape_cast %get3A_954 : vector<1x16xf32> to vector<16xf32>
        %mul3A_956 = vector.broadcast %squeeze3A_903 : f32 to vector<16xf32>
        %mul3A_957 = arith.mulf %get3A_955, %mul3A_956 : vector<16xf32>
        %swap3A_958 = arith.index_cast %add3A_907 : i32 to index
        %swap3A_959 = arith.constant 64 : index
        %swap3A_960 = tpu.vector_load %arg10[%swap3A_958, %swap3A_959] {strides = array<i32>} : memref<128x128xf32, #tpu.memory_space<vmem>>, vector<1x16xf32>,
        %swap3A_961 = vector.shape_cast %swap3A_960 : vector<1x16xf32> to vector<16xf32>
        %swap3A_962 = vector.shape_cast %mul3A_957 : vector<16xf32> to vector<1x16xf32>
        tpu.vector_store %arg10[%swap3A_958, %swap3A_959], %swap3A_962 {strides = array<i32>} : memref<128x128xf32, #tpu.memory_space<vmem>>, vector<1x16xf32>,
        %get3A_963 = arith.index_cast %add3A_907 : i32 to index
        %get3A_964 = arith.constant 80 : index
        %get3A_965 = tpu.vector_load %arg10[%get3A_963, %get3A_964] {strides = array<i32>} : memref<128x128xf32, #tpu.memory_space<vmem>>, vector<1x16xf32>,
        %get3A_966 = vector.shape_cast %get3A_965 : vector<1x16xf32> to vector<16xf32>
        %mul3A_967 = vector.broadcast %squeeze3A_903 : f32 to vector<16xf32>
        %mul3A_968 = arith.mulf %get3A_966, %mul3A_967 : vector<16xf32>
        %swap3A_969 = arith.index_cast %add3A_907 : i32 to index
        %swap3A_970 = arith.constant 80 : index
        %swap3A_971 = tpu.vector_load %arg10[%swap3A_969, %swap3A_970] {strides = array<i32>} : memref<128x128xf32, #tpu.memory_space<vmem>>, vector<1x16xf32>,
        %swap3A_972 = vector.shape_cast %swap3A_971 : vector<1x16xf32> to vector<16xf32>
        %swap3A_973 = vector.shape_cast %mul3A_968 : vector<16xf32> to vector<1x16xf32>
        tpu.vector_store %arg10[%swap3A_969, %swap3A_970], %swap3A_973 {strides = array<i32>} : memref<128x128xf32, #tpu.memory_space<vmem>>, vector<1x16xf32>,
        %get3A_974 = arith.index_cast %add3A_907 : i32 to index
        %get3A_975 = arith.constant 96 : index
        %get3A_976 = tpu.vector_load %arg10[%get3A_974, %get3A_975] {strides = array<i32>} : memref<128x128xf32, #tpu.memory_space<vmem>>, vector<1x16xf32>,
        %get3A_977 = vector.shape_cast %get3A_976 : vector<1x16xf32> to vector<16xf32>
        %mul3A_978 = vector.broadcast %squeeze3A_903 : f32 to vector<16xf32>
        %mul3A_979 = arith.mulf %get3A_977, %mul3A_978 : vector<16xf32>
        %swap3A_980 = arith.index_cast %add3A_907 : i32 to index
        %swap3A_981 = arith.constant 96 : index
        %swap3A_982 = tpu.vector_load %arg10[%swap3A_980, %swap3A_981] {strides = array<i32>} : memref<128x128xf32, #tpu.memory_space<vmem>>, vector<1x16xf32>,
        %swap3A_983 = vector.shape_cast %swap3A_982 : vector<1x16xf32> to vector<16xf32>
        %swap3A_984 = vector.shape_cast %mul3A_979 : vector<16xf32> to vector<1x16xf32>
        tpu.vector_store %arg10[%swap3A_980, %swap3A_981], %swap3A_984 {strides = array<i32>} : memref<128x128xf32, #tpu.memory_space<vmem>>, vector<1x16xf32>,
        %get3A_985 = arith.index_cast %add3A_907 : i32 to index
        %get3A_986 = arith.constant 112 : index
        %get3A_987 = tpu.vector_load %arg10[%get3A_985, %get3A_986] {strides = array<i32>} : memref<128x128xf32, #tpu.memory_space<vmem>>, vector<1x16xf32>,
        %get3A_988 = vector.shape_cast %get3A_987 : vector<1x16xf32> to vector<16xf32>
        %mul3A_989 = vector.broadcast %squeeze3A_903 : f32 to vector<16xf32>
        %mul3A_990 = arith.mulf %get3A_988, %mul3A_989 : vector<16xf32>
        %swap3A_991 = arith.index_cast %add3A_907 : i32 to index
        %swap3A_992 = arith.constant 112 : index
        %swap3A_993 = tpu.vector_load %arg10[%swap3A_991, %swap3A_992] {strides = array<i32>} : memref<128x128xf32, #tpu.memory_space<vmem>>, vector<1x16xf32>,
        %swap3A_994 = vector.shape_cast %swap3A_993 : vector<1x16xf32> to vector<16xf32>
        %swap3A_995 = vector.shape_cast %mul3A_990 : vector<16xf32> to vector<1x16xf32>
        tpu.vector_store %arg10[%swap3A_991, %swap3A_992], %swap3A_995 {strides = array<i32>} : memref<128x128xf32, #tpu.memory_space<vmem>>, vector<1x16xf32>,
        %slice3A_996 = vector.extract_strided_slice %get3A_58 {offsets = [10], sizes = [1], strides = [1]} : vector<16xf32> to vector<1xf32>
        %squeeze3A_997 = vector.extract %slice3A_996[0] : f32 from vector<1xf32>
        %mul3A_998 = arith.constant 16 : i32
        %mul3A_999 = arith.muli %add3A_53, %mul3A_998 : i32
        %add3A_1000 = arith.constant 10 : i32
        %add3A_1001 = arith.addi %mul3A_999, %add3A_1000 : i32
        %get3A_1002 = arith.index_cast %add3A_1001 : i32 to index
        %get3A_1003 = arith.constant 0 : index
        %get3A_1004 = tpu.vector_load %arg10[%get3A_1002, %get3A_1003] {strides = array<i32>} : memref<128x128xf32, #tpu.memory_space<vmem>>, vector<1x16xf32>,
        %get3A_1005 = vector.shape_cast %get3A_1004 : vector<1x16xf32> to vector<16xf32>
        %mul3A_1006 = vector.broadcast %squeeze3A_997 : f32 to vector<16xf32>
        %mul3A_1007 = arith.mulf %get3A_1005, %mul3A_1006 : vector<16xf32>
        %swap3A_1008 = arith.index_cast %add3A_1001 : i32 to index
        %swap3A_1009 = arith.constant 0 : index
        %swap3A_1010 = tpu.vector_load %arg10[%swap3A_1008, %swap3A_1009] {strides = array<i32>} : memref<128x128xf32, #tpu.memory_space<vmem>>, vector<1x16xf32>,
        %swap3A_1011 = vector.shape_cast %swap3A_1010 : vector<1x16xf32> to vector<16xf32>
        %swap3A_1012 = vector.shape_cast %mul3A_1007 : vector<16xf32> to vector<1x16xf32>
        tpu.vector_store %arg10[%swap3A_1008, %swap3A_1009], %swap3A_1012 {strides = array<i32>} : memref<128x128xf32, #tpu.memory_space<vmem>>, vector<1x16xf32>,
        %get3A_1013 = arith.index_cast %add3A_1001 : i32 to index
        %get3A_1014 = arith.constant 16 : index
        %get3A_1015 = tpu.vector_load %arg10[%get3A_1013, %get3A_1014] {strides = array<i32>} : memref<128x128xf32, #tpu.memory_space<vmem>>, vector<1x16xf32>,
        %get3A_1016 = vector.shape_cast %get3A_1015 : vector<1x16xf32> to vector<16xf32>
        %mul3A_1017 = vector.broadcast %squeeze3A_997 : f32 to vector<16xf32>
        %mul3A_1018 = arith.mulf %get3A_1016, %mul3A_1017 : vector<16xf32>
        %swap3A_1019 = arith.index_cast %add3A_1001 : i32 to index
        %swap3A_1020 = arith.constant 16 : index
        %swap3A_1021 = tpu.vector_load %arg10[%swap3A_1019, %swap3A_1020] {strides = array<i32>} : memref<128x128xf32, #tpu.memory_space<vmem>>, vector<1x16xf32>,
        %swap3A_1022 = vector.shape_cast %swap3A_1021 : vector<1x16xf32> to vector<16xf32>
        %swap3A_1023 = vector.shape_cast %mul3A_1018 : vector<16xf32> to vector<1x16xf32>
        tpu.vector_store %arg10[%swap3A_1019, %swap3A_1020], %swap3A_1023 {strides = array<i32>} : memref<128x128xf32, #tpu.memory_space<vmem>>, vector<1x16xf32>,
        %get3A_1024 = arith.index_cast %add3A_1001 : i32 to index
        %get3A_1025 = arith.constant 32 : index
        %get3A_1026 = tpu.vector_load %arg10[%get3A_1024, %get3A_1025] {strides = array<i32>} : memref<128x128xf32, #tpu.memory_space<vmem>>, vector<1x16xf32>,
        %get3A_1027 = vector.shape_cast %get3A_1026 : vector<1x16xf32> to vector<16xf32>
        %mul3A_1028 = vector.broadcast %squeeze3A_997 : f32 to vector<16xf32>
        %mul3A_1029 = arith.mulf %get3A_1027, %mul3A_1028 : vector<16xf32>
        %swap3A_1030 = arith.index_cast %add3A_1001 : i32 to index
        %swap3A_1031 = arith.constant 32 : index
        %swap3A_1032 = tpu.vector_load %arg10[%swap3A_1030, %swap3A_1031] {strides = array<i32>} : memref<128x128xf32, #tpu.memory_space<vmem>>, vector<1x16xf32>,
        %swap3A_1033 = vector.shape_cast %swap3A_1032 : vector<1x16xf32> to vector<16xf32>
        %swap3A_1034 = vector.shape_cast %mul3A_1029 : vector<16xf32> to vector<1x16xf32>
        tpu.vector_store %arg10[%swap3A_1030, %swap3A_1031], %swap3A_1034 {strides = array<i32>} : memref<128x128xf32, #tpu.memory_space<vmem>>, vector<1x16xf32>,
        %get3A_1035 = arith.index_cast %add3A_1001 : i32 to index
        %get3A_1036 = arith.constant 48 : index
        %get3A_1037 = tpu.vector_load %arg10[%get3A_1035, %get3A_1036] {strides = array<i32>} : memref<128x128xf32, #tpu.memory_space<vmem>>, vector<1x16xf32>,
        %get3A_1038 = vector.shape_cast %get3A_1037 : vector<1x16xf32> to vector<16xf32>
        %mul3A_1039 = vector.broadcast %squeeze3A_997 : f32 to vector<16xf32>
        %mul3A_1040 = arith.mulf %get3A_1038, %mul3A_1039 : vector<16xf32>
        %swap3A_1041 = arith.index_cast %add3A_1001 : i32 to index
        %swap3A_1042 = arith.constant 48 : index
        %swap3A_1043 = tpu.vector_load %arg10[%swap3A_1041, %swap3A_1042] {strides = array<i32>} : memref<128x128xf32, #tpu.memory_space<vmem>>, vector<1x16xf32>,
        %swap3A_1044 = vector.shape_cast %swap3A_1043 : vector<1x16xf32> to vector<16xf32>
        %swap3A_1045 = vector.shape_cast %mul3A_1040 : vector<16xf32> to vector<1x16xf32>
        tpu.vector_store %arg10[%swap3A_1041, %swap3A_1042], %swap3A_1045 {strides = array<i32>} : memref<128x128xf32, #tpu.memory_space<vmem>>, vector<1x16xf32>,
        %get3A_1046 = arith.index_cast %add3A_1001 : i32 to index
        %get3A_1047 = arith.constant 64 : index
        %get3A_1048 = tpu.vector_load %arg10[%get3A_1046, %get3A_1047] {strides = array<i32>} : memref<128x128xf32, #tpu.memory_space<vmem>>, vector<1x16xf32>,
        %get3A_1049 = vector.shape_cast %get3A_1048 : vector<1x16xf32> to vector<16xf32>
        %mul3A_1050 = vector.broadcast %squeeze3A_997 : f32 to vector<16xf32>
        %mul3A_1051 = arith.mulf %get3A_1049, %mul3A_1050 : vector<16xf32>
        %swap3A_1052 = arith.index_cast %add3A_1001 : i32 to index
        %swap3A_1053 = arith.constant 64 : index
        %swap3A_1054 = tpu.vector_load %arg10[%swap3A_1052, %swap3A_1053] {strides = array<i32>} : memref<128x128xf32, #tpu.memory_space<vmem>>, vector<1x16xf32>,
        %swap3A_1055 = vector.shape_cast %swap3A_1054 : vector<1x16xf32> to vector<16xf32>
        %swap3A_1056 = vector.shape_cast %mul3A_1051 : vector<16xf32> to vector<1x16xf32>
        tpu.vector_store %arg10[%swap3A_1052, %swap3A_1053], %swap3A_1056 {strides = array<i32>} : memref<128x128xf32, #tpu.memory_space<vmem>>, vector<1x16xf32>,
        %get3A_1057 = arith.index_cast %add3A_1001 : i32 to index
        %get3A_1058 = arith.constant 80 : index
        %get3A_1059 = tpu.vector_load %arg10[%get3A_1057, %get3A_1058] {strides = array<i32>} : memref<128x128xf32, #tpu.memory_space<vmem>>, vector<1x16xf32>,
        %get3A_1060 = vector.shape_cast %get3A_1059 : vector<1x16xf32> to vector<16xf32>
        %mul3A_1061 = vector.broadcast %squeeze3A_997 : f32 to vector<16xf32>
        %mul3A_1062 = arith.mulf %get3A_1060, %mul3A_1061 : vector<16xf32>
        %swap3A_1063 = arith.index_cast %add3A_1001 : i32 to index
        %swap3A_1064 = arith.constant 80 : index
        %swap3A_1065 = tpu.vector_load %arg10[%swap3A_1063, %swap3A_1064] {strides = array<i32>} : memref<128x128xf32, #tpu.memory_space<vmem>>, vector<1x16xf32>,
        %swap3A_1066 = vector.shape_cast %swap3A_1065 : vector<1x16xf32> to vector<16xf32>
        %swap3A_1067 = vector.shape_cast %mul3A_1062 : vector<16xf32> to vector<1x16xf32>
        tpu.vector_store %arg10[%swap3A_1063, %swap3A_1064], %swap3A_1067 {strides = array<i32>} : memref<128x128xf32, #tpu.memory_space<vmem>>, vector<1x16xf32>,
        %get3A_1068 = arith.index_cast %add3A_1001 : i32 to index
        %get3A_1069 = arith.constant 96 : index
        %get3A_1070 = tpu.vector_load %arg10[%get3A_1068, %get3A_1069] {strides = array<i32>} : memref<128x128xf32, #tpu.memory_space<vmem>>, vector<1x16xf32>,
        %get3A_1071 = vector.shape_cast %get3A_1070 : vector<1x16xf32> to vector<16xf32>
        %mul3A_1072 = vector.broadcast %squeeze3A_997 : f32 to vector<16xf32>
        %mul3A_1073 = arith.mulf %get3A_1071, %mul3A_1072 : vector<16xf32>
        %swap3A_1074 = arith.index_cast %add3A_1001 : i32 to index
        %swap3A_1075 = arith.constant 96 : index
        %swap3A_1076 = tpu.vector_load %arg10[%swap3A_1074, %swap3A_1075] {strides = array<i32>} : memref<128x128xf32, #tpu.memory_space<vmem>>, vector<1x16xf32>,
        %swap3A_1077 = vector.shape_cast %swap3A_1076 : vector<1x16xf32> to vector<16xf32>
        %swap3A_1078 = vector.shape_cast %mul3A_1073 : vector<16xf32> to vector<1x16xf32>
        tpu.vector_store %arg10[%swap3A_1074, %swap3A_1075], %swap3A_1078 {strides = array<i32>} : memref<128x128xf32, #tpu.memory_space<vmem>>, vector<1x16xf32>,
        %get3A_1079 = arith.index_cast %add3A_1001 : i32 to index
        %get3A_1080 = arith.constant 112 : index
        %get3A_1081 = tpu.vector_load %arg10[%get3A_1079, %get3A_1080] {strides = array<i32>} : memref<128x128xf32, #tpu.memory_space<vmem>>, vector<1x16xf32>,
        %get3A_1082 = vector.shape_cast %get3A_1081 : vector<1x16xf32> to vector<16xf32>
        %mul3A_1083 = vector.broadcast %squeeze3A_997 : f32 to vector<16xf32>
        %mul3A_1084 = arith.mulf %get3A_1082, %mul3A_1083 : vector<16xf32>
        %swap3A_1085 = arith.index_cast %add3A_1001 : i32 to index
        %swap3A_1086 = arith.constant 112 : index
        %swap3A_1087 = tpu.vector_load %arg10[%swap3A_1085, %swap3A_1086] {strides = array<i32>} : memref<128x128xf32, #tpu.memory_space<vmem>>, vector<1x16xf32>,
        %swap3A_1088 = vector.shape_cast %swap3A_1087 : vector<1x16xf32> to vector<16xf32>
        %swap3A_1089 = vector.shape_cast %mul3A_1084 : vector<16xf32> to vector<1x16xf32>
        tpu.vector_store %arg10[%swap3A_1085, %swap3A_1086], %swap3A_1089 {strides = array<i32>} : memref<128x128xf32, #tpu.memory_space<vmem>>, vector<1x16xf32>,
        %slice3A_1090 = vector.extract_strided_slice %get3A_58 {offsets = [11], sizes = [1], strides = [1]} : vector<16xf32> to vector<1xf32>
        %squeeze3A_1091 = vector.extract %slice3A_1090[0] : f32 from vector<1xf32>
        %mul3A_1092 = arith.constant 16 : i32
        %mul3A_1093 = arith.muli %add3A_53, %mul3A_1092 : i32
        %add3A_1094 = arith.constant 11 : i32
        %add3A_1095 = arith.addi %mul3A_1093, %add3A_1094 : i32
        %get3A_1096 = arith.index_cast %add3A_1095 : i32 to index
        %get3A_1097 = arith.constant 0 : index
        %get3A_1098 = tpu.vector_load %arg10[%get3A_1096, %get3A_1097] {strides = array<i32>} : memref<128x128xf32, #tpu.memory_space<vmem>>, vector<1x16xf32>,
        %get3A_1099 = vector.shape_cast %get3A_1098 : vector<1x16xf32> to vector<16xf32>
        %mul3A_1100 = vector.broadcast %squeeze3A_1091 : f32 to vector<16xf32>
        %mul3A_1101 = arith.mulf %get3A_1099, %mul3A_1100 : vector<16xf32>
        %swap3A_1102 = arith.index_cast %add3A_1095 : i32 to index
        %swap3A_1103 = arith.constant 0 : index
        %swap3A_1104 = tpu.vector_load %arg10[%swap3A_1102, %swap3A_1103] {strides = array<i32>} : memref<128x128xf32, #tpu.memory_space<vmem>>, vector<1x16xf32>,
        %swap3A_1105 = vector.shape_cast %swap3A_1104 : vector<1x16xf32> to vector<16xf32>
        %swap3A_1106 = vector.shape_cast %mul3A_1101 : vector<16xf32> to vector<1x16xf32>
        tpu.vector_store %arg10[%swap3A_1102, %swap3A_1103], %swap3A_1106 {strides = array<i32>} : memref<128x128xf32, #tpu.memory_space<vmem>>, vector<1x16xf32>,
        %get3A_1107 = arith.index_cast %add3A_1095 : i32 to index
        %get3A_1108 = arith.constant 16 : index
        %get3A_1109 = tpu.vector_load %arg10[%get3A_1107, %get3A_1108] {strides = array<i32>} : memref<128x128xf32, #tpu.memory_space<vmem>>, vector<1x16xf32>,
        %get3A_1110 = vector.shape_cast %get3A_1109 : vector<1x16xf32> to vector<16xf32>
        %mul3A_1111 = vector.broadcast %squeeze3A_1091 : f32 to vector<16xf32>
        %mul3A_1112 = arith.mulf %get3A_1110, %mul3A_1111 : vector<16xf32>
        %swap3A_1113 = arith.index_cast %add3A_1095 : i32 to index
        %swap3A_1114 = arith.constant 16 : index
        %swap3A_1115 = tpu.vector_load %arg10[%swap3A_1113, %swap3A_1114] {strides = array<i32>} : memref<128x128xf32, #tpu.memory_space<vmem>>, vector<1x16xf32>,
        %swap3A_1116 = vector.shape_cast %swap3A_1115 : vector<1x16xf32> to vector<16xf32>
        %swap3A_1117 = vector.shape_cast %mul3A_1112 : vector<16xf32> to vector<1x16xf32>
        tpu.vector_store %arg10[%swap3A_1113, %swap3A_1114], %swap3A_1117 {strides = array<i32>} : memref<128x128xf32, #tpu.memory_space<vmem>>, vector<1x16xf32>,
        %get3A_1118 = arith.index_cast %add3A_1095 : i32 to index
        %get3A_1119 = arith.constant 32 : index
        %get3A_1120 = tpu.vector_load %arg10[%get3A_1118, %get3A_1119] {strides = array<i32>} : memref<128x128xf32, #tpu.memory_space<vmem>>, vector<1x16xf32>,
        %get3A_1121 = vector.shape_cast %get3A_1120 : vector<1x16xf32> to vector<16xf32>
        %mul3A_1122 = vector.broadcast %squeeze3A_1091 : f32 to vector<16xf32>
        %mul3A_1123 = arith.mulf %get3A_1121, %mul3A_1122 : vector<16xf32>
        %swap3A_1124 = arith.index_cast %add3A_1095 : i32 to index
        %swap3A_1125 = arith.constant 32 : index
        %swap3A_1126 = tpu.vector_load %arg10[%swap3A_1124, %swap3A_1125] {strides = array<i32>} : memref<128x128xf32, #tpu.memory_space<vmem>>, vector<1x16xf32>,
        %swap3A_1127 = vector.shape_cast %swap3A_1126 : vector<1x16xf32> to vector<16xf32>
        %swap3A_1128 = vector.shape_cast %mul3A_1123 : vector<16xf32> to vector<1x16xf32>
        tpu.vector_store %arg10[%swap3A_1124, %swap3A_1125], %swap3A_1128 {strides = array<i32>} : memref<128x128xf32, #tpu.memory_space<vmem>>, vector<1x16xf32>,
        %get3A_1129 = arith.index_cast %add3A_1095 : i32 to index
        %get3A_1130 = arith.constant 48 : index
        %get3A_1131 = tpu.vector_load %arg10[%get3A_1129, %get3A_1130] {strides = array<i32>} : memref<128x128xf32, #tpu.memory_space<vmem>>, vector<1x16xf32>,
        %get3A_1132 = vector.shape_cast %get3A_1131 : vector<1x16xf32> to vector<16xf32>
        %mul3A_1133 = vector.broadcast %squeeze3A_1091 : f32 to vector<16xf32>
        %mul3A_1134 = arith.mulf %get3A_1132, %mul3A_1133 : vector<16xf32>
        %swap3A_1135 = arith.index_cast %add3A_1095 : i32 to index
        %swap3A_1136 = arith.constant 48 : index
        %swap3A_1137 = tpu.vector_load %arg10[%swap3A_1135, %swap3A_1136] {strides = array<i32>} : memref<128x128xf32, #tpu.memory_space<vmem>>, vector<1x16xf32>,
        %swap3A_1138 = vector.shape_cast %swap3A_1137 : vector<1x16xf32> to vector<16xf32>
        %swap3A_1139 = vector.shape_cast %mul3A_1134 : vector<16xf32> to vector<1x16xf32>
        tpu.vector_store %arg10[%swap3A_1135, %swap3A_1136], %swap3A_1139 {strides = array<i32>} : memref<128x128xf32, #tpu.memory_space<vmem>>, vector<1x16xf32>,
        %get3A_1140 = arith.index_cast %add3A_1095 : i32 to index
        %get3A_1141 = arith.constant 64 : index
        %get3A_1142 = tpu.vector_load %arg10[%get3A_1140, %get3A_1141] {strides = array<i32>} : memref<128x128xf32, #tpu.memory_space<vmem>>, vector<1x16xf32>,
        %get3A_1143 = vector.shape_cast %get3A_1142 : vector<1x16xf32> to vector<16xf32>
        %mul3A_1144 = vector.broadcast %squeeze3A_1091 : f32 to vector<16xf32>
        %mul3A_1145 = arith.mulf %get3A_1143, %mul3A_1144 : vector<16xf32>
        %swap3A_1146 = arith.index_cast %add3A_1095 : i32 to index
        %swap3A_1147 = arith.constant 64 : index
        %swap3A_1148 = tpu.vector_load %arg10[%swap3A_1146, %swap3A_1147] {strides = array<i32>} : memref<128x128xf32, #tpu.memory_space<vmem>>, vector<1x16xf32>,
        %swap3A_1149 = vector.shape_cast %swap3A_1148 : vector<1x16xf32> to vector<16xf32>
        %swap3A_1150 = vector.shape_cast %mul3A_1145 : vector<16xf32> to vector<1x16xf32>
        tpu.vector_store %arg10[%swap3A_1146, %swap3A_1147], %swap3A_1150 {strides = array<i32>} : memref<128x128xf32, #tpu.memory_space<vmem>>, vector<1x16xf32>,
        %get3A_1151 = arith.index_cast %add3A_1095 : i32 to index
        %get3A_1152 = arith.constant 80 : index
        %get3A_1153 = tpu.vector_load %arg10[%get3A_1151, %get3A_1152] {strides = array<i32>} : memref<128x128xf32, #tpu.memory_space<vmem>>, vector<1x16xf32>,
        %get3A_1154 = vector.shape_cast %get3A_1153 : vector<1x16xf32> to vector<16xf32>
        %mul3A_1155 = vector.broadcast %squeeze3A_1091 : f32 to vector<16xf32>
        %mul3A_1156 = arith.mulf %get3A_1154, %mul3A_1155 : vector<16xf32>
        %swap3A_1157 = arith.index_cast %add3A_1095 : i32 to index
        %swap3A_1158 = arith.constant 80 : index
        %swap3A_1159 = tpu.vector_load %arg10[%swap3A_1157, %swap3A_1158] {strides = array<i32>} : memref<128x128xf32, #tpu.memory_space<vmem>>, vector<1x16xf32>,
        %swap3A_1160 = vector.shape_cast %swap3A_1159 : vector<1x16xf32> to vector<16xf32>
        %swap3A_1161 = vector.shape_cast %mul3A_1156 : vector<16xf32> to vector<1x16xf32>
        tpu.vector_store %arg10[%swap3A_1157, %swap3A_1158], %swap3A_1161 {strides = array<i32>} : memref<128x128xf32, #tpu.memory_space<vmem>>, vector<1x16xf32>,
        %get3A_1162 = arith.index_cast %add3A_1095 : i32 to index
        %get3A_1163 = arith.constant 96 : index
        %get3A_1164 = tpu.vector_load %arg10[%get3A_1162, %get3A_1163] {strides = array<i32>} : memref<128x128xf32, #tpu.memory_space<vmem>>, vector<1x16xf32>,
        %get3A_1165 = vector.shape_cast %get3A_1164 : vector<1x16xf32> to vector<16xf32>
        %mul3A_1166 = vector.broadcast %squeeze3A_1091 : f32 to vector<16xf32>
        %mul3A_1167 = arith.mulf %get3A_1165, %mul3A_1166 : vector<16xf32>
        %swap3A_1168 = arith.index_cast %add3A_1095 : i32 to index
        %swap3A_1169 = arith.constant 96 : index
        %swap3A_1170 = tpu.vector_load %arg10[%swap3A_1168, %swap3A_1169] {strides = array<i32>} : memref<128x128xf32, #tpu.memory_space<vmem>>, vector<1x16xf32>,
        %swap3A_1171 = vector.shape_cast %swap3A_1170 : vector<1x16xf32> to vector<16xf32>
        %swap3A_1172 = vector.shape_cast %mul3A_1167 : vector<16xf32> to vector<1x16xf32>
        tpu.vector_store %arg10[%swap3A_1168, %swap3A_1169], %swap3A_1172 {strides = array<i32>} : memref<128x128xf32, #tpu.memory_space<vmem>>, vector<1x16xf32>,
        %get3A_1173 = arith.index_cast %add3A_1095 : i32 to index
        %get3A_1174 = arith.constant 112 : index
        %get3A_1175 = tpu.vector_load %arg10[%get3A_1173, %get3A_1174] {strides = array<i32>} : memref<128x128xf32, #tpu.memory_space<vmem>>, vector<1x16xf32>,
        %get3A_1176 = vector.shape_cast %get3A_1175 : vector<1x16xf32> to vector<16xf32>
        %mul3A_1177 = vector.broadcast %squeeze3A_1091 : f32 to vector<16xf32>
        %mul3A_1178 = arith.mulf %get3A_1176, %mul3A_1177 : vector<16xf32>
        %swap3A_1179 = arith.index_cast %add3A_1095 : i32 to index
        %swap3A_1180 = arith.constant 112 : index
        %swap3A_1181 = tpu.vector_load %arg10[%swap3A_1179, %swap3A_1180] {strides = array<i32>} : memref<128x128xf32, #tpu.memory_space<vmem>>, vector<1x16xf32>,
        %swap3A_1182 = vector.shape_cast %swap3A_1181 : vector<1x16xf32> to vector<16xf32>
        %swap3A_1183 = vector.shape_cast %mul3A_1178 : vector<16xf32> to vector<1x16xf32>
        tpu.vector_store %arg10[%swap3A_1179, %swap3A_1180], %swap3A_1183 {strides = array<i32>} : memref<128x128xf32, #tpu.memory_space<vmem>>, vector<1x16xf32>,
        %slice3A_1184 = vector.extract_strided_slice %get3A_58 {offsets = [12], sizes = [1], strides = [1]} : vector<16xf32> to vector<1xf32>
        %squeeze3A_1185 = vector.extract %slice3A_1184[0] : f32 from vector<1xf32>
        %mul3A_1186 = arith.constant 16 : i32
        %mul3A_1187 = arith.muli %add3A_53, %mul3A_1186 : i32
        %add3A_1188 = arith.constant 12 : i32
        %add3A_1189 = arith.addi %mul3A_1187, %add3A_1188 : i32
        %get3A_1190 = arith.index_cast %add3A_1189 : i32 to index
        %get3A_1191 = arith.constant 0 : index
        %get3A_1192 = tpu.vector_load %arg10[%get3A_1190, %get3A_1191] {strides = array<i32>} : memref<128x128xf32, #tpu.memory_space<vmem>>, vector<1x16xf32>,
        %get3A_1193 = vector.shape_cast %get3A_1192 : vector<1x16xf32> to vector<16xf32>
        %mul3A_1194 = vector.broadcast %squeeze3A_1185 : f32 to vector<16xf32>
        %mul3A_1195 = arith.mulf %get3A_1193, %mul3A_1194 : vector<16xf32>
        %swap3A_1196 = arith.index_cast %add3A_1189 : i32 to index
        %swap3A_1197 = arith.constant 0 : index
        %swap3A_1198 = tpu.vector_load %arg10[%swap3A_1196, %swap3A_1197] {strides = array<i32>} : memref<128x128xf32, #tpu.memory_space<vmem>>, vector<1x16xf32>,
        %swap3A_1199 = vector.shape_cast %swap3A_1198 : vector<1x16xf32> to vector<16xf32>
        %swap3A_1200 = vector.shape_cast %mul3A_1195 : vector<16xf32> to vector<1x16xf32>
        tpu.vector_store %arg10[%swap3A_1196, %swap3A_1197], %swap3A_1200 {strides = array<i32>} : memref<128x128xf32, #tpu.memory_space<vmem>>, vector<1x16xf32>,
        %get3A_1201 = arith.index_cast %add3A_1189 : i32 to index
        %get3A_1202 = arith.constant 16 : index
        %get3A_1203 = tpu.vector_load %arg10[%get3A_1201, %get3A_1202] {strides = array<i32>} : memref<128x128xf32, #tpu.memory_space<vmem>>, vector<1x16xf32>,
        %get3A_1204 = vector.shape_cast %get3A_1203 : vector<1x16xf32> to vector<16xf32>
        %mul3A_1205 = vector.broadcast %squeeze3A_1185 : f32 to vector<16xf32>
        %mul3A_1206 = arith.mulf %get3A_1204, %mul3A_1205 : vector<16xf32>
        %swap3A_1207 = arith.index_cast %add3A_1189 : i32 to index
        %swap3A_1208 = arith.constant 16 : index
        %swap3A_1209 = tpu.vector_load %arg10[%swap3A_1207, %swap3A_1208] {strides = array<i32>} : memref<128x128xf32, #tpu.memory_space<vmem>>, vector<1x16xf32>,
        %swap3A_1210 = vector.shape_cast %swap3A_1209 : vector<1x16xf32> to vector<16xf32>
        %swap3A_1211 = vector.shape_cast %mul3A_1206 : vector<16xf32> to vector<1x16xf32>
        tpu.vector_store %arg10[%swap3A_1207, %swap3A_1208], %swap3A_1211 {strides = array<i32>} : memref<128x128xf32, #tpu.memory_space<vmem>>, vector<1x16xf32>,
        %get3A_1212 = arith.index_cast %add3A_1189 : i32 to index
        %get3A_1213 = arith.constant 32 : index
        %get3A_1214 = tpu.vector_load %arg10[%get3A_1212, %get3A_1213] {strides = array<i32>} : memref<128x128xf32, #tpu.memory_space<vmem>>, vector<1x16xf32>,
        %get3A_1215 = vector.shape_cast %get3A_1214 : vector<1x16xf32> to vector<16xf32>
        %mul3A_1216 = vector.broadcast %squeeze3A_1185 : f32 to vector<16xf32>
        %mul3A_1217 = arith.mulf %get3A_1215, %mul3A_1216 : vector<16xf32>
        %swap3A_1218 = arith.index_cast %add3A_1189 : i32 to index
        %swap3A_1219 = arith.constant 32 : index
        %swap3A_1220 = tpu.vector_load %arg10[%swap3A_1218, %swap3A_1219] {strides = array<i32>} : memref<128x128xf32, #tpu.memory_space<vmem>>, vector<1x16xf32>,
        %swap3A_1221 = vector.shape_cast %swap3A_1220 : vector<1x16xf32> to vector<16xf32>
        %swap3A_1222 = vector.shape_cast %mul3A_1217 : vector<16xf32> to vector<1x16xf32>
        tpu.vector_store %arg10[%swap3A_1218, %swap3A_1219], %swap3A_1222 {strides = array<i32>} : memref<128x128xf32, #tpu.memory_space<vmem>>, vector<1x16xf32>,
        %get3A_1223 = arith.index_cast %add3A_1189 : i32 to index
        %get3A_1224 = arith.constant 48 : index
        %get3A_1225 = tpu.vector_load %arg10[%get3A_1223, %get3A_1224] {strides = array<i32>} : memref<128x128xf32, #tpu.memory_space<vmem>>, vector<1x16xf32>,
        %get3A_1226 = vector.shape_cast %get3A_1225 : vector<1x16xf32> to vector<16xf32>
        %mul3A_1227 = vector.broadcast %squeeze3A_1185 : f32 to vector<16xf32>
        %mul3A_1228 = arith.mulf %get3A_1226, %mul3A_1227 : vector<16xf32>
        %swap3A_1229 = arith.index_cast %add3A_1189 : i32 to index
        %swap3A_1230 = arith.constant 48 : index
        %swap3A_1231 = tpu.vector_load %arg10[%swap3A_1229, %swap3A_1230] {strides = array<i32>} : memref<128x128xf32, #tpu.memory_space<vmem>>, vector<1x16xf32>,
        %swap3A_1232 = vector.shape_cast %swap3A_1231 : vector<1x16xf32> to vector<16xf32>
        %swap3A_1233 = vector.shape_cast %mul3A_1228 : vector<16xf32> to vector<1x16xf32>
        tpu.vector_store %arg10[%swap3A_1229, %swap3A_1230], %swap3A_1233 {strides = array<i32>} : memref<128x128xf32, #tpu.memory_space<vmem>>, vector<1x16xf32>,
        %get3A_1234 = arith.index_cast %add3A_1189 : i32 to index
        %get3A_1235 = arith.constant 64 : index
        %get3A_1236 = tpu.vector_load %arg10[%get3A_1234, %get3A_1235] {strides = array<i32>} : memref<128x128xf32, #tpu.memory_space<vmem>>, vector<1x16xf32>,
        %get3A_1237 = vector.shape_cast %get3A_1236 : vector<1x16xf32> to vector<16xf32>
        %mul3A_1238 = vector.broadcast %squeeze3A_1185 : f32 to vector<16xf32>
        %mul3A_1239 = arith.mulf %get3A_1237, %mul3A_1238 : vector<16xf32>
        %swap3A_1240 = arith.index_cast %add3A_1189 : i32 to index
        %swap3A_1241 = arith.constant 64 : index
        %swap3A_1242 = tpu.vector_load %arg10[%swap3A_1240, %swap3A_1241] {strides = array<i32>} : memref<128x128xf32, #tpu.memory_space<vmem>>, vector<1x16xf32>,
        %swap3A_1243 = vector.shape_cast %swap3A_1242 : vector<1x16xf32> to vector<16xf32>
        %swap3A_1244 = vector.shape_cast %mul3A_1239 : vector<16xf32> to vector<1x16xf32>
        tpu.vector_store %arg10[%swap3A_1240, %swap3A_1241], %swap3A_1244 {strides = array<i32>} : memref<128x128xf32, #tpu.memory_space<vmem>>, vector<1x16xf32>,
        %get3A_1245 = arith.index_cast %add3A_1189 : i32 to index
        %get3A_1246 = arith.constant 80 : index
        %get3A_1247 = tpu.vector_load %arg10[%get3A_1245, %get3A_1246] {strides = array<i32>} : memref<128x128xf32, #tpu.memory_space<vmem>>, vector<1x16xf32>,
        %get3A_1248 = vector.shape_cast %get3A_1247 : vector<1x16xf32> to vector<16xf32>
        %mul3A_1249 = vector.broadcast %squeeze3A_1185 : f32 to vector<16xf32>
        %mul3A_1250 = arith.mulf %get3A_1248, %mul3A_1249 : vector<16xf32>
        %swap3A_1251 = arith.index_cast %add3A_1189 : i32 to index
        %swap3A_1252 = arith.constant 80 : index
        %swap3A_1253 = tpu.vector_load %arg10[%swap3A_1251, %swap3A_1252] {strides = array<i32>} : memref<128x128xf32, #tpu.memory_space<vmem>>, vector<1x16xf32>,
        %swap3A_1254 = vector.shape_cast %swap3A_1253 : vector<1x16xf32> to vector<16xf32>
        %swap3A_1255 = vector.shape_cast %mul3A_1250 : vector<16xf32> to vector<1x16xf32>
        tpu.vector_store %arg10[%swap3A_1251, %swap3A_1252], %swap3A_1255 {strides = array<i32>} : memref<128x128xf32, #tpu.memory_space<vmem>>, vector<1x16xf32>,
        %get3A_1256 = arith.index_cast %add3A_1189 : i32 to index
        %get3A_1257 = arith.constant 96 : index
        %get3A_1258 = tpu.vector_load %arg10[%get3A_1256, %get3A_1257] {strides = array<i32>} : memref<128x128xf32, #tpu.memory_space<vmem>>, vector<1x16xf32>,
        %get3A_1259 = vector.shape_cast %get3A_1258 : vector<1x16xf32> to vector<16xf32>
        %mul3A_1260 = vector.broadcast %squeeze3A_1185 : f32 to vector<16xf32>
        %mul3A_1261 = arith.mulf %get3A_1259, %mul3A_1260 : vector<16xf32>
        %swap3A_1262 = arith.index_cast %add3A_1189 : i32 to index
        %swap3A_1263 = arith.constant 96 : index
        %swap3A_1264 = tpu.vector_load %arg10[%swap3A_1262, %swap3A_1263] {strides = array<i32>} : memref<128x128xf32, #tpu.memory_space<vmem>>, vector<1x16xf32>,
        %swap3A_1265 = vector.shape_cast %swap3A_1264 : vector<1x16xf32> to vector<16xf32>
        %swap3A_1266 = vector.shape_cast %mul3A_1261 : vector<16xf32> to vector<1x16xf32>
        tpu.vector_store %arg10[%swap3A_1262, %swap3A_1263], %swap3A_1266 {strides = array<i32>} : memref<128x128xf32, #tpu.memory_space<vmem>>, vector<1x16xf32>,
        %get3A_1267 = arith.index_cast %add3A_1189 : i32 to index
        %get3A_1268 = arith.constant 112 : index
        %get3A_1269 = tpu.vector_load %arg10[%get3A_1267, %get3A_1268] {strides = array<i32>} : memref<128x128xf32, #tpu.memory_space<vmem>>, vector<1x16xf32>,
        %get3A_1270 = vector.shape_cast %get3A_1269 : vector<1x16xf32> to vector<16xf32>
        %mul3A_1271 = vector.broadcast %squeeze3A_1185 : f32 to vector<16xf32>
        %mul3A_1272 = arith.mulf %get3A_1270, %mul3A_1271 : vector<16xf32>
        %swap3A_1273 = arith.index_cast %add3A_1189 : i32 to index
        %swap3A_1274 = arith.constant 112 : index
        %swap3A_1275 = tpu.vector_load %arg10[%swap3A_1273, %swap3A_1274] {strides = array<i32>} : memref<128x128xf32, #tpu.memory_space<vmem>>, vector<1x16xf32>,
        %swap3A_1276 = vector.shape_cast %swap3A_1275 : vector<1x16xf32> to vector<16xf32>
        %swap3A_1277 = vector.shape_cast %mul3A_1272 : vector<16xf32> to vector<1x16xf32>
        tpu.vector_store %arg10[%swap3A_1273, %swap3A_1274], %swap3A_1277 {strides = array<i32>} : memref<128x128xf32, #tpu.memory_space<vmem>>, vector<1x16xf32>,
        %slice3A_1278 = vector.extract_strided_slice %get3A_58 {offsets = [13], sizes = [1], strides = [1]} : vector<16xf32> to vector<1xf32>
        %squeeze3A_1279 = vector.extract %slice3A_1278[0] : f32 from vector<1xf32>
        %mul3A_1280 = arith.constant 16 : i32
        %mul3A_1281 = arith.muli %add3A_53, %mul3A_1280 : i32
        %add3A_1282 = arith.constant 13 : i32
        %add3A_1283 = arith.addi %mul3A_1281, %add3A_1282 : i32
        %get3A_1284 = arith.index_cast %add3A_1283 : i32 to index
        %get3A_1285 = arith.constant 0 : index
        %get3A_1286 = tpu.vector_load %arg10[%get3A_1284, %get3A_1285] {strides = array<i32>} : memref<128x128xf32, #tpu.memory_space<vmem>>, vector<1x16xf32>,
        %get3A_1287 = vector.shape_cast %get3A_1286 : vector<1x16xf32> to vector<16xf32>
        %mul3A_1288 = vector.broadcast %squeeze3A_1279 : f32 to vector<16xf32>
        %mul3A_1289 = arith.mulf %get3A_1287, %mul3A_1288 : vector<16xf32>
        %swap3A_1290 = arith.index_cast %add3A_1283 : i32 to index
        %swap3A_1291 = arith.constant 0 : index
        %swap3A_1292 = tpu.vector_load %arg10[%swap3A_1290, %swap3A_1291] {strides = array<i32>} : memref<128x128xf32, #tpu.memory_space<vmem>>, vector<1x16xf32>,
        %swap3A_1293 = vector.shape_cast %swap3A_1292 : vector<1x16xf32> to vector<16xf32>
        %swap3A_1294 = vector.shape_cast %mul3A_1289 : vector<16xf32> to vector<1x16xf32>
        tpu.vector_store %arg10[%swap3A_1290, %swap3A_1291], %swap3A_1294 {strides = array<i32>} : memref<128x128xf32, #tpu.memory_space<vmem>>, vector<1x16xf32>,
        %get3A_1295 = arith.index_cast %add3A_1283 : i32 to index
        %get3A_1296 = arith.constant 16 : index
        %get3A_1297 = tpu.vector_load %arg10[%get3A_1295, %get3A_1296] {strides = array<i32>} : memref<128x128xf32, #tpu.memory_space<vmem>>, vector<1x16xf32>,
        %get3A_1298 = vector.shape_cast %get3A_1297 : vector<1x16xf32> to vector<16xf32>
        %mul3A_1299 = vector.broadcast %squeeze3A_1279 : f32 to vector<16xf32>
        %mul3A_1300 = arith.mulf %get3A_1298, %mul3A_1299 : vector<16xf32>
        %swap3A_1301 = arith.index_cast %add3A_1283 : i32 to index
        %swap3A_1302 = arith.constant 16 : index
        %swap3A_1303 = tpu.vector_load %arg10[%swap3A_1301, %swap3A_1302] {strides = array<i32>} : memref<128x128xf32, #tpu.memory_space<vmem>>, vector<1x16xf32>,
        %swap3A_1304 = vector.shape_cast %swap3A_1303 : vector<1x16xf32> to vector<16xf32>
        %swap3A_1305 = vector.shape_cast %mul3A_1300 : vector<16xf32> to vector<1x16xf32>
        tpu.vector_store %arg10[%swap3A_1301, %swap3A_1302], %swap3A_1305 {strides = array<i32>} : memref<128x128xf32, #tpu.memory_space<vmem>>, vector<1x16xf32>,
        %get3A_1306 = arith.index_cast %add3A_1283 : i32 to index
        %get3A_1307 = arith.constant 32 : index
        %get3A_1308 = tpu.vector_load %arg10[%get3A_1306, %get3A_1307] {strides = array<i32>} : memref<128x128xf32, #tpu.memory_space<vmem>>, vector<1x16xf32>,
        %get3A_1309 = vector.shape_cast %get3A_1308 : vector<1x16xf32> to vector<16xf32>
        %mul3A_1310 = vector.broadcast %squeeze3A_1279 : f32 to vector<16xf32>
        %mul3A_1311 = arith.mulf %get3A_1309, %mul3A_1310 : vector<16xf32>
        %swap3A_1312 = arith.index_cast %add3A_1283 : i32 to index
        %swap3A_1313 = arith.constant 32 : index
        %swap3A_1314 = tpu.vector_load %arg10[%swap3A_1312, %swap3A_1313] {strides = array<i32>} : memref<128x128xf32, #tpu.memory_space<vmem>>, vector<1x16xf32>,
        %swap3A_1315 = vector.shape_cast %swap3A_1314 : vector<1x16xf32> to vector<16xf32>
        %swap3A_1316 = vector.shape_cast %mul3A_1311 : vector<16xf32> to vector<1x16xf32>
        tpu.vector_store %arg10[%swap3A_1312, %swap3A_1313], %swap3A_1316 {strides = array<i32>} : memref<128x128xf32, #tpu.memory_space<vmem>>, vector<1x16xf32>,
        %get3A_1317 = arith.index_cast %add3A_1283 : i32 to index
        %get3A_1318 = arith.constant 48 : index
        %get3A_1319 = tpu.vector_load %arg10[%get3A_1317, %get3A_1318] {strides = array<i32>} : memref<128x128xf32, #tpu.memory_space<vmem>>, vector<1x16xf32>,
        %get3A_1320 = vector.shape_cast %get3A_1319 : vector<1x16xf32> to vector<16xf32>
        %mul3A_1321 = vector.broadcast %squeeze3A_1279 : f32 to vector<16xf32>
        %mul3A_1322 = arith.mulf %get3A_1320, %mul3A_1321 : vector<16xf32>
        %swap3A_1323 = arith.index_cast %add3A_1283 : i32 to index
        %swap3A_1324 = arith.constant 48 : index
        %swap3A_1325 = tpu.vector_load %arg10[%swap3A_1323, %swap3A_1324] {strides = array<i32>} : memref<128x128xf32, #tpu.memory_space<vmem>>, vector<1x16xf32>,
        %swap3A_1326 = vector.shape_cast %swap3A_1325 : vector<1x16xf32> to vector<16xf32>
        %swap3A_1327 = vector.shape_cast %mul3A_1322 : vector<16xf32> to vector<1x16xf32>
        tpu.vector_store %arg10[%swap3A_1323, %swap3A_1324], %swap3A_1327 {strides = array<i32>} : memref<128x128xf32, #tpu.memory_space<vmem>>, vector<1x16xf32>,
        %get3A_1328 = arith.index_cast %add3A_1283 : i32 to index
        %get3A_1329 = arith.constant 64 : index
        %get3A_1330 = tpu.vector_load %arg10[%get3A_1328, %get3A_1329] {strides = array<i32>} : memref<128x128xf32, #tpu.memory_space<vmem>>, vector<1x16xf32>,
        %get3A_1331 = vector.shape_cast %get3A_1330 : vector<1x16xf32> to vector<16xf32>
        %mul3A_1332 = vector.broadcast %squeeze3A_1279 : f32 to vector<16xf32>
        %mul3A_1333 = arith.mulf %get3A_1331, %mul3A_1332 : vector<16xf32>
        %swap3A_1334 = arith.index_cast %add3A_1283 : i32 to index
        %swap3A_1335 = arith.constant 64 : index
        %swap3A_1336 = tpu.vector_load %arg10[%swap3A_1334, %swap3A_1335] {strides = array<i32>} : memref<128x128xf32, #tpu.memory_space<vmem>>, vector<1x16xf32>,
        %swap3A_1337 = vector.shape_cast %swap3A_1336 : vector<1x16xf32> to vector<16xf32>
        %swap3A_1338 = vector.shape_cast %mul3A_1333 : vector<16xf32> to vector<1x16xf32>
        tpu.vector_store %arg10[%swap3A_1334, %swap3A_1335], %swap3A_1338 {strides = array<i32>} : memref<128x128xf32, #tpu.memory_space<vmem>>, vector<1x16xf32>,
        %get3A_1339 = arith.index_cast %add3A_1283 : i32 to index
        %get3A_1340 = arith.constant 80 : index
        %get3A_1341 = tpu.vector_load %arg10[%get3A_1339, %get3A_1340] {strides = array<i32>} : memref<128x128xf32, #tpu.memory_space<vmem>>, vector<1x16xf32>,
        %get3A_1342 = vector.shape_cast %get3A_1341 : vector<1x16xf32> to vector<16xf32>
        %mul3A_1343 = vector.broadcast %squeeze3A_1279 : f32 to vector<16xf32>
        %mul3A_1344 = arith.mulf %get3A_1342, %mul3A_1343 : vector<16xf32>
        %swap3A_1345 = arith.index_cast %add3A_1283 : i32 to index
        %swap3A_1346 = arith.constant 80 : index
        %swap3A_1347 = tpu.vector_load %arg10[%swap3A_1345, %swap3A_1346] {strides = array<i32>} : memref<128x128xf32, #tpu.memory_space<vmem>>, vector<1x16xf32>,
        %swap3A_1348 = vector.shape_cast %swap3A_1347 : vector<1x16xf32> to vector<16xf32>
        %swap3A_1349 = vector.shape_cast %mul3A_1344 : vector<16xf32> to vector<1x16xf32>
        tpu.vector_store %arg10[%swap3A_1345, %swap3A_1346], %swap3A_1349 {strides = array<i32>} : memref<128x128xf32, #tpu.memory_space<vmem>>, vector<1x16xf32>,
        %get3A_1350 = arith.index_cast %add3A_1283 : i32 to index
        %get3A_1351 = arith.constant 96 : index
        %get3A_1352 = tpu.vector_load %arg10[%get3A_1350, %get3A_1351] {strides = array<i32>} : memref<128x128xf32, #tpu.memory_space<vmem>>, vector<1x16xf32>,
        %get3A_1353 = vector.shape_cast %get3A_1352 : vector<1x16xf32> to vector<16xf32>
        %mul3A_1354 = vector.broadcast %squeeze3A_1279 : f32 to vector<16xf32>
        %mul3A_1355 = arith.mulf %get3A_1353, %mul3A_1354 : vector<16xf32>
        %swap3A_1356 = arith.index_cast %add3A_1283 : i32 to index
        %swap3A_1357 = arith.constant 96 : index
        %swap3A_1358 = tpu.vector_load %arg10[%swap3A_1356, %swap3A_1357] {strides = array<i32>} : memref<128x128xf32, #tpu.memory_space<vmem>>, vector<1x16xf32>,
        %swap3A_1359 = vector.shape_cast %swap3A_1358 : vector<1x16xf32> to vector<16xf32>
        %swap3A_1360 = vector.shape_cast %mul3A_1355 : vector<16xf32> to vector<1x16xf32>
        tpu.vector_store %arg10[%swap3A_1356, %swap3A_1357], %swap3A_1360 {strides = array<i32>} : memref<128x128xf32, #tpu.memory_space<vmem>>, vector<1x16xf32>,
        %get3A_1361 = arith.index_cast %add3A_1283 : i32 to index
        %get3A_1362 = arith.constant 112 : index
        %get3A_1363 = tpu.vector_load %arg10[%get3A_1361, %get3A_1362] {strides = array<i32>} : memref<128x128xf32, #tpu.memory_space<vmem>>, vector<1x16xf32>,
        %get3A_1364 = vector.shape_cast %get3A_1363 : vector<1x16xf32> to vector<16xf32>
        %mul3A_1365 = vector.broadcast %squeeze3A_1279 : f32 to vector<16xf32>
        %mul3A_1366 = arith.mulf %get3A_1364, %mul3A_1365 : vector<16xf32>
        %swap3A_1367 = arith.index_cast %add3A_1283 : i32 to index
        %swap3A_1368 = arith.constant 112 : index
        %swap3A_1369 = tpu.vector_load %arg10[%swap3A_1367, %swap3A_1368] {strides = array<i32>} : memref<128x128xf32, #tpu.memory_space<vmem>>, vector<1x16xf32>,
        %swap3A_1370 = vector.shape_cast %swap3A_1369 : vector<1x16xf32> to vector<16xf32>
        %swap3A_1371 = vector.shape_cast %mul3A_1366 : vector<16xf32> to vector<1x16xf32>
        tpu.vector_store %arg10[%swap3A_1367, %swap3A_1368], %swap3A_1371 {strides = array<i32>} : memref<128x128xf32, #tpu.memory_space<vmem>>, vector<1x16xf32>,
        %slice3A_1372 = vector.extract_strided_slice %get3A_58 {offsets = [14], sizes = [1], strides = [1]} : vector<16xf32> to vector<1xf32>
        %squeeze3A_1373 = vector.extract %slice3A_1372[0] : f32 from vector<1xf32>
        %mul3A_1374 = arith.constant 16 : i32
        %mul3A_1375 = arith.muli %add3A_53, %mul3A_1374 : i32
        %add3A_1376 = arith.constant 14 : i32
        %add3A_1377 = arith.addi %mul3A_1375, %add3A_1376 : i32
        %get3A_1378 = arith.index_cast %add3A_1377 : i32 to index
        %get3A_1379 = arith.constant 0 : index
        %get3A_1380 = tpu.vector_load %arg10[%get3A_1378, %get3A_1379] {strides = array<i32>} : memref<128x128xf32, #tpu.memory_space<vmem>>, vector<1x16xf32>,
        %get3A_1381 = vector.shape_cast %get3A_1380 : vector<1x16xf32> to vector<16xf32>
        %mul3A_1382 = vector.broadcast %squeeze3A_1373 : f32 to vector<16xf32>
        %mul3A_1383 = arith.mulf %get3A_1381, %mul3A_1382 : vector<16xf32>
        %swap3A_1384 = arith.index_cast %add3A_1377 : i32 to index
        %swap3A_1385 = arith.constant 0 : index
        %swap3A_1386 = tpu.vector_load %arg10[%swap3A_1384, %swap3A_1385] {strides = array<i32>} : memref<128x128xf32, #tpu.memory_space<vmem>>, vector<1x16xf32>,
        %swap3A_1387 = vector.shape_cast %swap3A_1386 : vector<1x16xf32> to vector<16xf32>
        %swap3A_1388 = vector.shape_cast %mul3A_1383 : vector<16xf32> to vector<1x16xf32>
        tpu.vector_store %arg10[%swap3A_1384, %swap3A_1385], %swap3A_1388 {strides = array<i32>} : memref<128x128xf32, #tpu.memory_space<vmem>>, vector<1x16xf32>,
        %get3A_1389 = arith.index_cast %add3A_1377 : i32 to index
        %get3A_1390 = arith.constant 16 : index
        %get3A_1391 = tpu.vector_load %arg10[%get3A_1389, %get3A_1390] {strides = array<i32>} : memref<128x128xf32, #tpu.memory_space<vmem>>, vector<1x16xf32>,
        %get3A_1392 = vector.shape_cast %get3A_1391 : vector<1x16xf32> to vector<16xf32>
        %mul3A_1393 = vector.broadcast %squeeze3A_1373 : f32 to vector<16xf32>
        %mul3A_1394 = arith.mulf %get3A_1392, %mul3A_1393 : vector<16xf32>
        %swap3A_1395 = arith.index_cast %add3A_1377 : i32 to index
        %swap3A_1396 = arith.constant 16 : index
        %swap3A_1397 = tpu.vector_load %arg10[%swap3A_1395, %swap3A_1396] {strides = array<i32>} : memref<128x128xf32, #tpu.memory_space<vmem>>, vector<1x16xf32>,
        %swap3A_1398 = vector.shape_cast %swap3A_1397 : vector<1x16xf32> to vector<16xf32>
        %swap3A_1399 = vector.shape_cast %mul3A_1394 : vector<16xf32> to vector<1x16xf32>
        tpu.vector_store %arg10[%swap3A_1395, %swap3A_1396], %swap3A_1399 {strides = array<i32>} : memref<128x128xf32, #tpu.memory_space<vmem>>, vector<1x16xf32>,
        %get3A_1400 = arith.index_cast %add3A_1377 : i32 to index
        %get3A_1401 = arith.constant 32 : index
        %get3A_1402 = tpu.vector_load %arg10[%get3A_1400, %get3A_1401] {strides = array<i32>} : memref<128x128xf32, #tpu.memory_space<vmem>>, vector<1x16xf32>,
        %get3A_1403 = vector.shape_cast %get3A_1402 : vector<1x16xf32> to vector<16xf32>
        %mul3A_1404 = vector.broadcast %squeeze3A_1373 : f32 to vector<16xf32>
        %mul3A_1405 = arith.mulf %get3A_1403, %mul3A_1404 : vector<16xf32>
        %swap3A_1406 = arith.index_cast %add3A_1377 : i32 to index
        %swap3A_1407 = arith.constant 32 : index
        %swap3A_1408 = tpu.vector_load %arg10[%swap3A_1406, %swap3A_1407] {strides = array<i32>} : memref<128x128xf32, #tpu.memory_space<vmem>>, vector<1x16xf32>,
        %swap3A_1409 = vector.shape_cast %swap3A_1408 : vector<1x16xf32> to vector<16xf32>
        %swap3A_1410 = vector.shape_cast %mul3A_1405 : vector<16xf32> to vector<1x16xf32>
        tpu.vector_store %arg10[%swap3A_1406, %swap3A_1407], %swap3A_1410 {strides = array<i32>} : memref<128x128xf32, #tpu.memory_space<vmem>>, vector<1x16xf32>,
        %get3A_1411 = arith.index_cast %add3A_1377 : i32 to index
        %get3A_1412 = arith.constant 48 : index
        %get3A_1413 = tpu.vector_load %arg10[%get3A_1411, %get3A_1412] {strides = array<i32>} : memref<128x128xf32, #tpu.memory_space<vmem>>, vector<1x16xf32>,
        %get3A_1414 = vector.shape_cast %get3A_1413 : vector<1x16xf32> to vector<16xf32>
        %mul3A_1415 = vector.broadcast %squeeze3A_1373 : f32 to vector<16xf32>
        %mul3A_1416 = arith.mulf %get3A_1414, %mul3A_1415 : vector<16xf32>
        %swap3A_1417 = arith.index_cast %add3A_1377 : i32 to index
        %swap3A_1418 = arith.constant 48 : index
        %swap3A_1419 = tpu.vector_load %arg10[%swap3A_1417, %swap3A_1418] {strides = array<i32>} : memref<128x128xf32, #tpu.memory_space<vmem>>, vector<1x16xf32>,
        %swap3A_1420 = vector.shape_cast %swap3A_1419 : vector<1x16xf32> to vector<16xf32>
        %swap3A_1421 = vector.shape_cast %mul3A_1416 : vector<16xf32> to vector<1x16xf32>
        tpu.vector_store %arg10[%swap3A_1417, %swap3A_1418], %swap3A_1421 {strides = array<i32>} : memref<128x128xf32, #tpu.memory_space<vmem>>, vector<1x16xf32>,
        %get3A_1422 = arith.index_cast %add3A_1377 : i32 to index
        %get3A_1423 = arith.constant 64 : index
        %get3A_1424 = tpu.vector_load %arg10[%get3A_1422, %get3A_1423] {strides = array<i32>} : memref<128x128xf32, #tpu.memory_space<vmem>>, vector<1x16xf32>,
        %get3A_1425 = vector.shape_cast %get3A_1424 : vector<1x16xf32> to vector<16xf32>
        %mul3A_1426 = vector.broadcast %squeeze3A_1373 : f32 to vector<16xf32>
        %mul3A_1427 = arith.mulf %get3A_1425, %mul3A_1426 : vector<16xf32>
        %swap3A_1428 = arith.index_cast %add3A_1377 : i32 to index
        %swap3A_1429 = arith.constant 64 : index
        %swap3A_1430 = tpu.vector_load %arg10[%swap3A_1428, %swap3A_1429] {strides = array<i32>} : memref<128x128xf32, #tpu.memory_space<vmem>>, vector<1x16xf32>,
        %swap3A_1431 = vector.shape_cast %swap3A_1430 : vector<1x16xf32> to vector<16xf32>
        %swap3A_1432 = vector.shape_cast %mul3A_1427 : vector<16xf32> to vector<1x16xf32>
        tpu.vector_store %arg10[%swap3A_1428, %swap3A_1429], %swap3A_1432 {strides = array<i32>} : memref<128x128xf32, #tpu.memory_space<vmem>>, vector<1x16xf32>,
        %get3A_1433 = arith.index_cast %add3A_1377 : i32 to index
        %get3A_1434 = arith.constant 80 : index
        %get3A_1435 = tpu.vector_load %arg10[%get3A_1433, %get3A_1434] {strides = array<i32>} : memref<128x128xf32, #tpu.memory_space<vmem>>, vector<1x16xf32>,
        %get3A_1436 = vector.shape_cast %get3A_1435 : vector<1x16xf32> to vector<16xf32>
        %mul3A_1437 = vector.broadcast %squeeze3A_1373 : f32 to vector<16xf32>
        %mul3A_1438 = arith.mulf %get3A_1436, %mul3A_1437 : vector<16xf32>
        %swap3A_1439 = arith.index_cast %add3A_1377 : i32 to index
        %swap3A_1440 = arith.constant 80 : index
        %swap3A_1441 = tpu.vector_load %arg10[%swap3A_1439, %swap3A_1440] {strides = array<i32>} : memref<128x128xf32, #tpu.memory_space<vmem>>, vector<1x16xf32>,
        %swap3A_1442 = vector.shape_cast %swap3A_1441 : vector<1x16xf32> to vector<16xf32>
        %swap3A_1443 = vector.shape_cast %mul3A_1438 : vector<16xf32> to vector<1x16xf32>
        tpu.vector_store %arg10[%swap3A_1439, %swap3A_1440], %swap3A_1443 {strides = array<i32>} : memref<128x128xf32, #tpu.memory_space<vmem>>, vector<1x16xf32>,
        %get3A_1444 = arith.index_cast %add3A_1377 : i32 to index
        %get3A_1445 = arith.constant 96 : index
        %get3A_1446 = tpu.vector_load %arg10[%get3A_1444, %get3A_1445] {strides = array<i32>} : memref<128x128xf32, #tpu.memory_space<vmem>>, vector<1x16xf32>,
        %get3A_1447 = vector.shape_cast %get3A_1446 : vector<1x16xf32> to vector<16xf32>
        %mul3A_1448 = vector.broadcast %squeeze3A_1373 : f32 to vector<16xf32>
        %mul3A_1449 = arith.mulf %get3A_1447, %mul3A_1448 : vector<16xf32>
        %swap3A_1450 = arith.index_cast %add3A_1377 : i32 to index
        %swap3A_1451 = arith.constant 96 : index
        %swap3A_1452 = tpu.vector_load %arg10[%swap3A_1450, %swap3A_1451] {strides = array<i32>} : memref<128x128xf32, #tpu.memory_space<vmem>>, vector<1x16xf32>,
        %swap3A_1453 = vector.shape_cast %swap3A_1452 : vector<1x16xf32> to vector<16xf32>
        %swap3A_1454 = vector.shape_cast %mul3A_1449 : vector<16xf32> to vector<1x16xf32>
        tpu.vector_store %arg10[%swap3A_1450, %swap3A_1451], %swap3A_1454 {strides = array<i32>} : memref<128x128xf32, #tpu.memory_space<vmem>>, vector<1x16xf32>,
        %get3A_1455 = arith.index_cast %add3A_1377 : i32 to index
        %get3A_1456 = arith.constant 112 : index
        %get3A_1457 = tpu.vector_load %arg10[%get3A_1455, %get3A_1456] {strides = array<i32>} : memref<128x128xf32, #tpu.memory_space<vmem>>, vector<1x16xf32>,
        %get3A_1458 = vector.shape_cast %get3A_1457 : vector<1x16xf32> to vector<16xf32>
        %mul3A_1459 = vector.broadcast %squeeze3A_1373 : f32 to vector<16xf32>
        %mul3A_1460 = arith.mulf %get3A_1458, %mul3A_1459 : vector<16xf32>
        %swap3A_1461 = arith.index_cast %add3A_1377 : i32 to index
        %swap3A_1462 = arith.constant 112 : index
        %swap3A_1463 = tpu.vector_load %arg10[%swap3A_1461, %swap3A_1462] {strides = array<i32>} : memref<128x128xf32, #tpu.memory_space<vmem>>, vector<1x16xf32>,
        %swap3A_1464 = vector.shape_cast %swap3A_1463 : vector<1x16xf32> to vector<16xf32>
        %swap3A_1465 = vector.shape_cast %mul3A_1460 : vector<16xf32> to vector<1x16xf32>
        tpu.vector_store %arg10[%swap3A_1461, %swap3A_1462], %swap3A_1465 {strides = array<i32>} : memref<128x128xf32, #tpu.memory_space<vmem>>, vector<1x16xf32>,
        %slice3A_1466 = vector.extract_strided_slice %get3A_58 {offsets = [15], sizes = [1], strides = [1]} : vector<16xf32> to vector<1xf32>
        %squeeze3A_1467 = vector.extract %slice3A_1466[0] : f32 from vector<1xf32>
        %mul3A_1468 = arith.constant 16 : i32
        %mul3A_1469 = arith.muli %add3A_53, %mul3A_1468 : i32
        %add3A_1470 = arith.constant 15 : i32
        %add3A_1471 = arith.addi %mul3A_1469, %add3A_1470 : i32
        %get3A_1472 = arith.index_cast %add3A_1471 : i32 to index
        %get3A_1473 = arith.constant 0 : index
        %get3A_1474 = tpu.vector_load %arg10[%get3A_1472, %get3A_1473] {strides = array<i32>} : memref<128x128xf32, #tpu.memory_space<vmem>>, vector<1x16xf32>,
        %get3A_1475 = vector.shape_cast %get3A_1474 : vector<1x16xf32> to vector<16xf32>
        %mul3A_1476 = vector.broadcast %squeeze3A_1467 : f32 to vector<16xf32>
        %mul3A_1477 = arith.mulf %get3A_1475, %mul3A_1476 : vector<16xf32>
        %swap3A_1478 = arith.index_cast %add3A_1471 : i32 to index
        %swap3A_1479 = arith.constant 0 : index
        %swap3A_1480 = tpu.vector_load %arg10[%swap3A_1478, %swap3A_1479] {strides = array<i32>} : memref<128x128xf32, #tpu.memory_space<vmem>>, vector<1x16xf32>,
        %swap3A_1481 = vector.shape_cast %swap3A_1480 : vector<1x16xf32> to vector<16xf32>
        %swap3A_1482 = vector.shape_cast %mul3A_1477 : vector<16xf32> to vector<1x16xf32>
        tpu.vector_store %arg10[%swap3A_1478, %swap3A_1479], %swap3A_1482 {strides = array<i32>} : memref<128x128xf32, #tpu.memory_space<vmem>>, vector<1x16xf32>,
        %get3A_1483 = arith.index_cast %add3A_1471 : i32 to index
        %get3A_1484 = arith.constant 16 : index
        %get3A_1485 = tpu.vector_load %arg10[%get3A_1483, %get3A_1484] {strides = array<i32>} : memref<128x128xf32, #tpu.memory_space<vmem>>, vector<1x16xf32>,
        %get3A_1486 = vector.shape_cast %get3A_1485 : vector<1x16xf32> to vector<16xf32>
        %mul3A_1487 = vector.broadcast %squeeze3A_1467 : f32 to vector<16xf32>
        %mul3A_1488 = arith.mulf %get3A_1486, %mul3A_1487 : vector<16xf32>
        %swap3A_1489 = arith.index_cast %add3A_1471 : i32 to index
        %swap3A_1490 = arith.constant 16 : index
        %swap3A_1491 = tpu.vector_load %arg10[%swap3A_1489, %swap3A_1490] {strides = array<i32>} : memref<128x128xf32, #tpu.memory_space<vmem>>, vector<1x16xf32>,
        %swap3A_1492 = vector.shape_cast %swap3A_1491 : vector<1x16xf32> to vector<16xf32>
        %swap3A_1493 = vector.shape_cast %mul3A_1488 : vector<16xf32> to vector<1x16xf32>
        tpu.vector_store %arg10[%swap3A_1489, %swap3A_1490], %swap3A_1493 {strides = array<i32>} : memref<128x128xf32, #tpu.memory_space<vmem>>, vector<1x16xf32>,
        %get3A_1494 = arith.index_cast %add3A_1471 : i32 to index
        %get3A_1495 = arith.constant 32 : index
        %get3A_1496 = tpu.vector_load %arg10[%get3A_1494, %get3A_1495] {strides = array<i32>} : memref<128x128xf32, #tpu.memory_space<vmem>>, vector<1x16xf32>,
        %get3A_1497 = vector.shape_cast %get3A_1496 : vector<1x16xf32> to vector<16xf32>
        %mul3A_1498 = vector.broadcast %squeeze3A_1467 : f32 to vector<16xf32>
        %mul3A_1499 = arith.mulf %get3A_1497, %mul3A_1498 : vector<16xf32>
        %swap3A_1500 = arith.index_cast %add3A_1471 : i32 to index
        %swap3A_1501 = arith.constant 32 : index
        %swap3A_1502 = tpu.vector_load %arg10[%swap3A_1500, %swap3A_1501] {strides = array<i32>} : memref<128x128xf32, #tpu.memory_space<vmem>>, vector<1x16xf32>,
        %swap3A_1503 = vector.shape_cast %swap3A_1502 : vector<1x16xf32> to vector<16xf32>
        %swap3A_1504 = vector.shape_cast %mul3A_1499 : vector<16xf32> to vector<1x16xf32>
        tpu.vector_store %arg10[%swap3A_1500, %swap3A_1501], %swap3A_1504 {strides = array<i32>} : memref<128x128xf32, #tpu.memory_space<vmem>>, vector<1x16xf32>,
        %get3A_1505 = arith.index_cast %add3A_1471 : i32 to index
        %get3A_1506 = arith.constant 48 : index
        %get3A_1507 = tpu.vector_load %arg10[%get3A_1505, %get3A_1506] {strides = array<i32>} : memref<128x128xf32, #tpu.memory_space<vmem>>, vector<1x16xf32>,
        %get3A_1508 = vector.shape_cast %get3A_1507 : vector<1x16xf32> to vector<16xf32>
        %mul3A_1509 = vector.broadcast %squeeze3A_1467 : f32 to vector<16xf32>
        %mul3A_1510 = arith.mulf %get3A_1508, %mul3A_1509 : vector<16xf32>
        %swap3A_1511 = arith.index_cast %add3A_1471 : i32 to index
        %swap3A_1512 = arith.constant 48 : index
        %swap3A_1513 = tpu.vector_load %arg10[%swap3A_1511, %swap3A_1512] {strides = array<i32>} : memref<128x128xf32, #tpu.memory_space<vmem>>, vector<1x16xf32>,
        %swap3A_1514 = vector.shape_cast %swap3A_1513 : vector<1x16xf32> to vector<16xf32>
        %swap3A_1515 = vector.shape_cast %mul3A_1510 : vector<16xf32> to vector<1x16xf32>
        tpu.vector_store %arg10[%swap3A_1511, %swap3A_1512], %swap3A_1515 {strides = array<i32>} : memref<128x128xf32, #tpu.memory_space<vmem>>, vector<1x16xf32>,
        %get3A_1516 = arith.index_cast %add3A_1471 : i32 to index
        %get3A_1517 = arith.constant 64 : index
        %get3A_1518 = tpu.vector_load %arg10[%get3A_1516, %get3A_1517] {strides = array<i32>} : memref<128x128xf32, #tpu.memory_space<vmem>>, vector<1x16xf32>,
        %get3A_1519 = vector.shape_cast %get3A_1518 : vector<1x16xf32> to vector<16xf32>
        %mul3A_1520 = vector.broadcast %squeeze3A_1467 : f32 to vector<16xf32>
        %mul3A_1521 = arith.mulf %get3A_1519, %mul3A_1520 : vector<16xf32>
        %swap3A_1522 = arith.index_cast %add3A_1471 : i32 to index
        %swap3A_1523 = arith.constant 64 : index
        %swap3A_1524 = tpu.vector_load %arg10[%swap3A_1522, %swap3A_1523] {strides = array<i32>} : memref<128x128xf32, #tpu.memory_space<vmem>>, vector<1x16xf32>,
        %swap3A_1525 = vector.shape_cast %swap3A_1524 : vector<1x16xf32> to vector<16xf32>
        %swap3A_1526 = vector.shape_cast %mul3A_1521 : vector<16xf32> to vector<1x16xf32>
        tpu.vector_store %arg10[%swap3A_1522, %swap3A_1523], %swap3A_1526 {strides = array<i32>} : memref<128x128xf32, #tpu.memory_space<vmem>>, vector<1x16xf32>,
        %get3A_1527 = arith.index_cast %add3A_1471 : i32 to index
        %get3A_1528 = arith.constant 80 : index
        %get3A_1529 = tpu.vector_load %arg10[%get3A_1527, %get3A_1528] {strides = array<i32>} : memref<128x128xf32, #tpu.memory_space<vmem>>, vector<1x16xf32>,
        %get3A_1530 = vector.shape_cast %get3A_1529 : vector<1x16xf32> to vector<16xf32>
        %mul3A_1531 = vector.broadcast %squeeze3A_1467 : f32 to vector<16xf32>
        %mul3A_1532 = arith.mulf %get3A_1530, %mul3A_1531 : vector<16xf32>
        %swap3A_1533 = arith.index_cast %add3A_1471 : i32 to index
        %swap3A_1534 = arith.constant 80 : index
        %swap3A_1535 = tpu.vector_load %arg10[%swap3A_1533, %swap3A_1534] {strides = array<i32>} : memref<128x128xf32, #tpu.memory_space<vmem>>, vector<1x16xf32>,
        %swap3A_1536 = vector.shape_cast %swap3A_1535 : vector<1x16xf32> to vector<16xf32>
        %swap3A_1537 = vector.shape_cast %mul3A_1532 : vector<16xf32> to vector<1x16xf32>
        tpu.vector_store %arg10[%swap3A_1533, %swap3A_1534], %swap3A_1537 {strides = array<i32>} : memref<128x128xf32, #tpu.memory_space<vmem>>, vector<1x16xf32>,
        %get3A_1538 = arith.index_cast %add3A_1471 : i32 to index
        %get3A_1539 = arith.constant 96 : index
        %get3A_1540 = tpu.vector_load %arg10[%get3A_1538, %get3A_1539] {strides = array<i32>} : memref<128x128xf32, #tpu.memory_space<vmem>>, vector<1x16xf32>,
        %get3A_1541 = vector.shape_cast %get3A_1540 : vector<1x16xf32> to vector<16xf32>
        %mul3A_1542 = vector.broadcast %squeeze3A_1467 : f32 to vector<16xf32>
        %mul3A_1543 = arith.mulf %get3A_1541, %mul3A_1542 : vector<16xf32>
        %swap3A_1544 = arith.index_cast %add3A_1471 : i32 to index
        %swap3A_1545 = arith.constant 96 : index
        %swap3A_1546 = tpu.vector_load %arg10[%swap3A_1544, %swap3A_1545] {strides = array<i32>} : memref<128x128xf32, #tpu.memory_space<vmem>>, vector<1x16xf32>,
        %swap3A_1547 = vector.shape_cast %swap3A_1546 : vector<1x16xf32> to vector<16xf32>
        %swap3A_1548 = vector.shape_cast %mul3A_1543 : vector<16xf32> to vector<1x16xf32>
        tpu.vector_store %arg10[%swap3A_1544, %swap3A_1545], %swap3A_1548 {strides = array<i32>} : memref<128x128xf32, #tpu.memory_space<vmem>>, vector<1x16xf32>,
        %get3A_1549 = arith.index_cast %add3A_1471 : i32 to index
        %get3A_1550 = arith.constant 112 : index
        %get3A_1551 = tpu.vector_load %arg10[%get3A_1549, %get3A_1550] {strides = array<i32>} : memref<128x128xf32, #tpu.memory_space<vmem>>, vector<1x16xf32>,
        %get3A_1552 = vector.shape_cast %get3A_1551 : vector<1x16xf32> to vector<16xf32>
        %mul3A_1553 = vector.broadcast %squeeze3A_1467 : f32 to vector<16xf32>
        %mul3A_1554 = arith.mulf %get3A_1552, %mul3A_1553 : vector<16xf32>
        %swap3A_1555 = arith.index_cast %add3A_1471 : i32 to index
        %swap3A_1556 = arith.constant 112 : index
        %swap3A_1557 = tpu.vector_load %arg10[%swap3A_1555, %swap3A_1556] {strides = array<i32>} : memref<128x128xf32, #tpu.memory_space<vmem>>, vector<1x16xf32>,
        %swap3A_1558 = vector.shape_cast %swap3A_1557 : vector<1x16xf32> to vector<16xf32>
        %swap3A_1559 = vector.shape_cast %mul3A_1554 : vector<16xf32> to vector<1x16xf32>
        tpu.vector_store %arg10[%swap3A_1555, %swap3A_1556], %swap3A_1559 {strides = array<i32>} : memref<128x128xf32, #tpu.memory_space<vmem>>, vector<1x16xf32>,
      }
      %scan3A_48 = arith.constant 8 : i32
      "tpu.region"() ({
        %run_scoped3A = tpu.sem_alloc : memref<!tpu.dma_semaphore, #tpu.memory_space<semaphore_mem>>
        %dma_start3A = tpu.memref_slice %arg8[%mul3A_43] : memref<10240xi32, #tpu.memory_space<vmem>> -> memref<128xi32, #tpu.memory_space<vmem>>
        %dma_start3A_49 = arith.constant 0 : i32
        %dma_start3A_50 = arith.constant 0 : i32
        %dma_start3A_51 = tpu.memref_slice %arg11[%dma_start3A_49, %dma_start3A_50] : memref<10240x128xf32, #tpu.memory_space<vmem_shared>> -> memref<10240x128xf32, #tpu.memory_space<vmem_shared>>
        tpu.enqueue_indirect_dma source(%arg10 : memref<128x128xf32, #tpu.memory_space<vmem>>) target(%dma_start3A_51 : memref<10240x128xf32, #tpu.memory_space<vmem_shared>>) offsets(%dma_start3A : memref<128xi32, #tpu.memory_space<vmem>>) semaphore(%run_scoped3A : memref<!tpu.dma_semaphore, #tpu.memory_space<semaphore_mem>>) {add = true}
        %dma_wait3A = tpu.memref_slice %arg8[%mul3A_43] : memref<10240xi32, #tpu.memory_space<vmem>> -> memref<128xi32, #tpu.memory_space<vmem>>
        %dma_wait3A_52 = arith.constant 0 : i32
        %dma_wait3A_53 = arith.constant 0 : i32
        %dma_wait3A_54 = tpu.memref_slice %arg11[%dma_wait3A_52, %dma_wait3A_53] : memref<10240x128xf32, #tpu.memory_space<vmem_shared>> -> memref<10240x128xf32, #tpu.memory_space<vmem_shared>>
        tpu.wait_indirect_dma semaphore(%run_scoped3A : memref<!tpu.dma_semaphore, #tpu.memory_space<semaphore_mem>>) src(%arg10 : memref<128x128xf32, #tpu.memory_space<vmem>>) dst(%dma_wait3A_54 : memref<10240x128xf32, #tpu.memory_space<vmem_shared>>)
        tpu.yield
      }) : () -> ()
    }
    %scan3A_31 = arith.constant 80 : i32
    %barrier3A_32 = arith.constant 0 : index
    tpu.barrier barrier_id(%barrier3A_32)
    %mul3A_33 = arith.constant 640 : i32
    %mul3A_34 = arith.muli %arg1, %mul3A_33 : i32
    %mul3A_35 = arith.constant 640 : i32
    %mul3A_36 = arith.muli %arg1, %mul3A_35 : i32
    "tpu.region"() ({
      %run_scoped3A = tpu.sem_alloc : memref<!tpu.dma_semaphore, #tpu.memory_space<semaphore_mem>>
      %dma_start3A = arith.constant 0 : i32
      %dma_start3A_37 = tpu.memref_slice %arg6[%arg0, %mul3A_36, %dma_start3A] : memref<2x10240x128xf32, #tpu.memory_space<hbm>> -> memref<1x640x128xf32, #tpu.memory_space<hbm>>
      %dma_start3A_38 = tpu.memref_squeeze %dma_start3A_37 : memref<1x640x128xf32, #tpu.memory_space<hbm>> -> memref<640x128xf32, #tpu.memory_space<hbm>>
      %dma_start3A_39 = arith.constant 0 : i32
      %dma_start3A_40 = tpu.memref_slice %arg11[%mul3A_34, %dma_start3A_39] : memref<10240x128xf32, #tpu.memory_space<vmem_shared>> -> memref<640x128xf32, #tpu.memory_space<vmem_shared>>
      tpu.enqueue_dma source(%dma_start3A_40 : memref<640x128xf32, #tpu.memory_space<vmem_shared>>) target(%dma_start3A_38 : memref<640x128xf32, #tpu.memory_space<hbm>>) target_semaphore(%run_scoped3A : memref<!tpu.dma_semaphore, #tpu.memory_space<semaphore_mem>>)
      %dma_wait3A = arith.constant 0 : i32
      %dma_wait3A_41 = tpu.memref_slice %arg6[%arg0, %mul3A_36, %dma_wait3A] : memref<2x10240x128xf32, #tpu.memory_space<hbm>> -> memref<1x640x128xf32, #tpu.memory_space<hbm>>
      %dma_wait3A_42 = tpu.memref_squeeze %dma_wait3A_41 : memref<1x640x128xf32, #tpu.memory_space<hbm>> -> memref<640x128xf32, #tpu.memory_space<hbm>>
      %dma_wait3A_43 = arith.constant 0 : i32
      %dma_wait3A_44 = tpu.memref_slice %arg11[%mul3A_34, %dma_wait3A_43] : memref<10240x128xf32, #tpu.memory_space<vmem_shared>> -> memref<640x128xf32, #tpu.memory_space<vmem_shared>>
      tpu.wait_dma2 semaphore(%run_scoped3A : memref<!tpu.dma_semaphore, #tpu.memory_space<semaphore_mem>>) src(%dma_wait3A_44 : memref<640x128xf32, #tpu.memory_space<vmem_shared>>) dst(%dma_wait3A_42 : memref<640x128xf32, #tpu.memory_space<hbm>>)
      tpu.yield
    }) : () -> ()
    return
  }
}

#map = affine_map<(d0, d1) -> (0, 0)>
#map1 = affine_map<(d0, d1) -> (0)>
#map2 = affine_map<(d0, d1) -> (0, 0, 0)>
module attributes {stable_mosaic.version = 14 : i64} {
  func.func @_agg_kernel(%arg0: i32, %arg1: i32, %arg2: memref<10240x128xf32, #tpu.memory_space<hbm>>, %arg3: memref<327680xi32, #tpu.memory_space<hbm>>, %arg4: memref<327680xi32, #tpu.memory_space<hbm>>, %arg5: memref<327680xf32, #tpu.memory_space<hbm>>, %arg6: memref<2x10240x128xf32, #tpu.memory_space<hbm>>, %arg7: memref<10240xi32, #tpu.memory_space<vmem>>, %arg8: memref<10240xi32, #tpu.memory_space<vmem>>, %arg9: memref<10240xf32, #tpu.memory_space<vmem>>, %arg10: memref<128x128xf32, #tpu.memory_space<vmem>>, %arg11: memref<10240x128xf32, #tpu.memory_space<vmem_shared>>) attributes {dimension_semantics = [#tpu.dimension_semantics<core_parallel>, #tpu.dimension_semantics<subcore_parallel>], iteration_bounds = array<i64: 2, 16>, scalar_prefetch = 0 : i64, scratch_operands = 5 : i64, tpu.core_type = #tpu.core_type<sc_vector_subcore>, window_params = [{transform_indices = #map}, {transform_indices = #map1}, {transform_indices = #map1}, {transform_indices = #map1}, {transform_indices = #map2}]} {
    %mul3A = arith.constant 16 : i32
    %mul3A_0 = arith.muli %arg0, %mul3A : i32
    %add3A = arith.addi %mul3A_0, %arg1 : i32
    %scan3A = arith.constant 0 : i32
    %scan3A_1 = arith.constant 128 : i32
    %scan3A_2 = arith.addi %scan3A, %scan3A_1 : i32
    %scan3A_3 = arith.constant 1 : i32
    scf.for %scan3A_37 = %scan3A to %scan3A_2 step %scan3A_3  : i32 {
      %mul3A_38 = arith.constant 1 : i32
      %mul3A_39 = arith.muli %scan3A_37, %mul3A_38 : i32
      %add3A_40 = arith.constant 0 : i32
      %add3A_41 = arith.addi %add3A_40, %mul3A_39 : i32
      %broadcast_in_dim3A = arith.constant 0.000000e+00 : f32
      %broadcast_in_dim3A_42 = vector.broadcast %broadcast_in_dim3A : f32 to vector<16xf32>
      %swap3A = arith.index_cast %add3A_41 : i32 to index
      %swap3A_43 = arith.constant 0 : index
      %swap3A_44 = tpu.vector_load %arg10[%swap3A, %swap3A_43] {strides = array<i32>} : memref<128x128xf32, #tpu.memory_space<vmem>>, vector<1x16xf32>,
      %swap3A_45 = vector.shape_cast %swap3A_44 : vector<1x16xf32> to vector<16xf32>
      %swap3A_46 = vector.shape_cast %broadcast_in_dim3A_42 : vector<16xf32> to vector<1x16xf32>
      tpu.vector_store %arg10[%swap3A, %swap3A_43], %swap3A_46 {strides = array<i32>} : memref<128x128xf32, #tpu.memory_space<vmem>>, vector<1x16xf32>,
      %broadcast_in_dim3A_47 = arith.constant 0.000000e+00 : f32
      %broadcast_in_dim3A_48 = vector.broadcast %broadcast_in_dim3A_47 : f32 to vector<16xf32>
      %swap3A_49 = arith.index_cast %add3A_41 : i32 to index
      %swap3A_50 = arith.constant 16 : index
      %swap3A_51 = tpu.vector_load %arg10[%swap3A_49, %swap3A_50] {strides = array<i32>} : memref<128x128xf32, #tpu.memory_space<vmem>>, vector<1x16xf32>,
      %swap3A_52 = vector.shape_cast %swap3A_51 : vector<1x16xf32> to vector<16xf32>
      %swap3A_53 = vector.shape_cast %broadcast_in_dim3A_48 : vector<16xf32> to vector<1x16xf32>
      tpu.vector_store %arg10[%swap3A_49, %swap3A_50], %swap3A_53 {strides = array<i32>} : memref<128x128xf32, #tpu.memory_space<vmem>>, vector<1x16xf32>,
      %broadcast_in_dim3A_54 = arith.constant 0.000000e+00 : f32
      %broadcast_in_dim3A_55 = vector.broadcast %broadcast_in_dim3A_54 : f32 to vector<16xf32>
      %swap3A_56 = arith.index_cast %add3A_41 : i32 to index
      %swap3A_57 = arith.constant 32 : index
      %swap3A_58 = tpu.vector_load %arg10[%swap3A_56, %swap3A_57] {strides = array<i32>} : memref<128x128xf32, #tpu.memory_space<vmem>>, vector<1x16xf32>,
      %swap3A_59 = vector.shape_cast %swap3A_58 : vector<1x16xf32> to vector<16xf32>
      %swap3A_60 = vector.shape_cast %broadcast_in_dim3A_55 : vector<16xf32> to vector<1x16xf32>
      tpu.vector_store %arg10[%swap3A_56, %swap3A_57], %swap3A_60 {strides = array<i32>} : memref<128x128xf32, #tpu.memory_space<vmem>>, vector<1x16xf32>,
      %broadcast_in_dim3A_61 = arith.constant 0.000000e+00 : f32
      %broadcast_in_dim3A_62 = vector.broadcast %broadcast_in_dim3A_61 : f32 to vector<16xf32>
      %swap3A_63 = arith.index_cast %add3A_41 : i32 to index
      %swap3A_64 = arith.constant 48 : index
      %swap3A_65 = tpu.vector_load %arg10[%swap3A_63, %swap3A_64] {strides = array<i32>} : memref<128x128xf32, #tpu.memory_space<vmem>>, vector<1x16xf32>,
      %swap3A_66 = vector.shape_cast %swap3A_65 : vector<1x16xf32> to vector<16xf32>
      %swap3A_67 = vector.shape_cast %broadcast_in_dim3A_62 : vector<16xf32> to vector<1x16xf32>
      tpu.vector_store %arg10[%swap3A_63, %swap3A_64], %swap3A_67 {strides = array<i32>} : memref<128x128xf32, #tpu.memory_space<vmem>>, vector<1x16xf32>,
      %broadcast_in_dim3A_68 = arith.constant 0.000000e+00 : f32
      %broadcast_in_dim3A_69 = vector.broadcast %broadcast_in_dim3A_68 : f32 to vector<16xf32>
      %swap3A_70 = arith.index_cast %add3A_41 : i32 to index
      %swap3A_71 = arith.constant 64 : index
      %swap3A_72 = tpu.vector_load %arg10[%swap3A_70, %swap3A_71] {strides = array<i32>} : memref<128x128xf32, #tpu.memory_space<vmem>>, vector<1x16xf32>,
      %swap3A_73 = vector.shape_cast %swap3A_72 : vector<1x16xf32> to vector<16xf32>
      %swap3A_74 = vector.shape_cast %broadcast_in_dim3A_69 : vector<16xf32> to vector<1x16xf32>
      tpu.vector_store %arg10[%swap3A_70, %swap3A_71], %swap3A_74 {strides = array<i32>} : memref<128x128xf32, #tpu.memory_space<vmem>>, vector<1x16xf32>,
      %broadcast_in_dim3A_75 = arith.constant 0.000000e+00 : f32
      %broadcast_in_dim3A_76 = vector.broadcast %broadcast_in_dim3A_75 : f32 to vector<16xf32>
      %swap3A_77 = arith.index_cast %add3A_41 : i32 to index
      %swap3A_78 = arith.constant 80 : index
      %swap3A_79 = tpu.vector_load %arg10[%swap3A_77, %swap3A_78] {strides = array<i32>} : memref<128x128xf32, #tpu.memory_space<vmem>>, vector<1x16xf32>,
      %swap3A_80 = vector.shape_cast %swap3A_79 : vector<1x16xf32> to vector<16xf32>
      %swap3A_81 = vector.shape_cast %broadcast_in_dim3A_76 : vector<16xf32> to vector<1x16xf32>
      tpu.vector_store %arg10[%swap3A_77, %swap3A_78], %swap3A_81 {strides = array<i32>} : memref<128x128xf32, #tpu.memory_space<vmem>>, vector<1x16xf32>,
      %broadcast_in_dim3A_82 = arith.constant 0.000000e+00 : f32
      %broadcast_in_dim3A_83 = vector.broadcast %broadcast_in_dim3A_82 : f32 to vector<16xf32>
      %swap3A_84 = arith.index_cast %add3A_41 : i32 to index
      %swap3A_85 = arith.constant 96 : index
      %swap3A_86 = tpu.vector_load %arg10[%swap3A_84, %swap3A_85] {strides = array<i32>} : memref<128x128xf32, #tpu.memory_space<vmem>>, vector<1x16xf32>,
      %swap3A_87 = vector.shape_cast %swap3A_86 : vector<1x16xf32> to vector<16xf32>
      %swap3A_88 = vector.shape_cast %broadcast_in_dim3A_83 : vector<16xf32> to vector<1x16xf32>
      tpu.vector_store %arg10[%swap3A_84, %swap3A_85], %swap3A_88 {strides = array<i32>} : memref<128x128xf32, #tpu.memory_space<vmem>>, vector<1x16xf32>,
      %broadcast_in_dim3A_89 = arith.constant 0.000000e+00 : f32
      %broadcast_in_dim3A_90 = vector.broadcast %broadcast_in_dim3A_89 : f32 to vector<16xf32>
      %swap3A_91 = arith.index_cast %add3A_41 : i32 to index
      %swap3A_92 = arith.constant 112 : index
      %swap3A_93 = tpu.vector_load %arg10[%swap3A_91, %swap3A_92] {strides = array<i32>} : memref<128x128xf32, #tpu.memory_space<vmem>>, vector<1x16xf32>,
      %swap3A_94 = vector.shape_cast %swap3A_93 : vector<1x16xf32> to vector<16xf32>
      %swap3A_95 = vector.shape_cast %broadcast_in_dim3A_90 : vector<16xf32> to vector<1x16xf32>
      tpu.vector_store %arg10[%swap3A_91, %swap3A_92], %swap3A_95 {strides = array<i32>} : memref<128x128xf32, #tpu.memory_space<vmem>>, vector<1x16xf32>,
    }
    %scan3A_4 = arith.constant 128 : i32
    %mul3A_5 = arith.constant 640 : i32
    %mul3A_6 = arith.muli %arg1, %mul3A_5 : i32
    %add3A_7 = arith.constant 0 : i32
    %add3A_8 = arith.addi %mul3A_6, %add3A_7 : i32
    "tpu.region"() ({
      %run_scoped3A = tpu.sem_alloc : memref<!tpu.dma_semaphore, #tpu.memory_space<semaphore_mem>>
      %dma_start3A = arith.constant 0 : i32
      %dma_start3A_37 = tpu.memref_slice %arg11[%add3A_8, %dma_start3A] : memref<10240x128xf32, #tpu.memory_space<vmem_shared>> -> memref<128x128xf32, #tpu.memory_space<vmem_shared>>
      %dma_start3A_38 = arith.constant 0 : i32
      %dma_start3A_39 = tpu.memref_slice %arg11[%add3A_8, %dma_start3A_38] : memref<10240x128xf32, #tpu.memory_space<vmem_shared>> -> memref<128x128xf32, #tpu.memory_space<vmem_shared>>
      tpu.enqueue_dma source(%arg10 : memref<128x128xf32, #tpu.memory_space<vmem>>) target(%dma_start3A_39 : memref<128x128xf32, #tpu.memory_space<vmem_shared>>) target_semaphore(%run_scoped3A : memref<!tpu.dma_semaphore, #tpu.memory_space<semaphore_mem>>)
      %dma_wait3A = arith.constant 0 : i32
      %dma_wait3A_40 = tpu.memref_slice %arg11[%add3A_8, %dma_wait3A] : memref<10240x128xf32, #tpu.memory_space<vmem_shared>> -> memref<128x128xf32, #tpu.memory_space<vmem_shared>>
      %dma_wait3A_41 = arith.constant 0 : i32
      %dma_wait3A_42 = tpu.memref_slice %arg11[%add3A_8, %dma_wait3A_41] : memref<10240x128xf32, #tpu.memory_space<vmem_shared>> -> memref<128x128xf32, #tpu.memory_space<vmem_shared>>
      tpu.wait_dma2 semaphore(%run_scoped3A : memref<!tpu.dma_semaphore, #tpu.memory_space<semaphore_mem>>) src(%arg10 : memref<128x128xf32, #tpu.memory_space<vmem>>) dst(%dma_wait3A_42 : memref<128x128xf32, #tpu.memory_space<vmem_shared>>)
      tpu.yield
    }) : () -> ()
    %mul3A_9 = arith.constant 640 : i32
    %mul3A_10 = arith.muli %arg1, %mul3A_9 : i32
    %add3A_11 = arith.constant 128 : i32
    %add3A_12 = arith.addi %mul3A_10, %add3A_11 : i32
    "tpu.region"() ({
      %run_scoped3A = tpu.sem_alloc : memref<!tpu.dma_semaphore, #tpu.memory_space<semaphore_mem>>
      %dma_start3A = arith.constant 0 : i32
      %dma_start3A_37 = tpu.memref_slice %arg11[%add3A_12, %dma_start3A] : memref<10240x128xf32, #tpu.memory_space<vmem_shared>> -> memref<128x128xf32, #tpu.memory_space<vmem_shared>>
      %dma_start3A_38 = arith.constant 0 : i32
      %dma_start3A_39 = tpu.memref_slice %arg11[%add3A_12, %dma_start3A_38] : memref<10240x128xf32, #tpu.memory_space<vmem_shared>> -> memref<128x128xf32, #tpu.memory_space<vmem_shared>>
      tpu.enqueue_dma source(%arg10 : memref<128x128xf32, #tpu.memory_space<vmem>>) target(%dma_start3A_39 : memref<128x128xf32, #tpu.memory_space<vmem_shared>>) target_semaphore(%run_scoped3A : memref<!tpu.dma_semaphore, #tpu.memory_space<semaphore_mem>>)
      %dma_wait3A = arith.constant 0 : i32
      %dma_wait3A_40 = tpu.memref_slice %arg11[%add3A_12, %dma_wait3A] : memref<10240x128xf32, #tpu.memory_space<vmem_shared>> -> memref<128x128xf32, #tpu.memory_space<vmem_shared>>
      %dma_wait3A_41 = arith.constant 0 : i32
      %dma_wait3A_42 = tpu.memref_slice %arg11[%add3A_12, %dma_wait3A_41] : memref<10240x128xf32, #tpu.memory_space<vmem_shared>> -> memref<128x128xf32, #tpu.memory_space<vmem_shared>>
      tpu.wait_dma2 semaphore(%run_scoped3A : memref<!tpu.dma_semaphore, #tpu.memory_space<semaphore_mem>>) src(%arg10 : memref<128x128xf32, #tpu.memory_space<vmem>>) dst(%dma_wait3A_42 : memref<128x128xf32, #tpu.memory_space<vmem_shared>>)
      tpu.yield
    }) : () -> ()
    %mul3A_13 = arith.constant 640 : i32
    %mul3A_14 = arith.muli %arg1, %mul3A_13 : i32
    %add3A_15 = arith.constant 256 : i32
    %add3A_16 = arith.addi %mul3A_14, %add3A_15 : i32
    "tpu.region"() ({
      %run_scoped3A = tpu.sem_alloc : memref<!tpu.dma_semaphore, #tpu.memory_space<semaphore_mem>>
      %dma_start3A = arith.constant 0 : i32
      %dma_start3A_37 = tpu.memref_slice %arg11[%add3A_16, %dma_start3A] : memref<10240x128xf32, #tpu.memory_space<vmem_shared>> -> memref<128x128xf32, #tpu.memory_space<vmem_shared>>
      %dma_start3A_38 = arith.constant 0 : i32
      %dma_start3A_39 = tpu.memref_slice %arg11[%add3A_16, %dma_start3A_38] : memref<10240x128xf32, #tpu.memory_space<vmem_shared>> -> memref<128x128xf32, #tpu.memory_space<vmem_shared>>
      tpu.enqueue_dma source(%arg10 : memref<128x128xf32, #tpu.memory_space<vmem>>) target(%dma_start3A_39 : memref<128x128xf32, #tpu.memory_space<vmem_shared>>) target_semaphore(%run_scoped3A : memref<!tpu.dma_semaphore, #tpu.memory_space<semaphore_mem>>)
      %dma_wait3A = arith.constant 0 : i32
      %dma_wait3A_40 = tpu.memref_slice %arg11[%add3A_16, %dma_wait3A] : memref<10240x128xf32, #tpu.memory_space<vmem_shared>> -> memref<128x128xf32, #tpu.memory_space<vmem_shared>>
      %dma_wait3A_41 = arith.constant 0 : i32
      %dma_wait3A_42 = tpu.memref_slice %arg11[%add3A_16, %dma_wait3A_41] : memref<10240x128xf32, #tpu.memory_space<vmem_shared>> -> memref<128x128xf32, #tpu.memory_space<vmem_shared>>
      tpu.wait_dma2 semaphore(%run_scoped3A : memref<!tpu.dma_semaphore, #tpu.memory_space<semaphore_mem>>) src(%arg10 : memref<128x128xf32, #tpu.memory_space<vmem>>) dst(%dma_wait3A_42 : memref<128x128xf32, #tpu.memory_space<vmem_shared>>)
      tpu.yield
    }) : () -> ()
    %mul3A_17 = arith.constant 640 : i32
    %mul3A_18 = arith.muli %arg1, %mul3A_17 : i32
    %add3A_19 = arith.constant 384 : i32
    %add3A_20 = arith.addi %mul3A_18, %add3A_19 : i32
    "tpu.region"() ({
      %run_scoped3A = tpu.sem_alloc : memref<!tpu.dma_semaphore, #tpu.memory_space<semaphore_mem>>
      %dma_start3A = arith.constant 0 : i32
      %dma_start3A_37 = tpu.memref_slice %arg11[%add3A_20, %dma_start3A] : memref<10240x128xf32, #tpu.memory_space<vmem_shared>> -> memref<128x128xf32, #tpu.memory_space<vmem_shared>>
      %dma_start3A_38 = arith.constant 0 : i32
      %dma_start3A_39 = tpu.memref_slice %arg11[%add3A_20, %dma_start3A_38] : memref<10240x128xf32, #tpu.memory_space<vmem_shared>> -> memref<128x128xf32, #tpu.memory_space<vmem_shared>>
      tpu.enqueue_dma source(%arg10 : memref<128x128xf32, #tpu.memory_space<vmem>>) target(%dma_start3A_39 : memref<128x128xf32, #tpu.memory_space<vmem_shared>>) target_semaphore(%run_scoped3A : memref<!tpu.dma_semaphore, #tpu.memory_space<semaphore_mem>>)
      %dma_wait3A = arith.constant 0 : i32
      %dma_wait3A_40 = tpu.memref_slice %arg11[%add3A_20, %dma_wait3A] : memref<10240x128xf32, #tpu.memory_space<vmem_shared>> -> memref<128x128xf32, #tpu.memory_space<vmem_shared>>
      %dma_wait3A_41 = arith.constant 0 : i32
      %dma_wait3A_42 = tpu.memref_slice %arg11[%add3A_20, %dma_wait3A_41] : memref<10240x128xf32, #tpu.memory_space<vmem_shared>> -> memref<128x128xf32, #tpu.memory_space<vmem_shared>>
      tpu.wait_dma2 semaphore(%run_scoped3A : memref<!tpu.dma_semaphore, #tpu.memory_space<semaphore_mem>>) src(%arg10 : memref<128x128xf32, #tpu.memory_space<vmem>>) dst(%dma_wait3A_42 : memref<128x128xf32, #tpu.memory_space<vmem_shared>>)
      tpu.yield
    }) : () -> ()
    %mul3A_21 = arith.constant 640 : i32
    %mul3A_22 = arith.muli %arg1, %mul3A_21 : i32
    %add3A_23 = arith.constant 512 : i32
    %add3A_24 = arith.addi %mul3A_22, %add3A_23 : i32
    "tpu.region"() ({
      %run_scoped3A = tpu.sem_alloc : memref<!tpu.dma_semaphore, #tpu.memory_space<semaphore_mem>>
      %dma_start3A = arith.constant 0 : i32
      %dma_start3A_37 = tpu.memref_slice %arg11[%add3A_24, %dma_start3A] : memref<10240x128xf32, #tpu.memory_space<vmem_shared>> -> memref<128x128xf32, #tpu.memory_space<vmem_shared>>
      %dma_start3A_38 = arith.constant 0 : i32
      %dma_start3A_39 = tpu.memref_slice %arg11[%add3A_24, %dma_start3A_38] : memref<10240x128xf32, #tpu.memory_space<vmem_shared>> -> memref<128x128xf32, #tpu.memory_space<vmem_shared>>
      tpu.enqueue_dma source(%arg10 : memref<128x128xf32, #tpu.memory_space<vmem>>) target(%dma_start3A_39 : memref<128x128xf32, #tpu.memory_space<vmem_shared>>) target_semaphore(%run_scoped3A : memref<!tpu.dma_semaphore, #tpu.memory_space<semaphore_mem>>)
      %dma_wait3A = arith.constant 0 : i32
      %dma_wait3A_40 = tpu.memref_slice %arg11[%add3A_24, %dma_wait3A] : memref<10240x128xf32, #tpu.memory_space<vmem_shared>> -> memref<128x128xf32, #tpu.memory_space<vmem_shared>>
      %dma_wait3A_41 = arith.constant 0 : i32
      %dma_wait3A_42 = tpu.memref_slice %arg11[%add3A_24, %dma_wait3A_41] : memref<10240x128xf32, #tpu.memory_space<vmem_shared>> -> memref<128x128xf32, #tpu.memory_space<vmem_shared>>
      tpu.wait_dma2 semaphore(%run_scoped3A : memref<!tpu.dma_semaphore, #tpu.memory_space<semaphore_mem>>) src(%arg10 : memref<128x128xf32, #tpu.memory_space<vmem>>) dst(%dma_wait3A_42 : memref<128x128xf32, #tpu.memory_space<vmem_shared>>)
      tpu.yield
    }) : () -> ()
    %mul3A_25 = arith.constant 10240 : i32
    %mul3A_26 = arith.muli %add3A, %mul3A_25 : i32
    "tpu.region"() ({
      %run_scoped3A = tpu.sem_alloc : memref<!tpu.dma_semaphore, #tpu.memory_space<semaphore_mem>>
      %dma_start3A = tpu.memref_slice %arg3[%mul3A_26] : memref<327680xi32, #tpu.memory_space<hbm>> -> memref<10240xi32, #tpu.memory_space<hbm>>
      %dma_start3A_37 = tpu.memref_slice %arg3[%mul3A_26] : memref<327680xi32, #tpu.memory_space<hbm>> -> memref<10240xi32, #tpu.memory_space<hbm>>
      tpu.enqueue_dma source(%dma_start3A_37 : memref<10240xi32, #tpu.memory_space<hbm>>) target(%arg7 : memref<10240xi32, #tpu.memory_space<vmem>>) target_semaphore(%run_scoped3A : memref<!tpu.dma_semaphore, #tpu.memory_space<semaphore_mem>>)
      %dma_wait3A = tpu.memref_slice %arg3[%mul3A_26] : memref<327680xi32, #tpu.memory_space<hbm>> -> memref<10240xi32, #tpu.memory_space<hbm>>
      %dma_wait3A_38 = tpu.memref_slice %arg3[%mul3A_26] : memref<327680xi32, #tpu.memory_space<hbm>> -> memref<10240xi32, #tpu.memory_space<hbm>>
      tpu.wait_dma2 semaphore(%run_scoped3A : memref<!tpu.dma_semaphore, #tpu.memory_space<semaphore_mem>>) src(%dma_wait3A_38 : memref<10240xi32, #tpu.memory_space<hbm>>) dst(%arg7 : memref<10240xi32, #tpu.memory_space<vmem>>)
      tpu.yield
    }) : () -> ()
    "tpu.region"() ({
      %run_scoped3A = tpu.sem_alloc : memref<!tpu.dma_semaphore, #tpu.memory_space<semaphore_mem>>
      %dma_start3A = tpu.memref_slice %arg4[%mul3A_26] : memref<327680xi32, #tpu.memory_space<hbm>> -> memref<10240xi32, #tpu.memory_space<hbm>>
      %dma_start3A_37 = tpu.memref_slice %arg4[%mul3A_26] : memref<327680xi32, #tpu.memory_space<hbm>> -> memref<10240xi32, #tpu.memory_space<hbm>>
      tpu.enqueue_dma source(%dma_start3A_37 : memref<10240xi32, #tpu.memory_space<hbm>>) target(%arg8 : memref<10240xi32, #tpu.memory_space<vmem>>) target_semaphore(%run_scoped3A : memref<!tpu.dma_semaphore, #tpu.memory_space<semaphore_mem>>)
      %dma_wait3A = tpu.memref_slice %arg4[%mul3A_26] : memref<327680xi32, #tpu.memory_space<hbm>> -> memref<10240xi32, #tpu.memory_space<hbm>>
      %dma_wait3A_38 = tpu.memref_slice %arg4[%mul3A_26] : memref<327680xi32, #tpu.memory_space<hbm>> -> memref<10240xi32, #tpu.memory_space<hbm>>
      tpu.wait_dma2 semaphore(%run_scoped3A : memref<!tpu.dma_semaphore, #tpu.memory_space<semaphore_mem>>) src(%dma_wait3A_38 : memref<10240xi32, #tpu.memory_space<hbm>>) dst(%arg8 : memref<10240xi32, #tpu.memory_space<vmem>>)
      tpu.yield
    }) : () -> ()
    "tpu.region"() ({
      %run_scoped3A = tpu.sem_alloc : memref<!tpu.dma_semaphore, #tpu.memory_space<semaphore_mem>>
      %dma_start3A = tpu.memref_slice %arg5[%mul3A_26] : memref<327680xf32, #tpu.memory_space<hbm>> -> memref<10240xf32, #tpu.memory_space<hbm>>
      %dma_start3A_37 = tpu.memref_slice %arg5[%mul3A_26] : memref<327680xf32, #tpu.memory_space<hbm>> -> memref<10240xf32, #tpu.memory_space<hbm>>
      tpu.enqueue_dma source(%dma_start3A_37 : memref<10240xf32, #tpu.memory_space<hbm>>) target(%arg9 : memref<10240xf32, #tpu.memory_space<vmem>>) target_semaphore(%run_scoped3A : memref<!tpu.dma_semaphore, #tpu.memory_space<semaphore_mem>>)
      %dma_wait3A = tpu.memref_slice %arg5[%mul3A_26] : memref<327680xf32, #tpu.memory_space<hbm>> -> memref<10240xf32, #tpu.memory_space<hbm>>
      %dma_wait3A_38 = tpu.memref_slice %arg5[%mul3A_26] : memref<327680xf32, #tpu.memory_space<hbm>> -> memref<10240xf32, #tpu.memory_space<hbm>>
      tpu.wait_dma2 semaphore(%run_scoped3A : memref<!tpu.dma_semaphore, #tpu.memory_space<semaphore_mem>>) src(%dma_wait3A_38 : memref<10240xf32, #tpu.memory_space<hbm>>) dst(%arg9 : memref<10240xf32, #tpu.memory_space<vmem>>)
      tpu.yield
    }) : () -> ()
    %barrier3A = arith.constant 0 : index
    tpu.barrier barrier_id(%barrier3A)
    %scan3A_27 = arith.constant 0 : i32
    %scan3A_28 = arith.constant 80 : i32
    %scan3A_29 = arith.addi %scan3A_27, %scan3A_28 : i32
    %scan3A_30 = arith.constant 1 : i32
    scf.for %scan3A_37 = %scan3A_27 to %scan3A_29 step %scan3A_30  : i32 {
      %mul3A_38 = arith.constant 1 : i32
      %mul3A_39 = arith.muli %scan3A_37, %mul3A_38 : i32
      %add3A_40 = arith.constant 0 : i32
      %add3A_41 = arith.addi %add3A_40, %mul3A_39 : i32
      %mul3A_42 = arith.constant 128 : i32
      %mul3A_43 = arith.muli %add3A_41, %mul3A_42 : i32
      "tpu.region"() ({
        %run_scoped3A = tpu.sem_alloc : memref<!tpu.dma_semaphore, #tpu.memory_space<semaphore_mem>>
        %dma_start3A = tpu.memref_slice %arg7[%mul3A_43] : memref<10240xi32, #tpu.memory_space<vmem>> -> memref<128xi32, #tpu.memory_space<vmem>>
        %dma_start3A_49 = arith.constant 0 : i32
        %dma_start3A_50 = arith.constant 0 : i32
        %dma_start3A_51 = tpu.memref_slice %arg2[%dma_start3A_49, %dma_start3A_50] : memref<10240x128xf32, #tpu.memory_space<hbm>> -> memref<10240x128xf32, #tpu.memory_space<hbm>>
        tpu.enqueue_indirect_dma source(%dma_start3A_51 : memref<10240x128xf32, #tpu.memory_space<hbm>>) target(%arg10 : memref<128x128xf32, #tpu.memory_space<vmem>>) offsets(%dma_start3A : memref<128xi32, #tpu.memory_space<vmem>>) semaphore(%run_scoped3A : memref<!tpu.dma_semaphore, #tpu.memory_space<semaphore_mem>>)
        %dma_wait3A = tpu.memref_slice %arg7[%mul3A_43] : memref<10240xi32, #tpu.memory_space<vmem>> -> memref<128xi32, #tpu.memory_space<vmem>>
        %dma_wait3A_52 = arith.constant 0 : i32
        %dma_wait3A_53 = arith.constant 0 : i32
        %dma_wait3A_54 = tpu.memref_slice %arg2[%dma_wait3A_52, %dma_wait3A_53] : memref<10240x128xf32, #tpu.memory_space<hbm>> -> memref<10240x128xf32, #tpu.memory_space<hbm>>
        tpu.wait_indirect_dma semaphore(%run_scoped3A : memref<!tpu.dma_semaphore, #tpu.memory_space<semaphore_mem>>) src(%dma_wait3A_54 : memref<10240x128xf32, #tpu.memory_space<hbm>>) dst(%arg10 : memref<128x128xf32, #tpu.memory_space<vmem>>)
        tpu.yield
      }) : () -> ()
      %scan3A_44 = arith.constant 0 : i32
      %scan3A_45 = arith.constant 8 : i32
      %scan3A_46 = arith.addi %scan3A_44, %scan3A_45 : i32
      %scan3A_47 = arith.constant 1 : i32
      scf.for %scan3A_49 = %scan3A_44 to %scan3A_46 step %scan3A_47  : i32 {
        %mul3A_50 = arith.constant 1 : i32
        %mul3A_51 = arith.muli %scan3A_49, %mul3A_50 : i32
        %add3A_52 = arith.constant 0 : i32
        %add3A_53 = arith.addi %add3A_52, %mul3A_51 : i32
        %mul3A_54 = arith.constant 16 : i32
        %mul3A_55 = arith.muli %add3A_53, %mul3A_54 : i32
        %add3A_56 = arith.addi %mul3A_43, %mul3A_55 : i32
        %get3A = arith.index_cast %add3A_56 : i32 to index
        %get3A_57 = tpu.vector_load %arg9[%get3A] {strides = array<i32>} : memref<10240xf32, #tpu.memory_space<vmem>>, vector<16xf32>,
        %get3A_58 = vector.shape_cast %get3A_57 : vector<16xf32> to vector<16xf32>
        %slice3A = vector.extract_strided_slice %get3A_58 {offsets = [0], sizes = [1], strides = [1]} : vector<16xf32> to vector<1xf32>
        %squeeze3A = vector.extract %slice3A[0] : f32 from vector<1xf32>
        %mul3A_59 = arith.constant 16 : i32
        %mul3A_60 = arith.muli %add3A_53, %mul3A_59 : i32
        %add3A_61 = arith.constant 0 : i32
        %add3A_62 = arith.addi %mul3A_60, %add3A_61 : i32
        %get3A_63 = arith.index_cast %add3A_62 : i32 to index
        %get3A_64 = arith.constant 0 : index
        %get3A_65 = tpu.vector_load %arg10[%get3A_63, %get3A_64] {strides = array<i32>} : memref<128x128xf32, #tpu.memory_space<vmem>>, vector<1x16xf32>,
        %get3A_66 = vector.shape_cast %get3A_65 : vector<1x16xf32> to vector<16xf32>
        %mul3A_67 = vector.broadcast %squeeze3A : f32 to vector<16xf32>
        %mul3A_68 = arith.mulf %get3A_66, %mul3A_67 : vector<16xf32>
        %swap3A = arith.index_cast %add3A_62 : i32 to index
        %swap3A_69 = arith.constant 0 : index
        %swap3A_70 = tpu.vector_load %arg10[%swap3A, %swap3A_69] {strides = array<i32>} : memref<128x128xf32, #tpu.memory_space<vmem>>, vector<1x16xf32>,
        %swap3A_71 = vector.shape_cast %swap3A_70 : vector<1x16xf32> to vector<16xf32>
        %swap3A_72 = vector.shape_cast %mul3A_68 : vector<16xf32> to vector<1x16xf32>
        tpu.vector_store %arg10[%swap3A, %swap3A_69], %swap3A_72 {strides = array<i32>} : memref<128x128xf32, #tpu.memory_space<vmem>>, vector<1x16xf32>,
        %get3A_73 = arith.index_cast %add3A_62 : i32 to index
        %get3A_74 = arith.constant 16 : index
        %get3A_75 = tpu.vector_load %arg10[%get3A_73, %get3A_74] {strides = array<i32>} : memref<128x128xf32, #tpu.memory_space<vmem>>, vector<1x16xf32>,
        %get3A_76 = vector.shape_cast %get3A_75 : vector<1x16xf32> to vector<16xf32>
        %mul3A_77 = vector.broadcast %squeeze3A : f32 to vector<16xf32>
        %mul3A_78 = arith.mulf %get3A_76, %mul3A_77 : vector<16xf32>
        %swap3A_79 = arith.index_cast %add3A_62 : i32 to index
        %swap3A_80 = arith.constant 16 : index
        %swap3A_81 = tpu.vector_load %arg10[%swap3A_79, %swap3A_80] {strides = array<i32>} : memref<128x128xf32, #tpu.memory_space<vmem>>, vector<1x16xf32>,
        %swap3A_82 = vector.shape_cast %swap3A_81 : vector<1x16xf32> to vector<16xf32>
        %swap3A_83 = vector.shape_cast %mul3A_78 : vector<16xf32> to vector<1x16xf32>
        tpu.vector_store %arg10[%swap3A_79, %swap3A_80], %swap3A_83 {strides = array<i32>} : memref<128x128xf32, #tpu.memory_space<vmem>>, vector<1x16xf32>,
        %get3A_84 = arith.index_cast %add3A_62 : i32 to index
        %get3A_85 = arith.constant 32 : index
        %get3A_86 = tpu.vector_load %arg10[%get3A_84, %get3A_85] {strides = array<i32>} : memref<128x128xf32, #tpu.memory_space<vmem>>, vector<1x16xf32>,
        %get3A_87 = vector.shape_cast %get3A_86 : vector<1x16xf32> to vector<16xf32>
        %mul3A_88 = vector.broadcast %squeeze3A : f32 to vector<16xf32>
        %mul3A_89 = arith.mulf %get3A_87, %mul3A_88 : vector<16xf32>
        %swap3A_90 = arith.index_cast %add3A_62 : i32 to index
        %swap3A_91 = arith.constant 32 : index
        %swap3A_92 = tpu.vector_load %arg10[%swap3A_90, %swap3A_91] {strides = array<i32>} : memref<128x128xf32, #tpu.memory_space<vmem>>, vector<1x16xf32>,
        %swap3A_93 = vector.shape_cast %swap3A_92 : vector<1x16xf32> to vector<16xf32>
        %swap3A_94 = vector.shape_cast %mul3A_89 : vector<16xf32> to vector<1x16xf32>
        tpu.vector_store %arg10[%swap3A_90, %swap3A_91], %swap3A_94 {strides = array<i32>} : memref<128x128xf32, #tpu.memory_space<vmem>>, vector<1x16xf32>,
        %get3A_95 = arith.index_cast %add3A_62 : i32 to index
        %get3A_96 = arith.constant 48 : index
        %get3A_97 = tpu.vector_load %arg10[%get3A_95, %get3A_96] {strides = array<i32>} : memref<128x128xf32, #tpu.memory_space<vmem>>, vector<1x16xf32>,
        %get3A_98 = vector.shape_cast %get3A_97 : vector<1x16xf32> to vector<16xf32>
        %mul3A_99 = vector.broadcast %squeeze3A : f32 to vector<16xf32>
        %mul3A_100 = arith.mulf %get3A_98, %mul3A_99 : vector<16xf32>
        %swap3A_101 = arith.index_cast %add3A_62 : i32 to index
        %swap3A_102 = arith.constant 48 : index
        %swap3A_103 = tpu.vector_load %arg10[%swap3A_101, %swap3A_102] {strides = array<i32>} : memref<128x128xf32, #tpu.memory_space<vmem>>, vector<1x16xf32>,
        %swap3A_104 = vector.shape_cast %swap3A_103 : vector<1x16xf32> to vector<16xf32>
        %swap3A_105 = vector.shape_cast %mul3A_100 : vector<16xf32> to vector<1x16xf32>
        tpu.vector_store %arg10[%swap3A_101, %swap3A_102], %swap3A_105 {strides = array<i32>} : memref<128x128xf32, #tpu.memory_space<vmem>>, vector<1x16xf32>,
        %get3A_106 = arith.index_cast %add3A_62 : i32 to index
        %get3A_107 = arith.constant 64 : index
        %get3A_108 = tpu.vector_load %arg10[%get3A_106, %get3A_107] {strides = array<i32>} : memref<128x128xf32, #tpu.memory_space<vmem>>, vector<1x16xf32>,
        %get3A_109 = vector.shape_cast %get3A_108 : vector<1x16xf32> to vector<16xf32>
        %mul3A_110 = vector.broadcast %squeeze3A : f32 to vector<16xf32>
        %mul3A_111 = arith.mulf %get3A_109, %mul3A_110 : vector<16xf32>
        %swap3A_112 = arith.index_cast %add3A_62 : i32 to index
        %swap3A_113 = arith.constant 64 : index
        %swap3A_114 = tpu.vector_load %arg10[%swap3A_112, %swap3A_113] {strides = array<i32>} : memref<128x128xf32, #tpu.memory_space<vmem>>, vector<1x16xf32>,
        %swap3A_115 = vector.shape_cast %swap3A_114 : vector<1x16xf32> to vector<16xf32>
        %swap3A_116 = vector.shape_cast %mul3A_111 : vector<16xf32> to vector<1x16xf32>
        tpu.vector_store %arg10[%swap3A_112, %swap3A_113], %swap3A_116 {strides = array<i32>} : memref<128x128xf32, #tpu.memory_space<vmem>>, vector<1x16xf32>,
        %get3A_117 = arith.index_cast %add3A_62 : i32 to index
        %get3A_118 = arith.constant 80 : index
        %get3A_119 = tpu.vector_load %arg10[%get3A_117, %get3A_118] {strides = array<i32>} : memref<128x128xf32, #tpu.memory_space<vmem>>, vector<1x16xf32>,
        %get3A_120 = vector.shape_cast %get3A_119 : vector<1x16xf32> to vector<16xf32>
        %mul3A_121 = vector.broadcast %squeeze3A : f32 to vector<16xf32>
        %mul3A_122 = arith.mulf %get3A_120, %mul3A_121 : vector<16xf32>
        %swap3A_123 = arith.index_cast %add3A_62 : i32 to index
        %swap3A_124 = arith.constant 80 : index
        %swap3A_125 = tpu.vector_load %arg10[%swap3A_123, %swap3A_124] {strides = array<i32>} : memref<128x128xf32, #tpu.memory_space<vmem>>, vector<1x16xf32>,
        %swap3A_126 = vector.shape_cast %swap3A_125 : vector<1x16xf32> to vector<16xf32>
        %swap3A_127 = vector.shape_cast %mul3A_122 : vector<16xf32> to vector<1x16xf32>
        tpu.vector_store %arg10[%swap3A_123, %swap3A_124], %swap3A_127 {strides = array<i32>} : memref<128x128xf32, #tpu.memory_space<vmem>>, vector<1x16xf32>,
        %get3A_128 = arith.index_cast %add3A_62 : i32 to index
        %get3A_129 = arith.constant 96 : index
        %get3A_130 = tpu.vector_load %arg10[%get3A_128, %get3A_129] {strides = array<i32>} : memref<128x128xf32, #tpu.memory_space<vmem>>, vector<1x16xf32>,
        %get3A_131 = vector.shape_cast %get3A_130 : vector<1x16xf32> to vector<16xf32>
        %mul3A_132 = vector.broadcast %squeeze3A : f32 to vector<16xf32>
        %mul3A_133 = arith.mulf %get3A_131, %mul3A_132 : vector<16xf32>
        %swap3A_134 = arith.index_cast %add3A_62 : i32 to index
        %swap3A_135 = arith.constant 96 : index
        %swap3A_136 = tpu.vector_load %arg10[%swap3A_134, %swap3A_135] {strides = array<i32>} : memref<128x128xf32, #tpu.memory_space<vmem>>, vector<1x16xf32>,
        %swap3A_137 = vector.shape_cast %swap3A_136 : vector<1x16xf32> to vector<16xf32>
        %swap3A_138 = vector.shape_cast %mul3A_133 : vector<16xf32> to vector<1x16xf32>
        tpu.vector_store %arg10[%swap3A_134, %swap3A_135], %swap3A_138 {strides = array<i32>} : memref<128x128xf32, #tpu.memory_space<vmem>>, vector<1x16xf32>,
        %get3A_139 = arith.index_cast %add3A_62 : i32 to index
        %get3A_140 = arith.constant 112 : index
        %get3A_141 = tpu.vector_load %arg10[%get3A_139, %get3A_140] {strides = array<i32>} : memref<128x128xf32, #tpu.memory_space<vmem>>, vector<1x16xf32>,
        %get3A_142 = vector.shape_cast %get3A_141 : vector<1x16xf32> to vector<16xf32>
        %mul3A_143 = vector.broadcast %squeeze3A : f32 to vector<16xf32>
        %mul3A_144 = arith.mulf %get3A_142, %mul3A_143 : vector<16xf32>
        %swap3A_145 = arith.index_cast %add3A_62 : i32 to index
        %swap3A_146 = arith.constant 112 : index
        %swap3A_147 = tpu.vector_load %arg10[%swap3A_145, %swap3A_146] {strides = array<i32>} : memref<128x128xf32, #tpu.memory_space<vmem>>, vector<1x16xf32>,
        %swap3A_148 = vector.shape_cast %swap3A_147 : vector<1x16xf32> to vector<16xf32>
        %swap3A_149 = vector.shape_cast %mul3A_144 : vector<16xf32> to vector<1x16xf32>
        tpu.vector_store %arg10[%swap3A_145, %swap3A_146], %swap3A_149 {strides = array<i32>} : memref<128x128xf32, #tpu.memory_space<vmem>>, vector<1x16xf32>,
        %slice3A_150 = vector.extract_strided_slice %get3A_58 {offsets = [1], sizes = [1], strides = [1]} : vector<16xf32> to vector<1xf32>
        %squeeze3A_151 = vector.extract %slice3A_150[0] : f32 from vector<1xf32>
        %mul3A_152 = arith.constant 16 : i32
        %mul3A_153 = arith.muli %add3A_53, %mul3A_152 : i32
        %add3A_154 = arith.constant 1 : i32
        %add3A_155 = arith.addi %mul3A_153, %add3A_154 : i32
        %get3A_156 = arith.index_cast %add3A_155 : i32 to index
        %get3A_157 = arith.constant 0 : index
        %get3A_158 = tpu.vector_load %arg10[%get3A_156, %get3A_157] {strides = array<i32>} : memref<128x128xf32, #tpu.memory_space<vmem>>, vector<1x16xf32>,
        %get3A_159 = vector.shape_cast %get3A_158 : vector<1x16xf32> to vector<16xf32>
        %mul3A_160 = vector.broadcast %squeeze3A_151 : f32 to vector<16xf32>
        %mul3A_161 = arith.mulf %get3A_159, %mul3A_160 : vector<16xf32>
        %swap3A_162 = arith.index_cast %add3A_155 : i32 to index
        %swap3A_163 = arith.constant 0 : index
        %swap3A_164 = tpu.vector_load %arg10[%swap3A_162, %swap3A_163] {strides = array<i32>} : memref<128x128xf32, #tpu.memory_space<vmem>>, vector<1x16xf32>,
        %swap3A_165 = vector.shape_cast %swap3A_164 : vector<1x16xf32> to vector<16xf32>
        %swap3A_166 = vector.shape_cast %mul3A_161 : vector<16xf32> to vector<1x16xf32>
        tpu.vector_store %arg10[%swap3A_162, %swap3A_163], %swap3A_166 {strides = array<i32>} : memref<128x128xf32, #tpu.memory_space<vmem>>, vector<1x16xf32>,
        %get3A_167 = arith.index_cast %add3A_155 : i32 to index
        %get3A_168 = arith.constant 16 : index
        %get3A_169 = tpu.vector_load %arg10[%get3A_167, %get3A_168] {strides = array<i32>} : memref<128x128xf32, #tpu.memory_space<vmem>>, vector<1x16xf32>,
        %get3A_170 = vector.shape_cast %get3A_169 : vector<1x16xf32> to vector<16xf32>
        %mul3A_171 = vector.broadcast %squeeze3A_151 : f32 to vector<16xf32>
        %mul3A_172 = arith.mulf %get3A_170, %mul3A_171 : vector<16xf32>
        %swap3A_173 = arith.index_cast %add3A_155 : i32 to index
        %swap3A_174 = arith.constant 16 : index
        %swap3A_175 = tpu.vector_load %arg10[%swap3A_173, %swap3A_174] {strides = array<i32>} : memref<128x128xf32, #tpu.memory_space<vmem>>, vector<1x16xf32>,
        %swap3A_176 = vector.shape_cast %swap3A_175 : vector<1x16xf32> to vector<16xf32>
        %swap3A_177 = vector.shape_cast %mul3A_172 : vector<16xf32> to vector<1x16xf32>
        tpu.vector_store %arg10[%swap3A_173, %swap3A_174], %swap3A_177 {strides = array<i32>} : memref<128x128xf32, #tpu.memory_space<vmem>>, vector<1x16xf32>,
        %get3A_178 = arith.index_cast %add3A_155 : i32 to index
        %get3A_179 = arith.constant 32 : index
        %get3A_180 = tpu.vector_load %arg10[%get3A_178, %get3A_179] {strides = array<i32>} : memref<128x128xf32, #tpu.memory_space<vmem>>, vector<1x16xf32>,
        %get3A_181 = vector.shape_cast %get3A_180 : vector<1x16xf32> to vector<16xf32>
        %mul3A_182 = vector.broadcast %squeeze3A_151 : f32 to vector<16xf32>
        %mul3A_183 = arith.mulf %get3A_181, %mul3A_182 : vector<16xf32>
        %swap3A_184 = arith.index_cast %add3A_155 : i32 to index
        %swap3A_185 = arith.constant 32 : index
        %swap3A_186 = tpu.vector_load %arg10[%swap3A_184, %swap3A_185] {strides = array<i32>} : memref<128x128xf32, #tpu.memory_space<vmem>>, vector<1x16xf32>,
        %swap3A_187 = vector.shape_cast %swap3A_186 : vector<1x16xf32> to vector<16xf32>
        %swap3A_188 = vector.shape_cast %mul3A_183 : vector<16xf32> to vector<1x16xf32>
        tpu.vector_store %arg10[%swap3A_184, %swap3A_185], %swap3A_188 {strides = array<i32>} : memref<128x128xf32, #tpu.memory_space<vmem>>, vector<1x16xf32>,
        %get3A_189 = arith.index_cast %add3A_155 : i32 to index
        %get3A_190 = arith.constant 48 : index
        %get3A_191 = tpu.vector_load %arg10[%get3A_189, %get3A_190] {strides = array<i32>} : memref<128x128xf32, #tpu.memory_space<vmem>>, vector<1x16xf32>,
        %get3A_192 = vector.shape_cast %get3A_191 : vector<1x16xf32> to vector<16xf32>
        %mul3A_193 = vector.broadcast %squeeze3A_151 : f32 to vector<16xf32>
        %mul3A_194 = arith.mulf %get3A_192, %mul3A_193 : vector<16xf32>
        %swap3A_195 = arith.index_cast %add3A_155 : i32 to index
        %swap3A_196 = arith.constant 48 : index
        %swap3A_197 = tpu.vector_load %arg10[%swap3A_195, %swap3A_196] {strides = array<i32>} : memref<128x128xf32, #tpu.memory_space<vmem>>, vector<1x16xf32>,
        %swap3A_198 = vector.shape_cast %swap3A_197 : vector<1x16xf32> to vector<16xf32>
        %swap3A_199 = vector.shape_cast %mul3A_194 : vector<16xf32> to vector<1x16xf32>
        tpu.vector_store %arg10[%swap3A_195, %swap3A_196], %swap3A_199 {strides = array<i32>} : memref<128x128xf32, #tpu.memory_space<vmem>>, vector<1x16xf32>,
        %get3A_200 = arith.index_cast %add3A_155 : i32 to index
        %get3A_201 = arith.constant 64 : index
        %get3A_202 = tpu.vector_load %arg10[%get3A_200, %get3A_201] {strides = array<i32>} : memref<128x128xf32, #tpu.memory_space<vmem>>, vector<1x16xf32>,
        %get3A_203 = vector.shape_cast %get3A_202 : vector<1x16xf32> to vector<16xf32>
        %mul3A_204 = vector.broadcast %squeeze3A_151 : f32 to vector<16xf32>
        %mul3A_205 = arith.mulf %get3A_203, %mul3A_204 : vector<16xf32>
        %swap3A_206 = arith.index_cast %add3A_155 : i32 to index
        %swap3A_207 = arith.constant 64 : index
        %swap3A_208 = tpu.vector_load %arg10[%swap3A_206, %swap3A_207] {strides = array<i32>} : memref<128x128xf32, #tpu.memory_space<vmem>>, vector<1x16xf32>,
        %swap3A_209 = vector.shape_cast %swap3A_208 : vector<1x16xf32> to vector<16xf32>
        %swap3A_210 = vector.shape_cast %mul3A_205 : vector<16xf32> to vector<1x16xf32>
        tpu.vector_store %arg10[%swap3A_206, %swap3A_207], %swap3A_210 {strides = array<i32>} : memref<128x128xf32, #tpu.memory_space<vmem>>, vector<1x16xf32>,
        %get3A_211 = arith.index_cast %add3A_155 : i32 to index
        %get3A_212 = arith.constant 80 : index
        %get3A_213 = tpu.vector_load %arg10[%get3A_211, %get3A_212] {strides = array<i32>} : memref<128x128xf32, #tpu.memory_space<vmem>>, vector<1x16xf32>,
        %get3A_214 = vector.shape_cast %get3A_213 : vector<1x16xf32> to vector<16xf32>
        %mul3A_215 = vector.broadcast %squeeze3A_151 : f32 to vector<16xf32>
        %mul3A_216 = arith.mulf %get3A_214, %mul3A_215 : vector<16xf32>
        %swap3A_217 = arith.index_cast %add3A_155 : i32 to index
        %swap3A_218 = arith.constant 80 : index
        %swap3A_219 = tpu.vector_load %arg10[%swap3A_217, %swap3A_218] {strides = array<i32>} : memref<128x128xf32, #tpu.memory_space<vmem>>, vector<1x16xf32>,
        %swap3A_220 = vector.shape_cast %swap3A_219 : vector<1x16xf32> to vector<16xf32>
        %swap3A_221 = vector.shape_cast %mul3A_216 : vector<16xf32> to vector<1x16xf32>
        tpu.vector_store %arg10[%swap3A_217, %swap3A_218], %swap3A_221 {strides = array<i32>} : memref<128x128xf32, #tpu.memory_space<vmem>>, vector<1x16xf32>,
        %get3A_222 = arith.index_cast %add3A_155 : i32 to index
        %get3A_223 = arith.constant 96 : index
        %get3A_224 = tpu.vector_load %arg10[%get3A_222, %get3A_223] {strides = array<i32>} : memref<128x128xf32, #tpu.memory_space<vmem>>, vector<1x16xf32>,
        %get3A_225 = vector.shape_cast %get3A_224 : vector<1x16xf32> to vector<16xf32>
        %mul3A_226 = vector.broadcast %squeeze3A_151 : f32 to vector<16xf32>
        %mul3A_227 = arith.mulf %get3A_225, %mul3A_226 : vector<16xf32>
        %swap3A_228 = arith.index_cast %add3A_155 : i32 to index
        %swap3A_229 = arith.constant 96 : index
        %swap3A_230 = tpu.vector_load %arg10[%swap3A_228, %swap3A_229] {strides = array<i32>} : memref<128x128xf32, #tpu.memory_space<vmem>>, vector<1x16xf32>,
        %swap3A_231 = vector.shape_cast %swap3A_230 : vector<1x16xf32> to vector<16xf32>
        %swap3A_232 = vector.shape_cast %mul3A_227 : vector<16xf32> to vector<1x16xf32>
        tpu.vector_store %arg10[%swap3A_228, %swap3A_229], %swap3A_232 {strides = array<i32>} : memref<128x128xf32, #tpu.memory_space<vmem>>, vector<1x16xf32>,
        %get3A_233 = arith.index_cast %add3A_155 : i32 to index
        %get3A_234 = arith.constant 112 : index
        %get3A_235 = tpu.vector_load %arg10[%get3A_233, %get3A_234] {strides = array<i32>} : memref<128x128xf32, #tpu.memory_space<vmem>>, vector<1x16xf32>,
        %get3A_236 = vector.shape_cast %get3A_235 : vector<1x16xf32> to vector<16xf32>
        %mul3A_237 = vector.broadcast %squeeze3A_151 : f32 to vector<16xf32>
        %mul3A_238 = arith.mulf %get3A_236, %mul3A_237 : vector<16xf32>
        %swap3A_239 = arith.index_cast %add3A_155 : i32 to index
        %swap3A_240 = arith.constant 112 : index
        %swap3A_241 = tpu.vector_load %arg10[%swap3A_239, %swap3A_240] {strides = array<i32>} : memref<128x128xf32, #tpu.memory_space<vmem>>, vector<1x16xf32>,
        %swap3A_242 = vector.shape_cast %swap3A_241 : vector<1x16xf32> to vector<16xf32>
        %swap3A_243 = vector.shape_cast %mul3A_238 : vector<16xf32> to vector<1x16xf32>
        tpu.vector_store %arg10[%swap3A_239, %swap3A_240], %swap3A_243 {strides = array<i32>} : memref<128x128xf32, #tpu.memory_space<vmem>>, vector<1x16xf32>,
        %slice3A_244 = vector.extract_strided_slice %get3A_58 {offsets = [2], sizes = [1], strides = [1]} : vector<16xf32> to vector<1xf32>
        %squeeze3A_245 = vector.extract %slice3A_244[0] : f32 from vector<1xf32>
        %mul3A_246 = arith.constant 16 : i32
        %mul3A_247 = arith.muli %add3A_53, %mul3A_246 : i32
        %add3A_248 = arith.constant 2 : i32
        %add3A_249 = arith.addi %mul3A_247, %add3A_248 : i32
        %get3A_250 = arith.index_cast %add3A_249 : i32 to index
        %get3A_251 = arith.constant 0 : index
        %get3A_252 = tpu.vector_load %arg10[%get3A_250, %get3A_251] {strides = array<i32>} : memref<128x128xf32, #tpu.memory_space<vmem>>, vector<1x16xf32>,
        %get3A_253 = vector.shape_cast %get3A_252 : vector<1x16xf32> to vector<16xf32>
        %mul3A_254 = vector.broadcast %squeeze3A_245 : f32 to vector<16xf32>
        %mul3A_255 = arith.mulf %get3A_253, %mul3A_254 : vector<16xf32>
        %swap3A_256 = arith.index_cast %add3A_249 : i32 to index
        %swap3A_257 = arith.constant 0 : index
        %swap3A_258 = tpu.vector_load %arg10[%swap3A_256, %swap3A_257] {strides = array<i32>} : memref<128x128xf32, #tpu.memory_space<vmem>>, vector<1x16xf32>,
        %swap3A_259 = vector.shape_cast %swap3A_258 : vector<1x16xf32> to vector<16xf32>
        %swap3A_260 = vector.shape_cast %mul3A_255 : vector<16xf32> to vector<1x16xf32>
        tpu.vector_store %arg10[%swap3A_256, %swap3A_257], %swap3A_260 {strides = array<i32>} : memref<128x128xf32, #tpu.memory_space<vmem>>, vector<1x16xf32>,
        %get3A_261 = arith.index_cast %add3A_249 : i32 to index
        %get3A_262 = arith.constant 16 : index
        %get3A_263 = tpu.vector_load %arg10[%get3A_261, %get3A_262] {strides = array<i32>} : memref<128x128xf32, #tpu.memory_space<vmem>>, vector<1x16xf32>,
        %get3A_264 = vector.shape_cast %get3A_263 : vector<1x16xf32> to vector<16xf32>
        %mul3A_265 = vector.broadcast %squeeze3A_245 : f32 to vector<16xf32>
        %mul3A_266 = arith.mulf %get3A_264, %mul3A_265 : vector<16xf32>
        %swap3A_267 = arith.index_cast %add3A_249 : i32 to index
        %swap3A_268 = arith.constant 16 : index
        %swap3A_269 = tpu.vector_load %arg10[%swap3A_267, %swap3A_268] {strides = array<i32>} : memref<128x128xf32, #tpu.memory_space<vmem>>, vector<1x16xf32>,
        %swap3A_270 = vector.shape_cast %swap3A_269 : vector<1x16xf32> to vector<16xf32>
        %swap3A_271 = vector.shape_cast %mul3A_266 : vector<16xf32> to vector<1x16xf32>
        tpu.vector_store %arg10[%swap3A_267, %swap3A_268], %swap3A_271 {strides = array<i32>} : memref<128x128xf32, #tpu.memory_space<vmem>>, vector<1x16xf32>,
        %get3A_272 = arith.index_cast %add3A_249 : i32 to index
        %get3A_273 = arith.constant 32 : index
        %get3A_274 = tpu.vector_load %arg10[%get3A_272, %get3A_273] {strides = array<i32>} : memref<128x128xf32, #tpu.memory_space<vmem>>, vector<1x16xf32>,
        %get3A_275 = vector.shape_cast %get3A_274 : vector<1x16xf32> to vector<16xf32>
        %mul3A_276 = vector.broadcast %squeeze3A_245 : f32 to vector<16xf32>
        %mul3A_277 = arith.mulf %get3A_275, %mul3A_276 : vector<16xf32>
        %swap3A_278 = arith.index_cast %add3A_249 : i32 to index
        %swap3A_279 = arith.constant 32 : index
        %swap3A_280 = tpu.vector_load %arg10[%swap3A_278, %swap3A_279] {strides = array<i32>} : memref<128x128xf32, #tpu.memory_space<vmem>>, vector<1x16xf32>,
        %swap3A_281 = vector.shape_cast %swap3A_280 : vector<1x16xf32> to vector<16xf32>
        %swap3A_282 = vector.shape_cast %mul3A_277 : vector<16xf32> to vector<1x16xf32>
        tpu.vector_store %arg10[%swap3A_278, %swap3A_279], %swap3A_282 {strides = array<i32>} : memref<128x128xf32, #tpu.memory_space<vmem>>, vector<1x16xf32>,
        %get3A_283 = arith.index_cast %add3A_249 : i32 to index
        %get3A_284 = arith.constant 48 : index
        %get3A_285 = tpu.vector_load %arg10[%get3A_283, %get3A_284] {strides = array<i32>} : memref<128x128xf32, #tpu.memory_space<vmem>>, vector<1x16xf32>,
        %get3A_286 = vector.shape_cast %get3A_285 : vector<1x16xf32> to vector<16xf32>
        %mul3A_287 = vector.broadcast %squeeze3A_245 : f32 to vector<16xf32>
        %mul3A_288 = arith.mulf %get3A_286, %mul3A_287 : vector<16xf32>
        %swap3A_289 = arith.index_cast %add3A_249 : i32 to index
        %swap3A_290 = arith.constant 48 : index
        %swap3A_291 = tpu.vector_load %arg10[%swap3A_289, %swap3A_290] {strides = array<i32>} : memref<128x128xf32, #tpu.memory_space<vmem>>, vector<1x16xf32>,
        %swap3A_292 = vector.shape_cast %swap3A_291 : vector<1x16xf32> to vector<16xf32>
        %swap3A_293 = vector.shape_cast %mul3A_288 : vector<16xf32> to vector<1x16xf32>
        tpu.vector_store %arg10[%swap3A_289, %swap3A_290], %swap3A_293 {strides = array<i32>} : memref<128x128xf32, #tpu.memory_space<vmem>>, vector<1x16xf32>,
        %get3A_294 = arith.index_cast %add3A_249 : i32 to index
        %get3A_295 = arith.constant 64 : index
        %get3A_296 = tpu.vector_load %arg10[%get3A_294, %get3A_295] {strides = array<i32>} : memref<128x128xf32, #tpu.memory_space<vmem>>, vector<1x16xf32>,
        %get3A_297 = vector.shape_cast %get3A_296 : vector<1x16xf32> to vector<16xf32>
        %mul3A_298 = vector.broadcast %squeeze3A_245 : f32 to vector<16xf32>
        %mul3A_299 = arith.mulf %get3A_297, %mul3A_298 : vector<16xf32>
        %swap3A_300 = arith.index_cast %add3A_249 : i32 to index
        %swap3A_301 = arith.constant 64 : index
        %swap3A_302 = tpu.vector_load %arg10[%swap3A_300, %swap3A_301] {strides = array<i32>} : memref<128x128xf32, #tpu.memory_space<vmem>>, vector<1x16xf32>,
        %swap3A_303 = vector.shape_cast %swap3A_302 : vector<1x16xf32> to vector<16xf32>
        %swap3A_304 = vector.shape_cast %mul3A_299 : vector<16xf32> to vector<1x16xf32>
        tpu.vector_store %arg10[%swap3A_300, %swap3A_301], %swap3A_304 {strides = array<i32>} : memref<128x128xf32, #tpu.memory_space<vmem>>, vector<1x16xf32>,
        %get3A_305 = arith.index_cast %add3A_249 : i32 to index
        %get3A_306 = arith.constant 80 : index
        %get3A_307 = tpu.vector_load %arg10[%get3A_305, %get3A_306] {strides = array<i32>} : memref<128x128xf32, #tpu.memory_space<vmem>>, vector<1x16xf32>,
        %get3A_308 = vector.shape_cast %get3A_307 : vector<1x16xf32> to vector<16xf32>
        %mul3A_309 = vector.broadcast %squeeze3A_245 : f32 to vector<16xf32>
        %mul3A_310 = arith.mulf %get3A_308, %mul3A_309 : vector<16xf32>
        %swap3A_311 = arith.index_cast %add3A_249 : i32 to index
        %swap3A_312 = arith.constant 80 : index
        %swap3A_313 = tpu.vector_load %arg10[%swap3A_311, %swap3A_312] {strides = array<i32>} : memref<128x128xf32, #tpu.memory_space<vmem>>, vector<1x16xf32>,
        %swap3A_314 = vector.shape_cast %swap3A_313 : vector<1x16xf32> to vector<16xf32>
        %swap3A_315 = vector.shape_cast %mul3A_310 : vector<16xf32> to vector<1x16xf32>
        tpu.vector_store %arg10[%swap3A_311, %swap3A_312], %swap3A_315 {strides = array<i32>} : memref<128x128xf32, #tpu.memory_space<vmem>>, vector<1x16xf32>,
        %get3A_316 = arith.index_cast %add3A_249 : i32 to index
        %get3A_317 = arith.constant 96 : index
        %get3A_318 = tpu.vector_load %arg10[%get3A_316, %get3A_317] {strides = array<i32>} : memref<128x128xf32, #tpu.memory_space<vmem>>, vector<1x16xf32>,
        %get3A_319 = vector.shape_cast %get3A_318 : vector<1x16xf32> to vector<16xf32>
        %mul3A_320 = vector.broadcast %squeeze3A_245 : f32 to vector<16xf32>
        %mul3A_321 = arith.mulf %get3A_319, %mul3A_320 : vector<16xf32>
        %swap3A_322 = arith.index_cast %add3A_249 : i32 to index
        %swap3A_323 = arith.constant 96 : index
        %swap3A_324 = tpu.vector_load %arg10[%swap3A_322, %swap3A_323] {strides = array<i32>} : memref<128x128xf32, #tpu.memory_space<vmem>>, vector<1x16xf32>,
        %swap3A_325 = vector.shape_cast %swap3A_324 : vector<1x16xf32> to vector<16xf32>
        %swap3A_326 = vector.shape_cast %mul3A_321 : vector<16xf32> to vector<1x16xf32>
        tpu.vector_store %arg10[%swap3A_322, %swap3A_323], %swap3A_326 {strides = array<i32>} : memref<128x128xf32, #tpu.memory_space<vmem>>, vector<1x16xf32>,
        %get3A_327 = arith.index_cast %add3A_249 : i32 to index
        %get3A_328 = arith.constant 112 : index
        %get3A_329 = tpu.vector_load %arg10[%get3A_327, %get3A_328] {strides = array<i32>} : memref<128x128xf32, #tpu.memory_space<vmem>>, vector<1x16xf32>,
        %get3A_330 = vector.shape_cast %get3A_329 : vector<1x16xf32> to vector<16xf32>
        %mul3A_331 = vector.broadcast %squeeze3A_245 : f32 to vector<16xf32>
        %mul3A_332 = arith.mulf %get3A_330, %mul3A_331 : vector<16xf32>
        %swap3A_333 = arith.index_cast %add3A_249 : i32 to index
        %swap3A_334 = arith.constant 112 : index
        %swap3A_335 = tpu.vector_load %arg10[%swap3A_333, %swap3A_334] {strides = array<i32>} : memref<128x128xf32, #tpu.memory_space<vmem>>, vector<1x16xf32>,
        %swap3A_336 = vector.shape_cast %swap3A_335 : vector<1x16xf32> to vector<16xf32>
        %swap3A_337 = vector.shape_cast %mul3A_332 : vector<16xf32> to vector<1x16xf32>
        tpu.vector_store %arg10[%swap3A_333, %swap3A_334], %swap3A_337 {strides = array<i32>} : memref<128x128xf32, #tpu.memory_space<vmem>>, vector<1x16xf32>,
        %slice3A_338 = vector.extract_strided_slice %get3A_58 {offsets = [3], sizes = [1], strides = [1]} : vector<16xf32> to vector<1xf32>
        %squeeze3A_339 = vector.extract %slice3A_338[0] : f32 from vector<1xf32>
        %mul3A_340 = arith.constant 16 : i32
        %mul3A_341 = arith.muli %add3A_53, %mul3A_340 : i32
        %add3A_342 = arith.constant 3 : i32
        %add3A_343 = arith.addi %mul3A_341, %add3A_342 : i32
        %get3A_344 = arith.index_cast %add3A_343 : i32 to index
        %get3A_345 = arith.constant 0 : index
        %get3A_346 = tpu.vector_load %arg10[%get3A_344, %get3A_345] {strides = array<i32>} : memref<128x128xf32, #tpu.memory_space<vmem>>, vector<1x16xf32>,
        %get3A_347 = vector.shape_cast %get3A_346 : vector<1x16xf32> to vector<16xf32>
        %mul3A_348 = vector.broadcast %squeeze3A_339 : f32 to vector<16xf32>
        %mul3A_349 = arith.mulf %get3A_347, %mul3A_348 : vector<16xf32>
        %swap3A_350 = arith.index_cast %add3A_343 : i32 to index
        %swap3A_351 = arith.constant 0 : index
        %swap3A_352 = tpu.vector_load %arg10[%swap3A_350, %swap3A_351] {strides = array<i32>} : memref<128x128xf32, #tpu.memory_space<vmem>>, vector<1x16xf32>,
        %swap3A_353 = vector.shape_cast %swap3A_352 : vector<1x16xf32> to vector<16xf32>
        %swap3A_354 = vector.shape_cast %mul3A_349 : vector<16xf32> to vector<1x16xf32>
        tpu.vector_store %arg10[%swap3A_350, %swap3A_351], %swap3A_354 {strides = array<i32>} : memref<128x128xf32, #tpu.memory_space<vmem>>, vector<1x16xf32>,
        %get3A_355 = arith.index_cast %add3A_343 : i32 to index
        %get3A_356 = arith.constant 16 : index
        %get3A_357 = tpu.vector_load %arg10[%get3A_355, %get3A_356] {strides = array<i32>} : memref<128x128xf32, #tpu.memory_space<vmem>>, vector<1x16xf32>,
        %get3A_358 = vector.shape_cast %get3A_357 : vector<1x16xf32> to vector<16xf32>
        %mul3A_359 = vector.broadcast %squeeze3A_339 : f32 to vector<16xf32>
        %mul3A_360 = arith.mulf %get3A_358, %mul3A_359 : vector<16xf32>
        %swap3A_361 = arith.index_cast %add3A_343 : i32 to index
        %swap3A_362 = arith.constant 16 : index
        %swap3A_363 = tpu.vector_load %arg10[%swap3A_361, %swap3A_362] {strides = array<i32>} : memref<128x128xf32, #tpu.memory_space<vmem>>, vector<1x16xf32>,
        %swap3A_364 = vector.shape_cast %swap3A_363 : vector<1x16xf32> to vector<16xf32>
        %swap3A_365 = vector.shape_cast %mul3A_360 : vector<16xf32> to vector<1x16xf32>
        tpu.vector_store %arg10[%swap3A_361, %swap3A_362], %swap3A_365 {strides = array<i32>} : memref<128x128xf32, #tpu.memory_space<vmem>>, vector<1x16xf32>,
        %get3A_366 = arith.index_cast %add3A_343 : i32 to index
        %get3A_367 = arith.constant 32 : index
        %get3A_368 = tpu.vector_load %arg10[%get3A_366, %get3A_367] {strides = array<i32>} : memref<128x128xf32, #tpu.memory_space<vmem>>, vector<1x16xf32>,
        %get3A_369 = vector.shape_cast %get3A_368 : vector<1x16xf32> to vector<16xf32>
        %mul3A_370 = vector.broadcast %squeeze3A_339 : f32 to vector<16xf32>
        %mul3A_371 = arith.mulf %get3A_369, %mul3A_370 : vector<16xf32>
        %swap3A_372 = arith.index_cast %add3A_343 : i32 to index
        %swap3A_373 = arith.constant 32 : index
        %swap3A_374 = tpu.vector_load %arg10[%swap3A_372, %swap3A_373] {strides = array<i32>} : memref<128x128xf32, #tpu.memory_space<vmem>>, vector<1x16xf32>,
        %swap3A_375 = vector.shape_cast %swap3A_374 : vector<1x16xf32> to vector<16xf32>
        %swap3A_376 = vector.shape_cast %mul3A_371 : vector<16xf32> to vector<1x16xf32>
        tpu.vector_store %arg10[%swap3A_372, %swap3A_373], %swap3A_376 {strides = array<i32>} : memref<128x128xf32, #tpu.memory_space<vmem>>, vector<1x16xf32>,
        %get3A_377 = arith.index_cast %add3A_343 : i32 to index
        %get3A_378 = arith.constant 48 : index
        %get3A_379 = tpu.vector_load %arg10[%get3A_377, %get3A_378] {strides = array<i32>} : memref<128x128xf32, #tpu.memory_space<vmem>>, vector<1x16xf32>,
        %get3A_380 = vector.shape_cast %get3A_379 : vector<1x16xf32> to vector<16xf32>
        %mul3A_381 = vector.broadcast %squeeze3A_339 : f32 to vector<16xf32>
        %mul3A_382 = arith.mulf %get3A_380, %mul3A_381 : vector<16xf32>
        %swap3A_383 = arith.index_cast %add3A_343 : i32 to index
        %swap3A_384 = arith.constant 48 : index
        %swap3A_385 = tpu.vector_load %arg10[%swap3A_383, %swap3A_384] {strides = array<i32>} : memref<128x128xf32, #tpu.memory_space<vmem>>, vector<1x16xf32>,
        %swap3A_386 = vector.shape_cast %swap3A_385 : vector<1x16xf32> to vector<16xf32>
        %swap3A_387 = vector.shape_cast %mul3A_382 : vector<16xf32> to vector<1x16xf32>
        tpu.vector_store %arg10[%swap3A_383, %swap3A_384], %swap3A_387 {strides = array<i32>} : memref<128x128xf32, #tpu.memory_space<vmem>>, vector<1x16xf32>,
        %get3A_388 = arith.index_cast %add3A_343 : i32 to index
        %get3A_389 = arith.constant 64 : index
        %get3A_390 = tpu.vector_load %arg10[%get3A_388, %get3A_389] {strides = array<i32>} : memref<128x128xf32, #tpu.memory_space<vmem>>, vector<1x16xf32>,
        %get3A_391 = vector.shape_cast %get3A_390 : vector<1x16xf32> to vector<16xf32>
        %mul3A_392 = vector.broadcast %squeeze3A_339 : f32 to vector<16xf32>
        %mul3A_393 = arith.mulf %get3A_391, %mul3A_392 : vector<16xf32>
        %swap3A_394 = arith.index_cast %add3A_343 : i32 to index
        %swap3A_395 = arith.constant 64 : index
        %swap3A_396 = tpu.vector_load %arg10[%swap3A_394, %swap3A_395] {strides = array<i32>} : memref<128x128xf32, #tpu.memory_space<vmem>>, vector<1x16xf32>,
        %swap3A_397 = vector.shape_cast %swap3A_396 : vector<1x16xf32> to vector<16xf32>
        %swap3A_398 = vector.shape_cast %mul3A_393 : vector<16xf32> to vector<1x16xf32>
        tpu.vector_store %arg10[%swap3A_394, %swap3A_395], %swap3A_398 {strides = array<i32>} : memref<128x128xf32, #tpu.memory_space<vmem>>, vector<1x16xf32>,
        %get3A_399 = arith.index_cast %add3A_343 : i32 to index
        %get3A_400 = arith.constant 80 : index
        %get3A_401 = tpu.vector_load %arg10[%get3A_399, %get3A_400] {strides = array<i32>} : memref<128x128xf32, #tpu.memory_space<vmem>>, vector<1x16xf32>,
        %get3A_402 = vector.shape_cast %get3A_401 : vector<1x16xf32> to vector<16xf32>
        %mul3A_403 = vector.broadcast %squeeze3A_339 : f32 to vector<16xf32>
        %mul3A_404 = arith.mulf %get3A_402, %mul3A_403 : vector<16xf32>
        %swap3A_405 = arith.index_cast %add3A_343 : i32 to index
        %swap3A_406 = arith.constant 80 : index
        %swap3A_407 = tpu.vector_load %arg10[%swap3A_405, %swap3A_406] {strides = array<i32>} : memref<128x128xf32, #tpu.memory_space<vmem>>, vector<1x16xf32>,
        %swap3A_408 = vector.shape_cast %swap3A_407 : vector<1x16xf32> to vector<16xf32>
        %swap3A_409 = vector.shape_cast %mul3A_404 : vector<16xf32> to vector<1x16xf32>
        tpu.vector_store %arg10[%swap3A_405, %swap3A_406], %swap3A_409 {strides = array<i32>} : memref<128x128xf32, #tpu.memory_space<vmem>>, vector<1x16xf32>,
        %get3A_410 = arith.index_cast %add3A_343 : i32 to index
        %get3A_411 = arith.constant 96 : index
        %get3A_412 = tpu.vector_load %arg10[%get3A_410, %get3A_411] {strides = array<i32>} : memref<128x128xf32, #tpu.memory_space<vmem>>, vector<1x16xf32>,
        %get3A_413 = vector.shape_cast %get3A_412 : vector<1x16xf32> to vector<16xf32>
        %mul3A_414 = vector.broadcast %squeeze3A_339 : f32 to vector<16xf32>
        %mul3A_415 = arith.mulf %get3A_413, %mul3A_414 : vector<16xf32>
        %swap3A_416 = arith.index_cast %add3A_343 : i32 to index
        %swap3A_417 = arith.constant 96 : index
        %swap3A_418 = tpu.vector_load %arg10[%swap3A_416, %swap3A_417] {strides = array<i32>} : memref<128x128xf32, #tpu.memory_space<vmem>>, vector<1x16xf32>,
        %swap3A_419 = vector.shape_cast %swap3A_418 : vector<1x16xf32> to vector<16xf32>
        %swap3A_420 = vector.shape_cast %mul3A_415 : vector<16xf32> to vector<1x16xf32>
        tpu.vector_store %arg10[%swap3A_416, %swap3A_417], %swap3A_420 {strides = array<i32>} : memref<128x128xf32, #tpu.memory_space<vmem>>, vector<1x16xf32>,
        %get3A_421 = arith.index_cast %add3A_343 : i32 to index
        %get3A_422 = arith.constant 112 : index
        %get3A_423 = tpu.vector_load %arg10[%get3A_421, %get3A_422] {strides = array<i32>} : memref<128x128xf32, #tpu.memory_space<vmem>>, vector<1x16xf32>,
        %get3A_424 = vector.shape_cast %get3A_423 : vector<1x16xf32> to vector<16xf32>
        %mul3A_425 = vector.broadcast %squeeze3A_339 : f32 to vector<16xf32>
        %mul3A_426 = arith.mulf %get3A_424, %mul3A_425 : vector<16xf32>
        %swap3A_427 = arith.index_cast %add3A_343 : i32 to index
        %swap3A_428 = arith.constant 112 : index
        %swap3A_429 = tpu.vector_load %arg10[%swap3A_427, %swap3A_428] {strides = array<i32>} : memref<128x128xf32, #tpu.memory_space<vmem>>, vector<1x16xf32>,
        %swap3A_430 = vector.shape_cast %swap3A_429 : vector<1x16xf32> to vector<16xf32>
        %swap3A_431 = vector.shape_cast %mul3A_426 : vector<16xf32> to vector<1x16xf32>
        tpu.vector_store %arg10[%swap3A_427, %swap3A_428], %swap3A_431 {strides = array<i32>} : memref<128x128xf32, #tpu.memory_space<vmem>>, vector<1x16xf32>,
        %slice3A_432 = vector.extract_strided_slice %get3A_58 {offsets = [4], sizes = [1], strides = [1]} : vector<16xf32> to vector<1xf32>
        %squeeze3A_433 = vector.extract %slice3A_432[0] : f32 from vector<1xf32>
        %mul3A_434 = arith.constant 16 : i32
        %mul3A_435 = arith.muli %add3A_53, %mul3A_434 : i32
        %add3A_436 = arith.constant 4 : i32
        %add3A_437 = arith.addi %mul3A_435, %add3A_436 : i32
        %get3A_438 = arith.index_cast %add3A_437 : i32 to index
        %get3A_439 = arith.constant 0 : index
        %get3A_440 = tpu.vector_load %arg10[%get3A_438, %get3A_439] {strides = array<i32>} : memref<128x128xf32, #tpu.memory_space<vmem>>, vector<1x16xf32>,
        %get3A_441 = vector.shape_cast %get3A_440 : vector<1x16xf32> to vector<16xf32>
        %mul3A_442 = vector.broadcast %squeeze3A_433 : f32 to vector<16xf32>
        %mul3A_443 = arith.mulf %get3A_441, %mul3A_442 : vector<16xf32>
        %swap3A_444 = arith.index_cast %add3A_437 : i32 to index
        %swap3A_445 = arith.constant 0 : index
        %swap3A_446 = tpu.vector_load %arg10[%swap3A_444, %swap3A_445] {strides = array<i32>} : memref<128x128xf32, #tpu.memory_space<vmem>>, vector<1x16xf32>,
        %swap3A_447 = vector.shape_cast %swap3A_446 : vector<1x16xf32> to vector<16xf32>
        %swap3A_448 = vector.shape_cast %mul3A_443 : vector<16xf32> to vector<1x16xf32>
        tpu.vector_store %arg10[%swap3A_444, %swap3A_445], %swap3A_448 {strides = array<i32>} : memref<128x128xf32, #tpu.memory_space<vmem>>, vector<1x16xf32>,
        %get3A_449 = arith.index_cast %add3A_437 : i32 to index
        %get3A_450 = arith.constant 16 : index
        %get3A_451 = tpu.vector_load %arg10[%get3A_449, %get3A_450] {strides = array<i32>} : memref<128x128xf32, #tpu.memory_space<vmem>>, vector<1x16xf32>,
        %get3A_452 = vector.shape_cast %get3A_451 : vector<1x16xf32> to vector<16xf32>
        %mul3A_453 = vector.broadcast %squeeze3A_433 : f32 to vector<16xf32>
        %mul3A_454 = arith.mulf %get3A_452, %mul3A_453 : vector<16xf32>
        %swap3A_455 = arith.index_cast %add3A_437 : i32 to index
        %swap3A_456 = arith.constant 16 : index
        %swap3A_457 = tpu.vector_load %arg10[%swap3A_455, %swap3A_456] {strides = array<i32>} : memref<128x128xf32, #tpu.memory_space<vmem>>, vector<1x16xf32>,
        %swap3A_458 = vector.shape_cast %swap3A_457 : vector<1x16xf32> to vector<16xf32>
        %swap3A_459 = vector.shape_cast %mul3A_454 : vector<16xf32> to vector<1x16xf32>
        tpu.vector_store %arg10[%swap3A_455, %swap3A_456], %swap3A_459 {strides = array<i32>} : memref<128x128xf32, #tpu.memory_space<vmem>>, vector<1x16xf32>,
        %get3A_460 = arith.index_cast %add3A_437 : i32 to index
        %get3A_461 = arith.constant 32 : index
        %get3A_462 = tpu.vector_load %arg10[%get3A_460, %get3A_461] {strides = array<i32>} : memref<128x128xf32, #tpu.memory_space<vmem>>, vector<1x16xf32>,
        %get3A_463 = vector.shape_cast %get3A_462 : vector<1x16xf32> to vector<16xf32>
        %mul3A_464 = vector.broadcast %squeeze3A_433 : f32 to vector<16xf32>
        %mul3A_465 = arith.mulf %get3A_463, %mul3A_464 : vector<16xf32>
        %swap3A_466 = arith.index_cast %add3A_437 : i32 to index
        %swap3A_467 = arith.constant 32 : index
        %swap3A_468 = tpu.vector_load %arg10[%swap3A_466, %swap3A_467] {strides = array<i32>} : memref<128x128xf32, #tpu.memory_space<vmem>>, vector<1x16xf32>,
        %swap3A_469 = vector.shape_cast %swap3A_468 : vector<1x16xf32> to vector<16xf32>
        %swap3A_470 = vector.shape_cast %mul3A_465 : vector<16xf32> to vector<1x16xf32>
        tpu.vector_store %arg10[%swap3A_466, %swap3A_467], %swap3A_470 {strides = array<i32>} : memref<128x128xf32, #tpu.memory_space<vmem>>, vector<1x16xf32>,
        %get3A_471 = arith.index_cast %add3A_437 : i32 to index
        %get3A_472 = arith.constant 48 : index
        %get3A_473 = tpu.vector_load %arg10[%get3A_471, %get3A_472] {strides = array<i32>} : memref<128x128xf32, #tpu.memory_space<vmem>>, vector<1x16xf32>,
        %get3A_474 = vector.shape_cast %get3A_473 : vector<1x16xf32> to vector<16xf32>
        %mul3A_475 = vector.broadcast %squeeze3A_433 : f32 to vector<16xf32>
        %mul3A_476 = arith.mulf %get3A_474, %mul3A_475 : vector<16xf32>
        %swap3A_477 = arith.index_cast %add3A_437 : i32 to index
        %swap3A_478 = arith.constant 48 : index
        %swap3A_479 = tpu.vector_load %arg10[%swap3A_477, %swap3A_478] {strides = array<i32>} : memref<128x128xf32, #tpu.memory_space<vmem>>, vector<1x16xf32>,
        %swap3A_480 = vector.shape_cast %swap3A_479 : vector<1x16xf32> to vector<16xf32>
        %swap3A_481 = vector.shape_cast %mul3A_476 : vector<16xf32> to vector<1x16xf32>
        tpu.vector_store %arg10[%swap3A_477, %swap3A_478], %swap3A_481 {strides = array<i32>} : memref<128x128xf32, #tpu.memory_space<vmem>>, vector<1x16xf32>,
        %get3A_482 = arith.index_cast %add3A_437 : i32 to index
        %get3A_483 = arith.constant 64 : index
        %get3A_484 = tpu.vector_load %arg10[%get3A_482, %get3A_483] {strides = array<i32>} : memref<128x128xf32, #tpu.memory_space<vmem>>, vector<1x16xf32>,
        %get3A_485 = vector.shape_cast %get3A_484 : vector<1x16xf32> to vector<16xf32>
        %mul3A_486 = vector.broadcast %squeeze3A_433 : f32 to vector<16xf32>
        %mul3A_487 = arith.mulf %get3A_485, %mul3A_486 : vector<16xf32>
        %swap3A_488 = arith.index_cast %add3A_437 : i32 to index
        %swap3A_489 = arith.constant 64 : index
        %swap3A_490 = tpu.vector_load %arg10[%swap3A_488, %swap3A_489] {strides = array<i32>} : memref<128x128xf32, #tpu.memory_space<vmem>>, vector<1x16xf32>,
        %swap3A_491 = vector.shape_cast %swap3A_490 : vector<1x16xf32> to vector<16xf32>
        %swap3A_492 = vector.shape_cast %mul3A_487 : vector<16xf32> to vector<1x16xf32>
        tpu.vector_store %arg10[%swap3A_488, %swap3A_489], %swap3A_492 {strides = array<i32>} : memref<128x128xf32, #tpu.memory_space<vmem>>, vector<1x16xf32>,
        %get3A_493 = arith.index_cast %add3A_437 : i32 to index
        %get3A_494 = arith.constant 80 : index
        %get3A_495 = tpu.vector_load %arg10[%get3A_493, %get3A_494] {strides = array<i32>} : memref<128x128xf32, #tpu.memory_space<vmem>>, vector<1x16xf32>,
        %get3A_496 = vector.shape_cast %get3A_495 : vector<1x16xf32> to vector<16xf32>
        %mul3A_497 = vector.broadcast %squeeze3A_433 : f32 to vector<16xf32>
        %mul3A_498 = arith.mulf %get3A_496, %mul3A_497 : vector<16xf32>
        %swap3A_499 = arith.index_cast %add3A_437 : i32 to index
        %swap3A_500 = arith.constant 80 : index
        %swap3A_501 = tpu.vector_load %arg10[%swap3A_499, %swap3A_500] {strides = array<i32>} : memref<128x128xf32, #tpu.memory_space<vmem>>, vector<1x16xf32>,
        %swap3A_502 = vector.shape_cast %swap3A_501 : vector<1x16xf32> to vector<16xf32>
        %swap3A_503 = vector.shape_cast %mul3A_498 : vector<16xf32> to vector<1x16xf32>
        tpu.vector_store %arg10[%swap3A_499, %swap3A_500], %swap3A_503 {strides = array<i32>} : memref<128x128xf32, #tpu.memory_space<vmem>>, vector<1x16xf32>,
        %get3A_504 = arith.index_cast %add3A_437 : i32 to index
        %get3A_505 = arith.constant 96 : index
        %get3A_506 = tpu.vector_load %arg10[%get3A_504, %get3A_505] {strides = array<i32>} : memref<128x128xf32, #tpu.memory_space<vmem>>, vector<1x16xf32>,
        %get3A_507 = vector.shape_cast %get3A_506 : vector<1x16xf32> to vector<16xf32>
        %mul3A_508 = vector.broadcast %squeeze3A_433 : f32 to vector<16xf32>
        %mul3A_509 = arith.mulf %get3A_507, %mul3A_508 : vector<16xf32>
        %swap3A_510 = arith.index_cast %add3A_437 : i32 to index
        %swap3A_511 = arith.constant 96 : index
        %swap3A_512 = tpu.vector_load %arg10[%swap3A_510, %swap3A_511] {strides = array<i32>} : memref<128x128xf32, #tpu.memory_space<vmem>>, vector<1x16xf32>,
        %swap3A_513 = vector.shape_cast %swap3A_512 : vector<1x16xf32> to vector<16xf32>
        %swap3A_514 = vector.shape_cast %mul3A_509 : vector<16xf32> to vector<1x16xf32>
        tpu.vector_store %arg10[%swap3A_510, %swap3A_511], %swap3A_514 {strides = array<i32>} : memref<128x128xf32, #tpu.memory_space<vmem>>, vector<1x16xf32>,
        %get3A_515 = arith.index_cast %add3A_437 : i32 to index
        %get3A_516 = arith.constant 112 : index
        %get3A_517 = tpu.vector_load %arg10[%get3A_515, %get3A_516] {strides = array<i32>} : memref<128x128xf32, #tpu.memory_space<vmem>>, vector<1x16xf32>,
        %get3A_518 = vector.shape_cast %get3A_517 : vector<1x16xf32> to vector<16xf32>
        %mul3A_519 = vector.broadcast %squeeze3A_433 : f32 to vector<16xf32>
        %mul3A_520 = arith.mulf %get3A_518, %mul3A_519 : vector<16xf32>
        %swap3A_521 = arith.index_cast %add3A_437 : i32 to index
        %swap3A_522 = arith.constant 112 : index
        %swap3A_523 = tpu.vector_load %arg10[%swap3A_521, %swap3A_522] {strides = array<i32>} : memref<128x128xf32, #tpu.memory_space<vmem>>, vector<1x16xf32>,
        %swap3A_524 = vector.shape_cast %swap3A_523 : vector<1x16xf32> to vector<16xf32>
        %swap3A_525 = vector.shape_cast %mul3A_520 : vector<16xf32> to vector<1x16xf32>
        tpu.vector_store %arg10[%swap3A_521, %swap3A_522], %swap3A_525 {strides = array<i32>} : memref<128x128xf32, #tpu.memory_space<vmem>>, vector<1x16xf32>,
        %slice3A_526 = vector.extract_strided_slice %get3A_58 {offsets = [5], sizes = [1], strides = [1]} : vector<16xf32> to vector<1xf32>
        %squeeze3A_527 = vector.extract %slice3A_526[0] : f32 from vector<1xf32>
        %mul3A_528 = arith.constant 16 : i32
        %mul3A_529 = arith.muli %add3A_53, %mul3A_528 : i32
        %add3A_530 = arith.constant 5 : i32
        %add3A_531 = arith.addi %mul3A_529, %add3A_530 : i32
        %get3A_532 = arith.index_cast %add3A_531 : i32 to index
        %get3A_533 = arith.constant 0 : index
        %get3A_534 = tpu.vector_load %arg10[%get3A_532, %get3A_533] {strides = array<i32>} : memref<128x128xf32, #tpu.memory_space<vmem>>, vector<1x16xf32>,
        %get3A_535 = vector.shape_cast %get3A_534 : vector<1x16xf32> to vector<16xf32>
        %mul3A_536 = vector.broadcast %squeeze3A_527 : f32 to vector<16xf32>
        %mul3A_537 = arith.mulf %get3A_535, %mul3A_536 : vector<16xf32>
        %swap3A_538 = arith.index_cast %add3A_531 : i32 to index
        %swap3A_539 = arith.constant 0 : index
        %swap3A_540 = tpu.vector_load %arg10[%swap3A_538, %swap3A_539] {strides = array<i32>} : memref<128x128xf32, #tpu.memory_space<vmem>>, vector<1x16xf32>,
        %swap3A_541 = vector.shape_cast %swap3A_540 : vector<1x16xf32> to vector<16xf32>
        %swap3A_542 = vector.shape_cast %mul3A_537 : vector<16xf32> to vector<1x16xf32>
        tpu.vector_store %arg10[%swap3A_538, %swap3A_539], %swap3A_542 {strides = array<i32>} : memref<128x128xf32, #tpu.memory_space<vmem>>, vector<1x16xf32>,
        %get3A_543 = arith.index_cast %add3A_531 : i32 to index
        %get3A_544 = arith.constant 16 : index
        %get3A_545 = tpu.vector_load %arg10[%get3A_543, %get3A_544] {strides = array<i32>} : memref<128x128xf32, #tpu.memory_space<vmem>>, vector<1x16xf32>,
        %get3A_546 = vector.shape_cast %get3A_545 : vector<1x16xf32> to vector<16xf32>
        %mul3A_547 = vector.broadcast %squeeze3A_527 : f32 to vector<16xf32>
        %mul3A_548 = arith.mulf %get3A_546, %mul3A_547 : vector<16xf32>
        %swap3A_549 = arith.index_cast %add3A_531 : i32 to index
        %swap3A_550 = arith.constant 16 : index
        %swap3A_551 = tpu.vector_load %arg10[%swap3A_549, %swap3A_550] {strides = array<i32>} : memref<128x128xf32, #tpu.memory_space<vmem>>, vector<1x16xf32>,
        %swap3A_552 = vector.shape_cast %swap3A_551 : vector<1x16xf32> to vector<16xf32>
        %swap3A_553 = vector.shape_cast %mul3A_548 : vector<16xf32> to vector<1x16xf32>
        tpu.vector_store %arg10[%swap3A_549, %swap3A_550], %swap3A_553 {strides = array<i32>} : memref<128x128xf32, #tpu.memory_space<vmem>>, vector<1x16xf32>,
        %get3A_554 = arith.index_cast %add3A_531 : i32 to index
        %get3A_555 = arith.constant 32 : index
        %get3A_556 = tpu.vector_load %arg10[%get3A_554, %get3A_555] {strides = array<i32>} : memref<128x128xf32, #tpu.memory_space<vmem>>, vector<1x16xf32>,
        %get3A_557 = vector.shape_cast %get3A_556 : vector<1x16xf32> to vector<16xf32>
        %mul3A_558 = vector.broadcast %squeeze3A_527 : f32 to vector<16xf32>
        %mul3A_559 = arith.mulf %get3A_557, %mul3A_558 : vector<16xf32>
        %swap3A_560 = arith.index_cast %add3A_531 : i32 to index
        %swap3A_561 = arith.constant 32 : index
        %swap3A_562 = tpu.vector_load %arg10[%swap3A_560, %swap3A_561] {strides = array<i32>} : memref<128x128xf32, #tpu.memory_space<vmem>>, vector<1x16xf32>,
        %swap3A_563 = vector.shape_cast %swap3A_562 : vector<1x16xf32> to vector<16xf32>
        %swap3A_564 = vector.shape_cast %mul3A_559 : vector<16xf32> to vector<1x16xf32>
        tpu.vector_store %arg10[%swap3A_560, %swap3A_561], %swap3A_564 {strides = array<i32>} : memref<128x128xf32, #tpu.memory_space<vmem>>, vector<1x16xf32>,
        %get3A_565 = arith.index_cast %add3A_531 : i32 to index
        %get3A_566 = arith.constant 48 : index
        %get3A_567 = tpu.vector_load %arg10[%get3A_565, %get3A_566] {strides = array<i32>} : memref<128x128xf32, #tpu.memory_space<vmem>>, vector<1x16xf32>,
        %get3A_568 = vector.shape_cast %get3A_567 : vector<1x16xf32> to vector<16xf32>
        %mul3A_569 = vector.broadcast %squeeze3A_527 : f32 to vector<16xf32>
        %mul3A_570 = arith.mulf %get3A_568, %mul3A_569 : vector<16xf32>
        %swap3A_571 = arith.index_cast %add3A_531 : i32 to index
        %swap3A_572 = arith.constant 48 : index
        %swap3A_573 = tpu.vector_load %arg10[%swap3A_571, %swap3A_572] {strides = array<i32>} : memref<128x128xf32, #tpu.memory_space<vmem>>, vector<1x16xf32>,
        %swap3A_574 = vector.shape_cast %swap3A_573 : vector<1x16xf32> to vector<16xf32>
        %swap3A_575 = vector.shape_cast %mul3A_570 : vector<16xf32> to vector<1x16xf32>
        tpu.vector_store %arg10[%swap3A_571, %swap3A_572], %swap3A_575 {strides = array<i32>} : memref<128x128xf32, #tpu.memory_space<vmem>>, vector<1x16xf32>,
        %get3A_576 = arith.index_cast %add3A_531 : i32 to index
        %get3A_577 = arith.constant 64 : index
        %get3A_578 = tpu.vector_load %arg10[%get3A_576, %get3A_577] {strides = array<i32>} : memref<128x128xf32, #tpu.memory_space<vmem>>, vector<1x16xf32>,
        %get3A_579 = vector.shape_cast %get3A_578 : vector<1x16xf32> to vector<16xf32>
        %mul3A_580 = vector.broadcast %squeeze3A_527 : f32 to vector<16xf32>
        %mul3A_581 = arith.mulf %get3A_579, %mul3A_580 : vector<16xf32>
        %swap3A_582 = arith.index_cast %add3A_531 : i32 to index
        %swap3A_583 = arith.constant 64 : index
        %swap3A_584 = tpu.vector_load %arg10[%swap3A_582, %swap3A_583] {strides = array<i32>} : memref<128x128xf32, #tpu.memory_space<vmem>>, vector<1x16xf32>,
        %swap3A_585 = vector.shape_cast %swap3A_584 : vector<1x16xf32> to vector<16xf32>
        %swap3A_586 = vector.shape_cast %mul3A_581 : vector<16xf32> to vector<1x16xf32>
        tpu.vector_store %arg10[%swap3A_582, %swap3A_583], %swap3A_586 {strides = array<i32>} : memref<128x128xf32, #tpu.memory_space<vmem>>, vector<1x16xf32>,
        %get3A_587 = arith.index_cast %add3A_531 : i32 to index
        %get3A_588 = arith.constant 80 : index
        %get3A_589 = tpu.vector_load %arg10[%get3A_587, %get3A_588] {strides = array<i32>} : memref<128x128xf32, #tpu.memory_space<vmem>>, vector<1x16xf32>,
        %get3A_590 = vector.shape_cast %get3A_589 : vector<1x16xf32> to vector<16xf32>
        %mul3A_591 = vector.broadcast %squeeze3A_527 : f32 to vector<16xf32>
        %mul3A_592 = arith.mulf %get3A_590, %mul3A_591 : vector<16xf32>
        %swap3A_593 = arith.index_cast %add3A_531 : i32 to index
        %swap3A_594 = arith.constant 80 : index
        %swap3A_595 = tpu.vector_load %arg10[%swap3A_593, %swap3A_594] {strides = array<i32>} : memref<128x128xf32, #tpu.memory_space<vmem>>, vector<1x16xf32>,
        %swap3A_596 = vector.shape_cast %swap3A_595 : vector<1x16xf32> to vector<16xf32>
        %swap3A_597 = vector.shape_cast %mul3A_592 : vector<16xf32> to vector<1x16xf32>
        tpu.vector_store %arg10[%swap3A_593, %swap3A_594], %swap3A_597 {strides = array<i32>} : memref<128x128xf32, #tpu.memory_space<vmem>>, vector<1x16xf32>,
        %get3A_598 = arith.index_cast %add3A_531 : i32 to index
        %get3A_599 = arith.constant 96 : index
        %get3A_600 = tpu.vector_load %arg10[%get3A_598, %get3A_599] {strides = array<i32>} : memref<128x128xf32, #tpu.memory_space<vmem>>, vector<1x16xf32>,
        %get3A_601 = vector.shape_cast %get3A_600 : vector<1x16xf32> to vector<16xf32>
        %mul3A_602 = vector.broadcast %squeeze3A_527 : f32 to vector<16xf32>
        %mul3A_603 = arith.mulf %get3A_601, %mul3A_602 : vector<16xf32>
        %swap3A_604 = arith.index_cast %add3A_531 : i32 to index
        %swap3A_605 = arith.constant 96 : index
        %swap3A_606 = tpu.vector_load %arg10[%swap3A_604, %swap3A_605] {strides = array<i32>} : memref<128x128xf32, #tpu.memory_space<vmem>>, vector<1x16xf32>,
        %swap3A_607 = vector.shape_cast %swap3A_606 : vector<1x16xf32> to vector<16xf32>
        %swap3A_608 = vector.shape_cast %mul3A_603 : vector<16xf32> to vector<1x16xf32>
        tpu.vector_store %arg10[%swap3A_604, %swap3A_605], %swap3A_608 {strides = array<i32>} : memref<128x128xf32, #tpu.memory_space<vmem>>, vector<1x16xf32>,
        %get3A_609 = arith.index_cast %add3A_531 : i32 to index
        %get3A_610 = arith.constant 112 : index
        %get3A_611 = tpu.vector_load %arg10[%get3A_609, %get3A_610] {strides = array<i32>} : memref<128x128xf32, #tpu.memory_space<vmem>>, vector<1x16xf32>,
        %get3A_612 = vector.shape_cast %get3A_611 : vector<1x16xf32> to vector<16xf32>
        %mul3A_613 = vector.broadcast %squeeze3A_527 : f32 to vector<16xf32>
        %mul3A_614 = arith.mulf %get3A_612, %mul3A_613 : vector<16xf32>
        %swap3A_615 = arith.index_cast %add3A_531 : i32 to index
        %swap3A_616 = arith.constant 112 : index
        %swap3A_617 = tpu.vector_load %arg10[%swap3A_615, %swap3A_616] {strides = array<i32>} : memref<128x128xf32, #tpu.memory_space<vmem>>, vector<1x16xf32>,
        %swap3A_618 = vector.shape_cast %swap3A_617 : vector<1x16xf32> to vector<16xf32>
        %swap3A_619 = vector.shape_cast %mul3A_614 : vector<16xf32> to vector<1x16xf32>
        tpu.vector_store %arg10[%swap3A_615, %swap3A_616], %swap3A_619 {strides = array<i32>} : memref<128x128xf32, #tpu.memory_space<vmem>>, vector<1x16xf32>,
        %slice3A_620 = vector.extract_strided_slice %get3A_58 {offsets = [6], sizes = [1], strides = [1]} : vector<16xf32> to vector<1xf32>
        %squeeze3A_621 = vector.extract %slice3A_620[0] : f32 from vector<1xf32>
        %mul3A_622 = arith.constant 16 : i32
        %mul3A_623 = arith.muli %add3A_53, %mul3A_622 : i32
        %add3A_624 = arith.constant 6 : i32
        %add3A_625 = arith.addi %mul3A_623, %add3A_624 : i32
        %get3A_626 = arith.index_cast %add3A_625 : i32 to index
        %get3A_627 = arith.constant 0 : index
        %get3A_628 = tpu.vector_load %arg10[%get3A_626, %get3A_627] {strides = array<i32>} : memref<128x128xf32, #tpu.memory_space<vmem>>, vector<1x16xf32>,
        %get3A_629 = vector.shape_cast %get3A_628 : vector<1x16xf32> to vector<16xf32>
        %mul3A_630 = vector.broadcast %squeeze3A_621 : f32 to vector<16xf32>
        %mul3A_631 = arith.mulf %get3A_629, %mul3A_630 : vector<16xf32>
        %swap3A_632 = arith.index_cast %add3A_625 : i32 to index
        %swap3A_633 = arith.constant 0 : index
        %swap3A_634 = tpu.vector_load %arg10[%swap3A_632, %swap3A_633] {strides = array<i32>} : memref<128x128xf32, #tpu.memory_space<vmem>>, vector<1x16xf32>,
        %swap3A_635 = vector.shape_cast %swap3A_634 : vector<1x16xf32> to vector<16xf32>
        %swap3A_636 = vector.shape_cast %mul3A_631 : vector<16xf32> to vector<1x16xf32>
        tpu.vector_store %arg10[%swap3A_632, %swap3A_633], %swap3A_636 {strides = array<i32>} : memref<128x128xf32, #tpu.memory_space<vmem>>, vector<1x16xf32>,
        %get3A_637 = arith.index_cast %add3A_625 : i32 to index
        %get3A_638 = arith.constant 16 : index
        %get3A_639 = tpu.vector_load %arg10[%get3A_637, %get3A_638] {strides = array<i32>} : memref<128x128xf32, #tpu.memory_space<vmem>>, vector<1x16xf32>,
        %get3A_640 = vector.shape_cast %get3A_639 : vector<1x16xf32> to vector<16xf32>
        %mul3A_641 = vector.broadcast %squeeze3A_621 : f32 to vector<16xf32>
        %mul3A_642 = arith.mulf %get3A_640, %mul3A_641 : vector<16xf32>
        %swap3A_643 = arith.index_cast %add3A_625 : i32 to index
        %swap3A_644 = arith.constant 16 : index
        %swap3A_645 = tpu.vector_load %arg10[%swap3A_643, %swap3A_644] {strides = array<i32>} : memref<128x128xf32, #tpu.memory_space<vmem>>, vector<1x16xf32>,
        %swap3A_646 = vector.shape_cast %swap3A_645 : vector<1x16xf32> to vector<16xf32>
        %swap3A_647 = vector.shape_cast %mul3A_642 : vector<16xf32> to vector<1x16xf32>
        tpu.vector_store %arg10[%swap3A_643, %swap3A_644], %swap3A_647 {strides = array<i32>} : memref<128x128xf32, #tpu.memory_space<vmem>>, vector<1x16xf32>,
        %get3A_648 = arith.index_cast %add3A_625 : i32 to index
        %get3A_649 = arith.constant 32 : index
        %get3A_650 = tpu.vector_load %arg10[%get3A_648, %get3A_649] {strides = array<i32>} : memref<128x128xf32, #tpu.memory_space<vmem>>, vector<1x16xf32>,
        %get3A_651 = vector.shape_cast %get3A_650 : vector<1x16xf32> to vector<16xf32>
        %mul3A_652 = vector.broadcast %squeeze3A_621 : f32 to vector<16xf32>
        %mul3A_653 = arith.mulf %get3A_651, %mul3A_652 : vector<16xf32>
        %swap3A_654 = arith.index_cast %add3A_625 : i32 to index
        %swap3A_655 = arith.constant 32 : index
        %swap3A_656 = tpu.vector_load %arg10[%swap3A_654, %swap3A_655] {strides = array<i32>} : memref<128x128xf32, #tpu.memory_space<vmem>>, vector<1x16xf32>,
        %swap3A_657 = vector.shape_cast %swap3A_656 : vector<1x16xf32> to vector<16xf32>
        %swap3A_658 = vector.shape_cast %mul3A_653 : vector<16xf32> to vector<1x16xf32>
        tpu.vector_store %arg10[%swap3A_654, %swap3A_655], %swap3A_658 {strides = array<i32>} : memref<128x128xf32, #tpu.memory_space<vmem>>, vector<1x16xf32>,
        %get3A_659 = arith.index_cast %add3A_625 : i32 to index
        %get3A_660 = arith.constant 48 : index
        %get3A_661 = tpu.vector_load %arg10[%get3A_659, %get3A_660] {strides = array<i32>} : memref<128x128xf32, #tpu.memory_space<vmem>>, vector<1x16xf32>,
        %get3A_662 = vector.shape_cast %get3A_661 : vector<1x16xf32> to vector<16xf32>
        %mul3A_663 = vector.broadcast %squeeze3A_621 : f32 to vector<16xf32>
        %mul3A_664 = arith.mulf %get3A_662, %mul3A_663 : vector<16xf32>
        %swap3A_665 = arith.index_cast %add3A_625 : i32 to index
        %swap3A_666 = arith.constant 48 : index
        %swap3A_667 = tpu.vector_load %arg10[%swap3A_665, %swap3A_666] {strides = array<i32>} : memref<128x128xf32, #tpu.memory_space<vmem>>, vector<1x16xf32>,
        %swap3A_668 = vector.shape_cast %swap3A_667 : vector<1x16xf32> to vector<16xf32>
        %swap3A_669 = vector.shape_cast %mul3A_664 : vector<16xf32> to vector<1x16xf32>
        tpu.vector_store %arg10[%swap3A_665, %swap3A_666], %swap3A_669 {strides = array<i32>} : memref<128x128xf32, #tpu.memory_space<vmem>>, vector<1x16xf32>,
        %get3A_670 = arith.index_cast %add3A_625 : i32 to index
        %get3A_671 = arith.constant 64 : index
        %get3A_672 = tpu.vector_load %arg10[%get3A_670, %get3A_671] {strides = array<i32>} : memref<128x128xf32, #tpu.memory_space<vmem>>, vector<1x16xf32>,
        %get3A_673 = vector.shape_cast %get3A_672 : vector<1x16xf32> to vector<16xf32>
        %mul3A_674 = vector.broadcast %squeeze3A_621 : f32 to vector<16xf32>
        %mul3A_675 = arith.mulf %get3A_673, %mul3A_674 : vector<16xf32>
        %swap3A_676 = arith.index_cast %add3A_625 : i32 to index
        %swap3A_677 = arith.constant 64 : index
        %swap3A_678 = tpu.vector_load %arg10[%swap3A_676, %swap3A_677] {strides = array<i32>} : memref<128x128xf32, #tpu.memory_space<vmem>>, vector<1x16xf32>,
        %swap3A_679 = vector.shape_cast %swap3A_678 : vector<1x16xf32> to vector<16xf32>
        %swap3A_680 = vector.shape_cast %mul3A_675 : vector<16xf32> to vector<1x16xf32>
        tpu.vector_store %arg10[%swap3A_676, %swap3A_677], %swap3A_680 {strides = array<i32>} : memref<128x128xf32, #tpu.memory_space<vmem>>, vector<1x16xf32>,
        %get3A_681 = arith.index_cast %add3A_625 : i32 to index
        %get3A_682 = arith.constant 80 : index
        %get3A_683 = tpu.vector_load %arg10[%get3A_681, %get3A_682] {strides = array<i32>} : memref<128x128xf32, #tpu.memory_space<vmem>>, vector<1x16xf32>,
        %get3A_684 = vector.shape_cast %get3A_683 : vector<1x16xf32> to vector<16xf32>
        %mul3A_685 = vector.broadcast %squeeze3A_621 : f32 to vector<16xf32>
        %mul3A_686 = arith.mulf %get3A_684, %mul3A_685 : vector<16xf32>
        %swap3A_687 = arith.index_cast %add3A_625 : i32 to index
        %swap3A_688 = arith.constant 80 : index
        %swap3A_689 = tpu.vector_load %arg10[%swap3A_687, %swap3A_688] {strides = array<i32>} : memref<128x128xf32, #tpu.memory_space<vmem>>, vector<1x16xf32>,
        %swap3A_690 = vector.shape_cast %swap3A_689 : vector<1x16xf32> to vector<16xf32>
        %swap3A_691 = vector.shape_cast %mul3A_686 : vector<16xf32> to vector<1x16xf32>
        tpu.vector_store %arg10[%swap3A_687, %swap3A_688], %swap3A_691 {strides = array<i32>} : memref<128x128xf32, #tpu.memory_space<vmem>>, vector<1x16xf32>,
        %get3A_692 = arith.index_cast %add3A_625 : i32 to index
        %get3A_693 = arith.constant 96 : index
        %get3A_694 = tpu.vector_load %arg10[%get3A_692, %get3A_693] {strides = array<i32>} : memref<128x128xf32, #tpu.memory_space<vmem>>, vector<1x16xf32>,
        %get3A_695 = vector.shape_cast %get3A_694 : vector<1x16xf32> to vector<16xf32>
        %mul3A_696 = vector.broadcast %squeeze3A_621 : f32 to vector<16xf32>
        %mul3A_697 = arith.mulf %get3A_695, %mul3A_696 : vector<16xf32>
        %swap3A_698 = arith.index_cast %add3A_625 : i32 to index
        %swap3A_699 = arith.constant 96 : index
        %swap3A_700 = tpu.vector_load %arg10[%swap3A_698, %swap3A_699] {strides = array<i32>} : memref<128x128xf32, #tpu.memory_space<vmem>>, vector<1x16xf32>,
        %swap3A_701 = vector.shape_cast %swap3A_700 : vector<1x16xf32> to vector<16xf32>
        %swap3A_702 = vector.shape_cast %mul3A_697 : vector<16xf32> to vector<1x16xf32>
        tpu.vector_store %arg10[%swap3A_698, %swap3A_699], %swap3A_702 {strides = array<i32>} : memref<128x128xf32, #tpu.memory_space<vmem>>, vector<1x16xf32>,
        %get3A_703 = arith.index_cast %add3A_625 : i32 to index
        %get3A_704 = arith.constant 112 : index
        %get3A_705 = tpu.vector_load %arg10[%get3A_703, %get3A_704] {strides = array<i32>} : memref<128x128xf32, #tpu.memory_space<vmem>>, vector<1x16xf32>,
        %get3A_706 = vector.shape_cast %get3A_705 : vector<1x16xf32> to vector<16xf32>
        %mul3A_707 = vector.broadcast %squeeze3A_621 : f32 to vector<16xf32>
        %mul3A_708 = arith.mulf %get3A_706, %mul3A_707 : vector<16xf32>
        %swap3A_709 = arith.index_cast %add3A_625 : i32 to index
        %swap3A_710 = arith.constant 112 : index
        %swap3A_711 = tpu.vector_load %arg10[%swap3A_709, %swap3A_710] {strides = array<i32>} : memref<128x128xf32, #tpu.memory_space<vmem>>, vector<1x16xf32>,
        %swap3A_712 = vector.shape_cast %swap3A_711 : vector<1x16xf32> to vector<16xf32>
        %swap3A_713 = vector.shape_cast %mul3A_708 : vector<16xf32> to vector<1x16xf32>
        tpu.vector_store %arg10[%swap3A_709, %swap3A_710], %swap3A_713 {strides = array<i32>} : memref<128x128xf32, #tpu.memory_space<vmem>>, vector<1x16xf32>,
        %slice3A_714 = vector.extract_strided_slice %get3A_58 {offsets = [7], sizes = [1], strides = [1]} : vector<16xf32> to vector<1xf32>
        %squeeze3A_715 = vector.extract %slice3A_714[0] : f32 from vector<1xf32>
        %mul3A_716 = arith.constant 16 : i32
        %mul3A_717 = arith.muli %add3A_53, %mul3A_716 : i32
        %add3A_718 = arith.constant 7 : i32
        %add3A_719 = arith.addi %mul3A_717, %add3A_718 : i32
        %get3A_720 = arith.index_cast %add3A_719 : i32 to index
        %get3A_721 = arith.constant 0 : index
        %get3A_722 = tpu.vector_load %arg10[%get3A_720, %get3A_721] {strides = array<i32>} : memref<128x128xf32, #tpu.memory_space<vmem>>, vector<1x16xf32>,
        %get3A_723 = vector.shape_cast %get3A_722 : vector<1x16xf32> to vector<16xf32>
        %mul3A_724 = vector.broadcast %squeeze3A_715 : f32 to vector<16xf32>
        %mul3A_725 = arith.mulf %get3A_723, %mul3A_724 : vector<16xf32>
        %swap3A_726 = arith.index_cast %add3A_719 : i32 to index
        %swap3A_727 = arith.constant 0 : index
        %swap3A_728 = tpu.vector_load %arg10[%swap3A_726, %swap3A_727] {strides = array<i32>} : memref<128x128xf32, #tpu.memory_space<vmem>>, vector<1x16xf32>,
        %swap3A_729 = vector.shape_cast %swap3A_728 : vector<1x16xf32> to vector<16xf32>
        %swap3A_730 = vector.shape_cast %mul3A_725 : vector<16xf32> to vector<1x16xf32>
        tpu.vector_store %arg10[%swap3A_726, %swap3A_727], %swap3A_730 {strides = array<i32>} : memref<128x128xf32, #tpu.memory_space<vmem>>, vector<1x16xf32>,
        %get3A_731 = arith.index_cast %add3A_719 : i32 to index
        %get3A_732 = arith.constant 16 : index
        %get3A_733 = tpu.vector_load %arg10[%get3A_731, %get3A_732] {strides = array<i32>} : memref<128x128xf32, #tpu.memory_space<vmem>>, vector<1x16xf32>,
        %get3A_734 = vector.shape_cast %get3A_733 : vector<1x16xf32> to vector<16xf32>
        %mul3A_735 = vector.broadcast %squeeze3A_715 : f32 to vector<16xf32>
        %mul3A_736 = arith.mulf %get3A_734, %mul3A_735 : vector<16xf32>
        %swap3A_737 = arith.index_cast %add3A_719 : i32 to index
        %swap3A_738 = arith.constant 16 : index
        %swap3A_739 = tpu.vector_load %arg10[%swap3A_737, %swap3A_738] {strides = array<i32>} : memref<128x128xf32, #tpu.memory_space<vmem>>, vector<1x16xf32>,
        %swap3A_740 = vector.shape_cast %swap3A_739 : vector<1x16xf32> to vector<16xf32>
        %swap3A_741 = vector.shape_cast %mul3A_736 : vector<16xf32> to vector<1x16xf32>
        tpu.vector_store %arg10[%swap3A_737, %swap3A_738], %swap3A_741 {strides = array<i32>} : memref<128x128xf32, #tpu.memory_space<vmem>>, vector<1x16xf32>,
        %get3A_742 = arith.index_cast %add3A_719 : i32 to index
        %get3A_743 = arith.constant 32 : index
        %get3A_744 = tpu.vector_load %arg10[%get3A_742, %get3A_743] {strides = array<i32>} : memref<128x128xf32, #tpu.memory_space<vmem>>, vector<1x16xf32>,
        %get3A_745 = vector.shape_cast %get3A_744 : vector<1x16xf32> to vector<16xf32>
        %mul3A_746 = vector.broadcast %squeeze3A_715 : f32 to vector<16xf32>
        %mul3A_747 = arith.mulf %get3A_745, %mul3A_746 : vector<16xf32>
        %swap3A_748 = arith.index_cast %add3A_719 : i32 to index
        %swap3A_749 = arith.constant 32 : index
        %swap3A_750 = tpu.vector_load %arg10[%swap3A_748, %swap3A_749] {strides = array<i32>} : memref<128x128xf32, #tpu.memory_space<vmem>>, vector<1x16xf32>,
        %swap3A_751 = vector.shape_cast %swap3A_750 : vector<1x16xf32> to vector<16xf32>
        %swap3A_752 = vector.shape_cast %mul3A_747 : vector<16xf32> to vector<1x16xf32>
        tpu.vector_store %arg10[%swap3A_748, %swap3A_749], %swap3A_752 {strides = array<i32>} : memref<128x128xf32, #tpu.memory_space<vmem>>, vector<1x16xf32>,
        %get3A_753 = arith.index_cast %add3A_719 : i32 to index
        %get3A_754 = arith.constant 48 : index
        %get3A_755 = tpu.vector_load %arg10[%get3A_753, %get3A_754] {strides = array<i32>} : memref<128x128xf32, #tpu.memory_space<vmem>>, vector<1x16xf32>,
        %get3A_756 = vector.shape_cast %get3A_755 : vector<1x16xf32> to vector<16xf32>
        %mul3A_757 = vector.broadcast %squeeze3A_715 : f32 to vector<16xf32>
        %mul3A_758 = arith.mulf %get3A_756, %mul3A_757 : vector<16xf32>
        %swap3A_759 = arith.index_cast %add3A_719 : i32 to index
        %swap3A_760 = arith.constant 48 : index
        %swap3A_761 = tpu.vector_load %arg10[%swap3A_759, %swap3A_760] {strides = array<i32>} : memref<128x128xf32, #tpu.memory_space<vmem>>, vector<1x16xf32>,
        %swap3A_762 = vector.shape_cast %swap3A_761 : vector<1x16xf32> to vector<16xf32>
        %swap3A_763 = vector.shape_cast %mul3A_758 : vector<16xf32> to vector<1x16xf32>
        tpu.vector_store %arg10[%swap3A_759, %swap3A_760], %swap3A_763 {strides = array<i32>} : memref<128x128xf32, #tpu.memory_space<vmem>>, vector<1x16xf32>,
        %get3A_764 = arith.index_cast %add3A_719 : i32 to index
        %get3A_765 = arith.constant 64 : index
        %get3A_766 = tpu.vector_load %arg10[%get3A_764, %get3A_765] {strides = array<i32>} : memref<128x128xf32, #tpu.memory_space<vmem>>, vector<1x16xf32>,
        %get3A_767 = vector.shape_cast %get3A_766 : vector<1x16xf32> to vector<16xf32>
        %mul3A_768 = vector.broadcast %squeeze3A_715 : f32 to vector<16xf32>
        %mul3A_769 = arith.mulf %get3A_767, %mul3A_768 : vector<16xf32>
        %swap3A_770 = arith.index_cast %add3A_719 : i32 to index
        %swap3A_771 = arith.constant 64 : index
        %swap3A_772 = tpu.vector_load %arg10[%swap3A_770, %swap3A_771] {strides = array<i32>} : memref<128x128xf32, #tpu.memory_space<vmem>>, vector<1x16xf32>,
        %swap3A_773 = vector.shape_cast %swap3A_772 : vector<1x16xf32> to vector<16xf32>
        %swap3A_774 = vector.shape_cast %mul3A_769 : vector<16xf32> to vector<1x16xf32>
        tpu.vector_store %arg10[%swap3A_770, %swap3A_771], %swap3A_774 {strides = array<i32>} : memref<128x128xf32, #tpu.memory_space<vmem>>, vector<1x16xf32>,
        %get3A_775 = arith.index_cast %add3A_719 : i32 to index
        %get3A_776 = arith.constant 80 : index
        %get3A_777 = tpu.vector_load %arg10[%get3A_775, %get3A_776] {strides = array<i32>} : memref<128x128xf32, #tpu.memory_space<vmem>>, vector<1x16xf32>,
        %get3A_778 = vector.shape_cast %get3A_777 : vector<1x16xf32> to vector<16xf32>
        %mul3A_779 = vector.broadcast %squeeze3A_715 : f32 to vector<16xf32>
        %mul3A_780 = arith.mulf %get3A_778, %mul3A_779 : vector<16xf32>
        %swap3A_781 = arith.index_cast %add3A_719 : i32 to index
        %swap3A_782 = arith.constant 80 : index
        %swap3A_783 = tpu.vector_load %arg10[%swap3A_781, %swap3A_782] {strides = array<i32>} : memref<128x128xf32, #tpu.memory_space<vmem>>, vector<1x16xf32>,
        %swap3A_784 = vector.shape_cast %swap3A_783 : vector<1x16xf32> to vector<16xf32>
        %swap3A_785 = vector.shape_cast %mul3A_780 : vector<16xf32> to vector<1x16xf32>
        tpu.vector_store %arg10[%swap3A_781, %swap3A_782], %swap3A_785 {strides = array<i32>} : memref<128x128xf32, #tpu.memory_space<vmem>>, vector<1x16xf32>,
        %get3A_786 = arith.index_cast %add3A_719 : i32 to index
        %get3A_787 = arith.constant 96 : index
        %get3A_788 = tpu.vector_load %arg10[%get3A_786, %get3A_787] {strides = array<i32>} : memref<128x128xf32, #tpu.memory_space<vmem>>, vector<1x16xf32>,
        %get3A_789 = vector.shape_cast %get3A_788 : vector<1x16xf32> to vector<16xf32>
        %mul3A_790 = vector.broadcast %squeeze3A_715 : f32 to vector<16xf32>
        %mul3A_791 = arith.mulf %get3A_789, %mul3A_790 : vector<16xf32>
        %swap3A_792 = arith.index_cast %add3A_719 : i32 to index
        %swap3A_793 = arith.constant 96 : index
        %swap3A_794 = tpu.vector_load %arg10[%swap3A_792, %swap3A_793] {strides = array<i32>} : memref<128x128xf32, #tpu.memory_space<vmem>>, vector<1x16xf32>,
        %swap3A_795 = vector.shape_cast %swap3A_794 : vector<1x16xf32> to vector<16xf32>
        %swap3A_796 = vector.shape_cast %mul3A_791 : vector<16xf32> to vector<1x16xf32>
        tpu.vector_store %arg10[%swap3A_792, %swap3A_793], %swap3A_796 {strides = array<i32>} : memref<128x128xf32, #tpu.memory_space<vmem>>, vector<1x16xf32>,
        %get3A_797 = arith.index_cast %add3A_719 : i32 to index
        %get3A_798 = arith.constant 112 : index
        %get3A_799 = tpu.vector_load %arg10[%get3A_797, %get3A_798] {strides = array<i32>} : memref<128x128xf32, #tpu.memory_space<vmem>>, vector<1x16xf32>,
        %get3A_800 = vector.shape_cast %get3A_799 : vector<1x16xf32> to vector<16xf32>
        %mul3A_801 = vector.broadcast %squeeze3A_715 : f32 to vector<16xf32>
        %mul3A_802 = arith.mulf %get3A_800, %mul3A_801 : vector<16xf32>
        %swap3A_803 = arith.index_cast %add3A_719 : i32 to index
        %swap3A_804 = arith.constant 112 : index
        %swap3A_805 = tpu.vector_load %arg10[%swap3A_803, %swap3A_804] {strides = array<i32>} : memref<128x128xf32, #tpu.memory_space<vmem>>, vector<1x16xf32>,
        %swap3A_806 = vector.shape_cast %swap3A_805 : vector<1x16xf32> to vector<16xf32>
        %swap3A_807 = vector.shape_cast %mul3A_802 : vector<16xf32> to vector<1x16xf32>
        tpu.vector_store %arg10[%swap3A_803, %swap3A_804], %swap3A_807 {strides = array<i32>} : memref<128x128xf32, #tpu.memory_space<vmem>>, vector<1x16xf32>,
        %slice3A_808 = vector.extract_strided_slice %get3A_58 {offsets = [8], sizes = [1], strides = [1]} : vector<16xf32> to vector<1xf32>
        %squeeze3A_809 = vector.extract %slice3A_808[0] : f32 from vector<1xf32>
        %mul3A_810 = arith.constant 16 : i32
        %mul3A_811 = arith.muli %add3A_53, %mul3A_810 : i32
        %add3A_812 = arith.constant 8 : i32
        %add3A_813 = arith.addi %mul3A_811, %add3A_812 : i32
        %get3A_814 = arith.index_cast %add3A_813 : i32 to index
        %get3A_815 = arith.constant 0 : index
        %get3A_816 = tpu.vector_load %arg10[%get3A_814, %get3A_815] {strides = array<i32>} : memref<128x128xf32, #tpu.memory_space<vmem>>, vector<1x16xf32>,
        %get3A_817 = vector.shape_cast %get3A_816 : vector<1x16xf32> to vector<16xf32>
        %mul3A_818 = vector.broadcast %squeeze3A_809 : f32 to vector<16xf32>
        %mul3A_819 = arith.mulf %get3A_817, %mul3A_818 : vector<16xf32>
        %swap3A_820 = arith.index_cast %add3A_813 : i32 to index
        %swap3A_821 = arith.constant 0 : index
        %swap3A_822 = tpu.vector_load %arg10[%swap3A_820, %swap3A_821] {strides = array<i32>} : memref<128x128xf32, #tpu.memory_space<vmem>>, vector<1x16xf32>,
        %swap3A_823 = vector.shape_cast %swap3A_822 : vector<1x16xf32> to vector<16xf32>
        %swap3A_824 = vector.shape_cast %mul3A_819 : vector<16xf32> to vector<1x16xf32>
        tpu.vector_store %arg10[%swap3A_820, %swap3A_821], %swap3A_824 {strides = array<i32>} : memref<128x128xf32, #tpu.memory_space<vmem>>, vector<1x16xf32>,
        %get3A_825 = arith.index_cast %add3A_813 : i32 to index
        %get3A_826 = arith.constant 16 : index
        %get3A_827 = tpu.vector_load %arg10[%get3A_825, %get3A_826] {strides = array<i32>} : memref<128x128xf32, #tpu.memory_space<vmem>>, vector<1x16xf32>,
        %get3A_828 = vector.shape_cast %get3A_827 : vector<1x16xf32> to vector<16xf32>
        %mul3A_829 = vector.broadcast %squeeze3A_809 : f32 to vector<16xf32>
        %mul3A_830 = arith.mulf %get3A_828, %mul3A_829 : vector<16xf32>
        %swap3A_831 = arith.index_cast %add3A_813 : i32 to index
        %swap3A_832 = arith.constant 16 : index
        %swap3A_833 = tpu.vector_load %arg10[%swap3A_831, %swap3A_832] {strides = array<i32>} : memref<128x128xf32, #tpu.memory_space<vmem>>, vector<1x16xf32>,
        %swap3A_834 = vector.shape_cast %swap3A_833 : vector<1x16xf32> to vector<16xf32>
        %swap3A_835 = vector.shape_cast %mul3A_830 : vector<16xf32> to vector<1x16xf32>
        tpu.vector_store %arg10[%swap3A_831, %swap3A_832], %swap3A_835 {strides = array<i32>} : memref<128x128xf32, #tpu.memory_space<vmem>>, vector<1x16xf32>,
        %get3A_836 = arith.index_cast %add3A_813 : i32 to index
        %get3A_837 = arith.constant 32 : index
        %get3A_838 = tpu.vector_load %arg10[%get3A_836, %get3A_837] {strides = array<i32>} : memref<128x128xf32, #tpu.memory_space<vmem>>, vector<1x16xf32>,
        %get3A_839 = vector.shape_cast %get3A_838 : vector<1x16xf32> to vector<16xf32>
        %mul3A_840 = vector.broadcast %squeeze3A_809 : f32 to vector<16xf32>
        %mul3A_841 = arith.mulf %get3A_839, %mul3A_840 : vector<16xf32>
        %swap3A_842 = arith.index_cast %add3A_813 : i32 to index
        %swap3A_843 = arith.constant 32 : index
        %swap3A_844 = tpu.vector_load %arg10[%swap3A_842, %swap3A_843] {strides = array<i32>} : memref<128x128xf32, #tpu.memory_space<vmem>>, vector<1x16xf32>,
        %swap3A_845 = vector.shape_cast %swap3A_844 : vector<1x16xf32> to vector<16xf32>
        %swap3A_846 = vector.shape_cast %mul3A_841 : vector<16xf32> to vector<1x16xf32>
        tpu.vector_store %arg10[%swap3A_842, %swap3A_843], %swap3A_846 {strides = array<i32>} : memref<128x128xf32, #tpu.memory_space<vmem>>, vector<1x16xf32>,
        %get3A_847 = arith.index_cast %add3A_813 : i32 to index
        %get3A_848 = arith.constant 48 : index
        %get3A_849 = tpu.vector_load %arg10[%get3A_847, %get3A_848] {strides = array<i32>} : memref<128x128xf32, #tpu.memory_space<vmem>>, vector<1x16xf32>,
        %get3A_850 = vector.shape_cast %get3A_849 : vector<1x16xf32> to vector<16xf32>
        %mul3A_851 = vector.broadcast %squeeze3A_809 : f32 to vector<16xf32>
        %mul3A_852 = arith.mulf %get3A_850, %mul3A_851 : vector<16xf32>
        %swap3A_853 = arith.index_cast %add3A_813 : i32 to index
        %swap3A_854 = arith.constant 48 : index
        %swap3A_855 = tpu.vector_load %arg10[%swap3A_853, %swap3A_854] {strides = array<i32>} : memref<128x128xf32, #tpu.memory_space<vmem>>, vector<1x16xf32>,
        %swap3A_856 = vector.shape_cast %swap3A_855 : vector<1x16xf32> to vector<16xf32>
        %swap3A_857 = vector.shape_cast %mul3A_852 : vector<16xf32> to vector<1x16xf32>
        tpu.vector_store %arg10[%swap3A_853, %swap3A_854], %swap3A_857 {strides = array<i32>} : memref<128x128xf32, #tpu.memory_space<vmem>>, vector<1x16xf32>,
        %get3A_858 = arith.index_cast %add3A_813 : i32 to index
        %get3A_859 = arith.constant 64 : index
        %get3A_860 = tpu.vector_load %arg10[%get3A_858, %get3A_859] {strides = array<i32>} : memref<128x128xf32, #tpu.memory_space<vmem>>, vector<1x16xf32>,
        %get3A_861 = vector.shape_cast %get3A_860 : vector<1x16xf32> to vector<16xf32>
        %mul3A_862 = vector.broadcast %squeeze3A_809 : f32 to vector<16xf32>
        %mul3A_863 = arith.mulf %get3A_861, %mul3A_862 : vector<16xf32>
        %swap3A_864 = arith.index_cast %add3A_813 : i32 to index
        %swap3A_865 = arith.constant 64 : index
        %swap3A_866 = tpu.vector_load %arg10[%swap3A_864, %swap3A_865] {strides = array<i32>} : memref<128x128xf32, #tpu.memory_space<vmem>>, vector<1x16xf32>,
        %swap3A_867 = vector.shape_cast %swap3A_866 : vector<1x16xf32> to vector<16xf32>
        %swap3A_868 = vector.shape_cast %mul3A_863 : vector<16xf32> to vector<1x16xf32>
        tpu.vector_store %arg10[%swap3A_864, %swap3A_865], %swap3A_868 {strides = array<i32>} : memref<128x128xf32, #tpu.memory_space<vmem>>, vector<1x16xf32>,
        %get3A_869 = arith.index_cast %add3A_813 : i32 to index
        %get3A_870 = arith.constant 80 : index
        %get3A_871 = tpu.vector_load %arg10[%get3A_869, %get3A_870] {strides = array<i32>} : memref<128x128xf32, #tpu.memory_space<vmem>>, vector<1x16xf32>,
        %get3A_872 = vector.shape_cast %get3A_871 : vector<1x16xf32> to vector<16xf32>
        %mul3A_873 = vector.broadcast %squeeze3A_809 : f32 to vector<16xf32>
        %mul3A_874 = arith.mulf %get3A_872, %mul3A_873 : vector<16xf32>
        %swap3A_875 = arith.index_cast %add3A_813 : i32 to index
        %swap3A_876 = arith.constant 80 : index
        %swap3A_877 = tpu.vector_load %arg10[%swap3A_875, %swap3A_876] {strides = array<i32>} : memref<128x128xf32, #tpu.memory_space<vmem>>, vector<1x16xf32>,
        %swap3A_878 = vector.shape_cast %swap3A_877 : vector<1x16xf32> to vector<16xf32>
        %swap3A_879 = vector.shape_cast %mul3A_874 : vector<16xf32> to vector<1x16xf32>
        tpu.vector_store %arg10[%swap3A_875, %swap3A_876], %swap3A_879 {strides = array<i32>} : memref<128x128xf32, #tpu.memory_space<vmem>>, vector<1x16xf32>,
        %get3A_880 = arith.index_cast %add3A_813 : i32 to index
        %get3A_881 = arith.constant 96 : index
        %get3A_882 = tpu.vector_load %arg10[%get3A_880, %get3A_881] {strides = array<i32>} : memref<128x128xf32, #tpu.memory_space<vmem>>, vector<1x16xf32>,
        %get3A_883 = vector.shape_cast %get3A_882 : vector<1x16xf32> to vector<16xf32>
        %mul3A_884 = vector.broadcast %squeeze3A_809 : f32 to vector<16xf32>
        %mul3A_885 = arith.mulf %get3A_883, %mul3A_884 : vector<16xf32>
        %swap3A_886 = arith.index_cast %add3A_813 : i32 to index
        %swap3A_887 = arith.constant 96 : index
        %swap3A_888 = tpu.vector_load %arg10[%swap3A_886, %swap3A_887] {strides = array<i32>} : memref<128x128xf32, #tpu.memory_space<vmem>>, vector<1x16xf32>,
        %swap3A_889 = vector.shape_cast %swap3A_888 : vector<1x16xf32> to vector<16xf32>
        %swap3A_890 = vector.shape_cast %mul3A_885 : vector<16xf32> to vector<1x16xf32>
        tpu.vector_store %arg10[%swap3A_886, %swap3A_887], %swap3A_890 {strides = array<i32>} : memref<128x128xf32, #tpu.memory_space<vmem>>, vector<1x16xf32>,
        %get3A_891 = arith.index_cast %add3A_813 : i32 to index
        %get3A_892 = arith.constant 112 : index
        %get3A_893 = tpu.vector_load %arg10[%get3A_891, %get3A_892] {strides = array<i32>} : memref<128x128xf32, #tpu.memory_space<vmem>>, vector<1x16xf32>,
        %get3A_894 = vector.shape_cast %get3A_893 : vector<1x16xf32> to vector<16xf32>
        %mul3A_895 = vector.broadcast %squeeze3A_809 : f32 to vector<16xf32>
        %mul3A_896 = arith.mulf %get3A_894, %mul3A_895 : vector<16xf32>
        %swap3A_897 = arith.index_cast %add3A_813 : i32 to index
        %swap3A_898 = arith.constant 112 : index
        %swap3A_899 = tpu.vector_load %arg10[%swap3A_897, %swap3A_898] {strides = array<i32>} : memref<128x128xf32, #tpu.memory_space<vmem>>, vector<1x16xf32>,
        %swap3A_900 = vector.shape_cast %swap3A_899 : vector<1x16xf32> to vector<16xf32>
        %swap3A_901 = vector.shape_cast %mul3A_896 : vector<16xf32> to vector<1x16xf32>
        tpu.vector_store %arg10[%swap3A_897, %swap3A_898], %swap3A_901 {strides = array<i32>} : memref<128x128xf32, #tpu.memory_space<vmem>>, vector<1x16xf32>,
        %slice3A_902 = vector.extract_strided_slice %get3A_58 {offsets = [9], sizes = [1], strides = [1]} : vector<16xf32> to vector<1xf32>
        %squeeze3A_903 = vector.extract %slice3A_902[0] : f32 from vector<1xf32>
        %mul3A_904 = arith.constant 16 : i32
        %mul3A_905 = arith.muli %add3A_53, %mul3A_904 : i32
        %add3A_906 = arith.constant 9 : i32
        %add3A_907 = arith.addi %mul3A_905, %add3A_906 : i32
        %get3A_908 = arith.index_cast %add3A_907 : i32 to index
        %get3A_909 = arith.constant 0 : index
        %get3A_910 = tpu.vector_load %arg10[%get3A_908, %get3A_909] {strides = array<i32>} : memref<128x128xf32, #tpu.memory_space<vmem>>, vector<1x16xf32>,
        %get3A_911 = vector.shape_cast %get3A_910 : vector<1x16xf32> to vector<16xf32>
        %mul3A_912 = vector.broadcast %squeeze3A_903 : f32 to vector<16xf32>
        %mul3A_913 = arith.mulf %get3A_911, %mul3A_912 : vector<16xf32>
        %swap3A_914 = arith.index_cast %add3A_907 : i32 to index
        %swap3A_915 = arith.constant 0 : index
        %swap3A_916 = tpu.vector_load %arg10[%swap3A_914, %swap3A_915] {strides = array<i32>} : memref<128x128xf32, #tpu.memory_space<vmem>>, vector<1x16xf32>,
        %swap3A_917 = vector.shape_cast %swap3A_916 : vector<1x16xf32> to vector<16xf32>
        %swap3A_918 = vector.shape_cast %mul3A_913 : vector<16xf32> to vector<1x16xf32>
        tpu.vector_store %arg10[%swap3A_914, %swap3A_915], %swap3A_918 {strides = array<i32>} : memref<128x128xf32, #tpu.memory_space<vmem>>, vector<1x16xf32>,
        %get3A_919 = arith.index_cast %add3A_907 : i32 to index
        %get3A_920 = arith.constant 16 : index
        %get3A_921 = tpu.vector_load %arg10[%get3A_919, %get3A_920] {strides = array<i32>} : memref<128x128xf32, #tpu.memory_space<vmem>>, vector<1x16xf32>,
        %get3A_922 = vector.shape_cast %get3A_921 : vector<1x16xf32> to vector<16xf32>
        %mul3A_923 = vector.broadcast %squeeze3A_903 : f32 to vector<16xf32>
        %mul3A_924 = arith.mulf %get3A_922, %mul3A_923 : vector<16xf32>
        %swap3A_925 = arith.index_cast %add3A_907 : i32 to index
        %swap3A_926 = arith.constant 16 : index
        %swap3A_927 = tpu.vector_load %arg10[%swap3A_925, %swap3A_926] {strides = array<i32>} : memref<128x128xf32, #tpu.memory_space<vmem>>, vector<1x16xf32>,
        %swap3A_928 = vector.shape_cast %swap3A_927 : vector<1x16xf32> to vector<16xf32>
        %swap3A_929 = vector.shape_cast %mul3A_924 : vector<16xf32> to vector<1x16xf32>
        tpu.vector_store %arg10[%swap3A_925, %swap3A_926], %swap3A_929 {strides = array<i32>} : memref<128x128xf32, #tpu.memory_space<vmem>>, vector<1x16xf32>,
        %get3A_930 = arith.index_cast %add3A_907 : i32 to index
        %get3A_931 = arith.constant 32 : index
        %get3A_932 = tpu.vector_load %arg10[%get3A_930, %get3A_931] {strides = array<i32>} : memref<128x128xf32, #tpu.memory_space<vmem>>, vector<1x16xf32>,
        %get3A_933 = vector.shape_cast %get3A_932 : vector<1x16xf32> to vector<16xf32>
        %mul3A_934 = vector.broadcast %squeeze3A_903 : f32 to vector<16xf32>
        %mul3A_935 = arith.mulf %get3A_933, %mul3A_934 : vector<16xf32>
        %swap3A_936 = arith.index_cast %add3A_907 : i32 to index
        %swap3A_937 = arith.constant 32 : index
        %swap3A_938 = tpu.vector_load %arg10[%swap3A_936, %swap3A_937] {strides = array<i32>} : memref<128x128xf32, #tpu.memory_space<vmem>>, vector<1x16xf32>,
        %swap3A_939 = vector.shape_cast %swap3A_938 : vector<1x16xf32> to vector<16xf32>
        %swap3A_940 = vector.shape_cast %mul3A_935 : vector<16xf32> to vector<1x16xf32>
        tpu.vector_store %arg10[%swap3A_936, %swap3A_937], %swap3A_940 {strides = array<i32>} : memref<128x128xf32, #tpu.memory_space<vmem>>, vector<1x16xf32>,
        %get3A_941 = arith.index_cast %add3A_907 : i32 to index
        %get3A_942 = arith.constant 48 : index
        %get3A_943 = tpu.vector_load %arg10[%get3A_941, %get3A_942] {strides = array<i32>} : memref<128x128xf32, #tpu.memory_space<vmem>>, vector<1x16xf32>,
        %get3A_944 = vector.shape_cast %get3A_943 : vector<1x16xf32> to vector<16xf32>
        %mul3A_945 = vector.broadcast %squeeze3A_903 : f32 to vector<16xf32>
        %mul3A_946 = arith.mulf %get3A_944, %mul3A_945 : vector<16xf32>
        %swap3A_947 = arith.index_cast %add3A_907 : i32 to index
        %swap3A_948 = arith.constant 48 : index
        %swap3A_949 = tpu.vector_load %arg10[%swap3A_947, %swap3A_948] {strides = array<i32>} : memref<128x128xf32, #tpu.memory_space<vmem>>, vector<1x16xf32>,
        %swap3A_950 = vector.shape_cast %swap3A_949 : vector<1x16xf32> to vector<16xf32>
        %swap3A_951 = vector.shape_cast %mul3A_946 : vector<16xf32> to vector<1x16xf32>
        tpu.vector_store %arg10[%swap3A_947, %swap3A_948], %swap3A_951 {strides = array<i32>} : memref<128x128xf32, #tpu.memory_space<vmem>>, vector<1x16xf32>,
        %get3A_952 = arith.index_cast %add3A_907 : i32 to index
        %get3A_953 = arith.constant 64 : index
        %get3A_954 = tpu.vector_load %arg10[%get3A_952, %get3A_953] {strides = array<i32>} : memref<128x128xf32, #tpu.memory_space<vmem>>, vector<1x16xf32>,
        %get3A_955 = vector.shape_cast %get3A_954 : vector<1x16xf32> to vector<16xf32>
        %mul3A_956 = vector.broadcast %squeeze3A_903 : f32 to vector<16xf32>
        %mul3A_957 = arith.mulf %get3A_955, %mul3A_956 : vector<16xf32>
        %swap3A_958 = arith.index_cast %add3A_907 : i32 to index
        %swap3A_959 = arith.constant 64 : index
        %swap3A_960 = tpu.vector_load %arg10[%swap3A_958, %swap3A_959] {strides = array<i32>} : memref<128x128xf32, #tpu.memory_space<vmem>>, vector<1x16xf32>,
        %swap3A_961 = vector.shape_cast %swap3A_960 : vector<1x16xf32> to vector<16xf32>
        %swap3A_962 = vector.shape_cast %mul3A_957 : vector<16xf32> to vector<1x16xf32>
        tpu.vector_store %arg10[%swap3A_958, %swap3A_959], %swap3A_962 {strides = array<i32>} : memref<128x128xf32, #tpu.memory_space<vmem>>, vector<1x16xf32>,
        %get3A_963 = arith.index_cast %add3A_907 : i32 to index
        %get3A_964 = arith.constant 80 : index
        %get3A_965 = tpu.vector_load %arg10[%get3A_963, %get3A_964] {strides = array<i32>} : memref<128x128xf32, #tpu.memory_space<vmem>>, vector<1x16xf32>,
        %get3A_966 = vector.shape_cast %get3A_965 : vector<1x16xf32> to vector<16xf32>
        %mul3A_967 = vector.broadcast %squeeze3A_903 : f32 to vector<16xf32>
        %mul3A_968 = arith.mulf %get3A_966, %mul3A_967 : vector<16xf32>
        %swap3A_969 = arith.index_cast %add3A_907 : i32 to index
        %swap3A_970 = arith.constant 80 : index
        %swap3A_971 = tpu.vector_load %arg10[%swap3A_969, %swap3A_970] {strides = array<i32>} : memref<128x128xf32, #tpu.memory_space<vmem>>, vector<1x16xf32>,
        %swap3A_972 = vector.shape_cast %swap3A_971 : vector<1x16xf32> to vector<16xf32>
        %swap3A_973 = vector.shape_cast %mul3A_968 : vector<16xf32> to vector<1x16xf32>
        tpu.vector_store %arg10[%swap3A_969, %swap3A_970], %swap3A_973 {strides = array<i32>} : memref<128x128xf32, #tpu.memory_space<vmem>>, vector<1x16xf32>,
        %get3A_974 = arith.index_cast %add3A_907 : i32 to index
        %get3A_975 = arith.constant 96 : index
        %get3A_976 = tpu.vector_load %arg10[%get3A_974, %get3A_975] {strides = array<i32>} : memref<128x128xf32, #tpu.memory_space<vmem>>, vector<1x16xf32>,
        %get3A_977 = vector.shape_cast %get3A_976 : vector<1x16xf32> to vector<16xf32>
        %mul3A_978 = vector.broadcast %squeeze3A_903 : f32 to vector<16xf32>
        %mul3A_979 = arith.mulf %get3A_977, %mul3A_978 : vector<16xf32>
        %swap3A_980 = arith.index_cast %add3A_907 : i32 to index
        %swap3A_981 = arith.constant 96 : index
        %swap3A_982 = tpu.vector_load %arg10[%swap3A_980, %swap3A_981] {strides = array<i32>} : memref<128x128xf32, #tpu.memory_space<vmem>>, vector<1x16xf32>,
        %swap3A_983 = vector.shape_cast %swap3A_982 : vector<1x16xf32> to vector<16xf32>
        %swap3A_984 = vector.shape_cast %mul3A_979 : vector<16xf32> to vector<1x16xf32>
        tpu.vector_store %arg10[%swap3A_980, %swap3A_981], %swap3A_984 {strides = array<i32>} : memref<128x128xf32, #tpu.memory_space<vmem>>, vector<1x16xf32>,
        %get3A_985 = arith.index_cast %add3A_907 : i32 to index
        %get3A_986 = arith.constant 112 : index
        %get3A_987 = tpu.vector_load %arg10[%get3A_985, %get3A_986] {strides = array<i32>} : memref<128x128xf32, #tpu.memory_space<vmem>>, vector<1x16xf32>,
        %get3A_988 = vector.shape_cast %get3A_987 : vector<1x16xf32> to vector<16xf32>
        %mul3A_989 = vector.broadcast %squeeze3A_903 : f32 to vector<16xf32>
        %mul3A_990 = arith.mulf %get3A_988, %mul3A_989 : vector<16xf32>
        %swap3A_991 = arith.index_cast %add3A_907 : i32 to index
        %swap3A_992 = arith.constant 112 : index
        %swap3A_993 = tpu.vector_load %arg10[%swap3A_991, %swap3A_992] {strides = array<i32>} : memref<128x128xf32, #tpu.memory_space<vmem>>, vector<1x16xf32>,
        %swap3A_994 = vector.shape_cast %swap3A_993 : vector<1x16xf32> to vector<16xf32>
        %swap3A_995 = vector.shape_cast %mul3A_990 : vector<16xf32> to vector<1x16xf32>
        tpu.vector_store %arg10[%swap3A_991, %swap3A_992], %swap3A_995 {strides = array<i32>} : memref<128x128xf32, #tpu.memory_space<vmem>>, vector<1x16xf32>,
        %slice3A_996 = vector.extract_strided_slice %get3A_58 {offsets = [10], sizes = [1], strides = [1]} : vector<16xf32> to vector<1xf32>
        %squeeze3A_997 = vector.extract %slice3A_996[0] : f32 from vector<1xf32>
        %mul3A_998 = arith.constant 16 : i32
        %mul3A_999 = arith.muli %add3A_53, %mul3A_998 : i32
        %add3A_1000 = arith.constant 10 : i32
        %add3A_1001 = arith.addi %mul3A_999, %add3A_1000 : i32
        %get3A_1002 = arith.index_cast %add3A_1001 : i32 to index
        %get3A_1003 = arith.constant 0 : index
        %get3A_1004 = tpu.vector_load %arg10[%get3A_1002, %get3A_1003] {strides = array<i32>} : memref<128x128xf32, #tpu.memory_space<vmem>>, vector<1x16xf32>,
        %get3A_1005 = vector.shape_cast %get3A_1004 : vector<1x16xf32> to vector<16xf32>
        %mul3A_1006 = vector.broadcast %squeeze3A_997 : f32 to vector<16xf32>
        %mul3A_1007 = arith.mulf %get3A_1005, %mul3A_1006 : vector<16xf32>
        %swap3A_1008 = arith.index_cast %add3A_1001 : i32 to index
        %swap3A_1009 = arith.constant 0 : index
        %swap3A_1010 = tpu.vector_load %arg10[%swap3A_1008, %swap3A_1009] {strides = array<i32>} : memref<128x128xf32, #tpu.memory_space<vmem>>, vector<1x16xf32>,
        %swap3A_1011 = vector.shape_cast %swap3A_1010 : vector<1x16xf32> to vector<16xf32>
        %swap3A_1012 = vector.shape_cast %mul3A_1007 : vector<16xf32> to vector<1x16xf32>
        tpu.vector_store %arg10[%swap3A_1008, %swap3A_1009], %swap3A_1012 {strides = array<i32>} : memref<128x128xf32, #tpu.memory_space<vmem>>, vector<1x16xf32>,
        %get3A_1013 = arith.index_cast %add3A_1001 : i32 to index
        %get3A_1014 = arith.constant 16 : index
        %get3A_1015 = tpu.vector_load %arg10[%get3A_1013, %get3A_1014] {strides = array<i32>} : memref<128x128xf32, #tpu.memory_space<vmem>>, vector<1x16xf32>,
        %get3A_1016 = vector.shape_cast %get3A_1015 : vector<1x16xf32> to vector<16xf32>
        %mul3A_1017 = vector.broadcast %squeeze3A_997 : f32 to vector<16xf32>
        %mul3A_1018 = arith.mulf %get3A_1016, %mul3A_1017 : vector<16xf32>
        %swap3A_1019 = arith.index_cast %add3A_1001 : i32 to index
        %swap3A_1020 = arith.constant 16 : index
        %swap3A_1021 = tpu.vector_load %arg10[%swap3A_1019, %swap3A_1020] {strides = array<i32>} : memref<128x128xf32, #tpu.memory_space<vmem>>, vector<1x16xf32>,
        %swap3A_1022 = vector.shape_cast %swap3A_1021 : vector<1x16xf32> to vector<16xf32>
        %swap3A_1023 = vector.shape_cast %mul3A_1018 : vector<16xf32> to vector<1x16xf32>
        tpu.vector_store %arg10[%swap3A_1019, %swap3A_1020], %swap3A_1023 {strides = array<i32>} : memref<128x128xf32, #tpu.memory_space<vmem>>, vector<1x16xf32>,
        %get3A_1024 = arith.index_cast %add3A_1001 : i32 to index
        %get3A_1025 = arith.constant 32 : index
        %get3A_1026 = tpu.vector_load %arg10[%get3A_1024, %get3A_1025] {strides = array<i32>} : memref<128x128xf32, #tpu.memory_space<vmem>>, vector<1x16xf32>,
        %get3A_1027 = vector.shape_cast %get3A_1026 : vector<1x16xf32> to vector<16xf32>
        %mul3A_1028 = vector.broadcast %squeeze3A_997 : f32 to vector<16xf32>
        %mul3A_1029 = arith.mulf %get3A_1027, %mul3A_1028 : vector<16xf32>
        %swap3A_1030 = arith.index_cast %add3A_1001 : i32 to index
        %swap3A_1031 = arith.constant 32 : index
        %swap3A_1032 = tpu.vector_load %arg10[%swap3A_1030, %swap3A_1031] {strides = array<i32>} : memref<128x128xf32, #tpu.memory_space<vmem>>, vector<1x16xf32>,
        %swap3A_1033 = vector.shape_cast %swap3A_1032 : vector<1x16xf32> to vector<16xf32>
        %swap3A_1034 = vector.shape_cast %mul3A_1029 : vector<16xf32> to vector<1x16xf32>
        tpu.vector_store %arg10[%swap3A_1030, %swap3A_1031], %swap3A_1034 {strides = array<i32>} : memref<128x128xf32, #tpu.memory_space<vmem>>, vector<1x16xf32>,
        %get3A_1035 = arith.index_cast %add3A_1001 : i32 to index
        %get3A_1036 = arith.constant 48 : index
        %get3A_1037 = tpu.vector_load %arg10[%get3A_1035, %get3A_1036] {strides = array<i32>} : memref<128x128xf32, #tpu.memory_space<vmem>>, vector<1x16xf32>,
        %get3A_1038 = vector.shape_cast %get3A_1037 : vector<1x16xf32> to vector<16xf32>
        %mul3A_1039 = vector.broadcast %squeeze3A_997 : f32 to vector<16xf32>
        %mul3A_1040 = arith.mulf %get3A_1038, %mul3A_1039 : vector<16xf32>
        %swap3A_1041 = arith.index_cast %add3A_1001 : i32 to index
        %swap3A_1042 = arith.constant 48 : index
        %swap3A_1043 = tpu.vector_load %arg10[%swap3A_1041, %swap3A_1042] {strides = array<i32>} : memref<128x128xf32, #tpu.memory_space<vmem>>, vector<1x16xf32>,
        %swap3A_1044 = vector.shape_cast %swap3A_1043 : vector<1x16xf32> to vector<16xf32>
        %swap3A_1045 = vector.shape_cast %mul3A_1040 : vector<16xf32> to vector<1x16xf32>
        tpu.vector_store %arg10[%swap3A_1041, %swap3A_1042], %swap3A_1045 {strides = array<i32>} : memref<128x128xf32, #tpu.memory_space<vmem>>, vector<1x16xf32>,
        %get3A_1046 = arith.index_cast %add3A_1001 : i32 to index
        %get3A_1047 = arith.constant 64 : index
        %get3A_1048 = tpu.vector_load %arg10[%get3A_1046, %get3A_1047] {strides = array<i32>} : memref<128x128xf32, #tpu.memory_space<vmem>>, vector<1x16xf32>,
        %get3A_1049 = vector.shape_cast %get3A_1048 : vector<1x16xf32> to vector<16xf32>
        %mul3A_1050 = vector.broadcast %squeeze3A_997 : f32 to vector<16xf32>
        %mul3A_1051 = arith.mulf %get3A_1049, %mul3A_1050 : vector<16xf32>
        %swap3A_1052 = arith.index_cast %add3A_1001 : i32 to index
        %swap3A_1053 = arith.constant 64 : index
        %swap3A_1054 = tpu.vector_load %arg10[%swap3A_1052, %swap3A_1053] {strides = array<i32>} : memref<128x128xf32, #tpu.memory_space<vmem>>, vector<1x16xf32>,
        %swap3A_1055 = vector.shape_cast %swap3A_1054 : vector<1x16xf32> to vector<16xf32>
        %swap3A_1056 = vector.shape_cast %mul3A_1051 : vector<16xf32> to vector<1x16xf32>
        tpu.vector_store %arg10[%swap3A_1052, %swap3A_1053], %swap3A_1056 {strides = array<i32>} : memref<128x128xf32, #tpu.memory_space<vmem>>, vector<1x16xf32>,
        %get3A_1057 = arith.index_cast %add3A_1001 : i32 to index
        %get3A_1058 = arith.constant 80 : index
        %get3A_1059 = tpu.vector_load %arg10[%get3A_1057, %get3A_1058] {strides = array<i32>} : memref<128x128xf32, #tpu.memory_space<vmem>>, vector<1x16xf32>,
        %get3A_1060 = vector.shape_cast %get3A_1059 : vector<1x16xf32> to vector<16xf32>
        %mul3A_1061 = vector.broadcast %squeeze3A_997 : f32 to vector<16xf32>
        %mul3A_1062 = arith.mulf %get3A_1060, %mul3A_1061 : vector<16xf32>
        %swap3A_1063 = arith.index_cast %add3A_1001 : i32 to index
        %swap3A_1064 = arith.constant 80 : index
        %swap3A_1065 = tpu.vector_load %arg10[%swap3A_1063, %swap3A_1064] {strides = array<i32>} : memref<128x128xf32, #tpu.memory_space<vmem>>, vector<1x16xf32>,
        %swap3A_1066 = vector.shape_cast %swap3A_1065 : vector<1x16xf32> to vector<16xf32>
        %swap3A_1067 = vector.shape_cast %mul3A_1062 : vector<16xf32> to vector<1x16xf32>
        tpu.vector_store %arg10[%swap3A_1063, %swap3A_1064], %swap3A_1067 {strides = array<i32>} : memref<128x128xf32, #tpu.memory_space<vmem>>, vector<1x16xf32>,
        %get3A_1068 = arith.index_cast %add3A_1001 : i32 to index
        %get3A_1069 = arith.constant 96 : index
        %get3A_1070 = tpu.vector_load %arg10[%get3A_1068, %get3A_1069] {strides = array<i32>} : memref<128x128xf32, #tpu.memory_space<vmem>>, vector<1x16xf32>,
        %get3A_1071 = vector.shape_cast %get3A_1070 : vector<1x16xf32> to vector<16xf32>
        %mul3A_1072 = vector.broadcast %squeeze3A_997 : f32 to vector<16xf32>
        %mul3A_1073 = arith.mulf %get3A_1071, %mul3A_1072 : vector<16xf32>
        %swap3A_1074 = arith.index_cast %add3A_1001 : i32 to index
        %swap3A_1075 = arith.constant 96 : index
        %swap3A_1076 = tpu.vector_load %arg10[%swap3A_1074, %swap3A_1075] {strides = array<i32>} : memref<128x128xf32, #tpu.memory_space<vmem>>, vector<1x16xf32>,
        %swap3A_1077 = vector.shape_cast %swap3A_1076 : vector<1x16xf32> to vector<16xf32>
        %swap3A_1078 = vector.shape_cast %mul3A_1073 : vector<16xf32> to vector<1x16xf32>
        tpu.vector_store %arg10[%swap3A_1074, %swap3A_1075], %swap3A_1078 {strides = array<i32>} : memref<128x128xf32, #tpu.memory_space<vmem>>, vector<1x16xf32>,
        %get3A_1079 = arith.index_cast %add3A_1001 : i32 to index
        %get3A_1080 = arith.constant 112 : index
        %get3A_1081 = tpu.vector_load %arg10[%get3A_1079, %get3A_1080] {strides = array<i32>} : memref<128x128xf32, #tpu.memory_space<vmem>>, vector<1x16xf32>,
        %get3A_1082 = vector.shape_cast %get3A_1081 : vector<1x16xf32> to vector<16xf32>
        %mul3A_1083 = vector.broadcast %squeeze3A_997 : f32 to vector<16xf32>
        %mul3A_1084 = arith.mulf %get3A_1082, %mul3A_1083 : vector<16xf32>
        %swap3A_1085 = arith.index_cast %add3A_1001 : i32 to index
        %swap3A_1086 = arith.constant 112 : index
        %swap3A_1087 = tpu.vector_load %arg10[%swap3A_1085, %swap3A_1086] {strides = array<i32>} : memref<128x128xf32, #tpu.memory_space<vmem>>, vector<1x16xf32>,
        %swap3A_1088 = vector.shape_cast %swap3A_1087 : vector<1x16xf32> to vector<16xf32>
        %swap3A_1089 = vector.shape_cast %mul3A_1084 : vector<16xf32> to vector<1x16xf32>
        tpu.vector_store %arg10[%swap3A_1085, %swap3A_1086], %swap3A_1089 {strides = array<i32>} : memref<128x128xf32, #tpu.memory_space<vmem>>, vector<1x16xf32>,
        %slice3A_1090 = vector.extract_strided_slice %get3A_58 {offsets = [11], sizes = [1], strides = [1]} : vector<16xf32> to vector<1xf32>
        %squeeze3A_1091 = vector.extract %slice3A_1090[0] : f32 from vector<1xf32>
        %mul3A_1092 = arith.constant 16 : i32
        %mul3A_1093 = arith.muli %add3A_53, %mul3A_1092 : i32
        %add3A_1094 = arith.constant 11 : i32
        %add3A_1095 = arith.addi %mul3A_1093, %add3A_1094 : i32
        %get3A_1096 = arith.index_cast %add3A_1095 : i32 to index
        %get3A_1097 = arith.constant 0 : index
        %get3A_1098 = tpu.vector_load %arg10[%get3A_1096, %get3A_1097] {strides = array<i32>} : memref<128x128xf32, #tpu.memory_space<vmem>>, vector<1x16xf32>,
        %get3A_1099 = vector.shape_cast %get3A_1098 : vector<1x16xf32> to vector<16xf32>
        %mul3A_1100 = vector.broadcast %squeeze3A_1091 : f32 to vector<16xf32>
        %mul3A_1101 = arith.mulf %get3A_1099, %mul3A_1100 : vector<16xf32>
        %swap3A_1102 = arith.index_cast %add3A_1095 : i32 to index
        %swap3A_1103 = arith.constant 0 : index
        %swap3A_1104 = tpu.vector_load %arg10[%swap3A_1102, %swap3A_1103] {strides = array<i32>} : memref<128x128xf32, #tpu.memory_space<vmem>>, vector<1x16xf32>,
        %swap3A_1105 = vector.shape_cast %swap3A_1104 : vector<1x16xf32> to vector<16xf32>
        %swap3A_1106 = vector.shape_cast %mul3A_1101 : vector<16xf32> to vector<1x16xf32>
        tpu.vector_store %arg10[%swap3A_1102, %swap3A_1103], %swap3A_1106 {strides = array<i32>} : memref<128x128xf32, #tpu.memory_space<vmem>>, vector<1x16xf32>,
        %get3A_1107 = arith.index_cast %add3A_1095 : i32 to index
        %get3A_1108 = arith.constant 16 : index
        %get3A_1109 = tpu.vector_load %arg10[%get3A_1107, %get3A_1108] {strides = array<i32>} : memref<128x128xf32, #tpu.memory_space<vmem>>, vector<1x16xf32>,
        %get3A_1110 = vector.shape_cast %get3A_1109 : vector<1x16xf32> to vector<16xf32>
        %mul3A_1111 = vector.broadcast %squeeze3A_1091 : f32 to vector<16xf32>
        %mul3A_1112 = arith.mulf %get3A_1110, %mul3A_1111 : vector<16xf32>
        %swap3A_1113 = arith.index_cast %add3A_1095 : i32 to index
        %swap3A_1114 = arith.constant 16 : index
        %swap3A_1115 = tpu.vector_load %arg10[%swap3A_1113, %swap3A_1114] {strides = array<i32>} : memref<128x128xf32, #tpu.memory_space<vmem>>, vector<1x16xf32>,
        %swap3A_1116 = vector.shape_cast %swap3A_1115 : vector<1x16xf32> to vector<16xf32>
        %swap3A_1117 = vector.shape_cast %mul3A_1112 : vector<16xf32> to vector<1x16xf32>
        tpu.vector_store %arg10[%swap3A_1113, %swap3A_1114], %swap3A_1117 {strides = array<i32>} : memref<128x128xf32, #tpu.memory_space<vmem>>, vector<1x16xf32>,
        %get3A_1118 = arith.index_cast %add3A_1095 : i32 to index
        %get3A_1119 = arith.constant 32 : index
        %get3A_1120 = tpu.vector_load %arg10[%get3A_1118, %get3A_1119] {strides = array<i32>} : memref<128x128xf32, #tpu.memory_space<vmem>>, vector<1x16xf32>,
        %get3A_1121 = vector.shape_cast %get3A_1120 : vector<1x16xf32> to vector<16xf32>
        %mul3A_1122 = vector.broadcast %squeeze3A_1091 : f32 to vector<16xf32>
        %mul3A_1123 = arith.mulf %get3A_1121, %mul3A_1122 : vector<16xf32>
        %swap3A_1124 = arith.index_cast %add3A_1095 : i32 to index
        %swap3A_1125 = arith.constant 32 : index
        %swap3A_1126 = tpu.vector_load %arg10[%swap3A_1124, %swap3A_1125] {strides = array<i32>} : memref<128x128xf32, #tpu.memory_space<vmem>>, vector<1x16xf32>,
        %swap3A_1127 = vector.shape_cast %swap3A_1126 : vector<1x16xf32> to vector<16xf32>
        %swap3A_1128 = vector.shape_cast %mul3A_1123 : vector<16xf32> to vector<1x16xf32>
        tpu.vector_store %arg10[%swap3A_1124, %swap3A_1125], %swap3A_1128 {strides = array<i32>} : memref<128x128xf32, #tpu.memory_space<vmem>>, vector<1x16xf32>,
        %get3A_1129 = arith.index_cast %add3A_1095 : i32 to index
        %get3A_1130 = arith.constant 48 : index
        %get3A_1131 = tpu.vector_load %arg10[%get3A_1129, %get3A_1130] {strides = array<i32>} : memref<128x128xf32, #tpu.memory_space<vmem>>, vector<1x16xf32>,
        %get3A_1132 = vector.shape_cast %get3A_1131 : vector<1x16xf32> to vector<16xf32>
        %mul3A_1133 = vector.broadcast %squeeze3A_1091 : f32 to vector<16xf32>
        %mul3A_1134 = arith.mulf %get3A_1132, %mul3A_1133 : vector<16xf32>
        %swap3A_1135 = arith.index_cast %add3A_1095 : i32 to index
        %swap3A_1136 = arith.constant 48 : index
        %swap3A_1137 = tpu.vector_load %arg10[%swap3A_1135, %swap3A_1136] {strides = array<i32>} : memref<128x128xf32, #tpu.memory_space<vmem>>, vector<1x16xf32>,
        %swap3A_1138 = vector.shape_cast %swap3A_1137 : vector<1x16xf32> to vector<16xf32>
        %swap3A_1139 = vector.shape_cast %mul3A_1134 : vector<16xf32> to vector<1x16xf32>
        tpu.vector_store %arg10[%swap3A_1135, %swap3A_1136], %swap3A_1139 {strides = array<i32>} : memref<128x128xf32, #tpu.memory_space<vmem>>, vector<1x16xf32>,
        %get3A_1140 = arith.index_cast %add3A_1095 : i32 to index
        %get3A_1141 = arith.constant 64 : index
        %get3A_1142 = tpu.vector_load %arg10[%get3A_1140, %get3A_1141] {strides = array<i32>} : memref<128x128xf32, #tpu.memory_space<vmem>>, vector<1x16xf32>,
        %get3A_1143 = vector.shape_cast %get3A_1142 : vector<1x16xf32> to vector<16xf32>
        %mul3A_1144 = vector.broadcast %squeeze3A_1091 : f32 to vector<16xf32>
        %mul3A_1145 = arith.mulf %get3A_1143, %mul3A_1144 : vector<16xf32>
        %swap3A_1146 = arith.index_cast %add3A_1095 : i32 to index
        %swap3A_1147 = arith.constant 64 : index
        %swap3A_1148 = tpu.vector_load %arg10[%swap3A_1146, %swap3A_1147] {strides = array<i32>} : memref<128x128xf32, #tpu.memory_space<vmem>>, vector<1x16xf32>,
        %swap3A_1149 = vector.shape_cast %swap3A_1148 : vector<1x16xf32> to vector<16xf32>
        %swap3A_1150 = vector.shape_cast %mul3A_1145 : vector<16xf32> to vector<1x16xf32>
        tpu.vector_store %arg10[%swap3A_1146, %swap3A_1147], %swap3A_1150 {strides = array<i32>} : memref<128x128xf32, #tpu.memory_space<vmem>>, vector<1x16xf32>,
        %get3A_1151 = arith.index_cast %add3A_1095 : i32 to index
        %get3A_1152 = arith.constant 80 : index
        %get3A_1153 = tpu.vector_load %arg10[%get3A_1151, %get3A_1152] {strides = array<i32>} : memref<128x128xf32, #tpu.memory_space<vmem>>, vector<1x16xf32>,
        %get3A_1154 = vector.shape_cast %get3A_1153 : vector<1x16xf32> to vector<16xf32>
        %mul3A_1155 = vector.broadcast %squeeze3A_1091 : f32 to vector<16xf32>
        %mul3A_1156 = arith.mulf %get3A_1154, %mul3A_1155 : vector<16xf32>
        %swap3A_1157 = arith.index_cast %add3A_1095 : i32 to index
        %swap3A_1158 = arith.constant 80 : index
        %swap3A_1159 = tpu.vector_load %arg10[%swap3A_1157, %swap3A_1158] {strides = array<i32>} : memref<128x128xf32, #tpu.memory_space<vmem>>, vector<1x16xf32>,
        %swap3A_1160 = vector.shape_cast %swap3A_1159 : vector<1x16xf32> to vector<16xf32>
        %swap3A_1161 = vector.shape_cast %mul3A_1156 : vector<16xf32> to vector<1x16xf32>
        tpu.vector_store %arg10[%swap3A_1157, %swap3A_1158], %swap3A_1161 {strides = array<i32>} : memref<128x128xf32, #tpu.memory_space<vmem>>, vector<1x16xf32>,
        %get3A_1162 = arith.index_cast %add3A_1095 : i32 to index
        %get3A_1163 = arith.constant 96 : index
        %get3A_1164 = tpu.vector_load %arg10[%get3A_1162, %get3A_1163] {strides = array<i32>} : memref<128x128xf32, #tpu.memory_space<vmem>>, vector<1x16xf32>,
        %get3A_1165 = vector.shape_cast %get3A_1164 : vector<1x16xf32> to vector<16xf32>
        %mul3A_1166 = vector.broadcast %squeeze3A_1091 : f32 to vector<16xf32>
        %mul3A_1167 = arith.mulf %get3A_1165, %mul3A_1166 : vector<16xf32>
        %swap3A_1168 = arith.index_cast %add3A_1095 : i32 to index
        %swap3A_1169 = arith.constant 96 : index
        %swap3A_1170 = tpu.vector_load %arg10[%swap3A_1168, %swap3A_1169] {strides = array<i32>} : memref<128x128xf32, #tpu.memory_space<vmem>>, vector<1x16xf32>,
        %swap3A_1171 = vector.shape_cast %swap3A_1170 : vector<1x16xf32> to vector<16xf32>
        %swap3A_1172 = vector.shape_cast %mul3A_1167 : vector<16xf32> to vector<1x16xf32>
        tpu.vector_store %arg10[%swap3A_1168, %swap3A_1169], %swap3A_1172 {strides = array<i32>} : memref<128x128xf32, #tpu.memory_space<vmem>>, vector<1x16xf32>,
        %get3A_1173 = arith.index_cast %add3A_1095 : i32 to index
        %get3A_1174 = arith.constant 112 : index
        %get3A_1175 = tpu.vector_load %arg10[%get3A_1173, %get3A_1174] {strides = array<i32>} : memref<128x128xf32, #tpu.memory_space<vmem>>, vector<1x16xf32>,
        %get3A_1176 = vector.shape_cast %get3A_1175 : vector<1x16xf32> to vector<16xf32>
        %mul3A_1177 = vector.broadcast %squeeze3A_1091 : f32 to vector<16xf32>
        %mul3A_1178 = arith.mulf %get3A_1176, %mul3A_1177 : vector<16xf32>
        %swap3A_1179 = arith.index_cast %add3A_1095 : i32 to index
        %swap3A_1180 = arith.constant 112 : index
        %swap3A_1181 = tpu.vector_load %arg10[%swap3A_1179, %swap3A_1180] {strides = array<i32>} : memref<128x128xf32, #tpu.memory_space<vmem>>, vector<1x16xf32>,
        %swap3A_1182 = vector.shape_cast %swap3A_1181 : vector<1x16xf32> to vector<16xf32>
        %swap3A_1183 = vector.shape_cast %mul3A_1178 : vector<16xf32> to vector<1x16xf32>
        tpu.vector_store %arg10[%swap3A_1179, %swap3A_1180], %swap3A_1183 {strides = array<i32>} : memref<128x128xf32, #tpu.memory_space<vmem>>, vector<1x16xf32>,
        %slice3A_1184 = vector.extract_strided_slice %get3A_58 {offsets = [12], sizes = [1], strides = [1]} : vector<16xf32> to vector<1xf32>
        %squeeze3A_1185 = vector.extract %slice3A_1184[0] : f32 from vector<1xf32>
        %mul3A_1186 = arith.constant 16 : i32
        %mul3A_1187 = arith.muli %add3A_53, %mul3A_1186 : i32
        %add3A_1188 = arith.constant 12 : i32
        %add3A_1189 = arith.addi %mul3A_1187, %add3A_1188 : i32
        %get3A_1190 = arith.index_cast %add3A_1189 : i32 to index
        %get3A_1191 = arith.constant 0 : index
        %get3A_1192 = tpu.vector_load %arg10[%get3A_1190, %get3A_1191] {strides = array<i32>} : memref<128x128xf32, #tpu.memory_space<vmem>>, vector<1x16xf32>,
        %get3A_1193 = vector.shape_cast %get3A_1192 : vector<1x16xf32> to vector<16xf32>
        %mul3A_1194 = vector.broadcast %squeeze3A_1185 : f32 to vector<16xf32>
        %mul3A_1195 = arith.mulf %get3A_1193, %mul3A_1194 : vector<16xf32>
        %swap3A_1196 = arith.index_cast %add3A_1189 : i32 to index
        %swap3A_1197 = arith.constant 0 : index
        %swap3A_1198 = tpu.vector_load %arg10[%swap3A_1196, %swap3A_1197] {strides = array<i32>} : memref<128x128xf32, #tpu.memory_space<vmem>>, vector<1x16xf32>,
        %swap3A_1199 = vector.shape_cast %swap3A_1198 : vector<1x16xf32> to vector<16xf32>
        %swap3A_1200 = vector.shape_cast %mul3A_1195 : vector<16xf32> to vector<1x16xf32>
        tpu.vector_store %arg10[%swap3A_1196, %swap3A_1197], %swap3A_1200 {strides = array<i32>} : memref<128x128xf32, #tpu.memory_space<vmem>>, vector<1x16xf32>,
        %get3A_1201 = arith.index_cast %add3A_1189 : i32 to index
        %get3A_1202 = arith.constant 16 : index
        %get3A_1203 = tpu.vector_load %arg10[%get3A_1201, %get3A_1202] {strides = array<i32>} : memref<128x128xf32, #tpu.memory_space<vmem>>, vector<1x16xf32>,
        %get3A_1204 = vector.shape_cast %get3A_1203 : vector<1x16xf32> to vector<16xf32>
        %mul3A_1205 = vector.broadcast %squeeze3A_1185 : f32 to vector<16xf32>
        %mul3A_1206 = arith.mulf %get3A_1204, %mul3A_1205 : vector<16xf32>
        %swap3A_1207 = arith.index_cast %add3A_1189 : i32 to index
        %swap3A_1208 = arith.constant 16 : index
        %swap3A_1209 = tpu.vector_load %arg10[%swap3A_1207, %swap3A_1208] {strides = array<i32>} : memref<128x128xf32, #tpu.memory_space<vmem>>, vector<1x16xf32>,
        %swap3A_1210 = vector.shape_cast %swap3A_1209 : vector<1x16xf32> to vector<16xf32>
        %swap3A_1211 = vector.shape_cast %mul3A_1206 : vector<16xf32> to vector<1x16xf32>
        tpu.vector_store %arg10[%swap3A_1207, %swap3A_1208], %swap3A_1211 {strides = array<i32>} : memref<128x128xf32, #tpu.memory_space<vmem>>, vector<1x16xf32>,
        %get3A_1212 = arith.index_cast %add3A_1189 : i32 to index
        %get3A_1213 = arith.constant 32 : index
        %get3A_1214 = tpu.vector_load %arg10[%get3A_1212, %get3A_1213] {strides = array<i32>} : memref<128x128xf32, #tpu.memory_space<vmem>>, vector<1x16xf32>,
        %get3A_1215 = vector.shape_cast %get3A_1214 : vector<1x16xf32> to vector<16xf32>
        %mul3A_1216 = vector.broadcast %squeeze3A_1185 : f32 to vector<16xf32>
        %mul3A_1217 = arith.mulf %get3A_1215, %mul3A_1216 : vector<16xf32>
        %swap3A_1218 = arith.index_cast %add3A_1189 : i32 to index
        %swap3A_1219 = arith.constant 32 : index
        %swap3A_1220 = tpu.vector_load %arg10[%swap3A_1218, %swap3A_1219] {strides = array<i32>} : memref<128x128xf32, #tpu.memory_space<vmem>>, vector<1x16xf32>,
        %swap3A_1221 = vector.shape_cast %swap3A_1220 : vector<1x16xf32> to vector<16xf32>
        %swap3A_1222 = vector.shape_cast %mul3A_1217 : vector<16xf32> to vector<1x16xf32>
        tpu.vector_store %arg10[%swap3A_1218, %swap3A_1219], %swap3A_1222 {strides = array<i32>} : memref<128x128xf32, #tpu.memory_space<vmem>>, vector<1x16xf32>,
        %get3A_1223 = arith.index_cast %add3A_1189 : i32 to index
        %get3A_1224 = arith.constant 48 : index
        %get3A_1225 = tpu.vector_load %arg10[%get3A_1223, %get3A_1224] {strides = array<i32>} : memref<128x128xf32, #tpu.memory_space<vmem>>, vector<1x16xf32>,
        %get3A_1226 = vector.shape_cast %get3A_1225 : vector<1x16xf32> to vector<16xf32>
        %mul3A_1227 = vector.broadcast %squeeze3A_1185 : f32 to vector<16xf32>
        %mul3A_1228 = arith.mulf %get3A_1226, %mul3A_1227 : vector<16xf32>
        %swap3A_1229 = arith.index_cast %add3A_1189 : i32 to index
        %swap3A_1230 = arith.constant 48 : index
        %swap3A_1231 = tpu.vector_load %arg10[%swap3A_1229, %swap3A_1230] {strides = array<i32>} : memref<128x128xf32, #tpu.memory_space<vmem>>, vector<1x16xf32>,
        %swap3A_1232 = vector.shape_cast %swap3A_1231 : vector<1x16xf32> to vector<16xf32>
        %swap3A_1233 = vector.shape_cast %mul3A_1228 : vector<16xf32> to vector<1x16xf32>
        tpu.vector_store %arg10[%swap3A_1229, %swap3A_1230], %swap3A_1233 {strides = array<i32>} : memref<128x128xf32, #tpu.memory_space<vmem>>, vector<1x16xf32>,
        %get3A_1234 = arith.index_cast %add3A_1189 : i32 to index
        %get3A_1235 = arith.constant 64 : index
        %get3A_1236 = tpu.vector_load %arg10[%get3A_1234, %get3A_1235] {strides = array<i32>} : memref<128x128xf32, #tpu.memory_space<vmem>>, vector<1x16xf32>,
        %get3A_1237 = vector.shape_cast %get3A_1236 : vector<1x16xf32> to vector<16xf32>
        %mul3A_1238 = vector.broadcast %squeeze3A_1185 : f32 to vector<16xf32>
        %mul3A_1239 = arith.mulf %get3A_1237, %mul3A_1238 : vector<16xf32>
        %swap3A_1240 = arith.index_cast %add3A_1189 : i32 to index
        %swap3A_1241 = arith.constant 64 : index
        %swap3A_1242 = tpu.vector_load %arg10[%swap3A_1240, %swap3A_1241] {strides = array<i32>} : memref<128x128xf32, #tpu.memory_space<vmem>>, vector<1x16xf32>,
        %swap3A_1243 = vector.shape_cast %swap3A_1242 : vector<1x16xf32> to vector<16xf32>
        %swap3A_1244 = vector.shape_cast %mul3A_1239 : vector<16xf32> to vector<1x16xf32>
        tpu.vector_store %arg10[%swap3A_1240, %swap3A_1241], %swap3A_1244 {strides = array<i32>} : memref<128x128xf32, #tpu.memory_space<vmem>>, vector<1x16xf32>,
        %get3A_1245 = arith.index_cast %add3A_1189 : i32 to index
        %get3A_1246 = arith.constant 80 : index
        %get3A_1247 = tpu.vector_load %arg10[%get3A_1245, %get3A_1246] {strides = array<i32>} : memref<128x128xf32, #tpu.memory_space<vmem>>, vector<1x16xf32>,
        %get3A_1248 = vector.shape_cast %get3A_1247 : vector<1x16xf32> to vector<16xf32>
        %mul3A_1249 = vector.broadcast %squeeze3A_1185 : f32 to vector<16xf32>
        %mul3A_1250 = arith.mulf %get3A_1248, %mul3A_1249 : vector<16xf32>
        %swap3A_1251 = arith.index_cast %add3A_1189 : i32 to index
        %swap3A_1252 = arith.constant 80 : index
        %swap3A_1253 = tpu.vector_load %arg10[%swap3A_1251, %swap3A_1252] {strides = array<i32>} : memref<128x128xf32, #tpu.memory_space<vmem>>, vector<1x16xf32>,
        %swap3A_1254 = vector.shape_cast %swap3A_1253 : vector<1x16xf32> to vector<16xf32>
        %swap3A_1255 = vector.shape_cast %mul3A_1250 : vector<16xf32> to vector<1x16xf32>
        tpu.vector_store %arg10[%swap3A_1251, %swap3A_1252], %swap3A_1255 {strides = array<i32>} : memref<128x128xf32, #tpu.memory_space<vmem>>, vector<1x16xf32>,
        %get3A_1256 = arith.index_cast %add3A_1189 : i32 to index
        %get3A_1257 = arith.constant 96 : index
        %get3A_1258 = tpu.vector_load %arg10[%get3A_1256, %get3A_1257] {strides = array<i32>} : memref<128x128xf32, #tpu.memory_space<vmem>>, vector<1x16xf32>,
        %get3A_1259 = vector.shape_cast %get3A_1258 : vector<1x16xf32> to vector<16xf32>
        %mul3A_1260 = vector.broadcast %squeeze3A_1185 : f32 to vector<16xf32>
        %mul3A_1261 = arith.mulf %get3A_1259, %mul3A_1260 : vector<16xf32>
        %swap3A_1262 = arith.index_cast %add3A_1189 : i32 to index
        %swap3A_1263 = arith.constant 96 : index
        %swap3A_1264 = tpu.vector_load %arg10[%swap3A_1262, %swap3A_1263] {strides = array<i32>} : memref<128x128xf32, #tpu.memory_space<vmem>>, vector<1x16xf32>,
        %swap3A_1265 = vector.shape_cast %swap3A_1264 : vector<1x16xf32> to vector<16xf32>
        %swap3A_1266 = vector.shape_cast %mul3A_1261 : vector<16xf32> to vector<1x16xf32>
        tpu.vector_store %arg10[%swap3A_1262, %swap3A_1263], %swap3A_1266 {strides = array<i32>} : memref<128x128xf32, #tpu.memory_space<vmem>>, vector<1x16xf32>,
        %get3A_1267 = arith.index_cast %add3A_1189 : i32 to index
        %get3A_1268 = arith.constant 112 : index
        %get3A_1269 = tpu.vector_load %arg10[%get3A_1267, %get3A_1268] {strides = array<i32>} : memref<128x128xf32, #tpu.memory_space<vmem>>, vector<1x16xf32>,
        %get3A_1270 = vector.shape_cast %get3A_1269 : vector<1x16xf32> to vector<16xf32>
        %mul3A_1271 = vector.broadcast %squeeze3A_1185 : f32 to vector<16xf32>
        %mul3A_1272 = arith.mulf %get3A_1270, %mul3A_1271 : vector<16xf32>
        %swap3A_1273 = arith.index_cast %add3A_1189 : i32 to index
        %swap3A_1274 = arith.constant 112 : index
        %swap3A_1275 = tpu.vector_load %arg10[%swap3A_1273, %swap3A_1274] {strides = array<i32>} : memref<128x128xf32, #tpu.memory_space<vmem>>, vector<1x16xf32>,
        %swap3A_1276 = vector.shape_cast %swap3A_1275 : vector<1x16xf32> to vector<16xf32>
        %swap3A_1277 = vector.shape_cast %mul3A_1272 : vector<16xf32> to vector<1x16xf32>
        tpu.vector_store %arg10[%swap3A_1273, %swap3A_1274], %swap3A_1277 {strides = array<i32>} : memref<128x128xf32, #tpu.memory_space<vmem>>, vector<1x16xf32>,
        %slice3A_1278 = vector.extract_strided_slice %get3A_58 {offsets = [13], sizes = [1], strides = [1]} : vector<16xf32> to vector<1xf32>
        %squeeze3A_1279 = vector.extract %slice3A_1278[0] : f32 from vector<1xf32>
        %mul3A_1280 = arith.constant 16 : i32
        %mul3A_1281 = arith.muli %add3A_53, %mul3A_1280 : i32
        %add3A_1282 = arith.constant 13 : i32
        %add3A_1283 = arith.addi %mul3A_1281, %add3A_1282 : i32
        %get3A_1284 = arith.index_cast %add3A_1283 : i32 to index
        %get3A_1285 = arith.constant 0 : index
        %get3A_1286 = tpu.vector_load %arg10[%get3A_1284, %get3A_1285] {strides = array<i32>} : memref<128x128xf32, #tpu.memory_space<vmem>>, vector<1x16xf32>,
        %get3A_1287 = vector.shape_cast %get3A_1286 : vector<1x16xf32> to vector<16xf32>
        %mul3A_1288 = vector.broadcast %squeeze3A_1279 : f32 to vector<16xf32>
        %mul3A_1289 = arith.mulf %get3A_1287, %mul3A_1288 : vector<16xf32>
        %swap3A_1290 = arith.index_cast %add3A_1283 : i32 to index
        %swap3A_1291 = arith.constant 0 : index
        %swap3A_1292 = tpu.vector_load %arg10[%swap3A_1290, %swap3A_1291] {strides = array<i32>} : memref<128x128xf32, #tpu.memory_space<vmem>>, vector<1x16xf32>,
        %swap3A_1293 = vector.shape_cast %swap3A_1292 : vector<1x16xf32> to vector<16xf32>
        %swap3A_1294 = vector.shape_cast %mul3A_1289 : vector<16xf32> to vector<1x16xf32>
        tpu.vector_store %arg10[%swap3A_1290, %swap3A_1291], %swap3A_1294 {strides = array<i32>} : memref<128x128xf32, #tpu.memory_space<vmem>>, vector<1x16xf32>,
        %get3A_1295 = arith.index_cast %add3A_1283 : i32 to index
        %get3A_1296 = arith.constant 16 : index
        %get3A_1297 = tpu.vector_load %arg10[%get3A_1295, %get3A_1296] {strides = array<i32>} : memref<128x128xf32, #tpu.memory_space<vmem>>, vector<1x16xf32>,
        %get3A_1298 = vector.shape_cast %get3A_1297 : vector<1x16xf32> to vector<16xf32>
        %mul3A_1299 = vector.broadcast %squeeze3A_1279 : f32 to vector<16xf32>
        %mul3A_1300 = arith.mulf %get3A_1298, %mul3A_1299 : vector<16xf32>
        %swap3A_1301 = arith.index_cast %add3A_1283 : i32 to index
        %swap3A_1302 = arith.constant 16 : index
        %swap3A_1303 = tpu.vector_load %arg10[%swap3A_1301, %swap3A_1302] {strides = array<i32>} : memref<128x128xf32, #tpu.memory_space<vmem>>, vector<1x16xf32>,
        %swap3A_1304 = vector.shape_cast %swap3A_1303 : vector<1x16xf32> to vector<16xf32>
        %swap3A_1305 = vector.shape_cast %mul3A_1300 : vector<16xf32> to vector<1x16xf32>
        tpu.vector_store %arg10[%swap3A_1301, %swap3A_1302], %swap3A_1305 {strides = array<i32>} : memref<128x128xf32, #tpu.memory_space<vmem>>, vector<1x16xf32>,
        %get3A_1306 = arith.index_cast %add3A_1283 : i32 to index
        %get3A_1307 = arith.constant 32 : index
        %get3A_1308 = tpu.vector_load %arg10[%get3A_1306, %get3A_1307] {strides = array<i32>} : memref<128x128xf32, #tpu.memory_space<vmem>>, vector<1x16xf32>,
        %get3A_1309 = vector.shape_cast %get3A_1308 : vector<1x16xf32> to vector<16xf32>
        %mul3A_1310 = vector.broadcast %squeeze3A_1279 : f32 to vector<16xf32>
        %mul3A_1311 = arith.mulf %get3A_1309, %mul3A_1310 : vector<16xf32>
        %swap3A_1312 = arith.index_cast %add3A_1283 : i32 to index
        %swap3A_1313 = arith.constant 32 : index
        %swap3A_1314 = tpu.vector_load %arg10[%swap3A_1312, %swap3A_1313] {strides = array<i32>} : memref<128x128xf32, #tpu.memory_space<vmem>>, vector<1x16xf32>,
        %swap3A_1315 = vector.shape_cast %swap3A_1314 : vector<1x16xf32> to vector<16xf32>
        %swap3A_1316 = vector.shape_cast %mul3A_1311 : vector<16xf32> to vector<1x16xf32>
        tpu.vector_store %arg10[%swap3A_1312, %swap3A_1313], %swap3A_1316 {strides = array<i32>} : memref<128x128xf32, #tpu.memory_space<vmem>>, vector<1x16xf32>,
        %get3A_1317 = arith.index_cast %add3A_1283 : i32 to index
        %get3A_1318 = arith.constant 48 : index
        %get3A_1319 = tpu.vector_load %arg10[%get3A_1317, %get3A_1318] {strides = array<i32>} : memref<128x128xf32, #tpu.memory_space<vmem>>, vector<1x16xf32>,
        %get3A_1320 = vector.shape_cast %get3A_1319 : vector<1x16xf32> to vector<16xf32>
        %mul3A_1321 = vector.broadcast %squeeze3A_1279 : f32 to vector<16xf32>
        %mul3A_1322 = arith.mulf %get3A_1320, %mul3A_1321 : vector<16xf32>
        %swap3A_1323 = arith.index_cast %add3A_1283 : i32 to index
        %swap3A_1324 = arith.constant 48 : index
        %swap3A_1325 = tpu.vector_load %arg10[%swap3A_1323, %swap3A_1324] {strides = array<i32>} : memref<128x128xf32, #tpu.memory_space<vmem>>, vector<1x16xf32>,
        %swap3A_1326 = vector.shape_cast %swap3A_1325 : vector<1x16xf32> to vector<16xf32>
        %swap3A_1327 = vector.shape_cast %mul3A_1322 : vector<16xf32> to vector<1x16xf32>
        tpu.vector_store %arg10[%swap3A_1323, %swap3A_1324], %swap3A_1327 {strides = array<i32>} : memref<128x128xf32, #tpu.memory_space<vmem>>, vector<1x16xf32>,
        %get3A_1328 = arith.index_cast %add3A_1283 : i32 to index
        %get3A_1329 = arith.constant 64 : index
        %get3A_1330 = tpu.vector_load %arg10[%get3A_1328, %get3A_1329] {strides = array<i32>} : memref<128x128xf32, #tpu.memory_space<vmem>>, vector<1x16xf32>,
        %get3A_1331 = vector.shape_cast %get3A_1330 : vector<1x16xf32> to vector<16xf32>
        %mul3A_1332 = vector.broadcast %squeeze3A_1279 : f32 to vector<16xf32>
        %mul3A_1333 = arith.mulf %get3A_1331, %mul3A_1332 : vector<16xf32>
        %swap3A_1334 = arith.index_cast %add3A_1283 : i32 to index
        %swap3A_1335 = arith.constant 64 : index
        %swap3A_1336 = tpu.vector_load %arg10[%swap3A_1334, %swap3A_1335] {strides = array<i32>} : memref<128x128xf32, #tpu.memory_space<vmem>>, vector<1x16xf32>,
        %swap3A_1337 = vector.shape_cast %swap3A_1336 : vector<1x16xf32> to vector<16xf32>
        %swap3A_1338 = vector.shape_cast %mul3A_1333 : vector<16xf32> to vector<1x16xf32>
        tpu.vector_store %arg10[%swap3A_1334, %swap3A_1335], %swap3A_1338 {strides = array<i32>} : memref<128x128xf32, #tpu.memory_space<vmem>>, vector<1x16xf32>,
        %get3A_1339 = arith.index_cast %add3A_1283 : i32 to index
        %get3A_1340 = arith.constant 80 : index
        %get3A_1341 = tpu.vector_load %arg10[%get3A_1339, %get3A_1340] {strides = array<i32>} : memref<128x128xf32, #tpu.memory_space<vmem>>, vector<1x16xf32>,
        %get3A_1342 = vector.shape_cast %get3A_1341 : vector<1x16xf32> to vector<16xf32>
        %mul3A_1343 = vector.broadcast %squeeze3A_1279 : f32 to vector<16xf32>
        %mul3A_1344 = arith.mulf %get3A_1342, %mul3A_1343 : vector<16xf32>
        %swap3A_1345 = arith.index_cast %add3A_1283 : i32 to index
        %swap3A_1346 = arith.constant 80 : index
        %swap3A_1347 = tpu.vector_load %arg10[%swap3A_1345, %swap3A_1346] {strides = array<i32>} : memref<128x128xf32, #tpu.memory_space<vmem>>, vector<1x16xf32>,
        %swap3A_1348 = vector.shape_cast %swap3A_1347 : vector<1x16xf32> to vector<16xf32>
        %swap3A_1349 = vector.shape_cast %mul3A_1344 : vector<16xf32> to vector<1x16xf32>
        tpu.vector_store %arg10[%swap3A_1345, %swap3A_1346], %swap3A_1349 {strides = array<i32>} : memref<128x128xf32, #tpu.memory_space<vmem>>, vector<1x16xf32>,
        %get3A_1350 = arith.index_cast %add3A_1283 : i32 to index
        %get3A_1351 = arith.constant 96 : index
        %get3A_1352 = tpu.vector_load %arg10[%get3A_1350, %get3A_1351] {strides = array<i32>} : memref<128x128xf32, #tpu.memory_space<vmem>>, vector<1x16xf32>,
        %get3A_1353 = vector.shape_cast %get3A_1352 : vector<1x16xf32> to vector<16xf32>
        %mul3A_1354 = vector.broadcast %squeeze3A_1279 : f32 to vector<16xf32>
        %mul3A_1355 = arith.mulf %get3A_1353, %mul3A_1354 : vector<16xf32>
        %swap3A_1356 = arith.index_cast %add3A_1283 : i32 to index
        %swap3A_1357 = arith.constant 96 : index
        %swap3A_1358 = tpu.vector_load %arg10[%swap3A_1356, %swap3A_1357] {strides = array<i32>} : memref<128x128xf32, #tpu.memory_space<vmem>>, vector<1x16xf32>,
        %swap3A_1359 = vector.shape_cast %swap3A_1358 : vector<1x16xf32> to vector<16xf32>
        %swap3A_1360 = vector.shape_cast %mul3A_1355 : vector<16xf32> to vector<1x16xf32>
        tpu.vector_store %arg10[%swap3A_1356, %swap3A_1357], %swap3A_1360 {strides = array<i32>} : memref<128x128xf32, #tpu.memory_space<vmem>>, vector<1x16xf32>,
        %get3A_1361 = arith.index_cast %add3A_1283 : i32 to index
        %get3A_1362 = arith.constant 112 : index
        %get3A_1363 = tpu.vector_load %arg10[%get3A_1361, %get3A_1362] {strides = array<i32>} : memref<128x128xf32, #tpu.memory_space<vmem>>, vector<1x16xf32>,
        %get3A_1364 = vector.shape_cast %get3A_1363 : vector<1x16xf32> to vector<16xf32>
        %mul3A_1365 = vector.broadcast %squeeze3A_1279 : f32 to vector<16xf32>
        %mul3A_1366 = arith.mulf %get3A_1364, %mul3A_1365 : vector<16xf32>
        %swap3A_1367 = arith.index_cast %add3A_1283 : i32 to index
        %swap3A_1368 = arith.constant 112 : index
        %swap3A_1369 = tpu.vector_load %arg10[%swap3A_1367, %swap3A_1368] {strides = array<i32>} : memref<128x128xf32, #tpu.memory_space<vmem>>, vector<1x16xf32>,
        %swap3A_1370 = vector.shape_cast %swap3A_1369 : vector<1x16xf32> to vector<16xf32>
        %swap3A_1371 = vector.shape_cast %mul3A_1366 : vector<16xf32> to vector<1x16xf32>
        tpu.vector_store %arg10[%swap3A_1367, %swap3A_1368], %swap3A_1371 {strides = array<i32>} : memref<128x128xf32, #tpu.memory_space<vmem>>, vector<1x16xf32>,
        %slice3A_1372 = vector.extract_strided_slice %get3A_58 {offsets = [14], sizes = [1], strides = [1]} : vector<16xf32> to vector<1xf32>
        %squeeze3A_1373 = vector.extract %slice3A_1372[0] : f32 from vector<1xf32>
        %mul3A_1374 = arith.constant 16 : i32
        %mul3A_1375 = arith.muli %add3A_53, %mul3A_1374 : i32
        %add3A_1376 = arith.constant 14 : i32
        %add3A_1377 = arith.addi %mul3A_1375, %add3A_1376 : i32
        %get3A_1378 = arith.index_cast %add3A_1377 : i32 to index
        %get3A_1379 = arith.constant 0 : index
        %get3A_1380 = tpu.vector_load %arg10[%get3A_1378, %get3A_1379] {strides = array<i32>} : memref<128x128xf32, #tpu.memory_space<vmem>>, vector<1x16xf32>,
        %get3A_1381 = vector.shape_cast %get3A_1380 : vector<1x16xf32> to vector<16xf32>
        %mul3A_1382 = vector.broadcast %squeeze3A_1373 : f32 to vector<16xf32>
        %mul3A_1383 = arith.mulf %get3A_1381, %mul3A_1382 : vector<16xf32>
        %swap3A_1384 = arith.index_cast %add3A_1377 : i32 to index
        %swap3A_1385 = arith.constant 0 : index
        %swap3A_1386 = tpu.vector_load %arg10[%swap3A_1384, %swap3A_1385] {strides = array<i32>} : memref<128x128xf32, #tpu.memory_space<vmem>>, vector<1x16xf32>,
        %swap3A_1387 = vector.shape_cast %swap3A_1386 : vector<1x16xf32> to vector<16xf32>
        %swap3A_1388 = vector.shape_cast %mul3A_1383 : vector<16xf32> to vector<1x16xf32>
        tpu.vector_store %arg10[%swap3A_1384, %swap3A_1385], %swap3A_1388 {strides = array<i32>} : memref<128x128xf32, #tpu.memory_space<vmem>>, vector<1x16xf32>,
        %get3A_1389 = arith.index_cast %add3A_1377 : i32 to index
        %get3A_1390 = arith.constant 16 : index
        %get3A_1391 = tpu.vector_load %arg10[%get3A_1389, %get3A_1390] {strides = array<i32>} : memref<128x128xf32, #tpu.memory_space<vmem>>, vector<1x16xf32>,
        %get3A_1392 = vector.shape_cast %get3A_1391 : vector<1x16xf32> to vector<16xf32>
        %mul3A_1393 = vector.broadcast %squeeze3A_1373 : f32 to vector<16xf32>
        %mul3A_1394 = arith.mulf %get3A_1392, %mul3A_1393 : vector<16xf32>
        %swap3A_1395 = arith.index_cast %add3A_1377 : i32 to index
        %swap3A_1396 = arith.constant 16 : index
        %swap3A_1397 = tpu.vector_load %arg10[%swap3A_1395, %swap3A_1396] {strides = array<i32>} : memref<128x128xf32, #tpu.memory_space<vmem>>, vector<1x16xf32>,
        %swap3A_1398 = vector.shape_cast %swap3A_1397 : vector<1x16xf32> to vector<16xf32>
        %swap3A_1399 = vector.shape_cast %mul3A_1394 : vector<16xf32> to vector<1x16xf32>
        tpu.vector_store %arg10[%swap3A_1395, %swap3A_1396], %swap3A_1399 {strides = array<i32>} : memref<128x128xf32, #tpu.memory_space<vmem>>, vector<1x16xf32>,
        %get3A_1400 = arith.index_cast %add3A_1377 : i32 to index
        %get3A_1401 = arith.constant 32 : index
        %get3A_1402 = tpu.vector_load %arg10[%get3A_1400, %get3A_1401] {strides = array<i32>} : memref<128x128xf32, #tpu.memory_space<vmem>>, vector<1x16xf32>,
        %get3A_1403 = vector.shape_cast %get3A_1402 : vector<1x16xf32> to vector<16xf32>
        %mul3A_1404 = vector.broadcast %squeeze3A_1373 : f32 to vector<16xf32>
        %mul3A_1405 = arith.mulf %get3A_1403, %mul3A_1404 : vector<16xf32>
        %swap3A_1406 = arith.index_cast %add3A_1377 : i32 to index
        %swap3A_1407 = arith.constant 32 : index
        %swap3A_1408 = tpu.vector_load %arg10[%swap3A_1406, %swap3A_1407] {strides = array<i32>} : memref<128x128xf32, #tpu.memory_space<vmem>>, vector<1x16xf32>,
        %swap3A_1409 = vector.shape_cast %swap3A_1408 : vector<1x16xf32> to vector<16xf32>
        %swap3A_1410 = vector.shape_cast %mul3A_1405 : vector<16xf32> to vector<1x16xf32>
        tpu.vector_store %arg10[%swap3A_1406, %swap3A_1407], %swap3A_1410 {strides = array<i32>} : memref<128x128xf32, #tpu.memory_space<vmem>>, vector<1x16xf32>,
        %get3A_1411 = arith.index_cast %add3A_1377 : i32 to index
        %get3A_1412 = arith.constant 48 : index
        %get3A_1413 = tpu.vector_load %arg10[%get3A_1411, %get3A_1412] {strides = array<i32>} : memref<128x128xf32, #tpu.memory_space<vmem>>, vector<1x16xf32>,
        %get3A_1414 = vector.shape_cast %get3A_1413 : vector<1x16xf32> to vector<16xf32>
        %mul3A_1415 = vector.broadcast %squeeze3A_1373 : f32 to vector<16xf32>
        %mul3A_1416 = arith.mulf %get3A_1414, %mul3A_1415 : vector<16xf32>
        %swap3A_1417 = arith.index_cast %add3A_1377 : i32 to index
        %swap3A_1418 = arith.constant 48 : index
        %swap3A_1419 = tpu.vector_load %arg10[%swap3A_1417, %swap3A_1418] {strides = array<i32>} : memref<128x128xf32, #tpu.memory_space<vmem>>, vector<1x16xf32>,
        %swap3A_1420 = vector.shape_cast %swap3A_1419 : vector<1x16xf32> to vector<16xf32>
        %swap3A_1421 = vector.shape_cast %mul3A_1416 : vector<16xf32> to vector<1x16xf32>
        tpu.vector_store %arg10[%swap3A_1417, %swap3A_1418], %swap3A_1421 {strides = array<i32>} : memref<128x128xf32, #tpu.memory_space<vmem>>, vector<1x16xf32>,
        %get3A_1422 = arith.index_cast %add3A_1377 : i32 to index
        %get3A_1423 = arith.constant 64 : index
        %get3A_1424 = tpu.vector_load %arg10[%get3A_1422, %get3A_1423] {strides = array<i32>} : memref<128x128xf32, #tpu.memory_space<vmem>>, vector<1x16xf32>,
        %get3A_1425 = vector.shape_cast %get3A_1424 : vector<1x16xf32> to vector<16xf32>
        %mul3A_1426 = vector.broadcast %squeeze3A_1373 : f32 to vector<16xf32>
        %mul3A_1427 = arith.mulf %get3A_1425, %mul3A_1426 : vector<16xf32>
        %swap3A_1428 = arith.index_cast %add3A_1377 : i32 to index
        %swap3A_1429 = arith.constant 64 : index
        %swap3A_1430 = tpu.vector_load %arg10[%swap3A_1428, %swap3A_1429] {strides = array<i32>} : memref<128x128xf32, #tpu.memory_space<vmem>>, vector<1x16xf32>,
        %swap3A_1431 = vector.shape_cast %swap3A_1430 : vector<1x16xf32> to vector<16xf32>
        %swap3A_1432 = vector.shape_cast %mul3A_1427 : vector<16xf32> to vector<1x16xf32>
        tpu.vector_store %arg10[%swap3A_1428, %swap3A_1429], %swap3A_1432 {strides = array<i32>} : memref<128x128xf32, #tpu.memory_space<vmem>>, vector<1x16xf32>,
        %get3A_1433 = arith.index_cast %add3A_1377 : i32 to index
        %get3A_1434 = arith.constant 80 : index
        %get3A_1435 = tpu.vector_load %arg10[%get3A_1433, %get3A_1434] {strides = array<i32>} : memref<128x128xf32, #tpu.memory_space<vmem>>, vector<1x16xf32>,
        %get3A_1436 = vector.shape_cast %get3A_1435 : vector<1x16xf32> to vector<16xf32>
        %mul3A_1437 = vector.broadcast %squeeze3A_1373 : f32 to vector<16xf32>
        %mul3A_1438 = arith.mulf %get3A_1436, %mul3A_1437 : vector<16xf32>
        %swap3A_1439 = arith.index_cast %add3A_1377 : i32 to index
        %swap3A_1440 = arith.constant 80 : index
        %swap3A_1441 = tpu.vector_load %arg10[%swap3A_1439, %swap3A_1440] {strides = array<i32>} : memref<128x128xf32, #tpu.memory_space<vmem>>, vector<1x16xf32>,
        %swap3A_1442 = vector.shape_cast %swap3A_1441 : vector<1x16xf32> to vector<16xf32>
        %swap3A_1443 = vector.shape_cast %mul3A_1438 : vector<16xf32> to vector<1x16xf32>
        tpu.vector_store %arg10[%swap3A_1439, %swap3A_1440], %swap3A_1443 {strides = array<i32>} : memref<128x128xf32, #tpu.memory_space<vmem>>, vector<1x16xf32>,
        %get3A_1444 = arith.index_cast %add3A_1377 : i32 to index
        %get3A_1445 = arith.constant 96 : index
        %get3A_1446 = tpu.vector_load %arg10[%get3A_1444, %get3A_1445] {strides = array<i32>} : memref<128x128xf32, #tpu.memory_space<vmem>>, vector<1x16xf32>,
        %get3A_1447 = vector.shape_cast %get3A_1446 : vector<1x16xf32> to vector<16xf32>
        %mul3A_1448 = vector.broadcast %squeeze3A_1373 : f32 to vector<16xf32>
        %mul3A_1449 = arith.mulf %get3A_1447, %mul3A_1448 : vector<16xf32>
        %swap3A_1450 = arith.index_cast %add3A_1377 : i32 to index
        %swap3A_1451 = arith.constant 96 : index
        %swap3A_1452 = tpu.vector_load %arg10[%swap3A_1450, %swap3A_1451] {strides = array<i32>} : memref<128x128xf32, #tpu.memory_space<vmem>>, vector<1x16xf32>,
        %swap3A_1453 = vector.shape_cast %swap3A_1452 : vector<1x16xf32> to vector<16xf32>
        %swap3A_1454 = vector.shape_cast %mul3A_1449 : vector<16xf32> to vector<1x16xf32>
        tpu.vector_store %arg10[%swap3A_1450, %swap3A_1451], %swap3A_1454 {strides = array<i32>} : memref<128x128xf32, #tpu.memory_space<vmem>>, vector<1x16xf32>,
        %get3A_1455 = arith.index_cast %add3A_1377 : i32 to index
        %get3A_1456 = arith.constant 112 : index
        %get3A_1457 = tpu.vector_load %arg10[%get3A_1455, %get3A_1456] {strides = array<i32>} : memref<128x128xf32, #tpu.memory_space<vmem>>, vector<1x16xf32>,
        %get3A_1458 = vector.shape_cast %get3A_1457 : vector<1x16xf32> to vector<16xf32>
        %mul3A_1459 = vector.broadcast %squeeze3A_1373 : f32 to vector<16xf32>
        %mul3A_1460 = arith.mulf %get3A_1458, %mul3A_1459 : vector<16xf32>
        %swap3A_1461 = arith.index_cast %add3A_1377 : i32 to index
        %swap3A_1462 = arith.constant 112 : index
        %swap3A_1463 = tpu.vector_load %arg10[%swap3A_1461, %swap3A_1462] {strides = array<i32>} : memref<128x128xf32, #tpu.memory_space<vmem>>, vector<1x16xf32>,
        %swap3A_1464 = vector.shape_cast %swap3A_1463 : vector<1x16xf32> to vector<16xf32>
        %swap3A_1465 = vector.shape_cast %mul3A_1460 : vector<16xf32> to vector<1x16xf32>
        tpu.vector_store %arg10[%swap3A_1461, %swap3A_1462], %swap3A_1465 {strides = array<i32>} : memref<128x128xf32, #tpu.memory_space<vmem>>, vector<1x16xf32>,
        %slice3A_1466 = vector.extract_strided_slice %get3A_58 {offsets = [15], sizes = [1], strides = [1]} : vector<16xf32> to vector<1xf32>
        %squeeze3A_1467 = vector.extract %slice3A_1466[0] : f32 from vector<1xf32>
        %mul3A_1468 = arith.constant 16 : i32
        %mul3A_1469 = arith.muli %add3A_53, %mul3A_1468 : i32
        %add3A_1470 = arith.constant 15 : i32
        %add3A_1471 = arith.addi %mul3A_1469, %add3A_1470 : i32
        %get3A_1472 = arith.index_cast %add3A_1471 : i32 to index
        %get3A_1473 = arith.constant 0 : index
        %get3A_1474 = tpu.vector_load %arg10[%get3A_1472, %get3A_1473] {strides = array<i32>} : memref<128x128xf32, #tpu.memory_space<vmem>>, vector<1x16xf32>,
        %get3A_1475 = vector.shape_cast %get3A_1474 : vector<1x16xf32> to vector<16xf32>
        %mul3A_1476 = vector.broadcast %squeeze3A_1467 : f32 to vector<16xf32>
        %mul3A_1477 = arith.mulf %get3A_1475, %mul3A_1476 : vector<16xf32>
        %swap3A_1478 = arith.index_cast %add3A_1471 : i32 to index
        %swap3A_1479 = arith.constant 0 : index
        %swap3A_1480 = tpu.vector_load %arg10[%swap3A_1478, %swap3A_1479] {strides = array<i32>} : memref<128x128xf32, #tpu.memory_space<vmem>>, vector<1x16xf32>,
        %swap3A_1481 = vector.shape_cast %swap3A_1480 : vector<1x16xf32> to vector<16xf32>
        %swap3A_1482 = vector.shape_cast %mul3A_1477 : vector<16xf32> to vector<1x16xf32>
        tpu.vector_store %arg10[%swap3A_1478, %swap3A_1479], %swap3A_1482 {strides = array<i32>} : memref<128x128xf32, #tpu.memory_space<vmem>>, vector<1x16xf32>,
        %get3A_1483 = arith.index_cast %add3A_1471 : i32 to index
        %get3A_1484 = arith.constant 16 : index
        %get3A_1485 = tpu.vector_load %arg10[%get3A_1483, %get3A_1484] {strides = array<i32>} : memref<128x128xf32, #tpu.memory_space<vmem>>, vector<1x16xf32>,
        %get3A_1486 = vector.shape_cast %get3A_1485 : vector<1x16xf32> to vector<16xf32>
        %mul3A_1487 = vector.broadcast %squeeze3A_1467 : f32 to vector<16xf32>
        %mul3A_1488 = arith.mulf %get3A_1486, %mul3A_1487 : vector<16xf32>
        %swap3A_1489 = arith.index_cast %add3A_1471 : i32 to index
        %swap3A_1490 = arith.constant 16 : index
        %swap3A_1491 = tpu.vector_load %arg10[%swap3A_1489, %swap3A_1490] {strides = array<i32>} : memref<128x128xf32, #tpu.memory_space<vmem>>, vector<1x16xf32>,
        %swap3A_1492 = vector.shape_cast %swap3A_1491 : vector<1x16xf32> to vector<16xf32>
        %swap3A_1493 = vector.shape_cast %mul3A_1488 : vector<16xf32> to vector<1x16xf32>
        tpu.vector_store %arg10[%swap3A_1489, %swap3A_1490], %swap3A_1493 {strides = array<i32>} : memref<128x128xf32, #tpu.memory_space<vmem>>, vector<1x16xf32>,
        %get3A_1494 = arith.index_cast %add3A_1471 : i32 to index
        %get3A_1495 = arith.constant 32 : index
        %get3A_1496 = tpu.vector_load %arg10[%get3A_1494, %get3A_1495] {strides = array<i32>} : memref<128x128xf32, #tpu.memory_space<vmem>>, vector<1x16xf32>,
        %get3A_1497 = vector.shape_cast %get3A_1496 : vector<1x16xf32> to vector<16xf32>
        %mul3A_1498 = vector.broadcast %squeeze3A_1467 : f32 to vector<16xf32>
        %mul3A_1499 = arith.mulf %get3A_1497, %mul3A_1498 : vector<16xf32>
        %swap3A_1500 = arith.index_cast %add3A_1471 : i32 to index
        %swap3A_1501 = arith.constant 32 : index
        %swap3A_1502 = tpu.vector_load %arg10[%swap3A_1500, %swap3A_1501] {strides = array<i32>} : memref<128x128xf32, #tpu.memory_space<vmem>>, vector<1x16xf32>,
        %swap3A_1503 = vector.shape_cast %swap3A_1502 : vector<1x16xf32> to vector<16xf32>
        %swap3A_1504 = vector.shape_cast %mul3A_1499 : vector<16xf32> to vector<1x16xf32>
        tpu.vector_store %arg10[%swap3A_1500, %swap3A_1501], %swap3A_1504 {strides = array<i32>} : memref<128x128xf32, #tpu.memory_space<vmem>>, vector<1x16xf32>,
        %get3A_1505 = arith.index_cast %add3A_1471 : i32 to index
        %get3A_1506 = arith.constant 48 : index
        %get3A_1507 = tpu.vector_load %arg10[%get3A_1505, %get3A_1506] {strides = array<i32>} : memref<128x128xf32, #tpu.memory_space<vmem>>, vector<1x16xf32>,
        %get3A_1508 = vector.shape_cast %get3A_1507 : vector<1x16xf32> to vector<16xf32>
        %mul3A_1509 = vector.broadcast %squeeze3A_1467 : f32 to vector<16xf32>
        %mul3A_1510 = arith.mulf %get3A_1508, %mul3A_1509 : vector<16xf32>
        %swap3A_1511 = arith.index_cast %add3A_1471 : i32 to index
        %swap3A_1512 = arith.constant 48 : index
        %swap3A_1513 = tpu.vector_load %arg10[%swap3A_1511, %swap3A_1512] {strides = array<i32>} : memref<128x128xf32, #tpu.memory_space<vmem>>, vector<1x16xf32>,
        %swap3A_1514 = vector.shape_cast %swap3A_1513 : vector<1x16xf32> to vector<16xf32>
        %swap3A_1515 = vector.shape_cast %mul3A_1510 : vector<16xf32> to vector<1x16xf32>
        tpu.vector_store %arg10[%swap3A_1511, %swap3A_1512], %swap3A_1515 {strides = array<i32>} : memref<128x128xf32, #tpu.memory_space<vmem>>, vector<1x16xf32>,
        %get3A_1516 = arith.index_cast %add3A_1471 : i32 to index
        %get3A_1517 = arith.constant 64 : index
        %get3A_1518 = tpu.vector_load %arg10[%get3A_1516, %get3A_1517] {strides = array<i32>} : memref<128x128xf32, #tpu.memory_space<vmem>>, vector<1x16xf32>,
        %get3A_1519 = vector.shape_cast %get3A_1518 : vector<1x16xf32> to vector<16xf32>
        %mul3A_1520 = vector.broadcast %squeeze3A_1467 : f32 to vector<16xf32>
        %mul3A_1521 = arith.mulf %get3A_1519, %mul3A_1520 : vector<16xf32>
        %swap3A_1522 = arith.index_cast %add3A_1471 : i32 to index
        %swap3A_1523 = arith.constant 64 : index
        %swap3A_1524 = tpu.vector_load %arg10[%swap3A_1522, %swap3A_1523] {strides = array<i32>} : memref<128x128xf32, #tpu.memory_space<vmem>>, vector<1x16xf32>,
        %swap3A_1525 = vector.shape_cast %swap3A_1524 : vector<1x16xf32> to vector<16xf32>
        %swap3A_1526 = vector.shape_cast %mul3A_1521 : vector<16xf32> to vector<1x16xf32>
        tpu.vector_store %arg10[%swap3A_1522, %swap3A_1523], %swap3A_1526 {strides = array<i32>} : memref<128x128xf32, #tpu.memory_space<vmem>>, vector<1x16xf32>,
        %get3A_1527 = arith.index_cast %add3A_1471 : i32 to index
        %get3A_1528 = arith.constant 80 : index
        %get3A_1529 = tpu.vector_load %arg10[%get3A_1527, %get3A_1528] {strides = array<i32>} : memref<128x128xf32, #tpu.memory_space<vmem>>, vector<1x16xf32>,
        %get3A_1530 = vector.shape_cast %get3A_1529 : vector<1x16xf32> to vector<16xf32>
        %mul3A_1531 = vector.broadcast %squeeze3A_1467 : f32 to vector<16xf32>
        %mul3A_1532 = arith.mulf %get3A_1530, %mul3A_1531 : vector<16xf32>
        %swap3A_1533 = arith.index_cast %add3A_1471 : i32 to index
        %swap3A_1534 = arith.constant 80 : index
        %swap3A_1535 = tpu.vector_load %arg10[%swap3A_1533, %swap3A_1534] {strides = array<i32>} : memref<128x128xf32, #tpu.memory_space<vmem>>, vector<1x16xf32>,
        %swap3A_1536 = vector.shape_cast %swap3A_1535 : vector<1x16xf32> to vector<16xf32>
        %swap3A_1537 = vector.shape_cast %mul3A_1532 : vector<16xf32> to vector<1x16xf32>
        tpu.vector_store %arg10[%swap3A_1533, %swap3A_1534], %swap3A_1537 {strides = array<i32>} : memref<128x128xf32, #tpu.memory_space<vmem>>, vector<1x16xf32>,
        %get3A_1538 = arith.index_cast %add3A_1471 : i32 to index
        %get3A_1539 = arith.constant 96 : index
        %get3A_1540 = tpu.vector_load %arg10[%get3A_1538, %get3A_1539] {strides = array<i32>} : memref<128x128xf32, #tpu.memory_space<vmem>>, vector<1x16xf32>,
        %get3A_1541 = vector.shape_cast %get3A_1540 : vector<1x16xf32> to vector<16xf32>
        %mul3A_1542 = vector.broadcast %squeeze3A_1467 : f32 to vector<16xf32>
        %mul3A_1543 = arith.mulf %get3A_1541, %mul3A_1542 : vector<16xf32>
        %swap3A_1544 = arith.index_cast %add3A_1471 : i32 to index
        %swap3A_1545 = arith.constant 96 : index
        %swap3A_1546 = tpu.vector_load %arg10[%swap3A_1544, %swap3A_1545] {strides = array<i32>} : memref<128x128xf32, #tpu.memory_space<vmem>>, vector<1x16xf32>,
        %swap3A_1547 = vector.shape_cast %swap3A_1546 : vector<1x16xf32> to vector<16xf32>
        %swap3A_1548 = vector.shape_cast %mul3A_1543 : vector<16xf32> to vector<1x16xf32>
        tpu.vector_store %arg10[%swap3A_1544, %swap3A_1545], %swap3A_1548 {strides = array<i32>} : memref<128x128xf32, #tpu.memory_space<vmem>>, vector<1x16xf32>,
        %get3A_1549 = arith.index_cast %add3A_1471 : i32 to index
        %get3A_1550 = arith.constant 112 : index
        %get3A_1551 = tpu.vector_load %arg10[%get3A_1549, %get3A_1550] {strides = array<i32>} : memref<128x128xf32, #tpu.memory_space<vmem>>, vector<1x16xf32>,
        %get3A_1552 = vector.shape_cast %get3A_1551 : vector<1x16xf32> to vector<16xf32>
        %mul3A_1553 = vector.broadcast %squeeze3A_1467 : f32 to vector<16xf32>
        %mul3A_1554 = arith.mulf %get3A_1552, %mul3A_1553 : vector<16xf32>
        %swap3A_1555 = arith.index_cast %add3A_1471 : i32 to index
        %swap3A_1556 = arith.constant 112 : index
        %swap3A_1557 = tpu.vector_load %arg10[%swap3A_1555, %swap3A_1556] {strides = array<i32>} : memref<128x128xf32, #tpu.memory_space<vmem>>, vector<1x16xf32>,
        %swap3A_1558 = vector.shape_cast %swap3A_1557 : vector<1x16xf32> to vector<16xf32>
        %swap3A_1559 = vector.shape_cast %mul3A_1554 : vector<16xf32> to vector<1x16xf32>
        tpu.vector_store %arg10[%swap3A_1555, %swap3A_1556], %swap3A_1559 {strides = array<i32>} : memref<128x128xf32, #tpu.memory_space<vmem>>, vector<1x16xf32>,
      }
      %scan3A_48 = arith.constant 8 : i32
      "tpu.region"() ({
        %run_scoped3A = tpu.sem_alloc : memref<!tpu.dma_semaphore, #tpu.memory_space<semaphore_mem>>
        %dma_start3A = tpu.memref_slice %arg8[%mul3A_43] : memref<10240xi32, #tpu.memory_space<vmem>> -> memref<128xi32, #tpu.memory_space<vmem>>
        %dma_start3A_49 = arith.constant 0 : i32
        %dma_start3A_50 = arith.constant 0 : i32
        %dma_start3A_51 = tpu.memref_slice %arg11[%dma_start3A_49, %dma_start3A_50] : memref<10240x128xf32, #tpu.memory_space<vmem_shared>> -> memref<10240x128xf32, #tpu.memory_space<vmem_shared>>
        tpu.enqueue_indirect_dma source(%arg10 : memref<128x128xf32, #tpu.memory_space<vmem>>) target(%dma_start3A_51 : memref<10240x128xf32, #tpu.memory_space<vmem_shared>>) offsets(%dma_start3A : memref<128xi32, #tpu.memory_space<vmem>>) semaphore(%run_scoped3A : memref<!tpu.dma_semaphore, #tpu.memory_space<semaphore_mem>>) {add = true}
        %dma_wait3A = tpu.memref_slice %arg8[%mul3A_43] : memref<10240xi32, #tpu.memory_space<vmem>> -> memref<128xi32, #tpu.memory_space<vmem>>
        %dma_wait3A_52 = arith.constant 0 : i32
        %dma_wait3A_53 = arith.constant 0 : i32
        %dma_wait3A_54 = tpu.memref_slice %arg11[%dma_wait3A_52, %dma_wait3A_53] : memref<10240x128xf32, #tpu.memory_space<vmem_shared>> -> memref<10240x128xf32, #tpu.memory_space<vmem_shared>>
        tpu.wait_indirect_dma semaphore(%run_scoped3A : memref<!tpu.dma_semaphore, #tpu.memory_space<semaphore_mem>>) src(%arg10 : memref<128x128xf32, #tpu.memory_space<vmem>>) dst(%dma_wait3A_54 : memref<10240x128xf32, #tpu.memory_space<vmem_shared>>)
        tpu.yield
      }) : () -> ()
    }
    %scan3A_31 = arith.constant 80 : i32
    %barrier3A_32 = arith.constant 0 : index
    tpu.barrier barrier_id(%barrier3A_32)
    %mul3A_33 = arith.constant 640 : i32
    %mul3A_34 = arith.muli %arg1, %mul3A_33 : i32
    %mul3A_35 = arith.constant 640 : i32
    %mul3A_36 = arith.muli %arg1, %mul3A_35 : i32
    "tpu.region"() ({
      %run_scoped3A = tpu.sem_alloc : memref<!tpu.dma_semaphore, #tpu.memory_space<semaphore_mem>>
      %dma_start3A = arith.constant 0 : i32
      %dma_start3A_37 = tpu.memref_slice %arg6[%arg0, %mul3A_36, %dma_start3A] : memref<2x10240x128xf32, #tpu.memory_space<hbm>> -> memref<1x640x128xf32, #tpu.memory_space<hbm>>
      %dma_start3A_38 = tpu.memref_squeeze %dma_start3A_37 : memref<1x640x128xf32, #tpu.memory_space<hbm>> -> memref<640x128xf32, #tpu.memory_space<hbm>>
      %dma_start3A_39 = arith.constant 0 : i32
      %dma_start3A_40 = tpu.memref_slice %arg11[%mul3A_34, %dma_start3A_39] : memref<10240x128xf32, #tpu.memory_space<vmem_shared>> -> memref<640x128xf32, #tpu.memory_space<vmem_shared>>
      tpu.enqueue_dma source(%dma_start3A_40 : memref<640x128xf32, #tpu.memory_space<vmem_shared>>) target(%dma_start3A_38 : memref<640x128xf32, #tpu.memory_space<hbm>>) target_semaphore(%run_scoped3A : memref<!tpu.dma_semaphore, #tpu.memory_space<semaphore_mem>>)
      %dma_wait3A = arith.constant 0 : i32
      %dma_wait3A_41 = tpu.memref_slice %arg6[%arg0, %mul3A_36, %dma_wait3A] : memref<2x10240x128xf32, #tpu.memory_space<hbm>> -> memref<1x640x128xf32, #tpu.memory_space<hbm>>
      %dma_wait3A_42 = tpu.memref_squeeze %dma_wait3A_41 : memref<1x640x128xf32, #tpu.memory_space<hbm>> -> memref<640x128xf32, #tpu.memory_space<hbm>>
      %dma_wait3A_43 = arith.constant 0 : i32
      %dma_wait3A_44 = tpu.memref_slice %arg11[%mul3A_34, %dma_wait3A_43] : memref<10240x128xf32, #tpu.memory_space<vmem_shared>> -> memref<640x128xf32, #tpu.memory_space<vmem_shared>>
      tpu.wait_dma2 semaphore(%run_scoped3A : memref<!tpu.dma_semaphore, #tpu.memory_space<semaphore_mem>>) src(%dma_wait3A_44 : memref<640x128xf32, #tpu.memory_space<vmem_shared>>) dst(%dma_wait3A_42 : memref<640x128xf32, #tpu.memory_space<hbm>>)
      tpu.yield
    }) : () -> ()
    return
  }
}

module attributes {stable_mosaic.version = 14 : i64} {
  func.func @_dense_a_body(%arg0: i32, %arg1: memref<2x1024xf32, #tpu.memory_space<vmem>>, %arg2: memref<1024x128xf32, #tpu.memory_space<vmem>>, %arg3: memref<1024x128xf32, #tpu.memory_space<vmem>>) attributes {dimension_semantics = [#tpu.dimension_semantics<arbitrary>], iteration_bounds = array<i64: 10>, scalar_prefetch = 0 : i64, scratch_operands = 0 : i64, tpu.core_type = #tpu.core_type<tc>, window_params = [{transform_indices = @transform_0, window_bounds = array<i64: 2, 1024>}, {transform_indices = @transform_1, window_bounds = array<i64: 1024, 128>}, {transform_indices = @transform_2, window_bounds = array<i64: 1024, 128>}]} {
    %get3A = arith.constant 0 : index
    %get3A_0 = arith.constant 0 : index
    %get3A_1 = vector.load %arg2[%get3A, %get3A_0] : memref<1024x128xf32, #tpu.memory_space<vmem>>, vector<1024x128xf32>
    %get3A_2 = arith.constant 0 : index
    %get3A_3 = arith.constant 0 : index
    %get3A_4 = vector.load %arg1[%get3A_2, %get3A_3] : memref<2x1024xf32, #tpu.memory_space<vmem>>, vector<2x1024xf32>
    %slice3A = vector.extract_strided_slice %get3A_4 {offsets = [0, 0], sizes = [1, 1024], strides = [1, 1]} : vector<2x1024xf32> to vector<1x1024xf32>
    %squeeze3A = vector.shape_cast %slice3A : vector<1x1024xf32> to vector<1024xf32>
    %slice3A_5 = vector.extract_strided_slice %get3A_4 {offsets = [1, 0], sizes = [1, 1024], strides = [1, 1]} : vector<2x1024xf32> to vector<1x1024xf32>
    %squeeze3A_6 = vector.shape_cast %slice3A_5 : vector<1x1024xf32> to vector<1024xf32>
    %add3A = arith.addf %squeeze3A, %squeeze3A_6 : vector<1024xf32>
    %max3A = arith.constant 1.000000e+00 : f32
    %max3A_7 = vector.broadcast %max3A : f32 to vector<1024xf32>
    %max3A_8 = arith.maximumf %add3A, %max3A_7 : vector<1024xf32>
    %rsqrt3A = math.rsqrt %max3A_8 : vector<1024xf32>
    %broadcast_in_dim3A = vector.shape_cast %rsqrt3A : vector<1024xf32> to vector<1024x1xf32>
    %mul3A = vector.broadcast %broadcast_in_dim3A : vector<1024x1xf32> to vector<1024x128xf32>
    %mul3A_9 = arith.mulf %get3A_1, %mul3A : vector<1024x128xf32>
    %swap3A = arith.constant 0 : index
    %swap3A_10 = arith.constant 0 : index
    %swap3A_11 = vector.load %arg3[%swap3A, %swap3A_10] : memref<1024x128xf32, #tpu.memory_space<vmem>>, vector<1024x128xf32>
    tpu.vector_store %arg3[%swap3A, %swap3A_10], %mul3A_9 {strides = array<i32>} : memref<1024x128xf32, #tpu.memory_space<vmem>>, vector<1024x128xf32>,
    return
  }
  func.func @transform_0(%arg0: i32) -> (i32, i32) {
    %c0_i32 = arith.constant 0 : i32
    %c0_i32_0 = arith.constant 0 : i32
    return %c0_i32, %arg0 : i32, i32
  }
  func.func @transform_1(%arg0: i32) -> (i32, i32) {
    %c0_i32 = arith.constant 0 : i32
    %c0_i32_0 = arith.constant 0 : i32
    return %arg0, %c0_i32 : i32, i32
  }
  func.func @transform_2(%arg0: i32) -> (i32, i32) {
    %c0_i32 = arith.constant 0 : i32
    %c0_i32_0 = arith.constant 0 : i32
    return %arg0, %c0_i32 : i32, i32
  }
}

module attributes {stable_mosaic.version = 14 : i64} {
  func.func @_dense_b_body(%arg0: i32, %arg1: memref<2x1024xf32, #tpu.memory_space<vmem>>, %arg2: memref<1024x128xf32, #tpu.memory_space<vmem>>, %arg3: memref<2x1024x128xf32, #tpu.memory_space<vmem>>, %arg4: memref<1024x128xf32, #tpu.memory_space<vmem>>, %arg5: memref<1024x128xf32, #tpu.memory_space<vmem>>, %arg6: memref<1024x128xf32, #tpu.memory_space<vmem>>) attributes {dimension_semantics = [#tpu.dimension_semantics<arbitrary>], iteration_bounds = array<i64: 10>, scalar_prefetch = 0 : i64, scratch_operands = 0 : i64, tpu.core_type = #tpu.core_type<tc>, window_params = [{transform_indices = @transform_0, window_bounds = array<i64: 2, 1024>}, {transform_indices = @transform_1, window_bounds = array<i64: 1024, 128>}, {transform_indices = @transform_2, window_bounds = array<i64: 2, 1024, 128>}, {transform_indices = @transform_3, window_bounds = array<i64: 1024, 128>}, {transform_indices = @transform_4, window_bounds = array<i64: 1024, 128>}, {transform_indices = @transform_5, window_bounds = array<i64: 1024, 128>}]} {
    %get3A = arith.constant 0 : index
    %get3A_0 = arith.constant 0 : index
    %get3A_1 = vector.load %arg1[%get3A, %get3A_0] : memref<2x1024xf32, #tpu.memory_space<vmem>>, vector<2x1024xf32>
    %slice3A = vector.extract_strided_slice %get3A_1 {offsets = [0, 0], sizes = [1, 1024], strides = [1, 1]} : vector<2x1024xf32> to vector<1x1024xf32>
    %squeeze3A = vector.shape_cast %slice3A : vector<1x1024xf32> to vector<1024xf32>
    %slice3A_2 = vector.extract_strided_slice %get3A_1 {offsets = [1, 0], sizes = [1, 1024], strides = [1, 1]} : vector<2x1024xf32> to vector<1x1024xf32>
    %squeeze3A_3 = vector.shape_cast %slice3A_2 : vector<1x1024xf32> to vector<1024xf32>
    %add3A = arith.addf %squeeze3A, %squeeze3A_3 : vector<1024xf32>
    %max3A = arith.constant 1.000000e+00 : f32
    %max3A_4 = vector.broadcast %max3A : f32 to vector<1024xf32>
    %max3A_5 = arith.maximumf %add3A, %max3A_4 : vector<1024xf32>
    %rsqrt3A = math.rsqrt %max3A_5 : vector<1024xf32>
    %broadcast_in_dim3A = vector.shape_cast %rsqrt3A : vector<1024xf32> to vector<1024x1xf32>
    %get3A_6 = arith.constant 0 : index
    %get3A_7 = arith.constant 0 : index
    %get3A_8 = vector.load %arg2[%get3A_6, %get3A_7] : memref<1024x128xf32, #tpu.memory_space<vmem>>, vector<1024x128xf32>
    %get3A_9 = arith.constant 0 : index
    %get3A_10 = arith.constant 0 : index
    %get3A_11 = arith.constant 0 : index
    %get3A_12 = vector.load %arg3[%get3A_9, %get3A_10, %get3A_11] : memref<2x1024x128xf32, #tpu.memory_space<vmem>>, vector<1x1024x128xf32>
    %get3A_13 = vector.shape_cast %get3A_12 : vector<1x1024x128xf32> to vector<1024x128xf32>
    %get3A_14 = arith.constant 1 : index
    %get3A_15 = arith.constant 0 : index
    %get3A_16 = arith.constant 0 : index
    %get3A_17 = vector.load %arg3[%get3A_14, %get3A_15, %get3A_16] : memref<2x1024x128xf32, #tpu.memory_space<vmem>>, vector<1x1024x128xf32>
    %get3A_18 = vector.shape_cast %get3A_17 : vector<1x1024x128xf32> to vector<1024x128xf32>
    %add3A_19 = arith.addf %get3A_13, %get3A_18 : vector<1024x128xf32>
    %mul3A = vector.broadcast %broadcast_in_dim3A : vector<1024x1xf32> to vector<1024x128xf32>
    %mul3A_20 = arith.mulf %add3A_19, %mul3A : vector<1024x128xf32>
    %sub3A = arith.subf %get3A_8, %mul3A_20 : vector<1024x128xf32>
    %swap3A = arith.constant 0 : index
    %swap3A_21 = arith.constant 0 : index
    %swap3A_22 = vector.load %arg4[%swap3A, %swap3A_21] : memref<1024x128xf32, #tpu.memory_space<vmem>>, vector<1024x128xf32>
    tpu.vector_store %arg4[%swap3A, %swap3A_21], %sub3A {strides = array<i32>} : memref<1024x128xf32, #tpu.memory_space<vmem>>, vector<1024x128xf32>,
    %mul3A_23 = arith.constant 5.000000e-01 : f32
    %mul3A_24 = vector.broadcast %mul3A_23 : f32 to vector<1024x128xf32>
    %mul3A_25 = arith.mulf %mul3A_24, %get3A_8 : vector<1024x128xf32>
    %mul3A_26 = arith.constant 4.000000e-01 : f32
    %mul3A_27 = vector.broadcast %mul3A_26 : f32 to vector<1024x128xf32>
    %mul3A_28 = arith.mulf %mul3A_27, %sub3A : vector<1024x128xf32>
    %add3A_29 = arith.addf %mul3A_25, %mul3A_28 : vector<1024x128xf32>
    %swap3A_30 = arith.constant 0 : index
    %swap3A_31 = arith.constant 0 : index
    %swap3A_32 = vector.load %arg5[%swap3A_30, %swap3A_31] : memref<1024x128xf32, #tpu.memory_space<vmem>>, vector<1024x128xf32>
    tpu.vector_store %arg5[%swap3A_30, %swap3A_31], %add3A_29 {strides = array<i32>} : memref<1024x128xf32, #tpu.memory_space<vmem>>, vector<1024x128xf32>,
    %mul3A_33 = vector.broadcast %broadcast_in_dim3A : vector<1024x1xf32> to vector<1024x128xf32>
    %mul3A_34 = arith.mulf %sub3A, %mul3A_33 : vector<1024x128xf32>
    %swap3A_35 = arith.constant 0 : index
    %swap3A_36 = arith.constant 0 : index
    %swap3A_37 = vector.load %arg6[%swap3A_35, %swap3A_36] : memref<1024x128xf32, #tpu.memory_space<vmem>>, vector<1024x128xf32>
    tpu.vector_store %arg6[%swap3A_35, %swap3A_36], %mul3A_34 {strides = array<i32>} : memref<1024x128xf32, #tpu.memory_space<vmem>>, vector<1024x128xf32>,
    return
  }
  func.func @transform_0(%arg0: i32) -> (i32, i32) {
    %c0_i32 = arith.constant 0 : i32
    %c0_i32_0 = arith.constant 0 : i32
    return %c0_i32, %arg0 : i32, i32
  }
  func.func @transform_1(%arg0: i32) -> (i32, i32) {
    %c0_i32 = arith.constant 0 : i32
    %c0_i32_0 = arith.constant 0 : i32
    return %arg0, %c0_i32 : i32, i32
  }
  func.func @transform_2(%arg0: i32) -> (i32, i32, i32) {
    %c0_i32 = arith.constant 0 : i32
    %c0_i32_0 = arith.constant 0 : i32
    %c0_i32_1 = arith.constant 0 : i32
    return %c0_i32, %arg0, %c0_i32_0 : i32, i32, i32
  }
  func.func @transform_3(%arg0: i32) -> (i32, i32) {
    %c0_i32 = arith.constant 0 : i32
    %c0_i32_0 = arith.constant 0 : i32
    return %arg0, %c0_i32 : i32, i32
  }
  func.func @transform_4(%arg0: i32) -> (i32, i32) {
    %c0_i32 = arith.constant 0 : i32
    %c0_i32_0 = arith.constant 0 : i32
    return %arg0, %c0_i32 : i32, i32
  }
  func.func @transform_5(%arg0: i32) -> (i32, i32) {
    %c0_i32 = arith.constant 0 : i32
    %c0_i32_0 = arith.constant 0 : i32
    return %arg0, %c0_i32 : i32, i32
  }
}

module attributes {stable_mosaic.version = 14 : i64} {
  func.func @_dense_c_body(%arg0: i32, %arg1: memref<2x1024xf32, #tpu.memory_space<vmem>>, %arg2: memref<1024x128xf32, #tpu.memory_space<vmem>>, %arg3: memref<1024x128xf32, #tpu.memory_space<vmem>>, %arg4: memref<2x1024x128xf32, #tpu.memory_space<vmem>>, %arg5: memref<1024x128xf32, #tpu.memory_space<vmem>>) attributes {dimension_semantics = [#tpu.dimension_semantics<arbitrary>], iteration_bounds = array<i64: 10>, scalar_prefetch = 0 : i64, scratch_operands = 0 : i64, tpu.core_type = #tpu.core_type<tc>, window_params = [{transform_indices = @transform_0, window_bounds = array<i64: 2, 1024>}, {transform_indices = @transform_1, window_bounds = array<i64: 1024, 128>}, {transform_indices = @transform_2, window_bounds = array<i64: 1024, 128>}, {transform_indices = @transform_3, window_bounds = array<i64: 2, 1024, 128>}, {transform_indices = @transform_4, window_bounds = array<i64: 1024, 128>}]} {
    %get3A = arith.constant 0 : index
    %get3A_0 = arith.constant 0 : index
    %get3A_1 = vector.load %arg1[%get3A, %get3A_0] : memref<2x1024xf32, #tpu.memory_space<vmem>>, vector<2x1024xf32>
    %slice3A = vector.extract_strided_slice %get3A_1 {offsets = [0, 0], sizes = [1, 1024], strides = [1, 1]} : vector<2x1024xf32> to vector<1x1024xf32>
    %squeeze3A = vector.shape_cast %slice3A : vector<1x1024xf32> to vector<1024xf32>
    %slice3A_2 = vector.extract_strided_slice %get3A_1 {offsets = [1, 0], sizes = [1, 1024], strides = [1, 1]} : vector<2x1024xf32> to vector<1x1024xf32>
    %squeeze3A_3 = vector.shape_cast %slice3A_2 : vector<1x1024xf32> to vector<1024xf32>
    %add3A = arith.addf %squeeze3A, %squeeze3A_3 : vector<1024xf32>
    %max3A = arith.constant 1.000000e+00 : f32
    %max3A_4 = vector.broadcast %max3A : f32 to vector<1024xf32>
    %max3A_5 = arith.maximumf %add3A, %max3A_4 : vector<1024xf32>
    %rsqrt3A = math.rsqrt %max3A_5 : vector<1024xf32>
    %broadcast_in_dim3A = vector.shape_cast %rsqrt3A : vector<1024xf32> to vector<1024x1xf32>
    %get3A_6 = arith.constant 0 : index
    %get3A_7 = arith.constant 0 : index
    %get3A_8 = arith.constant 0 : index
    %get3A_9 = vector.load %arg4[%get3A_6, %get3A_7, %get3A_8] : memref<2x1024x128xf32, #tpu.memory_space<vmem>>, vector<1x1024x128xf32>
    %get3A_10 = vector.shape_cast %get3A_9 : vector<1x1024x128xf32> to vector<1024x128xf32>
    %get3A_11 = arith.constant 1 : index
    %get3A_12 = arith.constant 0 : index
    %get3A_13 = arith.constant 0 : index
    %get3A_14 = vector.load %arg4[%get3A_11, %get3A_12, %get3A_13] : memref<2x1024x128xf32, #tpu.memory_space<vmem>>, vector<1x1024x128xf32>
    %get3A_15 = vector.shape_cast %get3A_14 : vector<1x1024x128xf32> to vector<1024x128xf32>
    %add3A_16 = arith.addf %get3A_10, %get3A_15 : vector<1024x128xf32>
    %get3A_17 = arith.constant 0 : index
    %get3A_18 = arith.constant 0 : index
    %get3A_19 = vector.load %arg2[%get3A_17, %get3A_18] : memref<1024x128xf32, #tpu.memory_space<vmem>>, vector<1024x128xf32>
    %mul3A = vector.broadcast %broadcast_in_dim3A : vector<1024x1xf32> to vector<1024x128xf32>
    %mul3A_20 = arith.mulf %add3A_16, %mul3A : vector<1024x128xf32>
    %sub3A = arith.subf %get3A_19, %mul3A_20 : vector<1024x128xf32>
    %get3A_21 = arith.constant 0 : index
    %get3A_22 = arith.constant 0 : index
    %get3A_23 = vector.load %arg3[%get3A_21, %get3A_22] : memref<1024x128xf32, #tpu.memory_space<vmem>>, vector<1024x128xf32>
    %mul3A_24 = arith.constant 1.000000e-01 : f32
    %mul3A_25 = vector.broadcast %mul3A_24 : f32 to vector<1024x128xf32>
    %mul3A_26 = arith.mulf %mul3A_25, %sub3A : vector<1024x128xf32>
    %add3A_27 = arith.addf %get3A_23, %mul3A_26 : vector<1024x128xf32>
    %swap3A = arith.constant 0 : index
    %swap3A_28 = arith.constant 0 : index
    %swap3A_29 = vector.load %arg5[%swap3A, %swap3A_28] : memref<1024x128xf32, #tpu.memory_space<vmem>>, vector<1024x128xf32>
    tpu.vector_store %arg5[%swap3A, %swap3A_28], %add3A_27 {strides = array<i32>} : memref<1024x128xf32, #tpu.memory_space<vmem>>, vector<1024x128xf32>,
    return
  }
  func.func @transform_0(%arg0: i32) -> (i32, i32) {
    %c0_i32 = arith.constant 0 : i32
    %c0_i32_0 = arith.constant 0 : i32
    return %c0_i32, %arg0 : i32, i32
  }
  func.func @transform_1(%arg0: i32) -> (i32, i32) {
    %c0_i32 = arith.constant 0 : i32
    %c0_i32_0 = arith.constant 0 : i32
    return %arg0, %c0_i32 : i32, i32
  }
  func.func @transform_2(%arg0: i32) -> (i32, i32) {
    %c0_i32 = arith.constant 0 : i32
    %c0_i32_0 = arith.constant 0 : i32
    return %arg0, %c0_i32 : i32, i32
  }
  func.func @transform_3(%arg0: i32) -> (i32, i32, i32) {
    %c0_i32 = arith.constant 0 : i32
    %c0_i32_0 = arith.constant 0 : i32
    %c0_i32_1 = arith.constant 0 : i32
    return %c0_i32, %arg0, %c0_i32_0 : i32, i32, i32
  }
  func.func @transform_4(%arg0: i32) -> (i32, i32) {
    %c0_i32 = arith.constant 0 : i32
    %c0_i32_0 = arith.constant 0 : i32
    return %arg0, %c0_i32 : i32, i32
  }
}

</mosaic_0001>

<sc_bundles>
// kernel: kernel.11.cloned.1.call-start
scs
__scs_entry_jumppad:
0x0: {  	(pc) =	sbr.rel $0x88, $3  }
0x1: {  	(tag) =	ssettag $0x0;
	lr =	simm.s32 $0x1  }
0x2: {  	[smem:$0x3F9E] =	sst lr;
	_ =	strace $0xD0000000  }
0x3: {  	_ = 	snop  }
0x4: {  	_ = 	snop  }
0x5: {  	_ = 	snop  }
0x6: {  	_ = 	snop  }
0x7: {  	_ = 	snop  }
__scs_overlays_trampoline_lowered:
0x8: {  	[smem:$0x3FAD] =	sst s0  }
0x9: {  	[smem:$0x3FAE] =	sst s1  }
0xa: {  	[smem:$0x3FAF] =	sst s2  }
0xb: {  	[smem:$0x3FB0] =	sst s3  }
0xc: {  	[smem:$0x3FB1] =	sst s4  }
0xd: {  	[smem:$0x3FB2] =	sst s5  }
0xe: {  	[smem:$0x3FB3] =	sst s6  }
0xf: {  	[smem:$0x3FB4] =	sst s7  }
0x10: {  	[smem:$0x3FB5] =	sst s8  }
0x11: {  	[smem:$0x3FB6] =	sst s9;
	s0 =	simm.s32 @!p0 $0x0  }
0x12: {  	s1 =	sld [smem:$0x3F9C];
	s0 =	simm.s32 @p0 $0x1  }
0x13: {  	[smem:$0x3FB7] =	sst s0;
	s0 =	simm.s32 @!p1 $0x0  }
0x14: {  	s2 =	sld [smem:$0x3F9B];
	s0 =	simm.s32 @p1 $0x1  }
0x15: {  	[smem:$0x3FB8] =	sst s0;
	s0 =	simm.s32 @!p2 $0x0  }
0x16: {  	s3 =	sld [smem:$0x3FDB];
	s0 =	simm.s32 @p2 $0x1  }
0x17: {  	s4 =	simm.s32 $0x1BF5;
	[smem:$0x3FBA] =	sst s0  }
0x18: {  	s0 =	sld [smem:$0x3F9D];
	_ =	swait.ge [sflag:s4], $0x0  }
0x19: {  	s7 =	sld [smem:$0x3F9E]  }
0x1a: {  	s8 =	sadd.s32 $0xFFFFE003, lr  }
0x1b: {  	s9 =	sadd.s32 $0xFFFFFEF7, lr;
	s5 =	simm.s32 $0xFFFFFFFF;
	p2 =	slt.u32 s8, $0xFFFFF086  }
0x1c: {  	p1 =	slt.u32 s9, $0xF7A;
	s5 =	simm.s32 @!p2 $0x0  }
0x1d: {  	s5 =	simm.s32 @p1 $0x1;
	p0 =	seq.s32 s7, s2  }
0x1e: {  	s7 =	smul.u32 @!p0 $0xF7A, s2;
	p2 =	seq.s32 @!p0 s5, $0x0  }
0x1f: {  	s9 =	smul.u32 $0xF7A, s1;
	s8 =	simm.s32 @!p0 $0x1BF5;
	p2 =	por !p2, p0  }
0x20: {  	[sflag:s8] =	ssyncset.s32 @!p0 $0xFFFFF086;
	s6 =	sadd.s32 @!p0 s3, s7;
	s7 =	simm.s32 @!p0 $0x108  }
0x21: {  	s3 =	sadd.s32 s3, s9;
	s6 =	sadd.s32 @!p0 $0x88, s6;
	s7 =	simm.s32 @p2 $0x1082  }
0x22: {  	[simem:s7], [sflag:s8] =	dma.local @!p0 [hbm:s6], $0xF7A  }
0x23: {  	s9 =	sor.u32 $0xD0000000, s2;
	s6 =	simm.s32 $0x108;
	_ =	swait.ge @!p0 [sflag:s8], $0x0  }
0x24: {  	s3 =	sadd.s32 $0x88, s3;
	s6 =	simm.s32 @!p1 $0x1082;
	[sflag:s4] =	ssyncset.s32 $0xFFFFF086  }
0x25: {  	[simem:s6], [sflag:s4] =	dma.local [hbm:s3], $0xF7A  }
0x26: {  	[smem:$0x3F9E] =	sst s1;
	(tag) =	ssettag s2;
	_ =	strace s9  }
0x27: {  	s1 =	sld [smem:$0x3FAE]  }
0x28: {  	s2 =	sld [smem:$0x3FAF]  }
0x29: {  	s4 =	sld [smem:$0x3FB1]  }
0x2a: {  	p0 =	seq.s32 s5, $0x0;
	s5 =	sld [smem:$0x3FB2]  }
0x2b: {  	s6 =	sld [smem:$0x3FB3]  }
0x2c: {  	s7 =	sld [smem:$0x3FB4]  }
0x2d: {  	s3 =	simm.s32 $0x108;
	s8 =	sld [smem:$0x3FB5]  }
0x2e: {  	s3 =	simm.s32 @!p0 $0x1082;
	s9 =	sld [smem:$0x3FB6]  }
0x2f: {  	lr =	sadd.s32 s0, s3;
	s0 =	sld [smem:$0x3FAD]  }
0x30: {  	s3 =	sld [smem:$0x3FB0]  }
0x31: {  	[smem:$0x3FB9] =	sst s10  }
0x32: {  	s10 =	sld [smem:$0x3FB7];
	_ =	sdelay $0x3  }
0x33: {  	p0 =	seq.s32 s10, $0x1;
	s10 =	sld [smem:$0x3FB9];
	_ =	sdelay $0x3  }
0x34: {  	[smem:$0x3FB9] =	sst s10  }
0x35: {  	s10 =	sld [smem:$0x3FB8];
	_ =	sdelay $0x3  }
0x36: {  	p1 =	seq.s32 s10, $0x1;
	s10 =	sld [smem:$0x3FB9];
	_ =	sdelay $0x3  }
0x37: {  	[smem:$0x3FB9] =	sst s10  }
0x38: {  	s10 =	sld [smem:$0x3FBA]  }
0x39: {  	_ = 	snop;
	(pc) =	sbr.ind lr, $3  }
0x3a: {  	_ = 	snop  }
0x3b: {  	_ = 	snop  }
0x3c: {  	p2 =	seq.s32 s10, $0x1;
	s10 =	sld [smem:$0x3FB9]  }
0x3d: {  	_ =	shalt  }
0x3e: {  	_ =	shalt  }
0x3f: {  	_ =	shalt  }
0x40: {  	_ =	shalt  }
0x41: {  	_ =	shalt  }
0x42: {  	_ =	shalt  }
0x43: {  	_ =	shalt  }
0x44: {  	_ =	shalt  }
0x45: {  	_ =	shalt  }
0x46: {  	_ =	shalt  }
0x47: {  	_ =	shalt  }
0x48: {  	_ =	shalt  }
0x49: {  	_ =	shalt  }
0x4a: {  	_ =	shalt  }
0x4b: {  	_ =	shalt  }
0x4c: {  	_ =	shalt  }
0x4d: {  	_ =	shalt  }
0x4e: {  	_ =	shalt  }
0x4f: {  	_ =	shalt  }
0x50: {  	_ =	shalt  }
0x51: {  	_ =	shalt  }
0x52: {  	_ =	shalt  }
0x53: {  	_ =	shalt  }
0x54: {  	_ =	shalt  }
0x55: {  	_ =	shalt  }
0x56: {  	_ =	shalt  }
0x57: {  	_ =	shalt  }
0x58: {  	_ =	shalt  }
0x59: {  	_ =	shalt  }
0x5a: {  	_ =	shalt  }
0x5b: {  	_ =	shalt  }
0x5c: {  	_ =	shalt  }
0x5d: {  	_ =	shalt  }
0x5e: {  	_ =	shalt  }
0x5f: {  	_ =	shalt  }
0x60: {  	_ =	shalt  }
0x61: {  	_ =	shalt  }
0x62: {  	_ =	shalt  }
0x63: {  	_ =	shalt  }
0x64: {  	_ =	shalt  }
0x65: {  	_ =	shalt  }
0x66: {  	_ =	shalt  }
0x67: {  	_ =	shalt  }
0x68: {  	_ =	shalt  }
0x69: {  	_ =	shalt  }
0x6a: {  	_ =	shalt  }
0x6b: {  	_ =	shalt  }
0x6c: {  	_ =	shalt  }
0x6d: {  	_ =	shalt  }
0x6e: {  	_ =	shalt  }
0x6f: {  	_ =	shalt  }
0x70: {  	_ =	shalt  }
0x71: {  	_ =	shalt  }
0x72: {  	_ =	shalt  }
0x73: {  	_ =	shalt  }
0x74: {  	_ =	shalt  }
0x75: {  	_ =	shalt  }
0x76: {  	_ =	shalt  }
0x77: {  	_ =	shalt  }
0x78: {  	_ =	shalt  }
0x79: {  	_ =	shalt  }
0x7a: {  	_ =	shalt  }
0x7b: {  	_ =	shalt  }
0x7c: {  	_ =	shalt  }
0x7d: {  	_ =	shalt  }
0x7e: {  	_ =	shalt  }
0x7f: {  	_ =	shalt  }
0x80: {  	_ =	shalt  }
0x81: {  	_ =	shalt  }
0x82: {  	_ =	shalt  }
0x83: {  	_ =	shalt  }
0x84: {  	_ =	shalt  }
0x85: {  	_ =	shalt  }
0x86: {  	_ =	shalt  }
0x87: {  	_ =	shalt  }
.Lfunc_end0:
.L_simem_size_0:
called_computation.1_lowered:
.L_overlay_start_0:
0x88: {  	s2 =	sld [smem:$0x3FD9]  }
0x89: {  	s3 =	sld [smem:$0x3FFE];
	_ =	sdelay $0x1  }
0x8a: {  	s1 =	srdreg.scid  }
0x8b: {  	s0 =	sand.u32 $0x1, s1  }
0x8c: {  	s17 =	sshll.u32 s0, $0xA;
	s2 =	sadd.s32 s3, s2  }
0x8d: {  	s2 =	sadd.s32 s2, s17  }
0x8e: {  	[smem:$0x3FC5] =	sst s2  }
0x8f: {  	_ = 	snop  }
0x90: {  	s2 =	sld [smem:$0x3FD0];
	(tm) =	ssettm $0x1  }
0x91: {  	s18 =	sld [smem:$0x3FFB];
	_ =	sdelay $0x3  }
0x92: {  	_ =	strace s18  }
0x93: {  	s3 =	sld [smem:$0x3FFC];
	_ =	sdelay $0x3  }
0x94: {  	_ =	strace s3  }
0x95: {  	s3 =	sld [smem:$0x3FFD];
	_ =	sdelay $0x3  }
0x96: {  	_ =	strace s3  }
0x97: {  	_ =	strace $0x8FFFFFFF  }
0x98: {  	s19 =	sld [smem:$0x3FDB];
	_ =	sdelay $0x1  }
0x99: {  	s4 =	simm.s32 $_scs_section_size  }
0x9a: {  	s5 =	simm.s32 $_size__tile_overlayer_lowered;
	s6 =	simm.s32 $_tile_overlayer_lowered  }
0x9b: {  	s22 =	simm.s32 $0x1BFF;
	s21 =	sshll.u32 s6, $0x1;
	s3 =	sadd.s32 s4, s19  }
0x9c: {  	s7 =	simm.s32 $0x0;
	s20 =	sshll.u32 s5, $0x1;
	s5 =	sadd.s32 s21, s3  }
0x9d: {  	[timem:s7], [sflag:s22] =	dma.local [hbm:s5], s20  }
0x9e: {  	_ =	swait.ge [sflag:s22], s20  }
0x9f: {  	s4 =	ssub.s32 $0x0, s20;
	[sflag:s22] =	ssyncset.done $0x0  }
0xa0: {  	[sflag:s22] =	ssyncadd.s32 s4;
	_ =	sdelay $0x1  }
0xa1: {  	s23 =	simm.s32 $0x1B8B  }
0xa2: {  	_ =	swait.ge [sflag:s23], $0x1  }
0xa3: {  	[sflag:s23] =	ssyncset.done $0x0  }
0xa4: {  	s25 =	simm.s32 $0x1B8E;
	s24 =	sld [smem:$0x3FFE];
	[sflag:s23] =	ssyncadd.s32 $0xFFFFFFFF  }
0xa5: {  	s26 =	simm.s32 $execute0_lowered;
	[smem:$0x3FD2] =	sst s25  }
0xa6: {  	s5 =	sshll.u32 s26, $0x1;
	_ =	strace $0x80000049;
	[dreg:$0x1] =	wrdreg $0xFFFFFFFF  }
0xa7: {  	s28 =	simm.s32 $_size_execute0_lowered;
	s3 =	sadd.s32 s3, s5;
	[dreg:$0x0] =	wrdreg $0x0  }
0xa8: {  	s5 =	sshll.u32 s28, $0x1;
	[dreg:$0x2] =	wrdreg s3  }
0xa9: {  	[dreg:$0x3] =	wrdreg s5  }
0xaa: {  	[dreg:$0x4] =	wrdreg $0xC0  }
0xab: {  	_ =	task [dreg:s7], $0x5FFFF  }
0xac: {  	[dreg:$0x1] =	wrdreg $0xFFFFFFFF  }
0xad: {  	[dreg:$0x0] =	wrdreg $0x60  }
0xae: {  	[dreg:$0x2] =	wrdreg s24  }
0xaf: {  	[dreg:$0x3] =	wrdreg s2  }
0xb0: {  	[dreg:$0x4] =	wrdreg $0xB8000  }
0xb1: {  	[dreg:$0x5] =	wrdreg $0x9  }
0xb2: {  	_ =	task.clear_ibuf [dreg:s7], $0x6FFFF;
	_ =	strace $0x90000049  }
0xb3: {  	s29 =	simm.s32 $0x9;
	_ =	strace $0x8000004B  }
0xb4: {  	_ =	swait.ge [sflag:s29], $0x1  }
0xb5: {  	[sflag:s29] =	ssyncadd.s32 $0xFFFFFFFF  }
0xb6: {  	_ =	strace $0x9000004B  }
0xb7: {  	_ =	sfence  }
0xb8: {  	s30 =	sld [smem:$0x0];
	_ =	sdelay $0x2  }
0xb9: {  	s31 =	sshll.u32 s1, $0xD;
	s1 =	sshrl.u32 s1, $0x2  }
0xba: {  	s3 =	sand.u32 $0x4000, s31;
	s1 =	sadd.s32 s1, s30  }
0xbb: {  	s0 =	sor.u32 s3, s0;
	s1 =	sshll.u32 s1, $0x11  }
0xbc: {  	s0 =	sor.u32 s1, s0  }
0xbd: {  	s0 =	sadd.s32 $0x8F2B, s0  }
0xbe: {  	[sflag:s0] =	ssyncadd.remote.s32 $0x1  }
0xbf: {  	_ =	sfence.sel $0xFFFF  }
0xc0: {  	[dreg:$0x0] =	wrdreg $0xFFFFFFFF;
	(pc) =	sbr.abs _section_cstart, $3  }
0xc1: {  	[dreg:$0x1] =	wrdreg $0xFFFFFFFF  }
0xc2: {  	_ =	task.clear_ibuf [dreg:s7], $0x2FFFF;
	_ =	strace $0x9FFFFFFF  }
0xc3: {  	(tm) =	ssettm $0x7FFFFFFF  }
tec
execute0_lowered:
.L_overlay_start_1:
0x0: {  	(tag) =	ssettag $0x1  }
0x1: {  	s6 =	rddreg [dreg:$0x0]  }
0x2: {  	s0 =	srdreg.scid;
	s11 =	rddreg [dreg:$0x1]  }
0x3: {  	s2 =	rddreg [dreg:$0x2];
	s3 =	simm.s32 $0x0;
	s16 =	simm.s32 $0x1  }
0x4: {  	s17 =	simm.s32 $0x2800;
	s18 =	simm.s32 $0x5000;
	s5 =	sand.u32 $0x1, s0  }
0x5: {  	s19 =	simm.s32 $0x80;
	s0 =	stileid.u32;
	s7 =	smul.u32 $0x140000, s5  }
0x6: {  	[smem:$0x7FF] =	sst s3;
	s4 =	sadd.s32 $0x15E00, s6;
	s8 =	smul.u32 $0x14000, s0  }
0x7: {  	s1 =	sshll.u32 s5, $0x4;
	s9 =	smul.u32 $0x50000, s0;
	s29 =	ssub.s32 $0x2, s5  }
0x8: {  	s20 =	sshll.u32 s0, $0x6;
	s1 =	sor.u32 s0, s1;
	s31 =	sshrl.u32 s29, $0x1  }
0x9: {  	s20 =	sor.u32 $0x1C01, s20;
	s12 =	smul.u32 $0x500, s1;
	s1 =	rddreg [dreg:$0x3]  }
0xa: {  	_ =	strace $0x8000004A;
	s7 =	sadd.s32 s8, s7;
	s30 =	sshrl.u32 s9, $0x2  }
0xb: {  	s15 =	ssub.s32 s29, s31;
	s7 =	sshrl.u32 s7, $0x3;
	s5 =	sadd.s32 s30, s2  }
0xc: {  	s13 =	sadd.s32 s12, s6;
	s14 =	sadd.s32 s7, s6;
	s6 =	sadd.s32 $0x4000, s5  }
0xd: {  	s7 =	sadd.s32 $0x8000, s5;
	s8 =	sadd.s32 $0xC000, s5;
	s9 =	sadd.s32 $0x10000, s5  }
0xe: {  	s11 =	sadd.s32 s11, s12;
	s10 =	sadd.s32 $0xBE00, s13;
	s12 =	sadd.s32 $0x1400, s13  }
0xf: {  	v0 =	vimm.f32 $0.0e+00;
	s13 =	sadd.s32 $0x3DE00, s14;
	s14 =	smax.u32 s15, $0x1;
	s15 =	simm.s32 $0x7800  }
.LBB2_1:
0x10: {  	s21 =	simm.s32 $0x0;
	s22 =	simm.s32 $0x200  }
.LBB2_2:
0x11: {  	p0 =	sne.s32 s22, $0xFE00;
	[tilespmem:s21+$0x7870] =	vst v0  }
0x12: {  	[tilespmem:s21+$0x7800] =	vst v0  }
0x13: {  	[tilespmem:s21+$0x7810] =	vst v0  }
.Ltmp0:
0x14: {  	[tilespmem:s21+$0x7820] =	vst v0;
	(pc) =	sbr.rel @p0 .LBB2_2-.Ltmp0, $4  }
0x15: {  	[tilespmem:s21+$0x7830] =	vst v0  }
0x16: {  	[tilespmem:s21+$0x7840] =	vst v0  }
0x17: {  	[tilespmem:s21+$0x7850] =	vst v0  }
0x18: {  	[tilespmem:s21+$0x7860] =	vst v0;
	s21 =	sshra.s32 s22, $0x2;
	s22 =	sadd.s32 $0x200, s22  }
0x19: {  	[tilespmem:s21+$0x7870] =	vst v0  }
0x1a: {  	[tilespmem:s21+$0x7800] =	vst v0  }
0x1b: {  	[tilespmem:s21+$0x7810] =	vst v0  }
0x1c: {  	[tilespmem:s21+$0x7820] =	vst v0  }
0x1d: {  	[tilespmem:s21+$0x7830] =	vst v0  }
0x1e: {  	[tilespmem:s21+$0x7840] =	vst v0  }
0x1f: {  	[tilespmem:s21+$0x7850] =	vst v0  }
0x20: {  	[tilespmem:s21+$0x7860] =	vst v0  }
0x21: {  	[spmem:s5] =	stream.linear.scatter [tilespmem:s15], [sflag:$0x1], $0x4000, $0x38;
	[tilespmem:$0x1F800] =	vst v63  }
0x22: {  	_ =	swait.ge [sflag:s16], $0x4000  }
0x23: {  	[sflag:s16] =	ssyncset.done $0x0  }
0x24: {  	[sflag:s16] =	ssyncadd.s32 $0xFFFFC000  }
0x25: {  	[spmem:s6] =	stream.linear.scatter [tilespmem:s15], [sflag:$0x1], $0x4000, $0x38;
	[tilespmem:$0x1F800] =	vst v63  }
0x26: {  	_ =	swait.ge [sflag:s16], $0x4000  }
0x27: {  	[sflag:s16] =	ssyncset.done $0x0  }
0x28: {  	[sflag:s16] =	ssyncadd.s32 $0xFFFFC000  }
0x29: {  	[spmem:s7] =	stream.linear.scatter [tilespmem:s15], [sflag:$0x1], $0x4000, $0x38;
	[tilespmem:$0x1F800] =	vst v63  }
0x2a: {  	_ =	swait.ge [sflag:s16], $0x4000  }
0x2b: {  	[sflag:s16] =	ssyncset.done $0x0  }
0x2c: {  	[sflag:s16] =	ssyncadd.s32 $0xFFFFC000  }
0x2d: {  	[spmem:s8] =	stream.linear.scatter [tilespmem:s15], [sflag:$0x1], $0x4000, $0x38;
	[tilespmem:$0x1F800] =	vst v63  }
0x2e: {  	_ =	swait.ge [sflag:s16], $0x4000  }
0x2f: {  	[sflag:s16] =	ssyncset.done $0x0  }
0x30: {  	[sflag:s16] =	ssyncadd.s32 $0xFFFFC000  }
0x31: {  	[spmem:s9] =	stream.linear.scatter [tilespmem:s15], [sflag:$0x1], $0x4000, $0x38;
	[tilespmem:$0x1F800] =	vst v63  }
0x32: {  	_ =	swait.ge [sflag:s16], $0x4000  }
0x33: {  	[sflag:s16] =	ssyncset.done $0x0  }
0x34: {  	s21 =	simm.s32 $0x0;
	[sflag:s16] =	ssyncadd.s32 $0xFFFFC000  }
0x35: {  	[tilespmem:s21], [sflag:$0x1] =	stream.linear.gather [hbm4b:s10+s21], $0x2800, $0x38;
	[tilespmem:$0x1F800] =	vst v63  }
0x36: {  	_ =	swait.ge [sflag:s16], $0x2800  }
0x37: {  	[sflag:s16] =	ssyncset.done $0x0  }
0x38: {  	[sflag:s16] =	ssyncadd.s32 $0xFFFFD800  }
0x39: {  	[tilespmem:s17], [sflag:$0x1] =	stream.linear.gather [hbm4b:s11+s21], $0x2800, $0x38;
	[tilespmem:$0x1F800] =	vst v63  }
0x3a: {  	_ =	swait.ge [sflag:s16], $0x2800  }
0x3b: {  	[sflag:s16] =	ssyncset.done $0x0  }
0x3c: {  	[sflag:s16] =	ssyncadd.s32 $0xFFFFD800  }
0x3d: {  	[tilespmem:s18], [sflag:$0x1] =	stream.linear.gather [hbm4b:s12+s21], $0x2800, $0x38;
	[tilespmem:$0x1F800] =	vst v63  }
0x3e: {  	_ =	swait.ge [sflag:s16], $0x2800  }
0x3f: {  	[sflag:s16] =	ssyncset.done $0x0  }
0x40: {  	[sflag:s16] =	ssyncadd.s32 $0xFFFFD800  }
0x41: {  	[bflag:$0x0] =	sbarrier.arrive $0xFFFF  }
.LBB2_4:
0x42: {  	s22 =	sshll.u32 s21, $0x7  }
0x43: {  	s23 =	sand.u32 $0x3FFFFF80, s22  }
0x44: {  	s23 =	sadd.s32 $0x5000, s23  }
0x45: {  	v1 =	vmov s23  }
0x46: {  	[tilespmem:s15], [sflag:$0x1] =	stream.indirect.gather [hbm4b:s4+s19], $0x80, s22, s19, $0xb8;
	[tilespmem:$0x1F800] =	vst v63  }
0x47: {  	_ =	swait.ge [sflag:s16], $0x4000  }
0x48: {  	s31 =	simm.s32 $0x0;
	[sflag:s16] =	ssyncset.done $0x0  }
0x49: {  	s24 =	simm.s32 $0x0;
	s23 =	sand.u32 $0x3FFFFFF0, s31;
	[sflag:s16] =	ssyncadd.s32 $0xFFFFC000  }
0x4a: {  	v2 =	vld.idx.msk [tilespmem:v1+s23+$0x0 ss:$0x1], $0xffff;
	s23 =	sand.u32 $0x3FFFF800, s24  }
0x4b: {  	v8 =	vld [tilespmem:s23+$0x78C0]  }
0x4c: {  	v4 =	vld [tilespmem:s23+$0x7820]  }
0x4d: {  	v5 =	vld [tilespmem:s23+$0x7830]  }
0x4e: {  	v11 =	vld [tilespmem:s23+$0x7860]  }
0x4f: {  	v12 =	vld [tilespmem:s23+$0x7870];
	v3 =	vbroadcast v2, $0x0  }
0x50: {  	v13 =	vld [tilespmem:s23+$0x7880]  }
0x51: {  	v14 =	vld [tilespmem:s23+$0x7890];
	v4 =	vmul.f32 v4, v3  }
0x52: {  	v15 =	vld [tilespmem:s23+$0x78A0];
	v5 =	vmul.f32 v5, v3  }
0x53: {  	v10 =	vld [tilespmem:s23+$0x78B0];
	v21 =	vbroadcast v2, $0x1;
	v20 =	vmul.f32 v11, v3;
	[tilespmem:s23+$0x7820] =	vst v4  }
0x54: {  	v9 =	vld [tilespmem:s23+$0x78D0];
	v12 =	vmul.f32 v12, v3;
	[tilespmem:s23+$0x7830] =	vst v5  }
0x55: {  	v7 =	vld [tilespmem:s23+$0x7D70];
	v13 =	vmul.f32 v13, v21;
	[tilespmem:s23+$0x7860] =	vst v20  }
0x56: {  	v23 =	vld [tilespmem:s23+$0x78F0];
	v14 =	vmul.f32 v14, v21;
	[tilespmem:s23+$0x7870] =	vst v12  }
0x57: {  	v24 =	vld [tilespmem:s23+$0x7900];
	v15 =	vmul.f32 v15, v21;
	[tilespmem:s23+$0x7880] =	vst v13  }
0x58: {  	v25 =	vld [tilespmem:s23+$0x7910];
	v10 =	vmul.f32 v10, v21;
	[tilespmem:s23+$0x7890] =	vst v14  }
0x59: {  	v22 =	vld [tilespmem:s23+$0x78E0];
	v8 =	vmul.f32 v8, v21;
	[tilespmem:s23+$0x78A0] =	vst v15  }
0x5a: {  	v26 =	vld [tilespmem:s23+$0x7920];
	v16 =	vbroadcast v2, $0x2;
	v9 =	vmul.f32 v9, v21;
	[tilespmem:s23+$0x78B0] =	vst v10  }
0x5b: {  	v27 =	vld [tilespmem:s23+$0x7930];
	v11 =	vmul.f32 v23, v21;
	[tilespmem:s23+$0x78C0] =	vst v8  }
0x5c: {  	v28 =	vld [tilespmem:s23+$0x7940];
	v6 =	vbroadcast v2, $0xA;
	v30 =	vmul.f32 v24, v16;
	[tilespmem:s23+$0x78D0] =	vst v9  }
0x5d: {  	v29 =	vld [tilespmem:s23+$0x7950];
	v32 =	vmul.f32 v25, v16;
	[tilespmem:s23+$0x78F0] =	vst v11  }
0x5e: {  	v31 =	vld [tilespmem:s23+$0x7960];
	v4 =	vmul.f32 v7, v6;
	[tilespmem:s23+$0x7900] =	vst v30  }
0x5f: {  	v33 =	vld [tilespmem:s23+$0x7970];
	v12 =	vmul.f32 v22, v21;
	[tilespmem:s23+$0x7910] =	vst v32  }
0x60: {  	v34 =	vld [tilespmem:s23+$0x7980];
	v10 =	vmul.f32 v26, v16;
	[tilespmem:s23+$0x7D70] =	vst v4  }
0x61: {  	v35 =	vld [tilespmem:s23+$0x7990];
	v8 =	vmul.f32 v27, v16;
	[tilespmem:s23+$0x78E0] =	vst v12  }
0x62: {  	v36 =	vld [tilespmem:s23+$0x79A0];
	v9 =	vmul.f32 v28, v16;
	[tilespmem:s23+$0x7920] =	vst v10  }
0x63: {  	v37 =	vld [tilespmem:s23+$0x79B0];
	v39 =	vbroadcast v2, $0x3;
	v11 =	vmul.f32 v31, v16;
	[tilespmem:s23+$0x7930] =	vst v8  }
0x64: {  	v38 =	vld [tilespmem:s23+$0x79C0];
	v13 =	vmul.f32 v33, v16;
	[tilespmem:s23+$0x7940] =	vst v9  }
0x65: {  	v40 =	vld [tilespmem:s23+$0x79D0];
	v14 =	vmul.f32 v34, v39;
	[tilespmem:s23+$0x7960] =	vst v11  }
0x66: {  	v41 =	vld [tilespmem:s23+$0x79E0];
	v12 =	vmul.f32 v29, v16;
	[tilespmem:s23+$0x7970] =	vst v13  }
0x67: {  	v42 =	vld [tilespmem:s23+$0x79F0];
	v10 =	vmul.f32 v35, v39;
	[tilespmem:s23+$0x7980] =	vst v14  }
0x68: {  	v43 =	vld [tilespmem:s23+$0x7A00];
	v8 =	vmul.f32 v36, v39;
	[tilespmem:s23+$0x7950] =	vst v12  }
0x69: {  	v44 =	vld [tilespmem:s23+$0x7A10];
	v9 =	vmul.f32 v37, v39;
	[tilespmem:s23+$0x7990] =	vst v10  }
0x6a: {  	v45 =	vld [tilespmem:s23+$0x7A20];
	v11 =	vmul.f32 v40, v39;
	[tilespmem:s23+$0x79A0] =	vst v8  }
0x6b: {  	v46 =	vld [tilespmem:s23+$0x7A30];
	v13 =	vmul.f32 v41, v39;
	[tilespmem:s23+$0x79B0] =	vst v9  }
0x6c: {  	v47 =	vld [tilespmem:s23+$0x7A40];
	v48 =	vbroadcast v2, $0x4;
	v14 =	vmul.f32 v42, v39;
	[tilespmem:s23+$0x79D0] =	vst v11  }
0x6d: {  	v49 =	vld [tilespmem:s23+$0x7A50];
	v12 =	vmul.f32 v38, v39;
	[tilespmem:s23+$0x79E0] =	vst v13  }
0x6e: {  	v50 =	vld [tilespmem:s23+$0x7A60];
	v10 =	vmul.f32 v43, v48;
	[tilespmem:s23+$0x79F0] =	vst v14  }
0x6f: {  	v51 =	vld [tilespmem:s23+$0x7A70];
	v8 =	vmul.f32 v44, v48;
	[tilespmem:s23+$0x79C0] =	vst v12  }
0x70: {  	v52 =	vld [tilespmem:s23+$0x7A80];
	v9 =	vmul.f32 v45, v48;
	[tilespmem:s23+$0x7A00] =	vst v10  }
0x71: {  	v53 =	vld [tilespmem:s23+$0x7A90];
	v11 =	vmul.f32 v47, v48;
	[tilespmem:s23+$0x7A10] =	vst v8  }
0x72: {  	v54 =	vld [tilespmem:s23+$0x7AA0];
	v13 =	vmul.f32 v49, v48;
	[tilespmem:s23+$0x7A20] =	vst v9  }
0x73: {  	v55 =	vld [tilespmem:s23+$0x7AB0];
	v14 =	vmul.f32 v50, v48;
	[tilespmem:s23+$0x7A40] =	vst v11  }
0x74: {  	v56 =	vld [tilespmem:s23+$0x7AC0];
	v57 =	vbroadcast v2, $0x5;
	v12 =	vmul.f32 v46, v48;
	[tilespmem:s23+$0x7A50] =	vst v13  }
0x75: {  	v58 =	vld [tilespmem:s23+$0x7AD0];
	v10 =	vmul.f32 v51, v48;
	[tilespmem:s23+$0x7A60] =	vst v14  }
0x76: {  	v59 =	vld [tilespmem:s23+$0x7AE0];
	v8 =	vmul.f32 v52, v57;
	[tilespmem:s23+$0x7A30] =	vst v12  }
0x77: {  	v60 =	vld [tilespmem:s23+$0x7AF0];
	v9 =	vmul.f32 v53, v57;
	[tilespmem:s23+$0x7A70] =	vst v10  }
0x78: {  	v61 =	vld [tilespmem:s23+$0x7B00];
	v11 =	vmul.f32 v55, v57;
	[tilespmem:s23+$0x7A80] =	vst v8  }
0x79: {  	v62 =	vld [tilespmem:s23+$0x7B10];
	v13 =	vmul.f32 v56, v57;
	[tilespmem:s23+$0x7A90] =	vst v9  }
0x7a: {  	v63 =	vld [tilespmem:s23+$0x7B20];
	v14 =	vmul.f32 v58, v57;
	[tilespmem:s23+$0x7AB0] =	vst v11  }
0x7b: {  	v20 =	vld [tilespmem:s23+$0x7B30];
	v12 =	vmul.f32 v54, v57;
	[tilespmem:s23+$0x7AC0] =	vst v13  }
0x7c: {  	v21 =	vld [tilespmem:s23+$0x7B40];
	v22 =	vbroadcast v2, $0x6;
	v10 =	vmul.f32 v59, v57;
	[tilespmem:s23+$0x7AD0] =	vst v14  }
0x7d: {  	v23 =	vld [tilespmem:s23+$0x7B50];
	v8 =	vmul.f32 v60, v57;
	[tilespmem:s23+$0x7AA0] =	vst v12  }
0x7e: {  	v24 =	vld [tilespmem:s23+$0x7B60];
	v9 =	vmul.f32 v61, v22;
	[tilespmem:s23+$0x7AE0] =	vst v10  }
0x7f: {  	v25 =	vld [tilespmem:s23+$0x7B70];
	v11 =	vmul.f32 v63, v22;
	[tilespmem:s23+$0x7AF0] =	vst v8  }
0x80: {  	v5 =	vld [tilespmem:s23+$0x7D80];
	v13 =	vmul.f32 v20, v22;
	[tilespmem:s23+$0x7B00] =	vst v9  }
0x81: {  	v27 =	vld [tilespmem:s23+$0x7B90];
	v14 =	vmul.f32 v21, v22;
	[tilespmem:s23+$0x7B20] =	vst v11  }
0x82: {  	v28 =	vld [tilespmem:s23+$0x7BA0];
	v12 =	vmul.f32 v62, v22;
	[tilespmem:s23+$0x7B30] =	vst v13  }
0x83: {  	v29 =	vld [tilespmem:s23+$0x7BB0];
	v10 =	vmul.f32 v23, v22;
	[tilespmem:s23+$0x7B40] =	vst v14  }
0x84: {  	v31 =	vbroadcast v2, $0x7;
	v53 =	vld [tilespmem:s23+$0x7D00];
	v8 =	vmul.f32 v24, v22;
	[tilespmem:s23+$0x7B10] =	vst v12  }
0x85: {  	v58 =	vld [tilespmem:s23+$0x7D50];
	v9 =	vmul.f32 v25, v22;
	[tilespmem:s23+$0x7B50] =	vst v10  }
0x86: {  	v26 =	vld [tilespmem:s23+$0x7B80];
	v11 =	vmul.f32 v27, v31;
	[tilespmem:s23+$0x7B60] =	vst v8  }
0x87: {  	v30 =	vld [tilespmem:s23+$0x7BC0];
	v13 =	vmul.f32 v28, v31;
	[tilespmem:s23+$0x7B70] =	vst v9  }
0x88: {  	v32 =	vld [tilespmem:s23+$0x7BD0];
	v14 =	vmul.f32 v29, v31;
	[tilespmem:s23+$0x7B90] =	vst v11  }
0x89: {  	v33 =	vld [tilespmem:s23+$0x7BE0];
	v59 =	vmul.f32 v53, v6;
	[tilespmem:s23+$0x7BA0] =	vst v13  }
0x8a: {  	v35 =	vld [tilespmem:s23+$0x7C00];
	v21 =	vmul.f32 v58, v6;
	[tilespmem:s23+$0x7BB0] =	vst v14  }
0x8b: {  	v36 =	vld [tilespmem:s23+$0x7C10];
	v12 =	vmul.f32 v26, v31;
	[tilespmem:s23+$0x7D00] =	vst v59  }
0x8c: {  	v37 =	vld [tilespmem:s23+$0x7C20];
	v10 =	vmul.f32 v30, v31;
	[tilespmem:s23+$0x7D50] =	vst v21  }
0x8d: {  	v7 =	vld [tilespmem:s23+$0x7D90];
	v40 =	vbroadcast v2, $0x8;
	v8 =	vmul.f32 v32, v31;
	[tilespmem:s23+$0x7B80] =	vst v12  }
0x8e: {  	v34 =	vld [tilespmem:s23+$0x7BF0];
	v9 =	vmul.f32 v33, v31;
	[tilespmem:s23+$0x7BC0] =	vst v10  }
0x8f: {  	v57 =	vld [tilespmem:s23+$0x7D40];
	v11 =	vmul.f32 v35, v40;
	[tilespmem:s23+$0x7BD0] =	vst v8  }
0x90: {  	v61 =	vld [tilespmem:s23+$0x7800];
	v24 =	vbroadcast v2, $0xB;
	v13 =	vmul.f32 v36, v40;
	[tilespmem:s23+$0x7BE0] =	vst v9  }
0x91: {  	v4 =	vld [tilespmem:s23+$0x7FD0];
	v14 =	vmul.f32 v37, v40;
	[tilespmem:s23+$0x7C00] =	vst v11  }
0x92: {  	v38 =	vld [tilespmem:s23+$0x7C30];
	v5 =	vmul.f32 v5, v24;
	[tilespmem:s23+$0x7C10] =	vst v13  }
0x93: {  	v39 =	vld [tilespmem:s23+$0x7C40];
	v7 =	vmul.f32 v7, v24;
	[tilespmem:s23+$0x7C20] =	vst v14  }
0x94: {  	v41 =	vld [tilespmem:s23+$0x7C50];
	v19 =	vmul.f32 v57, v6;
	[tilespmem:s23+$0x7D80] =	vst v5  }
0x95: {  	v43 =	vld [tilespmem:s23+$0x7C70];
	v25 =	vmul.f32 v3, v61;
	[tilespmem:s23+$0x7D90] =	vst v7  }
0x96: {  	v44 =	vld [tilespmem:s23+$0x7C80];
	v12 =	vmul.f32 v34, v31;
	[tilespmem:s23+$0x7D40] =	vst v19  }
0x97: {  	v45 =	vld [tilespmem:s23+$0x7C90];
	v10 =	vmul.f32 v38, v40;
	[tilespmem:s23+$0x7800] =	vst v25  }
0x98: {  	v27 =	vld [tilespmem:s23+$0x7DD0];
	v8 =	vmul.f32 v39, v40;
	[tilespmem:s23+$0x7BF0] =	vst v12  }
0x99: {  	v49 =	vbroadcast v2, $0x9;
	v29 =	vld [tilespmem:s23+$0x7DF0];
	v9 =	vmul.f32 v41, v40;
	[tilespmem:s23+$0x7C30] =	vst v10  }
0x9a: {  	v42 =	vld [tilespmem:s23+$0x7C60];
	v11 =	vmul.f32 v43, v40;
	[tilespmem:s23+$0x7C40] =	vst v8  }
0x9b: {  	v46 =	vld [tilespmem:s23+$0x7CA0];
	v13 =	vmul.f32 v44, v49;
	[tilespmem:s23+$0x7C50] =	vst v9  }
0x9c: {  	v47 =	vld [tilespmem:s23+$0x7CB0];
	v14 =	vmul.f32 v45, v49;
	[tilespmem:s23+$0x7C70] =	vst v11  }
0x9d: {  	v48 =	vld [tilespmem:s23+$0x7CC0];
	v32 =	vmul.f32 v27, v24;
	[tilespmem:s23+$0x7C80] =	vst v13  }
0x9e: {  	v51 =	vld [tilespmem:s23+$0x7CE0];
	v7 =	vmul.f32 v29, v24;
	[tilespmem:s23+$0x7C90] =	vst v14  }
0x9f: {  	v52 =	vld [tilespmem:s23+$0x7CF0];
	v12 =	vmul.f32 v42, v40;
	[tilespmem:s23+$0x7DD0] =	vst v32  }
0xa0: {  	v10 =	vmul.f32 v46, v49;
	[tilespmem:s23+$0x7DF0] =	vst v7  }
0xa1: {  	v28 =	vld [tilespmem:s23+$0x7DE0];
	v8 =	vmul.f32 v47, v49;
	[tilespmem:s23+$0x7C60] =	vst v12  }
0xa2: {  	v30 =	vld [tilespmem:s23+$0x7E00];
	v9 =	vmul.f32 v48, v49;
	[tilespmem:s23+$0x7CA0] =	vst v10  }
0xa3: {  	v50 =	vld [tilespmem:s23+$0x7CD0];
	v5 =	vbroadcast v2, $0xF;
	v11 =	vmul.f32 v51, v49;
	[tilespmem:s23+$0x7CB0] =	vst v8  }
0xa4: {  	v54 =	vld [tilespmem:s23+$0x7D10];
	v13 =	vmul.f32 v52, v49;
	[tilespmem:s23+$0x7CC0] =	vst v9  }
0xa5: {  	v55 =	vld [tilespmem:s23+$0x7D20];
	v35 =	vbroadcast v2, $0xC;
	v4 =	vmul.f32 v4, v5;
	[tilespmem:s23+$0x7CE0] =	vst v11  }
0xa6: {  	v56 =	vld [tilespmem:s23+$0x7D30];
	v40 =	vmul.f32 v28, v24;
	[tilespmem:s23+$0x7CF0] =	vst v13  }
0xa7: {  	v60 =	vld [tilespmem:s23+$0x7D60];
	v16 =	vmul.f32 v30, v35;
	[tilespmem:s23+$0x7FD0] =	vst v4  }
0xa8: {  	v62 =	vld [tilespmem:s23+$0x7810];
	v12 =	vmul.f32 v50, v49;
	[tilespmem:s23+$0x7DE0] =	vst v40  }
0xa9: {  	v63 =	vld [tilespmem:s23+$0x7840];
	v10 =	vmul.f32 v54, v6;
	[tilespmem:s23+$0x7E00] =	vst v16  }
0xaa: {  	v20 =	vld [tilespmem:s23+$0x7850];
	v8 =	vmul.f32 v55, v6;
	[tilespmem:s23+$0x7CD0] =	vst v12  }
0xab: {  	v33 =	vld [tilespmem:s23+$0x7E30];
	v9 =	vmul.f32 v56, v6;
	[tilespmem:s23+$0x7D10] =	vst v10  }
0xac: {  	v61 =	vld [tilespmem:s23+$0x7FF0];
	v6 =	vmul.f32 v60, v6;
	[tilespmem:s23+$0x7D20] =	vst v8  }
0xad: {  	v38 =	vld [tilespmem:s23+$0x7E70];
	v13 =	vmul.f32 v62, v3;
	[tilespmem:s23+$0x7D30] =	vst v9  }
0xae: {  	v22 =	vld [tilespmem:s23+$0x7DA0];
	v4 =	vmul.f32 v63, v3;
	[tilespmem:s23+$0x7D60] =	vst v6  }
0xaf: {  	v23 =	vld [tilespmem:s23+$0x7DB0];
	v3 =	vmul.f32 v20, v3;
	[tilespmem:s23+$0x7810] =	vst v13  }
0xb0: {  	v26 =	vld [tilespmem:s23+$0x7DC0];
	v62 =	vmul.f32 v33, v35;
	[tilespmem:s23+$0x7840] =	vst v4  }
0xb1: {  	v31 =	vld [tilespmem:s23+$0x7E10];
	v63 =	vmul.f32 v61, v5;
	[tilespmem:s23+$0x7850] =	vst v3  }
0xb2: {  	v34 =	vld [tilespmem:s23+$0x7E40];
	v16 =	vmul.f32 v38, v35;
	[tilespmem:s23+$0x7E30] =	vst v62  }
0xb3: {  	v41 =	vld [tilespmem:s23+$0x7EA0];
	v8 =	vmul.f32 v22, v24;
	[tilespmem:s23+$0x7FF0] =	vst v63  }
0xb4: {  	v46 =	vld [tilespmem:s23+$0x7EE0];
	v9 =	vmul.f32 v23, v24;
	[tilespmem:s23+$0x7E70] =	vst v16  }
0xb5: {  	v6 =	vmul.f32 v26, v24;
	v3 =	vld [tilespmem:s23+$0x7E90];
	[tilespmem:s23+$0x7DA0] =	vst v8  }
0xb6: {  	v36 =	vld [tilespmem:s23+$0x7E50];
	v44 =	vbroadcast v2, $0xD;
	v10 =	vmul.f32 v31, v35;
	[tilespmem:s23+$0x7DB0] =	vst v9  }
0xb7: {  	v37 =	vld [tilespmem:s23+$0x7E60];
	v13 =	vmul.f32 v34, v35;
	[tilespmem:s23+$0x7DC0] =	vst v6  }
0xb8: {  	v39 =	vld [tilespmem:s23+$0x7E80];
	v12 =	vmul.f32 v41, v44;
	[tilespmem:s23+$0x7E10] =	vst v10  }
0xb9: {  	v42 =	vld [tilespmem:s23+$0x7EB0];
	v51 =	vmul.f32 v46, v44;
	[tilespmem:s23+$0x7E40] =	vst v13  }
0xba: {  	v48 =	vld [tilespmem:s23+$0x7F10];
	[tilespmem:s23+$0x7EA0] =	vst v12;
	v3 =	vmul.f32 v3, v44  }
0xbb: {  	v49 =	vld [tilespmem:s23+$0x7F20];
	v9 =	vmul.f32 v36, v35;
	[tilespmem:s23+$0x7EE0] =	vst v51  }
0xbc: {  	v6 =	vmul.f32 v37, v35;
	[tilespmem:s23+$0x7E90] =	vst v3;
	v3 =	vld [tilespmem:s23+$0x7F00]  }
0xbd: {  	v2 =	vbroadcast v2, $0xE;
	v50 =	vld [tilespmem:s23+$0x7F30];
	v10 =	vmul.f32 v39, v44;
	[tilespmem:s23+$0x7E50] =	vst v9  }
0xbe: {  	v45 =	vld [tilespmem:s23+$0x7ED0];
	v13 =	vmul.f32 v42, v44;
	[tilespmem:s23+$0x7E60] =	vst v6  }
0xbf: {  	v47 =	vld [tilespmem:s23+$0x7EF0];
	v12 =	vmul.f32 v48, v2;
	[tilespmem:s23+$0x7E80] =	vst v10  }
0xc0: {  	v43 =	vld [tilespmem:s23+$0x7EC0];
	v11 =	vmul.f32 v49, v2;
	[tilespmem:s23+$0x7EB0] =	vst v13  }
0xc1: {  	v55 =	vld [tilespmem:s23+$0x7F80];
	[tilespmem:s23+$0x7F10] =	vst v12;
	v3 =	vmul.f32 v3, v2  }
0xc2: {  	v57 =	vld [tilespmem:s23+$0x7FA0];
	v7 =	vmul.f32 v50, v2;
	[tilespmem:s23+$0x7F20] =	vst v11  }
0xc3: {  	v6 =	vmul.f32 v45, v44;
	[tilespmem:s23+$0x7F00] =	vst v3;
	v3 =	vld [tilespmem:s23+$0x7F70]  }
0xc4: {  	v52 =	vld [tilespmem:s23+$0x7F40];
	v10 =	vmul.f32 v47, v44;
	[tilespmem:s23+$0x7F30] =	vst v7  }
0xc5: {  	v56 =	vld [tilespmem:s23+$0x7F90];
	v9 =	vmul.f32 v43, v44;
	[tilespmem:s23+$0x7ED0] =	vst v6  }
0xc6: {  	v54 =	vld [tilespmem:s23+$0x7F60];
	v12 =	vmul.f32 v55, v5;
	[tilespmem:s23+$0x7EF0] =	vst v10  }
0xc7: {  	v58 =	vld [tilespmem:s23+$0x7FB0];
	v7 =	vmul.f32 v57, v5;
	[tilespmem:s23+$0x7EC0] =	vst v9  }
0xc8: {  	v53 =	vld [tilespmem:s23+$0x7F50];
	[tilespmem:s23+$0x7F80] =	vst v12;
	v3 =	vmul.f32 v3, v2  }
0xc9: {  	v59 =	vld [tilespmem:s23+$0x7FC0];
	v6 =	vmul.f32 v52, v2;
	[tilespmem:s23+$0x7FA0] =	vst v7  }
0xca: {  	v60 =	vld [tilespmem:s23+$0x7FE0];
	[tilespmem:s23+$0x7F70] =	vst v3;
	v3 =	vmul.f32 v56, v5  }
0xcb: {  	v10 =	vmul.f32 v54, v2;
	[tilespmem:s23+$0x7F40] =	vst v6  }
0xcc: {  	v4 =	vld [tilespmem:s23+$0x7E20];
	[tilespmem:s23+$0x7F90] =	vst v3;
	v3 =	vmul.f32 v58, v5  }
0xcd: {  	[tilespmem:s23+$0x7F60] =	vst v10;
	v2 =	vmul.f32 v53, v2  }
0xce: {  	[tilespmem:s23+$0x7FB0] =	vst v3;
	v3 =	vmul.f32 v59, v5  }
0xcf: {  	[tilespmem:s23+$0x7F50] =	vst v2;
	v5 =	vmul.f32 v60, v5  }
0xd0: {  	[tilespmem:s23+$0x7FC0] =	vst v3  }
0xd1: {  	s24 =	simm.s32 $0x1;
	v3 =	vmul.f32 v4, v35;
	[tilespmem:s23+$0x7FE0] =	vst v5  }
.LBB2_5:
0xd2: {  	s25 =	sshll.u32 s24, $0x4  }
0xd3: {  	p0 =	sne.s32 s24, $0x7;
	[tilespmem:s23+$0x7E20] =	vst v3;
	s23 =	smov.u32 s24;
	s24 =	sadd.s32 $0x1, s24  }
0xd4: {  	s25 =	sand.u32 $0x3FFFFFF0, s25  }
0xd5: {  	v2 =	vld.idx.msk [tilespmem:v1+s25+$0x0 ss:$0x1], $0xffff  }
0xd6: {  	s23 =	sshll.u32 s23, $0xB  }
0xd7: {  	s23 =	sand.u32 $0x3FFFF800, s23  }
0xd8: {  	v9 =	vld [tilespmem:s23+$0x78C0]  }
0xd9: {  	v10 =	vld [tilespmem:s23+$0x78D0]  }
0xda: {  	v11 =	vld [tilespmem:s23+$0x78B0]  }
0xdb: {  	v3 =	vbroadcast v2, $0x0;
	v8 =	vbroadcast v2, $0x4;
	v4 =	vld [tilespmem:s23+$0x7820]  }
0xdc: {  	v6 =	vld [tilespmem:s23+$0x7830]  }
0xdd: {  	v7 =	vld [tilespmem:s23+$0x7D70]  }
0xde: {  	v12 =	vld [tilespmem:s23+$0x7860]  }
0xdf: {  	v13 =	vld [tilespmem:s23+$0x7870]  }
0xe0: {  	v5 =	vbroadcast v2, $0xA;
	v4 =	vmul.f32 v4, v3;
	v14 =	vld [tilespmem:s23+$0x7880]  }
0xe1: {  	v6 =	vmul.f32 v6, v3;
	v15 =	vld [tilespmem:s23+$0x7890]  }
0xe2: {  	[tilespmem:s23+$0x7820] =	vst v4;
	v16 =	vld [tilespmem:s23+$0x78A0];
	v4 =	vmul.f32 v7, v5  }
0xe3: {  	[tilespmem:s23+$0x7830] =	vst v6;
	v7 =	vmul.f32 v12, v3;
	v12 =	vbroadcast v2, $0x1;
	v6 =	vld [tilespmem:s23+$0x7D80]  }
0xe4: {  	v13 =	vmul.f32 v13, v3;
	[tilespmem:s23+$0x7D70] =	vst v4;
	v4 =	vld [tilespmem:s23+$0x7FD0]  }
0xe5: {  	[tilespmem:s23+$0x7860] =	vst v7;
	v14 =	vmul.f32 v14, v12;
	v7 =	vld [tilespmem:s23+$0x7D90]  }
0xe6: {  	[tilespmem:s23+$0x7870] =	vst v13;
	v13 =	vmul.f32 v15, v12;
	v15 =	vld [tilespmem:s23+$0x78E0]  }
0xe7: {  	[tilespmem:s23+$0x7880] =	vst v14;
	v14 =	vmul.f32 v16, v12;
	v16 =	vld [tilespmem:s23+$0x78F0]  }
0xe8: {  	v11 =	vmul.f32 v11, v12;
	[tilespmem:s23+$0x7890] =	vst v13;
	v13 =	vld [tilespmem:s23+$0x7900]  }
0xe9: {  	v9 =	vmul.f32 v9, v12;
	[tilespmem:s23+$0x78A0] =	vst v14;
	v14 =	vld [tilespmem:s23+$0x7910]  }
0xea: {  	v10 =	vmul.f32 v10, v12;
	[tilespmem:s23+$0x78B0] =	vst v11;
	v11 =	vld [tilespmem:s23+$0x7920]  }
0xeb: {  	[tilespmem:s23+$0x78C0] =	vst v9;
	v9 =	vmul.f32 v15, v12;
	v15 =	vbroadcast v2, $0x2;
	v17 =	vld [tilespmem:s23+$0x7930]  }
0xec: {  	[tilespmem:s23+$0x78D0] =	vst v10;
	v10 =	vmul.f32 v16, v12;
	v12 =	vld [tilespmem:s23+$0x7940]  }
0xed: {  	[tilespmem:s23+$0x78E0] =	vst v9;
	v9 =	vmul.f32 v13, v15;
	v13 =	vld [tilespmem:s23+$0x7950]  }
0xee: {  	[tilespmem:s23+$0x78F0] =	vst v10;
	v10 =	vmul.f32 v14, v15;
	v14 =	vld [tilespmem:s23+$0x7960]  }
0xef: {  	[tilespmem:s23+$0x7900] =	vst v9;
	v9 =	vmul.f32 v11, v15;
	v11 =	vld [tilespmem:s23+$0x7970]  }
0xf0: {  	[tilespmem:s23+$0x7910] =	vst v10;
	v10 =	vmul.f32 v17, v15;
	v16 =	vld [tilespmem:s23+$0x7980]  }
0xf1: {  	[tilespmem:s23+$0x7920] =	vst v9;
	v9 =	vmul.f32 v12, v15;
	v12 =	vld [tilespmem:s23+$0x7990]  }
0xf2: {  	[tilespmem:s23+$0x7930] =	vst v10;
	v10 =	vmul.f32 v13, v15;
	v13 =	vld [tilespmem:s23+$0x79A0]  }
0xf3: {  	[tilespmem:s23+$0x7940] =	vst v9;
	v9 =	vmul.f32 v14, v15;
	v14 =	vbroadcast v2, $0x3;
	v17 =	vld [tilespmem:s23+$0x79B0]  }
0xf4: {  	[tilespmem:s23+$0x7950] =	vst v10;
	v10 =	vmul.f32 v11, v15;
	v11 =	vld [tilespmem:s23+$0x79C0]  }
0xf5: {  	[tilespmem:s23+$0x7960] =	vst v9;
	v9 =	vmul.f32 v16, v14;
	v15 =	vld [tilespmem:s23+$0x79D0]  }
0xf6: {  	[tilespmem:s23+$0x7970] =	vst v10;
	v10 =	vmul.f32 v12, v14;
	v12 =	vld [tilespmem:s23+$0x79E0]  }
0xf7: {  	[tilespmem:s23+$0x7980] =	vst v9;
	v9 =	vmul.f32 v13, v14;
	v13 =	vld [tilespmem:s23+$0x79F0]  }
0xf8: {  	[tilespmem:s23+$0x7990] =	vst v10;
	v10 =	vmul.f32 v17, v14;
	v16 =	vld [tilespmem:s23+$0x7A00]  }
0xf9: {  	[tilespmem:s23+$0x79A0] =	vst v9;
	v9 =	vmul.f32 v11, v14;
	v11 =	vld [tilespmem:s23+$0x7A10]  }
0xfa: {  	[tilespmem:s23+$0x79B0] =	vst v10;
	v10 =	vmul.f32 v15, v14;
	v15 =	vld [tilespmem:s23+$0x7A20]  }
0xfb: {  	[tilespmem:s23+$0x79C0] =	vst v9;
	v9 =	vmul.f32 v12, v14;
	v12 =	vld [tilespmem:s23+$0x7A30]  }
0xfc: {  	[tilespmem:s23+$0x79D0] =	vst v10;
	v10 =	vmul.f32 v13, v14;
	v13 =	vld [tilespmem:s23+$0x7A40]  }
0xfd: {  	[tilespmem:s23+$0x79E0] =	vst v9;
	v9 =	vmul.f32 v16, v8;
	v14 =	vld [tilespmem:s23+$0x7A50]  }
0xfe: {  	[tilespmem:s23+$0x79F0] =	vst v10;
	v10 =	vmul.f32 v11, v8;
	v11 =	vld [tilespmem:s23+$0x7A60]  }
0xff: {  	[tilespmem:s23+$0x7A00] =	vst v9;
	v9 =	vmul.f32 v15, v8;
	v15 =	vld [tilespmem:s23+$0x7A70]  }
0x100: {  	[tilespmem:s23+$0x7A10] =	vst v10;
	v10 =	vmul.f32 v12, v8;
	v12 =	vld [tilespmem:s23+$0x7A80]  }
0x101: {  	[tilespmem:s23+$0x7A20] =	vst v9;
	v9 =	vmul.f32 v13, v8;
	v13 =	vld [tilespmem:s23+$0x7A90]  }
0x102: {  	[tilespmem:s23+$0x7A30] =	vst v10;
	v10 =	vmul.f32 v14, v8;
	v14 =	vld [tilespmem:s23+$0x7AA0]  }
0x103: {  	[tilespmem:s23+$0x7A40] =	vst v9;
	v9 =	vmul.f32 v11, v8;
	v11 =	vbroadcast v2, $0x5;
	v16 =	vld [tilespmem:s23+$0x7AB0]  }
0x104: {  	[tilespmem:s23+$0x7A50] =	vst v10;
	v8 =	vmul.f32 v15, v8;
	v10 =	vld [tilespmem:s23+$0x7AC0]  }
0x105: {  	[tilespmem:s23+$0x7A60] =	vst v9;
	v9 =	vmul.f32 v12, v11;
	v12 =	vld [tilespmem:s23+$0x7AD0]  }
0x106: {  	[tilespmem:s23+$0x7A70] =	vst v8;
	v8 =	vmul.f32 v13, v11;
	v13 =	vld [tilespmem:s23+$0x7AE0]  }
0x107: {  	[tilespmem:s23+$0x7A80] =	vst v9;
	v9 =	vmul.f32 v14, v11;
	v14 =	vld [tilespmem:s23+$0x7AF0]  }
0x108: {  	[tilespmem:s23+$0x7A90] =	vst v8;
	v8 =	vmul.f32 v16, v11;
	v15 =	vld [tilespmem:s23+$0x7B00]  }
0x109: {  	[tilespmem:s23+$0x7AA0] =	vst v9;
	v9 =	vmul.f32 v10, v11;
	v10 =	vld [tilespmem:s23+$0x7B10]  }
0x10a: {  	[tilespmem:s23+$0x7AB0] =	vst v8;
	v8 =	vmul.f32 v12, v11;
	v12 =	vld [tilespmem:s23+$0x7B20]  }
0x10b: {  	[tilespmem:s23+$0x7AC0] =	vst v9;
	v9 =	vmul.f32 v13, v11;
	v13 =	vbroadcast v2, $0x6;
	v16 =	vld [tilespmem:s23+$0x7B30]  }
0x10c: {  	[tilespmem:s23+$0x7AD0] =	vst v8;
	v8 =	vmul.f32 v14, v11;
	v11 =	vld [tilespmem:s23+$0x7B40]  }
0x10d: {  	[tilespmem:s23+$0x7AE0] =	vst v9;
	v9 =	vmul.f32 v15, v13;
	v14 =	vld [tilespmem:s23+$0x7B50]  }
0x10e: {  	[tilespmem:s23+$0x7AF0] =	vst v8;
	v8 =	vmul.f32 v10, v13;
	v10 =	vld [tilespmem:s23+$0x7B60]  }
0x10f: {  	[tilespmem:s23+$0x7B00] =	vst v9;
	v9 =	vmul.f32 v12, v13;
	v12 =	vld [tilespmem:s23+$0x7B70]  }
0x110: {  	[tilespmem:s23+$0x7B10] =	vst v8;
	v8 =	vmul.f32 v16, v13;
	v15 =	vld [tilespmem:s23+$0x7B80]  }
0x111: {  	[tilespmem:s23+$0x7B20] =	vst v9;
	v9 =	vmul.f32 v11, v13;
	v11 =	vld [tilespmem:s23+$0x7B90]  }
0x112: {  	[tilespmem:s23+$0x7B30] =	vst v8;
	v8 =	vmul.f32 v14, v13;
	v14 =	vld [tilespmem:s23+$0x7BA0]  }
0x113: {  	[tilespmem:s23+$0x7B40] =	vst v9;
	v9 =	vmul.f32 v10, v13;
	v10 =	vbroadcast v2, $0x7;
	v16 =	vld [tilespmem:s23+$0x7BB0]  }
0x114: {  	[tilespmem:s23+$0x7B50] =	vst v8;
	v8 =	vmul.f32 v12, v13;
	v12 =	vld [tilespmem:s23+$0x7BC0]  }
0x115: {  	[tilespmem:s23+$0x7B60] =	vst v9;
	v9 =	vmul.f32 v15, v10;
	v13 =	vld [tilespmem:s23+$0x7BD0]  }
0x116: {  	[tilespmem:s23+$0x7B70] =	vst v8;
	v8 =	vmul.f32 v11, v10;
	v11 =	vld [tilespmem:s23+$0x7BE0]  }
0x117: {  	[tilespmem:s23+$0x7B80] =	vst v9;
	v9 =	vmul.f32 v14, v10;
	v14 =	vld [tilespmem:s23+$0x7BF0]  }
0x118: {  	[tilespmem:s23+$0x7B90] =	vst v8;
	v8 =	vmul.f32 v16, v10;
	v15 =	vld [tilespmem:s23+$0x7C00]  }
0x119: {  	[tilespmem:s23+$0x7BA0] =	vst v9;
	v9 =	vmul.f32 v12, v10;
	v12 =	vld [tilespmem:s23+$0x7C10]  }
0x11a: {  	[tilespmem:s23+$0x7BB0] =	vst v8;
	v8 =	vmul.f32 v13, v10;
	v13 =	vld [tilespmem:s23+$0x7C20]  }
0x11b: {  	[tilespmem:s23+$0x7BC0] =	vst v9;
	v9 =	vmul.f32 v11, v10;
	v11 =	vbroadcast v2, $0x8;
	v16 =	vld [tilespmem:s23+$0x7C30]  }
0x11c: {  	[tilespmem:s23+$0x7BD0] =	vst v8;
	v8 =	vmul.f32 v14, v10;
	v10 =	vld [tilespmem:s23+$0x7C40]  }
0x11d: {  	[tilespmem:s23+$0x7BE0] =	vst v9;
	v9 =	vmul.f32 v15, v11;
	v14 =	vld [tilespmem:s23+$0x7C50]  }
0x11e: {  	[tilespmem:s23+$0x7BF0] =	vst v8;
	v8 =	vmul.f32 v12, v11;
	v12 =	vld [tilespmem:s23+$0x7C60]  }
0x11f: {  	[tilespmem:s23+$0x7C00] =	vst v9;
	v9 =	vmul.f32 v13, v11;
	v13 =	vld [tilespmem:s23+$0x7C70]  }
0x120: {  	[tilespmem:s23+$0x7C10] =	vst v8;
	v8 =	vmul.f32 v16, v11;
	v15 =	vld [tilespmem:s23+$0x7C80]  }
0x121: {  	[tilespmem:s23+$0x7C20] =	vst v9;
	v9 =	vmul.f32 v10, v11;
	v10 =	vld [tilespmem:s23+$0x7C90]  }
0x122: {  	[tilespmem:s23+$0x7C30] =	vst v8;
	v8 =	vmul.f32 v14, v11;
	v14 =	vld [tilespmem:s23+$0x7CA0]  }
0x123: {  	[tilespmem:s23+$0x7C40] =	vst v9;
	v9 =	vmul.f32 v12, v11;
	v12 =	vbroadcast v2, $0x9;
	v16 =	vld [tilespmem:s23+$0x7CB0]  }
0x124: {  	[tilespmem:s23+$0x7C50] =	vst v8;
	v8 =	vmul.f32 v13, v11;
	v11 =	vld [tilespmem:s23+$0x7CC0]  }
0x125: {  	[tilespmem:s23+$0x7C60] =	vst v9;
	v9 =	vmul.f32 v15, v12;
	v13 =	vld [tilespmem:s23+$0x7CD0]  }
0x126: {  	[tilespmem:s23+$0x7C70] =	vst v8;
	v8 =	vmul.f32 v10, v12;
	v10 =	vld [tilespmem:s23+$0x7CE0]  }
0x127: {  	[tilespmem:s23+$0x7C80] =	vst v9;
	v9 =	vmul.f32 v14, v12;
	v14 =	vld [tilespmem:s23+$0x7CF0]  }
0x128: {  	[tilespmem:s23+$0x7C90] =	vst v8;
	v8 =	vmul.f32 v16, v12;
	v15 =	vld [tilespmem:s23+$0x7D00]  }
0x129: {  	[tilespmem:s23+$0x7CA0] =	vst v9;
	v9 =	vmul.f32 v11, v12;
	v11 =	vld [tilespmem:s23+$0x7D10]  }
0x12a: {  	[tilespmem:s23+$0x7CB0] =	vst v8;
	v8 =	vmul.f32 v13, v12;
	v13 =	vld [tilespmem:s23+$0x7D20]  }
0x12b: {  	[tilespmem:s23+$0x7CC0] =	vst v9;
	v9 =	vmul.f32 v10, v12;
	v10 =	vld [tilespmem:s23+$0x7D30]  }
0x12c: {  	[tilespmem:s23+$0x7CD0] =	vst v8;
	v8 =	vmul.f32 v14, v12;
	v12 =	vld [tilespmem:s23+$0x7D40]  }
0x12d: {  	[tilespmem:s23+$0x7CE0] =	vst v9;
	v9 =	vmul.f32 v15, v5;
	v14 =	vld [tilespmem:s23+$0x7D50]  }
0x12e: {  	[tilespmem:s23+$0x7CF0] =	vst v8;
	v8 =	vmul.f32 v11, v5;
	v11 =	vld [tilespmem:s23+$0x7D60]  }
0x12f: {  	v15 =	vld [tilespmem:s23+$0x7800];
	[tilespmem:s23+$0x7D00] =	vst v9;
	v9 =	vmul.f32 v13, v5  }
0x130: {  	v13 =	vld [tilespmem:s23+$0x7810];
	[tilespmem:s23+$0x7D10] =	vst v8;
	v8 =	vmul.f32 v10, v5  }
0x131: {  	v10 =	vld [tilespmem:s23+$0x7840];
	[tilespmem:s23+$0x7D20] =	vst v9;
	v9 =	vmul.f32 v12, v5  }
0x132: {  	v12 =	vld [tilespmem:s23+$0x7850];
	[tilespmem:s23+$0x7D30] =	vst v8;
	v8 =	vmul.f32 v14, v5  }
0x133: {  	[tilespmem:s23+$0x7D40] =	vst v9;
	v9 =	vmul.f32 v11, v5;
	v11 =	vbroadcast v2, $0xB;
	v14 =	vld [tilespmem:s23+$0x7DA0]  }
0x134: {  	v5 =	vbroadcast v2, $0xF;
	v15 =	vmul.f32 v3, v15;
	[tilespmem:s23+$0x7D50] =	vst v8;
	v8 =	vld [tilespmem:s23+$0x7DB0]  }
0x135: {  	v13 =	vmul.f32 v13, v3;
	[tilespmem:s23+$0x7D60] =	vst v9;
	v6 =	vmul.f32 v6, v11;
	v9 =	vld [tilespmem:s23+$0x7DC0]  }
0x136: {  	v7 =	vmul.f32 v7, v11;
	[tilespmem:s23+$0x7800] =	vst v15;
	v10 =	vmul.f32 v10, v3;
	v15 =	vld [tilespmem:s23+$0x7DD0]  }
0x137: {  	v4 =	vmul.f32 v4, v5;
	v12 =	vmul.f32 v12, v3;
	[tilespmem:s23+$0x7D80] =	vst v6;
	v3 =	vld [tilespmem:s23+$0x7DE0]  }
0x138: {  	[tilespmem:s23+$0x7D90] =	vst v7;
	v6 =	vmul.f32 v14, v11;
	v7 =	vld [tilespmem:s23+$0x7DF0]  }
0x139: {  	v8 =	vmul.f32 v8, v11;
	v14 =	vld [tilespmem:s23+$0x7E00];
	[tilespmem:s23+$0x7FD0] =	vst v4  }
0x13a: {  	[tilespmem:s23+$0x7810] =	vst v13;
	v4 =	vmul.f32 v9, v11;
	v9 =	vld [tilespmem:s23+$0x7E10]  }
0x13b: {  	[tilespmem:s23+$0x7840] =	vst v10;
	v10 =	vmul.f32 v15, v11;
	v13 =	vld [tilespmem:s23+$0x7E20]  }
0x13c: {  	v15 =	vbroadcast v2, $0xC;
	[tilespmem:s23+$0x7DA0] =	vst v6;
	v6 =	vmul.f32 v3, v11;
	v16 =	vld [tilespmem:s23+$0x7E30]  }
0x13d: {  	[tilespmem:s23+$0x7DD0] =	vst v10;
	v7 =	vmul.f32 v7, v11;
	v10 =	vld [tilespmem:s23+$0x7E40]  }
0x13e: {  	[tilespmem:s23+$0x7DB0] =	vst v8;
	v3 =	vmul.f32 v14, v15;
	v8 =	vld [tilespmem:s23+$0x7E50]  }
0x13f: {  	[tilespmem:s23+$0x7DC0] =	vst v4;
	v4 =	vmul.f32 v9, v15;
	v9 =	vld [tilespmem:s23+$0x7E60]  }
0x140: {  	[tilespmem:s23+$0x7E00] =	vst v3;
	v3 =	vmul.f32 v13, v15;
	v11 =	vld [tilespmem:s23+$0x7E70]  }
0x141: {  	[tilespmem:s23+$0x7E10] =	vst v4;
	v4 =	vld [tilespmem:s23+$0x7E80]  }
0x142: {  	[tilespmem:s23+$0x7850] =	vst v12;
	v10 =	vmul.f32 v10, v15;
	v12 =	vld [tilespmem:s23+$0x7E90]  }
0x143: {  	[tilespmem:s23+$0x7DE0] =	vst v6;
	v6 =	vmul.f32 v8, v15;
	v8 =	vld [tilespmem:s23+$0x7EA0]  }
0x144: {  	[tilespmem:s23+$0x7E40] =	vst v10;
	v9 =	vmul.f32 v9, v15;
	v10 =	vbroadcast v2, $0xD;
	v13 =	vld [tilespmem:s23+$0x7EB0]  }
0x145: {  	[tilespmem:s23+$0x7E50] =	vst v6;
	v6 =	vmul.f32 v11, v15;
	v11 =	vld [tilespmem:s23+$0x7EC0]  }
0x146: {  	[tilespmem:s23+$0x7E60] =	vst v9;
	v4 =	vmul.f32 v4, v10;
	v9 =	vld [tilespmem:s23+$0x7ED0]  }
0x147: {  	[tilespmem:s23+$0x7E70] =	vst v6;
	v6 =	vmul.f32 v12, v10;
	v12 =	vld [tilespmem:s23+$0x7EE0]  }
0x148: {  	[tilespmem:s23+$0x7E80] =	vst v4;
	v4 =	vmul.f32 v8, v10;
	v8 =	vld [tilespmem:s23+$0x7EF0]  }
0x149: {  	[tilespmem:s23+$0x7E90] =	vst v6;
	v6 =	vmul.f32 v13, v10;
	v13 =	vld [tilespmem:s23+$0x7F00]  }
0x14a: {  	[tilespmem:s23+$0x7EA0] =	vst v4;
	v4 =	vmul.f32 v11, v10;
	v11 =	vld [tilespmem:s23+$0x7F10]  }
0x14b: {  	[tilespmem:s23+$0x7EB0] =	vst v6;
	v6 =	vmul.f32 v9, v10;
	v9 =	vld [tilespmem:s23+$0x7F20]  }
0x14c: {  	v2 =	vbroadcast v2, $0xE;
	[tilespmem:s23+$0x7DF0] =	vst v7;
	v7 =	vmul.f32 v12, v10;
	v12 =	vld [tilespmem:s23+$0x7F30]  }
0x14d: {  	[tilespmem:s23+$0x7ED0] =	vst v6;
	v6 =	vmul.f32 v8, v10;
	v8 =	vld [tilespmem:s23+$0x7F40]  }
0x14e: {  	[tilespmem:s23+$0x7EE0] =	vst v7;
	v7 =	vmul.f32 v13, v2;
	v10 =	vld [tilespmem:s23+$0x7F50]  }
0x14f: {  	[tilespmem:s23+$0x7EF0] =	vst v6;
	v6 =	vmul.f32 v11, v2;
	v11 =	vld [tilespmem:s23+$0x7F60]  }
0x150: {  	[tilespmem:s23+$0x7F00] =	vst v7;
	v7 =	vmul.f32 v9, v2;
	v9 =	vld [tilespmem:s23+$0x7F70]  }
0x151: {  	[tilespmem:s23+$0x7F10] =	vst v6;
	v6 =	vmul.f32 v12, v2;
	v12 =	vld [tilespmem:s23+$0x7F80]  }
0x152: {  	[tilespmem:s23+$0x7F20] =	vst v7;
	v7 =	vmul.f32 v8, v2;
	v8 =	vld [tilespmem:s23+$0x7F90]  }
0x153: {  	[tilespmem:s23+$0x7F30] =	vst v6;
	v6 =	vmul.f32 v10, v2;
	v10 =	vld [tilespmem:s23+$0x7FA0]  }
0x154: {  	[tilespmem:s23+$0x7F40] =	vst v7;
	v7 =	vmul.f32 v11, v2;
	v11 =	vld [tilespmem:s23+$0x7FB0]  }
0x155: {  	[tilespmem:s23+$0x7EC0] =	vst v4;
	v2 =	vmul.f32 v9, v2;
	v4 =	vld [tilespmem:s23+$0x7FC0]  }
0x156: {  	[tilespmem:s23+$0x7F60] =	vst v7;
	v7 =	vmul.f32 v12, v5;
	v9 =	vld [tilespmem:s23+$0x7FE0]  }
0x157: {  	[tilespmem:s23+$0x7F70] =	vst v2;
	v2 =	vmul.f32 v8, v5;
	v8 =	vld [tilespmem:s23+$0x7FF0]  }
0x158: {  	[tilespmem:s23+$0x7F80] =	vst v7;
	v7 =	vmul.f32 v10, v5  }
0x159: {  	[tilespmem:s23+$0x7F90] =	vst v2;
	v2 =	vmul.f32 v11, v5  }
0x15a: {  	v10 =	vmul.f32 v16, v15;
	[tilespmem:s23+$0x7FA0] =	vst v7  }
0x15b: {  	[tilespmem:s23+$0x7FB0] =	vst v2;
	v2 =	vmul.f32 v4, v5  }
.Ltmp1:
0x15c: {  	[tilespmem:s23+$0x7E30] =	vst v10;
	v4 =	vmul.f32 v8, v5;
	(pc) =	sbr.rel @p0 .LBB2_5-.Ltmp1, $4  }
0x15d: {  	[tilespmem:s23+$0x7FC0] =	vst v2  }
0x15e: {  	v2 =	vmul.f32 v9, v5;
	[tilespmem:s23+$0x7FF0] =	vst v4  }
0x15f: {  	[tilespmem:s23+$0x7F50] =	vst v6  }
0x160: {  	[tilespmem:s23+$0x7FE0] =	vst v2  }
0x161: {  	s21 =	sadd.s32 $0x1, s21  }
0x162: {  	p0 =	sne.s32 s21, $0x50  }
.Ltmp2:
0x163: {  	[tilespmem:s23+$0x7E20] =	vst v3;
	s22 =	sadd.s32 $0x2800, s22;
	(pc) =	sbr.rel @p0 .LBB2_4-.Ltmp2, $4  }
0x164: {  	[spmem:s2] =	stream.indirect.scatter.add.f32 [tilespmem:s15], [sflag:$0x1], $0x80, s22, s19, $0xb8;
	[tilespmem:$0x1F800] =	vst v63  }
0x165: {  	_ =	swait.ge [sflag:s16], $0x4000  }
0x166: {  	[sflag:s16] =	ssyncset.done $0x0  }
0x167: {  	[sflag:s16] =	ssyncadd.s32 $0xFFFFC000  }
0x168: {  	s3 =	sadd.s32 $0x1, s3  }
0x169: {  	p0 =	sne.s32 s3, s14  }
.Ltmp3:
0x16a: {  	[bflag:$0x0] =	sbarrier.arrive $0xFFFF;
	s21 =	sshrl.u32 s5, $0x3;
	(pc) =	sbr.rel @p0 .LBB2_1-.Ltmp3, $4  }
0x16b: {  	[hbm:s13], [sflag:s20] =	dma.local [spmem:s21], $0x2800  }
0x16c: {  	_ =	swait.ge [sflag:s16], $0x2800  }
0x16d: {  	[sflag:s16] =	ssyncset.done $0x0  }
0x16e: {  	[sflag:s16] =	ssyncadd.s32 $0xFFFFD800  }
0x16f: {  	_ =	sfence.sel $0x180000  }
0x170: {  	[bflag:$0x0] =	sbarrier.arrive $0xFFFF  }
0x171: {  	p0 =	sne.s32 s0, $0x0;
	_ =	strace $0x9000004A  }
0x172: {  	s0 =	sadd.s32 @!p0 $0x100000, s1;
	[bflag:$0x2] =	sbarrier.arrive $0xFFFF  }
0x173: {  	[sflag:s0] =	ssyncadd.tile.s32 @!p0 $0x1;
	_ =	shalt  }
.Lfunc_end2:
_tile_overlayer_lowered:
.L_overlay_start_2:
0x174: {  	(tag) =	ssettag $0x2  }
0x175: {  	s0 =	rddreg [dreg:$0x0];
	s2 =	stileid.u32  }
0x176: {  	s1 =	rddreg [dreg:$0x1];
	p0 =	sne.s32 s2, $0x0  }
0x177: {  	s3 =	rddreg [dreg:$0x2];
	[bflag:$0x3] =	sbarrier.arrive $0xFFFF;
	s2 =	simm.s32 @!p0 $0x1C01  }
0x178: {  	[timem:s3], [sflag:s2] =	dma.local @!p0 [hbm:s0], s1  }
0x179: {  	s0 =	simm.s32 @!p0 $0x1  }
0x17a: {  	_ =	swait.ge @!p0 [sflag:s0], s1  }
0x17b: {  	s1 =	ssub.s32 @!p0 $0x0, s1;
	[sflag:s0] =	ssyncset.done @!p0 $0x0  }
0x17c: {  	[sflag:s0] =	ssyncadd.s32 @!p0 s1  }
0x17d: {  	[bflag:$0x3] =	sbarrier.arrive $0xFFFF  }
0x17e: {  	_ =	shalt  }

// kernel: kernel.14.cloned.1.call-start
scs
__scs_entry_jumppad:
0x0: {  	(pc) =	sbr.rel $0x88, $3  }
0x1: {  	(tag) =	ssettag $0x0;
	lr =	simm.s32 $0x1  }
0x2: {  	[smem:$0x3F9E] =	sst lr;
	_ =	strace $0xD0000000  }
0x3: {  	_ = 	snop  }
0x4: {  	_ = 	snop  }
0x5: {  	_ = 	snop  }
0x6: {  	_ = 	snop  }
0x7: {  	_ = 	snop  }
__scs_overlays_trampoline_lowered:
0x8: {  	[smem:$0x3FAD] =	sst s0  }
0x9: {  	[smem:$0x3FAE] =	sst s1  }
0xa: {  	[smem:$0x3FAF] =	sst s2  }
0xb: {  	[smem:$0x3FB0] =	sst s3  }
0xc: {  	[smem:$0x3FB1] =	sst s4  }
0xd: {  	[smem:$0x3FB2] =	sst s5  }
0xe: {  	[smem:$0x3FB3] =	sst s6  }
0xf: {  	[smem:$0x3FB4] =	sst s7  }
0x10: {  	[smem:$0x3FB5] =	sst s8  }
0x11: {  	[smem:$0x3FB6] =	sst s9;
	s0 =	simm.s32 @!p0 $0x0  }
0x12: {  	s1 =	sld [smem:$0x3F9C];
	s0 =	simm.s32 @p0 $0x1  }
0x13: {  	[smem:$0x3FB7] =	sst s0;
	s0 =	simm.s32 @!p1 $0x0  }
0x14: {  	s2 =	sld [smem:$0x3F9B];
	s0 =	simm.s32 @p1 $0x1  }
0x15: {  	[smem:$0x3FB8] =	sst s0;
	s0 =	simm.s32 @!p2 $0x0  }
0x16: {  	s3 =	sld [smem:$0x3FDB];
	s0 =	simm.s32 @p2 $0x1  }
0x17: {  	s4 =	simm.s32 $0x1BF5;
	[smem:$0x3FBA] =	sst s0  }
0x18: {  	s0 =	sld [smem:$0x3F9D];
	_ =	swait.ge [sflag:s4], $0x0  }
0x19: {  	s7 =	sld [smem:$0x3F9E]  }
0x1a: {  	s8 =	sadd.s32 $0xFFFFE003, lr  }
0x1b: {  	s9 =	sadd.s32 $0xFFFFFEF7, lr;
	s5 =	simm.s32 $0xFFFFFFFF;
	p2 =	slt.u32 s8, $0xFFFFF086  }
0x1c: {  	p1 =	slt.u32 s9, $0xF7A;
	s5 =	simm.s32 @!p2 $0x0  }
0x1d: {  	s5 =	simm.s32 @p1 $0x1;
	p0 =	seq.s32 s7, s2  }
0x1e: {  	s7 =	smul.u32 @!p0 $0xF7A, s2;
	p2 =	seq.s32 @!p0 s5, $0x0  }
0x1f: {  	s9 =	smul.u32 $0xF7A, s1;
	s8 =	simm.s32 @!p0 $0x1BF5;
	p2 =	por !p2, p0  }
0x20: {  	[sflag:s8] =	ssyncset.s32 @!p0 $0xFFFFF086;
	s6 =	sadd.s32 @!p0 s3, s7;
	s7 =	simm.s32 @!p0 $0x108  }
0x21: {  	s3 =	sadd.s32 s3, s9;
	s6 =	sadd.s32 @!p0 $0x88, s6;
	s7 =	simm.s32 @p2 $0x1082  }
0x22: {  	[simem:s7], [sflag:s8] =	dma.local @!p0 [hbm:s6], $0xF7A  }
0x23: {  	s9 =	sor.u32 $0xD0000000, s2;
	s6 =	simm.s32 $0x108;
	_ =	swait.ge @!p0 [sflag:s8], $0x0  }
0x24: {  	s3 =	sadd.s32 $0x88, s3;
	s6 =	simm.s32 @!p1 $0x1082;
	[sflag:s4] =	ssyncset.s32 $0xFFFFF086  }
0x25: {  	[simem:s6], [sflag:s4] =	dma.local [hbm:s3], $0xF7A  }
0x26: {  	[smem:$0x3F9E] =	sst s1;
	(tag) =	ssettag s2;
	_ =	strace s9  }
0x27: {  	s1 =	sld [smem:$0x3FAE]  }
0x28: {  	s2 =	sld [smem:$0x3FAF]  }
0x29: {  	s4 =	sld [smem:$0x3FB1]  }
0x2a: {  	p0 =	seq.s32 s5, $0x0;
	s5 =	sld [smem:$0x3FB2]  }
0x2b: {  	s6 =	sld [smem:$0x3FB3]  }
0x2c: {  	s7 =	sld [smem:$0x3FB4]  }
0x2d: {  	s3 =	simm.s32 $0x108;
	s8 =	sld [smem:$0x3FB5]  }
0x2e: {  	s3 =	simm.s32 @!p0 $0x1082;
	s9 =	sld [smem:$0x3FB6]  }
0x2f: {  	lr =	sadd.s32 s0, s3;
	s0 =	sld [smem:$0x3FAD]  }
0x30: {  	s3 =	sld [smem:$0x3FB0]  }
0x31: {  	[smem:$0x3FB9] =	sst s10  }
0x32: {  	s10 =	sld [smem:$0x3FB7];
	_ =	sdelay $0x3  }
0x33: {  	p0 =	seq.s32 s10, $0x1;
	s10 =	sld [smem:$0x3FB9];
	_ =	sdelay $0x3  }
0x34: {  	[smem:$0x3FB9] =	sst s10  }
0x35: {  	s10 =	sld [smem:$0x3FB8];
	_ =	sdelay $0x3  }
0x36: {  	p1 =	seq.s32 s10, $0x1;
	s10 =	sld [smem:$0x3FB9];
	_ =	sdelay $0x3  }
0x37: {  	[smem:$0x3FB9] =	sst s10  }
0x38: {  	s10 =	sld [smem:$0x3FBA]  }
0x39: {  	_ = 	snop;
	(pc) =	sbr.ind lr, $3  }
0x3a: {  	_ = 	snop  }
0x3b: {  	_ = 	snop  }
0x3c: {  	p2 =	seq.s32 s10, $0x1;
	s10 =	sld [smem:$0x3FB9]  }
0x3d: {  	_ =	shalt  }
0x3e: {  	_ =	shalt  }
0x3f: {  	_ =	shalt  }
0x40: {  	_ =	shalt  }
0x41: {  	_ =	shalt  }
0x42: {  	_ =	shalt  }
0x43: {  	_ =	shalt  }
0x44: {  	_ =	shalt  }
0x45: {  	_ =	shalt  }
0x46: {  	_ =	shalt  }
0x47: {  	_ =	shalt  }
0x48: {  	_ =	shalt  }
0x49: {  	_ =	shalt  }
0x4a: {  	_ =	shalt  }
0x4b: {  	_ =	shalt  }
0x4c: {  	_ =	shalt  }
0x4d: {  	_ =	shalt  }
0x4e: {  	_ =	shalt  }
0x4f: {  	_ =	shalt  }
0x50: {  	_ =	shalt  }
0x51: {  	_ =	shalt  }
0x52: {  	_ =	shalt  }
0x53: {  	_ =	shalt  }
0x54: {  	_ =	shalt  }
0x55: {  	_ =	shalt  }
0x56: {  	_ =	shalt  }
0x57: {  	_ =	shalt  }
0x58: {  	_ =	shalt  }
0x59: {  	_ =	shalt  }
0x5a: {  	_ =	shalt  }
0x5b: {  	_ =	shalt  }
0x5c: {  	_ =	shalt  }
0x5d: {  	_ =	shalt  }
0x5e: {  	_ =	shalt  }
0x5f: {  	_ =	shalt  }
0x60: {  	_ =	shalt  }
0x61: {  	_ =	shalt  }
0x62: {  	_ =	shalt  }
0x63: {  	_ =	shalt  }
0x64: {  	_ =	shalt  }
0x65: {  	_ =	shalt  }
0x66: {  	_ =	shalt  }
0x67: {  	_ =	shalt  }
0x68: {  	_ =	shalt  }
0x69: {  	_ =	shalt  }
0x6a: {  	_ =	shalt  }
0x6b: {  	_ =	shalt  }
0x6c: {  	_ =	shalt  }
0x6d: {  	_ =	shalt  }
0x6e: {  	_ =	shalt  }
0x6f: {  	_ =	shalt  }
0x70: {  	_ =	shalt  }
0x71: {  	_ =	shalt  }
0x72: {  	_ =	shalt  }
0x73: {  	_ =	shalt  }
0x74: {  	_ =	shalt  }
0x75: {  	_ =	shalt  }
0x76: {  	_ =	shalt  }
0x77: {  	_ =	shalt  }
0x78: {  	_ =	shalt  }
0x79: {  	_ =	shalt  }
0x7a: {  	_ =	shalt  }
0x7b: {  	_ =	shalt  }
0x7c: {  	_ =	shalt  }
0x7d: {  	_ =	shalt  }
0x7e: {  	_ =	shalt  }
0x7f: {  	_ =	shalt  }
0x80: {  	_ =	shalt  }
0x81: {  	_ =	shalt  }
0x82: {  	_ =	shalt  }
0x83: {  	_ =	shalt  }
0x84: {  	_ =	shalt  }
0x85: {  	_ =	shalt  }
0x86: {  	_ =	shalt  }
0x87: {  	_ =	shalt  }
.Lfunc_end0:
.L_simem_size_0:
called_computation.2_lowered:
.L_overlay_start_0:
0x88: {  	s2 =	sld [smem:$0x3FD9]  }
0x89: {  	s3 =	sld [smem:$0x3FFE];
	_ =	sdelay $0x1  }
0x8a: {  	s1 =	srdreg.scid  }
0x8b: {  	s0 =	sand.u32 $0x1, s1  }
0x8c: {  	s17 =	sshll.u32 s0, $0xA;
	s2 =	sadd.s32 s3, s2  }
0x8d: {  	s2 =	sadd.s32 s2, s17  }
0x8e: {  	[smem:$0x3FC5] =	sst s2  }
0x8f: {  	_ = 	snop  }
0x90: {  	s2 =	sld [smem:$0x3FD0];
	(tm) =	ssettm $0x1  }
0x91: {  	s18 =	sld [smem:$0x3FFB];
	_ =	sdelay $0x3  }
0x92: {  	_ =	strace s18  }
0x93: {  	s3 =	sld [smem:$0x3FFC];
	_ =	sdelay $0x3  }
0x94: {  	_ =	strace s3  }
0x95: {  	s3 =	sld [smem:$0x3FFD];
	_ =	sdelay $0x3  }
0x96: {  	_ =	strace s3  }
0x97: {  	_ =	strace $0x8FFFFFFF  }
0x98: {  	s19 =	sld [smem:$0x3FDB];
	_ =	sdelay $0x1  }
0x99: {  	s4 =	simm.s32 $_scs_section_size  }
0x9a: {  	s5 =	simm.s32 $_size__tile_overlayer_lowered;
	s6 =	simm.s32 $_tile_overlayer_lowered  }
0x9b: {  	s22 =	simm.s32 $0x1BFF;
	s21 =	sshll.u32 s6, $0x1;
	s3 =	sadd.s32 s4, s19  }
0x9c: {  	s7 =	simm.s32 $0x0;
	s20 =	sshll.u32 s5, $0x1;
	s5 =	sadd.s32 s21, s3  }
0x9d: {  	[timem:s7], [sflag:s22] =	dma.local [hbm:s5], s20  }
0x9e: {  	_ =	swait.ge [sflag:s22], s20  }
0x9f: {  	s4 =	ssub.s32 $0x0, s20;
	[sflag:s22] =	ssyncset.done $0x0  }
0xa0: {  	[sflag:s22] =	ssyncadd.s32 s4;
	_ =	sdelay $0x1  }
0xa1: {  	s23 =	simm.s32 $0x1B8B  }
0xa2: {  	_ =	swait.ge [sflag:s23], $0x1  }
0xa3: {  	[sflag:s23] =	ssyncset.done $0x0  }
0xa4: {  	s25 =	simm.s32 $0x1B8E;
	s24 =	sld [smem:$0x3FFE];
	[sflag:s23] =	ssyncadd.s32 $0xFFFFFFFF  }
0xa5: {  	s26 =	simm.s32 $execute0_lowered;
	[smem:$0x3FD2] =	sst s25  }
0xa6: {  	s5 =	sshll.u32 s26, $0x1;
	_ =	strace $0x8000004C;
	[dreg:$0x1] =	wrdreg $0xFFFFFFFF  }
0xa7: {  	s28 =	simm.s32 $_size_execute0_lowered;
	s3 =	sadd.s32 s3, s5;
	[dreg:$0x0] =	wrdreg $0x0  }
0xa8: {  	s5 =	sshll.u32 s28, $0x1;
	[dreg:$0x2] =	wrdreg s3  }
0xa9: {  	[dreg:$0x3] =	wrdreg s5  }
0xaa: {  	[dreg:$0x4] =	wrdreg $0xC0  }
0xab: {  	_ =	task [dreg:s7], $0x5FFFF  }
0xac: {  	[dreg:$0x1] =	wrdreg $0xFFFFFFFF  }
0xad: {  	[dreg:$0x0] =	wrdreg $0x60  }
0xae: {  	[dreg:$0x2] =	wrdreg s24  }
0xaf: {  	[dreg:$0x3] =	wrdreg s2  }
0xb0: {  	[dreg:$0x4] =	wrdreg $0xB8000  }
0xb1: {  	[dreg:$0x5] =	wrdreg $0x9  }
0xb2: {  	_ =	task.clear_ibuf [dreg:s7], $0x6FFFF;
	_ =	strace $0x9000004C  }
0xb3: {  	s29 =	simm.s32 $0x9;
	_ =	strace $0x8000004E  }
0xb4: {  	_ =	swait.ge [sflag:s29], $0x1  }
0xb5: {  	[sflag:s29] =	ssyncadd.s32 $0xFFFFFFFF  }
0xb6: {  	_ =	strace $0x9000004E  }
0xb7: {  	_ =	sfence  }
0xb8: {  	s30 =	sld [smem:$0x0];
	_ =	sdelay $0x2  }
0xb9: {  	s31 =	sshll.u32 s1, $0xD;
	s1 =	sshrl.u32 s1, $0x2  }
0xba: {  	s3 =	sand.u32 $0x4000, s31;
	s1 =	sadd.s32 s1, s30  }
0xbb: {  	s0 =	sor.u32 s3, s0;
	s1 =	sshll.u32 s1, $0x11  }
0xbc: {  	s0 =	sor.u32 s1, s0  }
0xbd: {  	s0 =	sadd.s32 $0x8F2B, s0  }
0xbe: {  	[sflag:s0] =	ssyncadd.remote.s32 $0x1  }
0xbf: {  	_ =	sfence.sel $0xFFFF  }
0xc0: {  	[dreg:$0x0] =	wrdreg $0xFFFFFFFF;
	(pc) =	sbr.abs _section_cstart, $3  }
0xc1: {  	[dreg:$0x1] =	wrdreg $0xFFFFFFFF  }
0xc2: {  	_ =	task.clear_ibuf [dreg:s7], $0x2FFFF;
	_ =	strace $0x9FFFFFFF  }
0xc3: {  	(tm) =	ssettm $0x7FFFFFFF  }
tec
execute0_lowered:
.L_overlay_start_1:
0x0: {  	(tag) =	ssettag $0x1  }
0x1: {  	s6 =	rddreg [dreg:$0x0]  }
0x2: {  	s0 =	srdreg.scid;
	s11 =	rddreg [dreg:$0x1]  }
0x3: {  	s2 =	rddreg [dreg:$0x2];
	s3 =	simm.s32 $0x0;
	s16 =	simm.s32 $0x1  }
0x4: {  	s17 =	simm.s32 $0x2800;
	s18 =	simm.s32 $0x5000;
	s5 =	sand.u32 $0x1, s0  }
0x5: {  	s19 =	simm.s32 $0x80;
	s0 =	stileid.u32;
	s7 =	smul.u32 $0x140000, s5  }
0x6: {  	[smem:$0x7FF] =	sst s3;
	s4 =	sadd.s32 $0x15E00, s6;
	s8 =	smul.u32 $0x14000, s0  }
0x7: {  	s1 =	sshll.u32 s5, $0x4;
	s9 =	smul.u32 $0x50000, s0;
	s29 =	ssub.s32 $0x2, s5  }
0x8: {  	s20 =	sshll.u32 s0, $0x6;
	s1 =	sor.u32 s0, s1;
	s31 =	sshrl.u32 s29, $0x1  }
0x9: {  	s20 =	sor.u32 $0x1C01, s20;
	s12 =	smul.u32 $0x500, s1;
	s1 =	rddreg [dreg:$0x3]  }
0xa: {  	_ =	strace $0x8000004D;
	s7 =	sadd.s32 s8, s7;
	s30 =	sshrl.u32 s9, $0x2  }
0xb: {  	s15 =	ssub.s32 s29, s31;
	s7 =	sshrl.u32 s7, $0x3;
	s5 =	sadd.s32 s30, s2  }
0xc: {  	s13 =	sadd.s32 s12, s6;
	s14 =	sadd.s32 s7, s6;
	s6 =	sadd.s32 $0x4000, s5  }
0xd: {  	s7 =	sadd.s32 $0x8000, s5;
	s8 =	sadd.s32 $0xC000, s5;
	s9 =	sadd.s32 $0x10000, s5  }
0xe: {  	s11 =	sadd.s32 s11, s12;
	s10 =	sadd.s32 $0xBE00, s13;
	s12 =	sadd.s32 $0x1400, s13  }
0xf: {  	v0 =	vimm.f32 $0.0e+00;
	s13 =	sadd.s32 $0x3DE00, s14;
	s14 =	smax.u32 s15, $0x1;
	s15 =	simm.s32 $0x7800  }
.LBB2_1:
0x10: {  	s21 =	simm.s32 $0x0;
	s22 =	simm.s32 $0x200  }
.LBB2_2:
0x11: {  	p0 =	sne.s32 s22, $0xFE00;
	[tilespmem:s21+$0x7870] =	vst v0  }
0x12: {  	[tilespmem:s21+$0x7800] =	vst v0  }
0x13: {  	[tilespmem:s21+$0x7810] =	vst v0  }
.Ltmp0:
0x14: {  	[tilespmem:s21+$0x7820] =	vst v0;
	(pc) =	sbr.rel @p0 .LBB2_2-.Ltmp0, $4  }
0x15: {  	[tilespmem:s21+$0x7830] =	vst v0  }
0x16: {  	[tilespmem:s21+$0x7840] =	vst v0  }
0x17: {  	[tilespmem:s21+$0x7850] =	vst v0  }
0x18: {  	[tilespmem:s21+$0x7860] =	vst v0;
	s21 =	sshra.s32 s22, $0x2;
	s22 =	sadd.s32 $0x200, s22  }
0x19: {  	[tilespmem:s21+$0x7870] =	vst v0  }
0x1a: {  	[tilespmem:s21+$0x7800] =	vst v0  }
0x1b: {  	[tilespmem:s21+$0x7810] =	vst v0  }
0x1c: {  	[tilespmem:s21+$0x7820] =	vst v0  }
0x1d: {  	[tilespmem:s21+$0x7830] =	vst v0  }
0x1e: {  	[tilespmem:s21+$0x7840] =	vst v0  }
0x1f: {  	[tilespmem:s21+$0x7850] =	vst v0  }
0x20: {  	[tilespmem:s21+$0x7860] =	vst v0  }
0x21: {  	[spmem:s5] =	stream.linear.scatter [tilespmem:s15], [sflag:$0x1], $0x4000, $0x38;
	[tilespmem:$0x1F800] =	vst v63  }
0x22: {  	_ =	swait.ge [sflag:s16], $0x4000  }
0x23: {  	[sflag:s16] =	ssyncset.done $0x0  }
0x24: {  	[sflag:s16] =	ssyncadd.s32 $0xFFFFC000  }
0x25: {  	[spmem:s6] =	stream.linear.scatter [tilespmem:s15], [sflag:$0x1], $0x4000, $0x38;
	[tilespmem:$0x1F800] =	vst v63  }
0x26: {  	_ =	swait.ge [sflag:s16], $0x4000  }
0x27: {  	[sflag:s16] =	ssyncset.done $0x0  }
0x28: {  	[sflag:s16] =	ssyncadd.s32 $0xFFFFC000  }
0x29: {  	[spmem:s7] =	stream.linear.scatter [tilespmem:s15], [sflag:$0x1], $0x4000, $0x38;
	[tilespmem:$0x1F800] =	vst v63  }
0x2a: {  	_ =	swait.ge [sflag:s16], $0x4000  }
0x2b: {  	[sflag:s16] =	ssyncset.done $0x0  }
0x2c: {  	[sflag:s16] =	ssyncadd.s32 $0xFFFFC000  }
0x2d: {  	[spmem:s8] =	stream.linear.scatter [tilespmem:s15], [sflag:$0x1], $0x4000, $0x38;
	[tilespmem:$0x1F800] =	vst v63  }
0x2e: {  	_ =	swait.ge [sflag:s16], $0x4000  }
0x2f: {  	[sflag:s16] =	ssyncset.done $0x0  }
0x30: {  	[sflag:s16] =	ssyncadd.s32 $0xFFFFC000  }
0x31: {  	[spmem:s9] =	stream.linear.scatter [tilespmem:s15], [sflag:$0x1], $0x4000, $0x38;
	[tilespmem:$0x1F800] =	vst v63  }
0x32: {  	_ =	swait.ge [sflag:s16], $0x4000  }
0x33: {  	[sflag:s16] =	ssyncset.done $0x0  }
0x34: {  	s21 =	simm.s32 $0x0;
	[sflag:s16] =	ssyncadd.s32 $0xFFFFC000  }
0x35: {  	[tilespmem:s21], [sflag:$0x1] =	stream.linear.gather [hbm4b:s10+s21], $0x2800, $0x38;
	[tilespmem:$0x1F800] =	vst v63  }
0x36: {  	_ =	swait.ge [sflag:s16], $0x2800  }
0x37: {  	[sflag:s16] =	ssyncset.done $0x0  }
0x38: {  	[sflag:s16] =	ssyncadd.s32 $0xFFFFD800  }
0x39: {  	[tilespmem:s17], [sflag:$0x1] =	stream.linear.gather [hbm4b:s11+s21], $0x2800, $0x38;
	[tilespmem:$0x1F800] =	vst v63  }
0x3a: {  	_ =	swait.ge [sflag:s16], $0x2800  }
0x3b: {  	[sflag:s16] =	ssyncset.done $0x0  }
0x3c: {  	[sflag:s16] =	ssyncadd.s32 $0xFFFFD800  }
0x3d: {  	[tilespmem:s18], [sflag:$0x1] =	stream.linear.gather [hbm4b:s12+s21], $0x2800, $0x38;
	[tilespmem:$0x1F800] =	vst v63  }
0x3e: {  	_ =	swait.ge [sflag:s16], $0x2800  }
0x3f: {  	[sflag:s16] =	ssyncset.done $0x0  }
0x40: {  	[sflag:s16] =	ssyncadd.s32 $0xFFFFD800  }
0x41: {  	[bflag:$0x0] =	sbarrier.arrive $0xFFFF  }
.LBB2_4:
0x42: {  	s22 =	sshll.u32 s21, $0x7  }
0x43: {  	s23 =	sand.u32 $0x3FFFFF80, s22  }
0x44: {  	s23 =	sadd.s32 $0x5000, s23  }
0x45: {  	v1 =	vmov s23  }
0x46: {  	[tilespmem:s15], [sflag:$0x1] =	stream.indirect.gather [hbm4b:s4+s19], $0x80, s22, s19, $0xb8;
	[tilespmem:$0x1F800] =	vst v63  }
0x47: {  	_ =	swait.ge [sflag:s16], $0x4000  }
0x48: {  	s31 =	simm.s32 $0x0;
	[sflag:s16] =	ssyncset.done $0x0  }
0x49: {  	s24 =	simm.s32 $0x0;
	s23 =	sand.u32 $0x3FFFFFF0, s31;
	[sflag:s16] =	ssyncadd.s32 $0xFFFFC000  }
0x4a: {  	v2 =	vld.idx.msk [tilespmem:v1+s23+$0x0 ss:$0x1], $0xffff;
	s23 =	sand.u32 $0x3FFFF800, s24  }
0x4b: {  	v8 =	vld [tilespmem:s23+$0x78C0]  }
0x4c: {  	v4 =	vld [tilespmem:s23+$0x7820]  }
0x4d: {  	v5 =	vld [tilespmem:s23+$0x7830]  }
0x4e: {  	v11 =	vld [tilespmem:s23+$0x7860]  }
0x4f: {  	v12 =	vld [tilespmem:s23+$0x7870];
	v3 =	vbroadcast v2, $0x0  }
0x50: {  	v13 =	vld [tilespmem:s23+$0x7880]  }
0x51: {  	v14 =	vld [tilespmem:s23+$0x7890];
	v4 =	vmul.f32 v4, v3  }
0x52: {  	v15 =	vld [tilespmem:s23+$0x78A0];
	v5 =	vmul.f32 v5, v3  }
0x53: {  	v10 =	vld [tilespmem:s23+$0x78B0];
	v21 =	vbroadcast v2, $0x1;
	v20 =	vmul.f32 v11, v3;
	[tilespmem:s23+$0x7820] =	vst v4  }
0x54: {  	v9 =	vld [tilespmem:s23+$0x78D0];
	v12 =	vmul.f32 v12, v3;
	[tilespmem:s23+$0x7830] =	vst v5  }
0x55: {  	v7 =	vld [tilespmem:s23+$0x7D70];
	v13 =	vmul.f32 v13, v21;
	[tilespmem:s23+$0x7860] =	vst v20  }
0x56: {  	v23 =	vld [tilespmem:s23+$0x78F0];
	v14 =	vmul.f32 v14, v21;
	[tilespmem:s23+$0x7870] =	vst v12  }
0x57: {  	v24 =	vld [tilespmem:s23+$0x7900];
	v15 =	vmul.f32 v15, v21;
	[tilespmem:s23+$0x7880] =	vst v13  }
0x58: {  	v25 =	vld [tilespmem:s23+$0x7910];
	v10 =	vmul.f32 v10, v21;
	[tilespmem:s23+$0x7890] =	vst v14  }
0x59: {  	v22 =	vld [tilespmem:s23+$0x78E0];
	v8 =	vmul.f32 v8, v21;
	[tilespmem:s23+$0x78A0] =	vst v15  }
0x5a: {  	v26 =	vld [tilespmem:s23+$0x7920];
	v16 =	vbroadcast v2, $0x2;
	v9 =	vmul.f32 v9, v21;
	[tilespmem:s23+$0x78B0] =	vst v10  }
0x5b: {  	v27 =	vld [tilespmem:s23+$0x7930];
	v11 =	vmul.f32 v23, v21;
	[tilespmem:s23+$0x78C0] =	vst v8  }
0x5c: {  	v28 =	vld [tilespmem:s23+$0x7940];
	v6 =	vbroadcast v2, $0xA;
	v30 =	vmul.f32 v24, v16;
	[tilespmem:s23+$0x78D0] =	vst v9  }
0x5d: {  	v29 =	vld [tilespmem:s23+$0x7950];
	v32 =	vmul.f32 v25, v16;
	[tilespmem:s23+$0x78F0] =	vst v11  }
0x5e: {  	v31 =	vld [tilespmem:s23+$0x7960];
	v4 =	vmul.f32 v7, v6;
	[tilespmem:s23+$0x7900] =	vst v30  }
0x5f: {  	v33 =	vld [tilespmem:s23+$0x7970];
	v12 =	vmul.f32 v22, v21;
	[tilespmem:s23+$0x7910] =	vst v32  }
0x60: {  	v34 =	vld [tilespmem:s23+$0x7980];
	v10 =	vmul.f32 v26, v16;
	[tilespmem:s23+$0x7D70] =	vst v4  }
0x61: {  	v35 =	vld [tilespmem:s23+$0x7990];
	v8 =	vmul.f32 v27, v16;
	[tilespmem:s23+$0x78E0] =	vst v12  }
0x62: {  	v36 =	vld [tilespmem:s23+$0x79A0];
	v9 =	vmul.f32 v28, v16;
	[tilespmem:s23+$0x7920] =	vst v10  }
0x63: {  	v37 =	vld [tilespmem:s23+$0x79B0];
	v39 =	vbroadcast v2, $0x3;
	v11 =	vmul.f32 v31, v16;
	[tilespmem:s23+$0x7930] =	vst v8  }
0x64: {  	v38 =	vld [tilespmem:s23+$0x79C0];
	v13 =	vmul.f32 v33, v16;
	[tilespmem:s23+$0x7940] =	vst v9  }
0x65: {  	v40 =	vld [tilespmem:s23+$0x79D0];
	v14 =	vmul.f32 v34, v39;
	[tilespmem:s23+$0x7960] =	vst v11  }
0x66: {  	v41 =	vld [tilespmem:s23+$0x79E0];
	v12 =	vmul.f32 v29, v16;
	[tilespmem:s23+$0x7970] =	vst v13  }
0x67: {  	v42 =	vld [tilespmem:s23+$0x79F0];
	v10 =	vmul.f32 v35, v39;
	[tilespmem:s23+$0x7980] =	vst v14  }
0x68: {  	v43 =	vld [tilespmem:s23+$0x7A00];
	v8 =	vmul.f32 v36, v39;
	[tilespmem:s23+$0x7950] =	vst v12  }
0x69: {  	v44 =	vld [tilespmem:s23+$0x7A10];
	v9 =	vmul.f32 v37, v39;
	[tilespmem:s23+$0x7990] =	vst v10  }
0x6a: {  	v45 =	vld [tilespmem:s23+$0x7A20];
	v11 =	vmul.f32 v40, v39;
	[tilespmem:s23+$0x79A0] =	vst v8  }
0x6b: {  	v46 =	vld [tilespmem:s23+$0x7A30];
	v13 =	vmul.f32 v41, v39;
	[tilespmem:s23+$0x79B0] =	vst v9  }
0x6c: {  	v47 =	vld [tilespmem:s23+$0x7A40];
	v48 =	vbroadcast v2, $0x4;
	v14 =	vmul.f32 v42, v39;
	[tilespmem:s23+$0x79D0] =	vst v11  }
0x6d: {  	v49 =	vld [tilespmem:s23+$0x7A50];
	v12 =	vmul.f32 v38, v39;
	[tilespmem:s23+$0x79E0] =	vst v13  }
0x6e: {  	v50 =	vld [tilespmem:s23+$0x7A60];
	v10 =	vmul.f32 v43, v48;
	[tilespmem:s23+$0x79F0] =	vst v14  }
0x6f: {  	v51 =	vld [tilespmem:s23+$0x7A70];
	v8 =	vmul.f32 v44, v48;
	[tilespmem:s23+$0x79C0] =	vst v12  }
0x70: {  	v52 =	vld [tilespmem:s23+$0x7A80];
	v9 =	vmul.f32 v45, v48;
	[tilespmem:s23+$0x7A00] =	vst v10  }
0x71: {  	v53 =	vld [tilespmem:s23+$0x7A90];
	v11 =	vmul.f32 v47, v48;
	[tilespmem:s23+$0x7A10] =	vst v8  }
0x72: {  	v54 =	vld [tilespmem:s23+$0x7AA0];
	v13 =	vmul.f32 v49, v48;
	[tilespmem:s23+$0x7A20] =	vst v9  }
0x73: {  	v55 =	vld [tilespmem:s23+$0x7AB0];
	v14 =	vmul.f32 v50, v48;
	[tilespmem:s23+$0x7A40] =	vst v11  }
0x74: {  	v56 =	vld [tilespmem:s23+$0x7AC0];
	v57 =	vbroadcast v2, $0x5;
	v12 =	vmul.f32 v46, v48;
	[tilespmem:s23+$0x7A50] =	vst v13  }
0x75: {  	v58 =	vld [tilespmem:s23+$0x7AD0];
	v10 =	vmul.f32 v51, v48;
	[tilespmem:s23+$0x7A60] =	vst v14  }
0x76: {  	v59 =	vld [tilespmem:s23+$0x7AE0];
	v8 =	vmul.f32 v52, v57;
	[tilespmem:s23+$0x7A30] =	vst v12  }
0x77: {  	v60 =	vld [tilespmem:s23+$0x7AF0];
	v9 =	vmul.f32 v53, v57;
	[tilespmem:s23+$0x7A70] =	vst v10  }
0x78: {  	v61 =	vld [tilespmem:s23+$0x7B00];
	v11 =	vmul.f32 v55, v57;
	[tilespmem:s23+$0x7A80] =	vst v8  }
0x79: {  	v62 =	vld [tilespmem:s23+$0x7B10];
	v13 =	vmul.f32 v56, v57;
	[tilespmem:s23+$0x7A90] =	vst v9  }
0x7a: {  	v63 =	vld [tilespmem:s23+$0x7B20];
	v14 =	vmul.f32 v58, v57;
	[tilespmem:s23+$0x7AB0] =	vst v11  }
0x7b: {  	v20 =	vld [tilespmem:s23+$0x7B30];
	v12 =	vmul.f32 v54, v57;
	[tilespmem:s23+$0x7AC0] =	vst v13  }
0x7c: {  	v21 =	vld [tilespmem:s23+$0x7B40];
	v22 =	vbroadcast v2, $0x6;
	v10 =	vmul.f32 v59, v57;
	[tilespmem:s23+$0x7AD0] =	vst v14  }
0x7d: {  	v23 =	vld [tilespmem:s23+$0x7B50];
	v8 =	vmul.f32 v60, v57;
	[tilespmem:s23+$0x7AA0] =	vst v12  }
0x7e: {  	v24 =	vld [tilespmem:s23+$0x7B60];
	v9 =	vmul.f32 v61, v22;
	[tilespmem:s23+$0x7AE0] =	vst v10  }
0x7f: {  	v25 =	vld [tilespmem:s23+$0x7B70];
	v11 =	vmul.f32 v63, v22;
	[tilespmem:s23+$0x7AF0] =	vst v8  }
0x80: {  	v5 =	vld [tilespmem:s23+$0x7D80];
	v13 =	vmul.f32 v20, v22;
	[tilespmem:s23+$0x7B00] =	vst v9  }
0x81: {  	v27 =	vld [tilespmem:s23+$0x7B90];
	v14 =	vmul.f32 v21, v22;
	[tilespmem:s23+$0x7B20] =	vst v11  }
0x82: {  	v28 =	vld [tilespmem:s23+$0x7BA0];
	v12 =	vmul.f32 v62, v22;
	[tilespmem:s23+$0x7B30] =	vst v13  }
0x83: {  	v29 =	vld [tilespmem:s23+$0x7BB0];
	v10 =	vmul.f32 v23, v22;
	[tilespmem:s23+$0x7B40] =	vst v14  }
0x84: {  	v31 =	vbroadcast v2, $0x7;
	v53 =	vld [tilespmem:s23+$0x7D00];
	v8 =	vmul.f32 v24, v22;
	[tilespmem:s23+$0x7B10] =	vst v12  }
0x85: {  	v58 =	vld [tilespmem:s23+$0x7D50];
	v9 =	vmul.f32 v25, v22;
	[tilespmem:s23+$0x7B50] =	vst v10  }
0x86: {  	v26 =	vld [tilespmem:s23+$0x7B80];
	v11 =	vmul.f32 v27, v31;
	[tilespmem:s23+$0x7B60] =	vst v8  }
0x87: {  	v30 =	vld [tilespmem:s23+$0x7BC0];
	v13 =	vmul.f32 v28, v31;
	[tilespmem:s23+$0x7B70] =	vst v9  }
0x88: {  	v32 =	vld [tilespmem:s23+$0x7BD0];
	v14 =	vmul.f32 v29, v31;
	[tilespmem:s23+$0x7B90] =	vst v11  }
0x89: {  	v33 =	vld [tilespmem:s23+$0x7BE0];
	v59 =	vmul.f32 v53, v6;
	[tilespmem:s23+$0x7BA0] =	vst v13  }
0x8a: {  	v35 =	vld [tilespmem:s23+$0x7C00];
	v21 =	vmul.f32 v58, v6;
	[tilespmem:s23+$0x7BB0] =	vst v14  }
0x8b: {  	v36 =	vld [tilespmem:s23+$0x7C10];
	v12 =	vmul.f32 v26, v31;
	[tilespmem:s23+$0x7D00] =	vst v59  }
0x8c: {  	v37 =	vld [tilespmem:s23+$0x7C20];
	v10 =	vmul.f32 v30, v31;
	[tilespmem:s23+$0x7D50] =	vst v21  }
0x8d: {  	v7 =	vld [tilespmem:s23+$0x7D90];
	v40 =	vbroadcast v2, $0x8;
	v8 =	vmul.f32 v32, v31;
	[tilespmem:s23+$0x7B80] =	vst v12  }
0x8e: {  	v34 =	vld [tilespmem:s23+$0x7BF0];
	v9 =	vmul.f32 v33, v31;
	[tilespmem:s23+$0x7BC0] =	vst v10  }
0x8f: {  	v57 =	vld [tilespmem:s23+$0x7D40];
	v11 =	vmul.f32 v35, v40;
	[tilespmem:s23+$0x7BD0] =	vst v8  }
0x90: {  	v61 =	vld [tilespmem:s23+$0x7800];
	v24 =	vbroadcast v2, $0xB;
	v13 =	vmul.f32 v36, v40;
	[tilespmem:s23+$0x7BE0] =	vst v9  }
0x91: {  	v4 =	vld [tilespmem:s23+$0x7FD0];
	v14 =	vmul.f32 v37, v40;
	[tilespmem:s23+$0x7C00] =	vst v11  }
0x92: {  	v38 =	vld [tilespmem:s23+$0x7C30];
	v5 =	vmul.f32 v5, v24;
	[tilespmem:s23+$0x7C10] =	vst v13  }
0x93: {  	v39 =	vld [tilespmem:s23+$0x7C40];
	v7 =	vmul.f32 v7, v24;
	[tilespmem:s23+$0x7C20] =	vst v14  }
0x94: {  	v41 =	vld [tilespmem:s23+$0x7C50];
	v19 =	vmul.f32 v57, v6;
	[tilespmem:s23+$0x7D80] =	vst v5  }
0x95: {  	v43 =	vld [tilespmem:s23+$0x7C70];
	v25 =	vmul.f32 v3, v61;
	[tilespmem:s23+$0x7D90] =	vst v7  }
0x96: {  	v44 =	vld [tilespmem:s23+$0x7C80];
	v12 =	vmul.f32 v34, v31;
	[tilespmem:s23+$0x7D40] =	vst v19  }
0x97: {  	v45 =	vld [tilespmem:s23+$0x7C90];
	v10 =	vmul.f32 v38, v40;
	[tilespmem:s23+$0x7800] =	vst v25  }
0x98: {  	v27 =	vld [tilespmem:s23+$0x7DD0];
	v8 =	vmul.f32 v39, v40;
	[tilespmem:s23+$0x7BF0] =	vst v12  }
0x99: {  	v49 =	vbroadcast v2, $0x9;
	v29 =	vld [tilespmem:s23+$0x7DF0];
	v9 =	vmul.f32 v41, v40;
	[tilespmem:s23+$0x7C30] =	vst v10  }
0x9a: {  	v42 =	vld [tilespmem:s23+$0x7C60];
	v11 =	vmul.f32 v43, v40;
	[tilespmem:s23+$0x7C40] =	vst v8  }
0x9b: {  	v46 =	vld [tilespmem:s23+$0x7CA0];
	v13 =	vmul.f32 v44, v49;
	[tilespmem:s23+$0x7C50] =	vst v9  }
0x9c: {  	v47 =	vld [tilespmem:s23+$0x7CB0];
	v14 =	vmul.f32 v45, v49;
	[tilespmem:s23+$0x7C70] =	vst v11  }
0x9d: {  	v48 =	vld [tilespmem:s23+$0x7CC0];
	v32 =	vmul.f32 v27, v24;
	[tilespmem:s23+$0x7C80] =	vst v13  }
0x9e: {  	v51 =	vld [tilespmem:s23+$0x7CE0];
	v7 =	vmul.f32 v29, v24;
	[tilespmem:s23+$0x7C90] =	vst v14  }
0x9f: {  	v52 =	vld [tilespmem:s23+$0x7CF0];
	v12 =	vmul.f32 v42, v40;
	[tilespmem:s23+$0x7DD0] =	vst v32  }
0xa0: {  	v10 =	vmul.f32 v46, v49;
	[tilespmem:s23+$0x7DF0] =	vst v7  }
0xa1: {  	v28 =	vld [tilespmem:s23+$0x7DE0];
	v8 =	vmul.f32 v47, v49;
	[tilespmem:s23+$0x7C60] =	vst v12  }
0xa2: {  	v30 =	vld [tilespmem:s23+$0x7E00];
	v9 =	vmul.f32 v48, v49;
	[tilespmem:s23+$0x7CA0] =	vst v10  }
0xa3: {  	v50 =	vld [tilespmem:s23+$0x7CD0];
	v5 =	vbroadcast v2, $0xF;
	v11 =	vmul.f32 v51, v49;
	[tilespmem:s23+$0x7CB0] =	vst v8  }
0xa4: {  	v54 =	vld [tilespmem:s23+$0x7D10];
	v13 =	vmul.f32 v52, v49;
	[tilespmem:s23+$0x7CC0] =	vst v9  }
0xa5: {  	v55 =	vld [tilespmem:s23+$0x7D20];
	v35 =	vbroadcast v2, $0xC;
	v4 =	vmul.f32 v4, v5;
	[tilespmem:s23+$0x7CE0] =	vst v11  }
0xa6: {  	v56 =	vld [tilespmem:s23+$0x7D30];
	v40 =	vmul.f32 v28, v24;
	[tilespmem:s23+$0x7CF0] =	vst v13  }
0xa7: {  	v60 =	vld [tilespmem:s23+$0x7D60];
	v16 =	vmul.f32 v30, v35;
	[tilespmem:s23+$0x7FD0] =	vst v4  }
0xa8: {  	v62 =	vld [tilespmem:s23+$0x7810];
	v12 =	vmul.f32 v50, v49;
	[tilespmem:s23+$0x7DE0] =	vst v40  }
0xa9: {  	v63 =	vld [tilespmem:s23+$0x7840];
	v10 =	vmul.f32 v54, v6;
	[tilespmem:s23+$0x7E00] =	vst v16  }
0xaa: {  	v20 =	vld [tilespmem:s23+$0x7850];
	v8 =	vmul.f32 v55, v6;
	[tilespmem:s23+$0x7CD0] =	vst v12  }
0xab: {  	v33 =	vld [tilespmem:s23+$0x7E30];
	v9 =	vmul.f32 v56, v6;
	[tilespmem:s23+$0x7D10] =	vst v10  }
0xac: {  	v61 =	vld [tilespmem:s23+$0x7FF0];
	v6 =	vmul.f32 v60, v6;
	[tilespmem:s23+$0x7D20] =	vst v8  }
0xad: {  	v38 =	vld [tilespmem:s23+$0x7E70];
	v13 =	vmul.f32 v62, v3;
	[tilespmem:s23+$0x7D30] =	vst v9  }
0xae: {  	v22 =	vld [tilespmem:s23+$0x7DA0];
	v4 =	vmul.f32 v63, v3;
	[tilespmem:s23+$0x7D60] =	vst v6  }
0xaf: {  	v23 =	vld [tilespmem:s23+$0x7DB0];
	v3 =	vmul.f32 v20, v3;
	[tilespmem:s23+$0x7810] =	vst v13  }
0xb0: {  	v26 =	vld [tilespmem:s23+$0x7DC0];
	v62 =	vmul.f32 v33, v35;
	[tilespmem:s23+$0x7840] =	vst v4  }
0xb1: {  	v31 =	vld [tilespmem:s23+$0x7E10];
	v63 =	vmul.f32 v61, v5;
	[tilespmem:s23+$0x7850] =	vst v3  }
0xb2: {  	v34 =	vld [tilespmem:s23+$0x7E40];
	v16 =	vmul.f32 v38, v35;
	[tilespmem:s23+$0x7E30] =	vst v62  }
0xb3: {  	v41 =	vld [tilespmem:s23+$0x7EA0];
	v8 =	vmul.f32 v22, v24;
	[tilespmem:s23+$0x7FF0] =	vst v63  }
0xb4: {  	v46 =	vld [tilespmem:s23+$0x7EE0];
	v9 =	vmul.f32 v23, v24;
	[tilespmem:s23+$0x7E70] =	vst v16  }
0xb5: {  	v6 =	vmul.f32 v26, v24;
	v3 =	vld [tilespmem:s23+$0x7E90];
	[tilespmem:s23+$0x7DA0] =	vst v8  }
0xb6: {  	v36 =	vld [tilespmem:s23+$0x7E50];
	v44 =	vbroadcast v2, $0xD;
	v10 =	vmul.f32 v31, v35;
	[tilespmem:s23+$0x7DB0] =	vst v9  }
0xb7: {  	v37 =	vld [tilespmem:s23+$0x7E60];
	v13 =	vmul.f32 v34, v35;
	[tilespmem:s23+$0x7DC0] =	vst v6  }
0xb8: {  	v39 =	vld [tilespmem:s23+$0x7E80];
	v12 =	vmul.f32 v41, v44;
	[tilespmem:s23+$0x7E10] =	vst v10  }
0xb9: {  	v42 =	vld [tilespmem:s23+$0x7EB0];
	v51 =	vmul.f32 v46, v44;
	[tilespmem:s23+$0x7E40] =	vst v13  }
0xba: {  	v48 =	vld [tilespmem:s23+$0x7F10];
	[tilespmem:s23+$0x7EA0] =	vst v12;
	v3 =	vmul.f32 v3, v44  }
0xbb: {  	v49 =	vld [tilespmem:s23+$0x7F20];
	v9 =	vmul.f32 v36, v35;
	[tilespmem:s23+$0x7EE0] =	vst v51  }
0xbc: {  	v6 =	vmul.f32 v37, v35;
	[tilespmem:s23+$0x7E90] =	vst v3;
	v3 =	vld [tilespmem:s23+$0x7F00]  }
0xbd: {  	v2 =	vbroadcast v2, $0xE;
	v50 =	vld [tilespmem:s23+$0x7F30];
	v10 =	vmul.f32 v39, v44;
	[tilespmem:s23+$0x7E50] =	vst v9  }
0xbe: {  	v45 =	vld [tilespmem:s23+$0x7ED0];
	v13 =	vmul.f32 v42, v44;
	[tilespmem:s23+$0x7E60] =	vst v6  }
0xbf: {  	v47 =	vld [tilespmem:s23+$0x7EF0];
	v12 =	vmul.f32 v48, v2;
	[tilespmem:s23+$0x7E80] =	vst v10  }
0xc0: {  	v43 =	vld [tilespmem:s23+$0x7EC0];
	v11 =	vmul.f32 v49, v2;
	[tilespmem:s23+$0x7EB0] =	vst v13  }
0xc1: {  	v55 =	vld [tilespmem:s23+$0x7F80];
	[tilespmem:s23+$0x7F10] =	vst v12;
	v3 =	vmul.f32 v3, v2  }
0xc2: {  	v57 =	vld [tilespmem:s23+$0x7FA0];
	v7 =	vmul.f32 v50, v2;
	[tilespmem:s23+$0x7F20] =	vst v11  }
0xc3: {  	v6 =	vmul.f32 v45, v44;
	[tilespmem:s23+$0x7F00] =	vst v3;
	v3 =	vld [tilespmem:s23+$0x7F70]  }
0xc4: {  	v52 =	vld [tilespmem:s23+$0x7F40];
	v10 =	vmul.f32 v47, v44;
	[tilespmem:s23+$0x7F30] =	vst v7  }
0xc5: {  	v56 =	vld [tilespmem:s23+$0x7F90];
	v9 =	vmul.f32 v43, v44;
	[tilespmem:s23+$0x7ED0] =	vst v6  }
0xc6: {  	v54 =	vld [tilespmem:s23+$0x7F60];
	v12 =	vmul.f32 v55, v5;
	[tilespmem:s23+$0x7EF0] =	vst v10  }
0xc7: {  	v58 =	vld [tilespmem:s23+$0x7FB0];
	v7 =	vmul.f32 v57, v5;
	[tilespmem:s23+$0x7EC0] =	vst v9  }
0xc8: {  	v53 =	vld [tilespmem:s23+$0x7F50];
	[tilespmem:s23+$0x7F80] =	vst v12;
	v3 =	vmul.f32 v3, v2  }
0xc9: {  	v59 =	vld [tilespmem:s23+$0x7FC0];
	v6 =	vmul.f32 v52, v2;
	[tilespmem:s23+$0x7FA0] =	vst v7  }
0xca: {  	v60 =	vld [tilespmem:s23+$0x7FE0];
	[tilespmem:s23+$0x7F70] =	vst v3;
	v3 =	vmul.f32 v56, v5  }
0xcb: {  	v10 =	vmul.f32 v54, v2;
	[tilespmem:s23+$0x7F40] =	vst v6  }
0xcc: {  	v4 =	vld [tilespmem:s23+$0x7E20];
	[tilespmem:s23+$0x7F90] =	vst v3;
	v3 =	vmul.f32 v58, v5  }
0xcd: {  	[tilespmem:s23+$0x7F60] =	vst v10;
	v2 =	vmul.f32 v53, v2  }
0xce: {  	[tilespmem:s23+$0x7FB0] =	vst v3;
	v3 =	vmul.f32 v59, v5  }
0xcf: {  	[tilespmem:s23+$0x7F50] =	vst v2;
	v5 =	vmul.f32 v60, v5  }
0xd0: {  	[tilespmem:s23+$0x7FC0] =	vst v3  }
0xd1: {  	s24 =	simm.s32 $0x1;
	v3 =	vmul.f32 v4, v35;
	[tilespmem:s23+$0x7FE0] =	vst v5  }
.LBB2_5:
0xd2: {  	s25 =	sshll.u32 s24, $0x4  }
0xd3: {  	p0 =	sne.s32 s24, $0x7;
	[tilespmem:s23+$0x7E20] =	vst v3;
	s23 =	smov.u32 s24;
	s24 =	sadd.s32 $0x1, s24  }
0xd4: {  	s25 =	sand.u32 $0x3FFFFFF0, s25  }
0xd5: {  	v2 =	vld.idx.msk [tilespmem:v1+s25+$0x0 ss:$0x1], $0xffff  }
0xd6: {  	s23 =	sshll.u32 s23, $0xB  }
0xd7: {  	s23 =	sand.u32 $0x3FFFF800, s23  }
0xd8: {  	v9 =	vld [tilespmem:s23+$0x78C0]  }
0xd9: {  	v10 =	vld [tilespmem:s23+$0x78D0]  }
0xda: {  	v11 =	vld [tilespmem:s23+$0x78B0]  }
0xdb: {  	v3 =	vbroadcast v2, $0x0;
	v8 =	vbroadcast v2, $0x4;
	v4 =	vld [tilespmem:s23+$0x7820]  }
0xdc: {  	v6 =	vld [tilespmem:s23+$0x7830]  }
0xdd: {  	v7 =	vld [tilespmem:s23+$0x7D70]  }
0xde: {  	v12 =	vld [tilespmem:s23+$0x7860]  }
0xdf: {  	v13 =	vld [tilespmem:s23+$0x7870]  }
0xe0: {  	v5 =	vbroadcast v2, $0xA;
	v4 =	vmul.f32 v4, v3;
	v14 =	vld [tilespmem:s23+$0x7880]  }
0xe1: {  	v6 =	vmul.f32 v6, v3;
	v15 =	vld [tilespmem:s23+$0x7890]  }
0xe2: {  	[tilespmem:s23+$0x7820] =	vst v4;
	v16 =	vld [tilespmem:s23+$0x78A0];
	v4 =	vmul.f32 v7, v5  }
0xe3: {  	[tilespmem:s23+$0x7830] =	vst v6;
	v7 =	vmul.f32 v12, v3;
	v12 =	vbroadcast v2, $0x1;
	v6 =	vld [tilespmem:s23+$0x7D80]  }
0xe4: {  	v13 =	vmul.f32 v13, v3;
	[tilespmem:s23+$0x7D70] =	vst v4;
	v4 =	vld [tilespmem:s23+$0x7FD0]  }
0xe5: {  	[tilespmem:s23+$0x7860] =	vst v7;
	v14 =	vmul.f32 v14, v12;
	v7 =	vld [tilespmem:s23+$0x7D90]  }
0xe6: {  	[tilespmem:s23+$0x7870] =	vst v13;
	v13 =	vmul.f32 v15, v12;
	v15 =	vld [tilespmem:s23+$0x78E0]  }
0xe7: {  	[tilespmem:s23+$0x7880] =	vst v14;
	v14 =	vmul.f32 v16, v12;
	v16 =	vld [tilespmem:s23+$0x78F0]  }
0xe8: {  	v11 =	vmul.f32 v11, v12;
	[tilespmem:s23+$0x7890] =	vst v13;
	v13 =	vld [tilespmem:s23+$0x7900]  }
0xe9: {  	v9 =	vmul.f32 v9, v12;
	[tilespmem:s23+$0x78A0] =	vst v14;
	v14 =	vld [tilespmem:s23+$0x7910]  }
0xea: {  	v10 =	vmul.f32 v10, v12;
	[tilespmem:s23+$0x78B0] =	vst v11;
	v11 =	vld [tilespmem:s23+$0x7920]  }
0xeb: {  	[tilespmem:s23+$0x78C0] =	vst v9;
	v9 =	vmul.f32 v15, v12;
	v15 =	vbroadcast v2, $0x2;
	v17 =	vld [tilespmem:s23+$0x7930]  }
0xec: {  	[tilespmem:s23+$0x78D0] =	vst v10;
	v10 =	vmul.f32 v16, v12;
	v12 =	vld [tilespmem:s23+$0x7940]  }
0xed: {  	[tilespmem:s23+$0x78E0] =	vst v9;
	v9 =	vmul.f32 v13, v15;
	v13 =	vld [tilespmem:s23+$0x7950]  }
0xee: {  	[tilespmem:s23+$0x78F0] =	vst v10;
	v10 =	vmul.f32 v14, v15;
	v14 =	vld [tilespmem:s23+$0x7960]  }
0xef: {  	[tilespmem:s23+$0x7900] =	vst v9;
	v9 =	vmul.f32 v11, v15;
	v11 =	vld [tilespmem:s23+$0x7970]  }
0xf0: {  	[tilespmem:s23+$0x7910] =	vst v10;
	v10 =	vmul.f32 v17, v15;
	v16 =	vld [tilespmem:s23+$0x7980]  }
0xf1: {  	[tilespmem:s23+$0x7920] =	vst v9;
	v9 =	vmul.f32 v12, v15;
	v12 =	vld [tilespmem:s23+$0x7990]  }
0xf2: {  	[tilespmem:s23+$0x7930] =	vst v10;
	v10 =	vmul.f32 v13, v15;
	v13 =	vld [tilespmem:s23+$0x79A0]  }
0xf3: {  	[tilespmem:s23+$0x7940] =	vst v9;
	v9 =	vmul.f32 v14, v15;
	v14 =	vbroadcast v2, $0x3;
	v17 =	vld [tilespmem:s23+$0x79B0]  }
0xf4: {  	[tilespmem:s23+$0x7950] =	vst v10;
	v10 =	vmul.f32 v11, v15;
	v11 =	vld [tilespmem:s23+$0x79C0]  }
0xf5: {  	[tilespmem:s23+$0x7960] =	vst v9;
	v9 =	vmul.f32 v16, v14;
	v15 =	vld [tilespmem:s23+$0x79D0]  }
0xf6: {  	[tilespmem:s23+$0x7970] =	vst v10;
	v10 =	vmul.f32 v12, v14;
	v12 =	vld [tilespmem:s23+$0x79E0]  }
0xf7: {  	[tilespmem:s23+$0x7980] =	vst v9;
	v9 =	vmul.f32 v13, v14;
	v13 =	vld [tilespmem:s23+$0x79F0]  }
0xf8: {  	[tilespmem:s23+$0x7990] =	vst v10;
	v10 =	vmul.f32 v17, v14;
	v16 =	vld [tilespmem:s23+$0x7A00]  }
0xf9: {  	[tilespmem:s23+$0x79A0] =	vst v9;
	v9 =	vmul.f32 v11, v14;
	v11 =	vld [tilespmem:s23+$0x7A10]  }
0xfa: {  	[tilespmem:s23+$0x79B0] =	vst v10;
	v10 =	vmul.f32 v15, v14;
	v15 =	vld [tilespmem:s23+$0x7A20]  }
0xfb: {  	[tilespmem:s23+$0x79C0] =	vst v9;
	v9 =	vmul.f32 v12, v14;
	v12 =	vld [tilespmem:s23+$0x7A30]  }
0xfc: {  	[tilespmem:s23+$0x79D0] =	vst v10;
	v10 =	vmul.f32 v13, v14;
	v13 =	vld [tilespmem:s23+$0x7A40]  }
0xfd: {  	[tilespmem:s23+$0x79E0] =	vst v9;
	v9 =	vmul.f32 v16, v8;
	v14 =	vld [tilespmem:s23+$0x7A50]  }
0xfe: {  	[tilespmem:s23+$0x79F0] =	vst v10;
	v10 =	vmul.f32 v11, v8;
	v11 =	vld [tilespmem:s23+$0x7A60]  }
0xff: {  	[tilespmem:s23+$0x7A00] =	vst v9;
	v9 =	vmul.f32 v15, v8;
	v15 =	vld [tilespmem:s23+$0x7A70]  }
0x100: {  	[tilespmem:s23+$0x7A10] =	vst v10;
	v10 =	vmul.f32 v12, v8;
	v12 =	vld [tilespmem:s23+$0x7A80]  }
0x101: {  	[tilespmem:s23+$0x7A20] =	vst v9;
	v9 =	vmul.f32 v13, v8;
	v13 =	vld [tilespmem:s23+$0x7A90]  }
0x102: {  	[tilespmem:s23+$0x7A30] =	vst v10;
	v10 =	vmul.f32 v14, v8;
	v14 =	vld [tilespmem:s23+$0x7AA0]  }
0x103: {  	[tilespmem:s23+$0x7A40] =	vst v9;
	v9 =	vmul.f32 v11, v8;
	v11 =	vbroadcast v2, $0x5;
	v16 =	vld [tilespmem:s23+$0x7AB0]  }
0x104: {  	[tilespmem:s23+$0x7A50] =	vst v10;
	v8 =	vmul.f32 v15, v8;
	v10 =	vld [tilespmem:s23+$0x7AC0]  }
0x105: {  	[tilespmem:s23+$0x7A60] =	vst v9;
	v9 =	vmul.f32 v12, v11;
	v12 =	vld [tilespmem:s23+$0x7AD0]  }
0x106: {  	[tilespmem:s23+$0x7A70] =	vst v8;
	v8 =	vmul.f32 v13, v11;
	v13 =	vld [tilespmem:s23+$0x7AE0]  }
0x107: {  	[tilespmem:s23+$0x7A80] =	vst v9;
	v9 =	vmul.f32 v14, v11;
	v14 =	vld [tilespmem:s23+$0x7AF0]  }
0x108: {  	[tilespmem:s23+$0x7A90] =	vst v8;
	v8 =	vmul.f32 v16, v11;
	v15 =	vld [tilespmem:s23+$0x7B00]  }
0x109: {  	[tilespmem:s23+$0x7AA0] =	vst v9;
	v9 =	vmul.f32 v10, v11;
	v10 =	vld [tilespmem:s23+$0x7B10]  }
0x10a: {  	[tilespmem:s23+$0x7AB0] =	vst v8;
	v8 =	vmul.f32 v12, v11;
	v12 =	vld [tilespmem:s23+$0x7B20]  }
0x10b: {  	[tilespmem:s23+$0x7AC0] =	vst v9;
	v9 =	vmul.f32 v13, v11;
	v13 =	vbroadcast v2, $0x6;
	v16 =	vld [tilespmem:s23+$0x7B30]  }
0x10c: {  	[tilespmem:s23+$0x7AD0] =	vst v8;
	v8 =	vmul.f32 v14, v11;
	v11 =	vld [tilespmem:s23+$0x7B40]  }
0x10d: {  	[tilespmem:s23+$0x7AE0] =	vst v9;
	v9 =	vmul.f32 v15, v13;
	v14 =	vld [tilespmem:s23+$0x7B50]  }
0x10e: {  	[tilespmem:s23+$0x7AF0] =	vst v8;
	v8 =	vmul.f32 v10, v13;
	v10 =	vld [tilespmem:s23+$0x7B60]  }
0x10f: {  	[tilespmem:s23+$0x7B00] =	vst v9;
	v9 =	vmul.f32 v12, v13;
	v12 =	vld [tilespmem:s23+$0x7B70]  }
0x110: {  	[tilespmem:s23+$0x7B10] =	vst v8;
	v8 =	vmul.f32 v16, v13;
	v15 =	vld [tilespmem:s23+$0x7B80]  }
0x111: {  	[tilespmem:s23+$0x7B20] =	vst v9;
	v9 =	vmul.f32 v11, v13;
	v11 =	vld [tilespmem:s23+$0x7B90]  }
0x112: {  	[tilespmem:s23+$0x7B30] =	vst v8;
	v8 =	vmul.f32 v14, v13;
	v14 =	vld [tilespmem:s23+$0x7BA0]  }
0x113: {  	[tilespmem:s23+$0x7B40] =	vst v9;
	v9 =	vmul.f32 v10, v13;
	v10 =	vbroadcast v2, $0x7;
	v16 =	vld [tilespmem:s23+$0x7BB0]  }
0x114: {  	[tilespmem:s23+$0x7B50] =	vst v8;
	v8 =	vmul.f32 v12, v13;
	v12 =	vld [tilespmem:s23+$0x7BC0]  }
0x115: {  	[tilespmem:s23+$0x7B60] =	vst v9;
	v9 =	vmul.f32 v15, v10;
	v13 =	vld [tilespmem:s23+$0x7BD0]  }
0x116: {  	[tilespmem:s23+$0x7B70] =	vst v8;
	v8 =	vmul.f32 v11, v10;
	v11 =	vld [tilespmem:s23+$0x7BE0]  }
0x117: {  	[tilespmem:s23+$0x7B80] =	vst v9;
	v9 =	vmul.f32 v14, v10;
	v14 =	vld [tilespmem:s23+$0x7BF0]  }
0x118: {  	[tilespmem:s23+$0x7B90] =	vst v8;
	v8 =	vmul.f32 v16, v10;
	v15 =	vld [tilespmem:s23+$0x7C00]  }
0x119: {  	[tilespmem:s23+$0x7BA0] =	vst v9;
	v9 =	vmul.f32 v12, v10;
	v12 =	vld [tilespmem:s23+$0x7C10]  }
0x11a: {  	[tilespmem:s23+$0x7BB0] =	vst v8;
	v8 =	vmul.f32 v13, v10;
	v13 =	vld [tilespmem:s23+$0x7C20]  }
0x11b: {  	[tilespmem:s23+$0x7BC0] =	vst v9;
	v9 =	vmul.f32 v11, v10;
	v11 =	vbroadcast v2, $0x8;
	v16 =	vld [tilespmem:s23+$0x7C30]  }
0x11c: {  	[tilespmem:s23+$0x7BD0] =	vst v8;
	v8 =	vmul.f32 v14, v10;
	v10 =	vld [tilespmem:s23+$0x7C40]  }
0x11d: {  	[tilespmem:s23+$0x7BE0] =	vst v9;
	v9 =	vmul.f32 v15, v11;
	v14 =	vld [tilespmem:s23+$0x7C50]  }
0x11e: {  	[tilespmem:s23+$0x7BF0] =	vst v8;
	v8 =	vmul.f32 v12, v11;
	v12 =	vld [tilespmem:s23+$0x7C60]  }
0x11f: {  	[tilespmem:s23+$0x7C00] =	vst v9;
	v9 =	vmul.f32 v13, v11;
	v13 =	vld [tilespmem:s23+$0x7C70]  }
0x120: {  	[tilespmem:s23+$0x7C10] =	vst v8;
	v8 =	vmul.f32 v16, v11;
	v15 =	vld [tilespmem:s23+$0x7C80]  }
0x121: {  	[tilespmem:s23+$0x7C20] =	vst v9;
	v9 =	vmul.f32 v10, v11;
	v10 =	vld [tilespmem:s23+$0x7C90]  }
0x122: {  	[tilespmem:s23+$0x7C30] =	vst v8;
	v8 =	vmul.f32 v14, v11;
	v14 =	vld [tilespmem:s23+$0x7CA0]  }
0x123: {  	[tilespmem:s23+$0x7C40] =	vst v9;
	v9 =	vmul.f32 v12, v11;
	v12 =	vbroadcast v2, $0x9;
	v16 =	vld [tilespmem:s23+$0x7CB0]  }
0x124: {  	[tilespmem:s23+$0x7C50] =	vst v8;
	v8 =	vmul.f32 v13, v11;
	v11 =	vld [tilespmem:s23+$0x7CC0]  }
0x125: {  	[tilespmem:s23+$0x7C60] =	vst v9;
	v9 =	vmul.f32 v15, v12;
	v13 =	vld [tilespmem:s23+$0x7CD0]  }
0x126: {  	[tilespmem:s23+$0x7C70] =	vst v8;
	v8 =	vmul.f32 v10, v12;
	v10 =	vld [tilespmem:s23+$0x7CE0]  }
0x127: {  	[tilespmem:s23+$0x7C80] =	vst v9;
	v9 =	vmul.f32 v14, v12;
	v14 =	vld [tilespmem:s23+$0x7CF0]  }
0x128: {  	[tilespmem:s23+$0x7C90] =	vst v8;
	v8 =	vmul.f32 v16, v12;
	v15 =	vld [tilespmem:s23+$0x7D00]  }
0x129: {  	[tilespmem:s23+$0x7CA0] =	vst v9;
	v9 =	vmul.f32 v11, v12;
	v11 =	vld [tilespmem:s23+$0x7D10]  }
0x12a: {  	[tilespmem:s23+$0x7CB0] =	vst v8;
	v8 =	vmul.f32 v13, v12;
	v13 =	vld [tilespmem:s23+$0x7D20]  }
0x12b: {  	[tilespmem:s23+$0x7CC0] =	vst v9;
	v9 =	vmul.f32 v10, v12;
	v10 =	vld [tilespmem:s23+$0x7D30]  }
0x12c: {  	[tilespmem:s23+$0x7CD0] =	vst v8;
	v8 =	vmul.f32 v14, v12;
	v12 =	vld [tilespmem:s23+$0x7D40]  }
0x12d: {  	[tilespmem:s23+$0x7CE0] =	vst v9;
	v9 =	vmul.f32 v15, v5;
	v14 =	vld [tilespmem:s23+$0x7D50]  }
0x12e: {  	[tilespmem:s23+$0x7CF0] =	vst v8;
	v8 =	vmul.f32 v11, v5;
	v11 =	vld [tilespmem:s23+$0x7D60]  }
0x12f: {  	v15 =	vld [tilespmem:s23+$0x7800];
	[tilespmem:s23+$0x7D00] =	vst v9;
	v9 =	vmul.f32 v13, v5  }
0x130: {  	v13 =	vld [tilespmem:s23+$0x7810];
	[tilespmem:s23+$0x7D10] =	vst v8;
	v8 =	vmul.f32 v10, v5  }
0x131: {  	v10 =	vld [tilespmem:s23+$0x7840];
	[tilespmem:s23+$0x7D20] =	vst v9;
	v9 =	vmul.f32 v12, v5  }
0x132: {  	v12 =	vld [tilespmem:s23+$0x7850];
	[tilespmem:s23+$0x7D30] =	vst v8;
	v8 =	vmul.f32 v14, v5  }
0x133: {  	[tilespmem:s23+$0x7D40] =	vst v9;
	v9 =	vmul.f32 v11, v5;
	v11 =	vbroadcast v2, $0xB;
	v14 =	vld [tilespmem:s23+$0x7DA0]  }
0x134: {  	v5 =	vbroadcast v2, $0xF;
	v15 =	vmul.f32 v3, v15;
	[tilespmem:s23+$0x7D50] =	vst v8;
	v8 =	vld [tilespmem:s23+$0x7DB0]  }
0x135: {  	v13 =	vmul.f32 v13, v3;
	[tilespmem:s23+$0x7D60] =	vst v9;
	v6 =	vmul.f32 v6, v11;
	v9 =	vld [tilespmem:s23+$0x7DC0]  }
0x136: {  	v7 =	vmul.f32 v7, v11;
	[tilespmem:s23+$0x7800] =	vst v15;
	v10 =	vmul.f32 v10, v3;
	v15 =	vld [tilespmem:s23+$0x7DD0]  }
0x137: {  	v4 =	vmul.f32 v4, v5;
	v12 =	vmul.f32 v12, v3;
	[tilespmem:s23+$0x7D80] =	vst v6;
	v3 =	vld [tilespmem:s23+$0x7DE0]  }
0x138: {  	[tilespmem:s23+$0x7D90] =	vst v7;
	v6 =	vmul.f32 v14, v11;
	v7 =	vld [tilespmem:s23+$0x7DF0]  }
0x139: {  	v8 =	vmul.f32 v8, v11;
	v14 =	vld [tilespmem:s23+$0x7E00];
	[tilespmem:s23+$0x7FD0] =	vst v4  }
0x13a: {  	[tilespmem:s23+$0x7810] =	vst v13;
	v4 =	vmul.f32 v9, v11;
	v9 =	vld [tilespmem:s23+$0x7E10]  }
0x13b: {  	[tilespmem:s23+$0x7840] =	vst v10;
	v10 =	vmul.f32 v15, v11;
	v13 =	vld [tilespmem:s23+$0x7E20]  }
0x13c: {  	v15 =	vbroadcast v2, $0xC;
	[tilespmem:s23+$0x7DA0] =	vst v6;
	v6 =	vmul.f32 v3, v11;
	v16 =	vld [tilespmem:s23+$0x7E30]  }
0x13d: {  	[tilespmem:s23+$0x7DD0] =	vst v10;
	v7 =	vmul.f32 v7, v11;
	v10 =	vld [tilespmem:s23+$0x7E40]  }
0x13e: {  	[tilespmem:s23+$0x7DB0] =	vst v8;
	v3 =	vmul.f32 v14, v15;
	v8 =	vld [tilespmem:s23+$0x7E50]  }
0x13f: {  	[tilespmem:s23+$0x7DC0] =	vst v4;
	v4 =	vmul.f32 v9, v15;
	v9 =	vld [tilespmem:s23+$0x7E60]  }
0x140: {  	[tilespmem:s23+$0x7E00] =	vst v3;
	v3 =	vmul.f32 v13, v15;
	v11 =	vld [tilespmem:s23+$0x7E70]  }
0x141: {  	[tilespmem:s23+$0x7E10] =	vst v4;
	v4 =	vld [tilespmem:s23+$0x7E80]  }
0x142: {  	[tilespmem:s23+$0x7850] =	vst v12;
	v10 =	vmul.f32 v10, v15;
	v12 =	vld [tilespmem:s23+$0x7E90]  }
0x143: {  	[tilespmem:s23+$0x7DE0] =	vst v6;
	v6 =	vmul.f32 v8, v15;
	v8 =	vld [tilespmem:s23+$0x7EA0]  }
0x144: {  	[tilespmem:s23+$0x7E40] =	vst v10;
	v9 =	vmul.f32 v9, v15;
	v10 =	vbroadcast v2, $0xD;
	v13 =	vld [tilespmem:s23+$0x7EB0]  }
0x145: {  	[tilespmem:s23+$0x7E50] =	vst v6;
	v6 =	vmul.f32 v11, v15;
	v11 =	vld [tilespmem:s23+$0x7EC0]  }
0x146: {  	[tilespmem:s23+$0x7E60] =	vst v9;
	v4 =	vmul.f32 v4, v10;
	v9 =	vld [tilespmem:s23+$0x7ED0]  }
0x147: {  	[tilespmem:s23+$0x7E70] =	vst v6;
	v6 =	vmul.f32 v12, v10;
	v12 =	vld [tilespmem:s23+$0x7EE0]  }
0x148: {  	[tilespmem:s23+$0x7E80] =	vst v4;
	v4 =	vmul.f32 v8, v10;
	v8 =	vld [tilespmem:s23+$0x7EF0]  }
0x149: {  	[tilespmem:s23+$0x7E90] =	vst v6;
	v6 =	vmul.f32 v13, v10;
	v13 =	vld [tilespmem:s23+$0x7F00]  }
0x14a: {  	[tilespmem:s23+$0x7EA0] =	vst v4;
	v4 =	vmul.f32 v11, v10;
	v11 =	vld [tilespmem:s23+$0x7F10]  }
0x14b: {  	[tilespmem:s23+$0x7EB0] =	vst v6;
	v6 =	vmul.f32 v9, v10;
	v9 =	vld [tilespmem:s23+$0x7F20]  }
0x14c: {  	v2 =	vbroadcast v2, $0xE;
	[tilespmem:s23+$0x7DF0] =	vst v7;
	v7 =	vmul.f32 v12, v10;
	v12 =	vld [tilespmem:s23+$0x7F30]  }
0x14d: {  	[tilespmem:s23+$0x7ED0] =	vst v6;
	v6 =	vmul.f32 v8, v10;
	v8 =	vld [tilespmem:s23+$0x7F40]  }
0x14e: {  	[tilespmem:s23+$0x7EE0] =	vst v7;
	v7 =	vmul.f32 v13, v2;
	v10 =	vld [tilespmem:s23+$0x7F50]  }
0x14f: {  	[tilespmem:s23+$0x7EF0] =	vst v6;
	v6 =	vmul.f32 v11, v2;
	v11 =	vld [tilespmem:s23+$0x7F60]  }
0x150: {  	[tilespmem:s23+$0x7F00] =	vst v7;
	v7 =	vmul.f32 v9, v2;
	v9 =	vld [tilespmem:s23+$0x7F70]  }
0x151: {  	[tilespmem:s23+$0x7F10] =	vst v6;
	v6 =	vmul.f32 v12, v2;
	v12 =	vld [tilespmem:s23+$0x7F80]  }
0x152: {  	[tilespmem:s23+$0x7F20] =	vst v7;
	v7 =	vmul.f32 v8, v2;
	v8 =	vld [tilespmem:s23+$0x7F90]  }
0x153: {  	[tilespmem:s23+$0x7F30] =	vst v6;
	v6 =	vmul.f32 v10, v2;
	v10 =	vld [tilespmem:s23+$0x7FA0]  }
0x154: {  	[tilespmem:s23+$0x7F40] =	vst v7;
	v7 =	vmul.f32 v11, v2;
	v11 =	vld [tilespmem:s23+$0x7FB0]  }
0x155: {  	[tilespmem:s23+$0x7EC0] =	vst v4;
	v2 =	vmul.f32 v9, v2;
	v4 =	vld [tilespmem:s23+$0x7FC0]  }
0x156: {  	[tilespmem:s23+$0x7F60] =	vst v7;
	v7 =	vmul.f32 v12, v5;
	v9 =	vld [tilespmem:s23+$0x7FE0]  }
0x157: {  	[tilespmem:s23+$0x7F70] =	vst v2;
	v2 =	vmul.f32 v8, v5;
	v8 =	vld [tilespmem:s23+$0x7FF0]  }
0x158: {  	[tilespmem:s23+$0x7F80] =	vst v7;
	v7 =	vmul.f32 v10, v5  }
0x159: {  	[tilespmem:s23+$0x7F90] =	vst v2;
	v2 =	vmul.f32 v11, v5  }
0x15a: {  	v10 =	vmul.f32 v16, v15;
	[tilespmem:s23+$0x7FA0] =	vst v7  }
0x15b: {  	[tilespmem:s23+$0x7FB0] =	vst v2;
	v2 =	vmul.f32 v4, v5  }
.Ltmp1:
0x15c: {  	[tilespmem:s23+$0x7E30] =	vst v10;
	v4 =	vmul.f32 v8, v5;
	(pc) =	sbr.rel @p0 .LBB2_5-.Ltmp1, $4  }
0x15d: {  	[tilespmem:s23+$0x7FC0] =	vst v2  }
0x15e: {  	v2 =	vmul.f32 v9, v5;
	[tilespmem:s23+$0x7FF0] =	vst v4  }
0x15f: {  	[tilespmem:s23+$0x7F50] =	vst v6  }
0x160: {  	[tilespmem:s23+$0x7FE0] =	vst v2  }
0x161: {  	s21 =	sadd.s32 $0x1, s21  }
0x162: {  	p0 =	sne.s32 s21, $0x50  }
.Ltmp2:
0x163: {  	[tilespmem:s23+$0x7E20] =	vst v3;
	s22 =	sadd.s32 $0x2800, s22;
	(pc) =	sbr.rel @p0 .LBB2_4-.Ltmp2, $4  }
0x164: {  	[spmem:s2] =	stream.indirect.scatter.add.f32 [tilespmem:s15], [sflag:$0x1], $0x80, s22, s19, $0xb8;
	[tilespmem:$0x1F800] =	vst v63  }
0x165: {  	_ =	swait.ge [sflag:s16], $0x4000  }
0x166: {  	[sflag:s16] =	ssyncset.done $0x0  }
0x167: {  	[sflag:s16] =	ssyncadd.s32 $0xFFFFC000  }
0x168: {  	s3 =	sadd.s32 $0x1, s3  }
0x169: {  	p0 =	sne.s32 s3, s14  }
.Ltmp3:
0x16a: {  	[bflag:$0x0] =	sbarrier.arrive $0xFFFF;
	s21 =	sshrl.u32 s5, $0x3;
	(pc) =	sbr.rel @p0 .LBB2_1-.Ltmp3, $4  }
0x16b: {  	[hbm:s13], [sflag:s20] =	dma.local [spmem:s21], $0x2800  }
0x16c: {  	_ =	swait.ge [sflag:s16], $0x2800  }
0x16d: {  	[sflag:s16] =	ssyncset.done $0x0  }
0x16e: {  	[sflag:s16] =	ssyncadd.s32 $0xFFFFD800  }
0x16f: {  	_ =	sfence.sel $0x180000  }
0x170: {  	[bflag:$0x0] =	sbarrier.arrive $0xFFFF  }
0x171: {  	p0 =	sne.s32 s0, $0x0;
	_ =	strace $0x9000004D  }
0x172: {  	s0 =	sadd.s32 @!p0 $0x100000, s1;
	[bflag:$0x2] =	sbarrier.arrive $0xFFFF  }
0x173: {  	[sflag:s0] =	ssyncadd.tile.s32 @!p0 $0x1;
	_ =	shalt  }
.Lfunc_end2:
_tile_overlayer_lowered:
.L_overlay_start_2:
0x174: {  	(tag) =	ssettag $0x2  }
0x175: {  	s0 =	rddreg [dreg:$0x0];
	s2 =	stileid.u32  }
0x176: {  	s1 =	rddreg [dreg:$0x1];
	p0 =	sne.s32 s2, $0x0  }
0x177: {  	s3 =	rddreg [dreg:$0x2];
	[bflag:$0x3] =	sbarrier.arrive $0xFFFF;
	s2 =	simm.s32 @!p0 $0x1C01  }
0x178: {  	[timem:s3], [sflag:s2] =	dma.local @!p0 [hbm:s0], s1  }
0x179: {  	s0 =	simm.s32 @!p0 $0x1  }
0x17a: {  	_ =	swait.ge @!p0 [sflag:s0], s1  }
0x17b: {  	s1 =	ssub.s32 @!p0 $0x0, s1;
	[sflag:s0] =	ssyncset.done @!p0 $0x0  }
0x17c: {  	[sflag:s0] =	ssyncadd.s32 @!p0 s1  }
0x17d: {  	[bflag:$0x3] =	sbarrier.arrive $0xFFFF  }
0x17e: {  	_ =	shalt  }

// kernel: kernel.8.cloned.1.call-start
scs
__scs_entry_jumppad:
0x0: {  	(pc) =	sbr.rel $0x88, $3  }
0x1: {  	(tag) =	ssettag $0x0;
	lr =	simm.s32 $0x1  }
0x2: {  	[smem:$0x3F9E] =	sst lr;
	_ =	strace $0xD0000000  }
0x3: {  	_ = 	snop  }
0x4: {  	_ = 	snop  }
0x5: {  	_ = 	snop  }
0x6: {  	_ = 	snop  }
0x7: {  	_ = 	snop  }
__scs_overlays_trampoline_lowered:
0x8: {  	[smem:$0x3FAD] =	sst s0  }
0x9: {  	[smem:$0x3FAE] =	sst s1  }
0xa: {  	[smem:$0x3FAF] =	sst s2  }
0xb: {  	[smem:$0x3FB0] =	sst s3  }
0xc: {  	[smem:$0x3FB1] =	sst s4  }
0xd: {  	[smem:$0x3FB2] =	sst s5  }
0xe: {  	[smem:$0x3FB3] =	sst s6  }
0xf: {  	[smem:$0x3FB4] =	sst s7  }
0x10: {  	[smem:$0x3FB5] =	sst s8  }
0x11: {  	[smem:$0x3FB6] =	sst s9;
	s0 =	simm.s32 @!p0 $0x0  }
0x12: {  	s1 =	sld [smem:$0x3F9C];
	s0 =	simm.s32 @p0 $0x1  }
0x13: {  	[smem:$0x3FB7] =	sst s0;
	s0 =	simm.s32 @!p1 $0x0  }
0x14: {  	s2 =	sld [smem:$0x3F9B];
	s0 =	simm.s32 @p1 $0x1  }
0x15: {  	[smem:$0x3FB8] =	sst s0;
	s0 =	simm.s32 @!p2 $0x0  }
0x16: {  	s3 =	sld [smem:$0x3FDB];
	s0 =	simm.s32 @p2 $0x1  }
0x17: {  	s4 =	simm.s32 $0x1BF5;
	[smem:$0x3FBA] =	sst s0  }
0x18: {  	s0 =	sld [smem:$0x3F9D];
	_ =	swait.ge [sflag:s4], $0x0  }
0x19: {  	s7 =	sld [smem:$0x3F9E]  }
0x1a: {  	s8 =	sadd.s32 $0xFFFFE003, lr  }
0x1b: {  	s9 =	sadd.s32 $0xFFFFFEF7, lr;
	s5 =	simm.s32 $0xFFFFFFFF;
	p2 =	slt.u32 s8, $0xFFFFF086  }
0x1c: {  	p1 =	slt.u32 s9, $0xF7A;
	s5 =	simm.s32 @!p2 $0x0  }
0x1d: {  	s5 =	simm.s32 @p1 $0x1;
	p0 =	seq.s32 s7, s2  }
0x1e: {  	s7 =	smul.u32 @!p0 $0xF7A, s2;
	p2 =	seq.s32 @!p0 s5, $0x0  }
0x1f: {  	s9 =	smul.u32 $0xF7A, s1;
	s8 =	simm.s32 @!p0 $0x1BF5;
	p2 =	por !p2, p0  }
0x20: {  	[sflag:s8] =	ssyncset.s32 @!p0 $0xFFFFF086;
	s6 =	sadd.s32 @!p0 s3, s7;
	s7 =	simm.s32 @!p0 $0x108  }
0x21: {  	s3 =	sadd.s32 s3, s9;
	s6 =	sadd.s32 @!p0 $0x88, s6;
	s7 =	simm.s32 @p2 $0x1082  }
0x22: {  	[simem:s7], [sflag:s8] =	dma.local @!p0 [hbm:s6], $0xF7A  }
0x23: {  	s9 =	sor.u32 $0xD0000000, s2;
	s6 =	simm.s32 $0x108;
	_ =	swait.ge @!p0 [sflag:s8], $0x0  }
0x24: {  	s3 =	sadd.s32 $0x88, s3;
	s6 =	simm.s32 @!p1 $0x1082;
	[sflag:s4] =	ssyncset.s32 $0xFFFFF086  }
0x25: {  	[simem:s6], [sflag:s4] =	dma.local [hbm:s3], $0xF7A  }
0x26: {  	[smem:$0x3F9E] =	sst s1;
	(tag) =	ssettag s2;
	_ =	strace s9  }
0x27: {  	s1 =	sld [smem:$0x3FAE]  }
0x28: {  	s2 =	sld [smem:$0x3FAF]  }
0x29: {  	s4 =	sld [smem:$0x3FB1]  }
0x2a: {  	p0 =	seq.s32 s5, $0x0;
	s5 =	sld [smem:$0x3FB2]  }
0x2b: {  	s6 =	sld [smem:$0x3FB3]  }
0x2c: {  	s7 =	sld [smem:$0x3FB4]  }
0x2d: {  	s3 =	simm.s32 $0x108;
	s8 =	sld [smem:$0x3FB5]  }
0x2e: {  	s3 =	simm.s32 @!p0 $0x1082;
	s9 =	sld [smem:$0x3FB6]  }
0x2f: {  	lr =	sadd.s32 s0, s3;
	s0 =	sld [smem:$0x3FAD]  }
0x30: {  	s3 =	sld [smem:$0x3FB0]  }
0x31: {  	[smem:$0x3FB9] =	sst s10  }
0x32: {  	s10 =	sld [smem:$0x3FB7];
	_ =	sdelay $0x3  }
0x33: {  	p0 =	seq.s32 s10, $0x1;
	s10 =	sld [smem:$0x3FB9];
	_ =	sdelay $0x3  }
0x34: {  	[smem:$0x3FB9] =	sst s10  }
0x35: {  	s10 =	sld [smem:$0x3FB8];
	_ =	sdelay $0x3  }
0x36: {  	p1 =	seq.s32 s10, $0x1;
	s10 =	sld [smem:$0x3FB9];
	_ =	sdelay $0x3  }
0x37: {  	[smem:$0x3FB9] =	sst s10  }
0x38: {  	s10 =	sld [smem:$0x3FBA]  }
0x39: {  	_ = 	snop;
	(pc) =	sbr.ind lr, $3  }
0x3a: {  	_ = 	snop  }
0x3b: {  	_ = 	snop  }
0x3c: {  	p2 =	seq.s32 s10, $0x1;
	s10 =	sld [smem:$0x3FB9]  }
0x3d: {  	_ =	shalt  }
0x3e: {  	_ =	shalt  }
0x3f: {  	_ =	shalt  }
0x40: {  	_ =	shalt  }
0x41: {  	_ =	shalt  }
0x42: {  	_ =	shalt  }
0x43: {  	_ =	shalt  }
0x44: {  	_ =	shalt  }
0x45: {  	_ =	shalt  }
0x46: {  	_ =	shalt  }
0x47: {  	_ =	shalt  }
0x48: {  	_ =	shalt  }
0x49: {  	_ =	shalt  }
0x4a: {  	_ =	shalt  }
0x4b: {  	_ =	shalt  }
0x4c: {  	_ =	shalt  }
0x4d: {  	_ =	shalt  }
0x4e: {  	_ =	shalt  }
0x4f: {  	_ =	shalt  }
0x50: {  	_ =	shalt  }
0x51: {  	_ =	shalt  }
0x52: {  	_ =	shalt  }
0x53: {  	_ =	shalt  }
0x54: {  	_ =	shalt  }
0x55: {  	_ =	shalt  }
0x56: {  	_ =	shalt  }
0x57: {  	_ =	shalt  }
0x58: {  	_ =	shalt  }
0x59: {  	_ =	shalt  }
0x5a: {  	_ =	shalt  }
0x5b: {  	_ =	shalt  }
0x5c: {  	_ =	shalt  }
0x5d: {  	_ =	shalt  }
0x5e: {  	_ =	shalt  }
0x5f: {  	_ =	shalt  }
0x60: {  	_ =	shalt  }
0x61: {  	_ =	shalt  }
0x62: {  	_ =	shalt  }
0x63: {  	_ =	shalt  }
0x64: {  	_ =	shalt  }
0x65: {  	_ =	shalt  }
0x66: {  	_ =	shalt  }
0x67: {  	_ =	shalt  }
0x68: {  	_ =	shalt  }
0x69: {  	_ =	shalt  }
0x6a: {  	_ =	shalt  }
0x6b: {  	_ =	shalt  }
0x6c: {  	_ =	shalt  }
0x6d: {  	_ =	shalt  }
0x6e: {  	_ =	shalt  }
0x6f: {  	_ =	shalt  }
0x70: {  	_ =	shalt  }
0x71: {  	_ =	shalt  }
0x72: {  	_ =	shalt  }
0x73: {  	_ =	shalt  }
0x74: {  	_ =	shalt  }
0x75: {  	_ =	shalt  }
0x76: {  	_ =	shalt  }
0x77: {  	_ =	shalt  }
0x78: {  	_ =	shalt  }
0x79: {  	_ =	shalt  }
0x7a: {  	_ =	shalt  }
0x7b: {  	_ =	shalt  }
0x7c: {  	_ =	shalt  }
0x7d: {  	_ =	shalt  }
0x7e: {  	_ =	shalt  }
0x7f: {  	_ =	shalt  }
0x80: {  	_ =	shalt  }
0x81: {  	_ =	shalt  }
0x82: {  	_ =	shalt  }
0x83: {  	_ =	shalt  }
0x84: {  	_ =	shalt  }
0x85: {  	_ =	shalt  }
0x86: {  	_ =	shalt  }
0x87: {  	_ =	shalt  }
.Lfunc_end0:
.L_simem_size_0:
called_computation_lowered:
.L_overlay_start_0:
0x88: {  	s2 =	sld [smem:$0x3FD9]  }
0x89: {  	s3 =	sld [smem:$0x3FFE];
	_ =	sdelay $0x1  }
0x8a: {  	s1 =	srdreg.scid  }
0x8b: {  	s0 =	sand.u32 $0x1, s1  }
0x8c: {  	s17 =	sshll.u32 s0, $0xA;
	s2 =	sadd.s32 s3, s2  }
0x8d: {  	s2 =	sadd.s32 s2, s17  }
0x8e: {  	[smem:$0x3FC5] =	sst s2  }
0x8f: {  	_ = 	snop  }
0x90: {  	s2 =	sld [smem:$0x3FD0];
	(tm) =	ssettm $0x1  }
0x91: {  	s18 =	sld [smem:$0x3FFB];
	_ =	sdelay $0x3  }
0x92: {  	_ =	strace s18  }
0x93: {  	s3 =	sld [smem:$0x3FFC];
	_ =	sdelay $0x3  }
0x94: {  	_ =	strace s3  }
0x95: {  	s3 =	sld [smem:$0x3FFD];
	_ =	sdelay $0x3  }
0x96: {  	_ =	strace s3  }
0x97: {  	_ =	strace $0x8FFFFFFF  }
0x98: {  	s19 =	sld [smem:$0x3FDB];
	_ =	sdelay $0x1  }
0x99: {  	s4 =	simm.s32 $_scs_section_size  }
0x9a: {  	s5 =	simm.s32 $_size__tile_overlayer_lowered;
	s6 =	simm.s32 $_tile_overlayer_lowered  }
0x9b: {  	s22 =	simm.s32 $0x1BFF;
	s21 =	sshll.u32 s6, $0x1;
	s3 =	sadd.s32 s4, s19  }
0x9c: {  	s7 =	simm.s32 $0x0;
	s20 =	sshll.u32 s5, $0x1;
	s5 =	sadd.s32 s21, s3  }
0x9d: {  	[timem:s7], [sflag:s22] =	dma.local [hbm:s5], s20  }
0x9e: {  	_ =	swait.ge [sflag:s22], s20  }
0x9f: {  	s4 =	ssub.s32 $0x0, s20;
	[sflag:s22] =	ssyncset.done $0x0  }
0xa0: {  	[sflag:s22] =	ssyncadd.s32 s4;
	_ =	sdelay $0x1  }
0xa1: {  	s23 =	simm.s32 $0x1B8B  }
0xa2: {  	_ =	swait.ge [sflag:s23], $0x1  }
0xa3: {  	[sflag:s23] =	ssyncset.done $0x0  }
0xa4: {  	s25 =	simm.s32 $0x1B8E;
	s24 =	sld [smem:$0x3FFE];
	[sflag:s23] =	ssyncadd.s32 $0xFFFFFFFF  }
0xa5: {  	s26 =	simm.s32 $execute0_lowered;
	[smem:$0x3FD2] =	sst s25  }
0xa6: {  	s5 =	sshll.u32 s26, $0x1;
	_ =	strace $0x80000046;
	[dreg:$0x1] =	wrdreg $0xFFFFFFFF  }
0xa7: {  	s28 =	simm.s32 $_size_execute0_lowered;
	s3 =	sadd.s32 s3, s5;
	[dreg:$0x0] =	wrdreg $0x0  }
0xa8: {  	s5 =	sshll.u32 s28, $0x1;
	[dreg:$0x2] =	wrdreg s3  }
0xa9: {  	[dreg:$0x3] =	wrdreg s5  }
0xaa: {  	[dreg:$0x4] =	wrdreg $0xC0  }
0xab: {  	_ =	task [dreg:s7], $0x5FFFF  }
0xac: {  	[dreg:$0x1] =	wrdreg $0xFFFFFFFF  }
0xad: {  	[dreg:$0x0] =	wrdreg $0x60  }
0xae: {  	[dreg:$0x2] =	wrdreg s2  }
0xaf: {  	[dreg:$0x3] =	wrdreg s24  }
0xb0: {  	[dreg:$0x4] =	wrdreg $0x52800  }
0xb1: {  	[dreg:$0x5] =	wrdreg $0x9  }
0xb2: {  	_ =	task.clear_ibuf [dreg:s7], $0x6FFFF;
	_ =	strace $0x90000046  }
0xb3: {  	s29 =	simm.s32 $0x9;
	_ =	strace $0x80000048  }
0xb4: {  	_ =	swait.ge [sflag:s29], $0x1  }
0xb5: {  	[sflag:s29] =	ssyncadd.s32 $0xFFFFFFFF  }
0xb6: {  	_ =	strace $0x90000048  }
0xb7: {  	_ =	sfence  }
0xb8: {  	s30 =	sld [smem:$0x0];
	_ =	sdelay $0x2  }
0xb9: {  	s31 =	sshll.u32 s1, $0xD;
	s1 =	sshrl.u32 s1, $0x2  }
0xba: {  	s3 =	sand.u32 $0x4000, s31;
	s1 =	sadd.s32 s1, s30  }
0xbb: {  	s0 =	sor.u32 s3, s0;
	s1 =	sshll.u32 s1, $0x11  }
0xbc: {  	s0 =	sor.u32 s1, s0  }
0xbd: {  	s0 =	sadd.s32 $0x8F2B, s0  }
0xbe: {  	[sflag:s0] =	ssyncadd.remote.s32 $0x1  }
0xbf: {  	_ =	sfence.sel $0xFFFF  }
0xc0: {  	[dreg:$0x0] =	wrdreg $0xFFFFFFFF;
	(pc) =	sbr.abs _section_cstart, $3  }
0xc1: {  	[dreg:$0x1] =	wrdreg $0xFFFFFFFF  }
0xc2: {  	_ =	task.clear_ibuf [dreg:s7], $0x2FFFF;
	_ =	strace $0x9FFFFFFF  }
0xc3: {  	(tm) =	ssettm $0x7FFFFFFF  }
tec
execute0_lowered:
.L_overlay_start_1:
0x0: {  	(tag) =	ssettag $0x1  }
0x1: {  	s5 =	rddreg [dreg:$0x0]  }
0x2: {  	s4 =	rddreg [dreg:$0x1];
	s0 =	srdreg.scid  }
0x3: {  	s2 =	rddreg [dreg:$0x2];
	s1 =	stileid.u32  }
0x4: {  	s3 =	simm.s32 $0x0;
	s12 =	simm.s32 $0x200;
	s15 =	simm.s32 $0x0  }
0x5: {  	s6 =	sand.u32 $0x1, s0;
	s0 =	rddreg [dreg:$0x3];
	s8 =	smul.u32 $0x280, s1  }
0x6: {  	[smem:$0x7FF] =	sst s3;
	s7 =	sshll.u32 s6, $0x4;
	s9 =	smul.u32 $0x2800, s6  }
0x7: {  	s13 =	sshll.u32 s1, $0x6;
	_ =	strace $0x80000047;
	s7 =	sor.u32 s1, s7  }
0x8: {  	s6 =	ssub.s32 $0x2, s6;
	s7 =	smul.u32 $0x500, s7;
	s9 =	sadd.s32 s8, s9  }
0x9: {  	s13 =	sor.u32 $0x1C01, s13;
	s11 =	sshrl.u32 s6, $0x1;
	s9 =	sshrl.u32 s9, $0x3  }
0xa: {  	s11 =	ssub.s32 s6, s11;
	s10 =	sadd.s32 s7, s4;
	s9 =	sadd.s32 s9, s4  }
0xb: {  	s4 =	sadd.s32 s8, s2;
	s5 =	sadd.s32 s5, s7;
	s8 =	smax.u32 s11, $0x1  }
0xc: {  	s11 =	simm.s32 $0x2800;
	s6 =	sadd.s32 $0x1400, s10;
	s7 =	sadd.s32 $0xB400, s9  }
0xd: {  	v0 =	vimm.f32 $0.0e+00;
	s9 =	simm.s32 $0x5000;
	s10 =	simm.s32 $0x1;
	s14 =	sshrl.u32 s4, $0x3  }
.LBB2_1:
0xe: {  	[tilespmem:$0x5000] =	vst v0  }
0xf: {  	[tilespmem:$0x5010] =	vst v0  }
0x10: {  	[tilespmem:$0x5020] =	vst v0  }
0x11: {  	[tilespmem:$0x5030] =	vst v0  }
0x12: {  	[tilespmem:$0x5040] =	vst v0  }
0x13: {  	[tilespmem:$0x5050] =	vst v0  }
0x14: {  	[tilespmem:$0x5060] =	vst v0  }
0x15: {  	[tilespmem:$0x5070] =	vst v0  }
0x16: {  	[tilespmem:$0x5080] =	vst v0  }
0x17: {  	[tilespmem:$0x5090] =	vst v0  }
0x18: {  	[tilespmem:$0x50A0] =	vst v0  }
0x19: {  	[tilespmem:$0x50B0] =	vst v0  }
0x1a: {  	[tilespmem:$0x50C0] =	vst v0  }
0x1b: {  	[tilespmem:$0x50D0] =	vst v0  }
0x1c: {  	[tilespmem:$0x50E0] =	vst v0  }
0x1d: {  	[tilespmem:$0x50F0] =	vst v0  }
0x1e: {  	[tilespmem:$0x5100] =	vst v0  }
0x1f: {  	[tilespmem:$0x5110] =	vst v0  }
0x20: {  	[tilespmem:$0x5120] =	vst v0  }
0x21: {  	[tilespmem:$0x5130] =	vst v0  }
0x22: {  	[tilespmem:$0x5140] =	vst v0  }
0x23: {  	[tilespmem:$0x5150] =	vst v0  }
0x24: {  	[tilespmem:$0x5160] =	vst v0  }
0x25: {  	[tilespmem:$0x5170] =	vst v0  }
0x26: {  	[tilespmem:$0x5180] =	vst v0  }
0x27: {  	[tilespmem:$0x5190] =	vst v0  }
0x28: {  	[tilespmem:$0x51A0] =	vst v0  }
0x29: {  	[tilespmem:$0x51B0] =	vst v0  }
0x2a: {  	[tilespmem:$0x51C0] =	vst v0  }
0x2b: {  	[tilespmem:$0x51D0] =	vst v0  }
0x2c: {  	[tilespmem:$0x51E0] =	vst v0  }
0x2d: {  	[tilespmem:$0x51F0] =	vst v0  }
0x2e: {  	[tilespmem:$0x5200] =	vst v0  }
0x2f: {  	[tilespmem:$0x5210] =	vst v0  }
0x30: {  	[tilespmem:$0x5220] =	vst v0  }
0x31: {  	[tilespmem:$0x5230] =	vst v0  }
0x32: {  	[tilespmem:$0x5240] =	vst v0  }
0x33: {  	[tilespmem:$0x5250] =	vst v0  }
0x34: {  	[tilespmem:$0x5260] =	vst v0  }
0x35: {  	[tilespmem:$0x5270] =	vst v0  }
0x36: {  	[spmem:s4] =	stream.linear.scatter [tilespmem:s9], [sflag:$0x1], $0x280, $0x38;
	[tilespmem:$0x5500] =	vst v63  }
0x37: {  	_ =	swait.ge [sflag:s10], $0x280  }
0x38: {  	[sflag:s10] =	ssyncset.done $0x0  }
0x39: {  	[sflag:s10] =	ssyncadd.s32 $0xFFFFFD80  }
0x3a: {  	[tilespmem:s3], [sflag:$0x1] =	stream.linear.gather [hbm4b:s5+s3], $0x2800, $0x38;
	[tilespmem:$0x5500] =	vst v63  }
0x3b: {  	_ =	swait.ge [sflag:s10], $0x2800  }
0x3c: {  	[sflag:s10] =	ssyncset.done $0x0  }
0x3d: {  	[sflag:s10] =	ssyncadd.s32 $0xFFFFD800  }
0x3e: {  	[tilespmem:s11], [sflag:$0x1] =	stream.linear.gather [hbm4b:s6+s3], $0x2800, $0x38;
	[tilespmem:$0x5500] =	vst v63  }
0x3f: {  	_ =	swait.ge [sflag:s10], $0x2800  }
0x40: {  	[sflag:s10] =	ssyncset.done $0x0  }
0x41: {  	[sflag:s10] =	ssyncadd.s32 $0xFFFFD800  }
0x42: {  	s16 =	simm.s32 $0x0;
	s17 =	simm.s32 $0x2800;
	[bflag:$0x0] =	sbarrier.arrive $0xFFFF  }
0x43: {  	[spmem:s2] =	stream.indirect.scatter.add.f32 [tilespmem:s17], [sflag:$0x1], $0x1, s16, s12, $0xb8;
	[tilespmem:$0x5500] =	vst v63  }
0x44: {  	s16 =	simm.s32 $0x800;
	_ =	swait.ge [sflag:s10], $0x200  }
.LBB2_2:
0x45: {  	s17 =	sshra.s32 s16, $0x2;
	[sflag:s10] =	ssyncset.done $0x0;
	p0 =	sne.s32 s16, $0x9800  }
.Ltmp0:
0x46: {  	s18 =	sadd.s32 $0x2800, s17;
	[sflag:s10] =	ssyncadd.s32 $0xFFFFFE00;
	(pc) =	sbr.rel @p0 .LBB2_2-.Ltmp0, $3  }
0x47: {  	[spmem:s2] =	stream.indirect.scatter.add.f32 [tilespmem:s18], [sflag:$0x1], $0x1, s17, s12, $0xb8;
	[tilespmem:$0x5500] =	vst v63  }
0x48: {  	s16 =	sadd.s32 $0x800, s16;
	_ =	sdelay $0x1  }
0x49: {  	_ =	swait.ge [sflag:s10], $0x200  }
0x4a: {  	[sflag:s10] =	ssyncset.done $0x0;
	s15 =	sadd.s32 $0x1, s15  }
0x4b: {  	[sflag:s10] =	ssyncadd.s32 $0xFFFFFE00;
	p0 =	sne.s32 s15, s8  }
.Ltmp1:
0x4c: {  	[bflag:$0x0] =	sbarrier.arrive $0xFFFF;
	(pc) =	sbr.rel @p0 .LBB2_1-.Ltmp1, $4  }
0x4d: {  	[hbm:s7], [sflag:s13] =	dma.local [spmem:s14], $0x50  }
0x4e: {  	_ =	swait.ge [sflag:s10], $0x50  }
0x4f: {  	[sflag:s10] =	ssyncset.done $0x0  }
0x50: {  	[sflag:s10] =	ssyncadd.s32 $0xFFFFFFB0  }
0x51: {  	_ =	sfence.sel $0x180000  }
0x52: {  	[bflag:$0x0] =	sbarrier.arrive $0xFFFF  }
0x53: {  	p0 =	sne.s32 s1, $0x0;
	_ =	strace $0x90000047  }
0x54: {  	s0 =	sadd.s32 @!p0 $0x100000, s0;
	[bflag:$0x2] =	sbarrier.arrive $0xFFFF  }
0x55: {  	[sflag:s0] =	ssyncadd.tile.s32 @!p0 $0x1;
	_ =	shalt  }
.Lfunc_end2:
_tile_overlayer_lowered:
.L_overlay_start_2:
0x56: {  	(tag) =	ssettag $0x2  }
0x57: {  	s0 =	rddreg [dreg:$0x0];
	s2 =	stileid.u32  }
0x58: {  	s1 =	rddreg [dreg:$0x1];
	p0 =	sne.s32 s2, $0x0  }
0x59: {  	s3 =	rddreg [dreg:$0x2];
	[bflag:$0x3] =	sbarrier.arrive $0xFFFF;
	s2 =	simm.s32 @!p0 $0x1C01  }
0x5a: {  	[timem:s3], [sflag:s2] =	dma.local @!p0 [hbm:s0], s1  }
0x5b: {  	s0 =	simm.s32 @!p0 $0x1  }
0x5c: {  	_ =	swait.ge @!p0 [sflag:s0], s1  }
0x5d: {  	s1 =	ssub.s32 @!p0 $0x0, s1;
	[sflag:s0] =	ssyncset.done @!p0 $0x0  }
0x5e: {  	[sflag:s0] =	ssyncadd.s32 @!p0 s1  }
0x5f: {  	[bflag:$0x3] =	sbarrier.arrive $0xFFFF  }
0x60: {  	_ =	shalt  }

</sc_bundles>
